<compile_context>
chip_gen: v7x
topology: tpu7x:2x2x1
jax: 0.10.2.dev20260603
libtpu: 0.0.44.dev20260713+nightly
codegen_flags: <defaults>
</compile_context>

<pallas_src>
import dataclasses
import functools

import jax
import jax.numpy as jnp
from jax import lax
from jax.experimental import pallas as pl
from jax.experimental.pallas import tpu as pltpu
from jax.experimental.pallas import tpu_sc as plsc

N_NODES = 10000
N_EDGES = 320000
D_FEAT = 128
NC = 2
NS = 16
L = 16
NW = NC * NS
E_PER_W = N_EDGES // NW
GW = 128
NWIN = E_PER_W // GW
TAIL = E_PER_W - NWIN * GW
D32 = D_FEAT // 2
NBUF = 2


@jax.jit
def kernel(h, edge_index):
    ei = edge_index.astype(jnp.int32)
    u1 = ei[0]
    v1 = ei[1]
    hb = h.astype(jnp.bfloat16)
    h32 = lax.bitcast_convert_type(hb.reshape(N_NODES, D32, 2), jnp.uint32)

    mesh = plsc.VectorSubcoreMesh(core_axis_name="c", subcore_axis_name="s")
    cp = pltpu.CompilerParams()
    for _f, _v in (("needs_layout_passes", False),
                   ("use_tc_tiling_on_sc", False)):
        if _f in pltpu.CompilerParams.__dataclass_fields__:
            cp = dataclasses.replace(cp, **{_f: _v})

    @functools.partial(
        pl.kernel,
        out_type=jax.ShapeDtypeStruct((N_EDGES,), jnp.float32),
        mesh=mesh,
        compiler_params=cp,
        scratch_types=[
            pltpu.VMEM((E_PER_W,), jnp.int32),
            pltpu.VMEM((E_PER_W,), jnp.int32),
            pltpu.VMEM((NBUF, GW, D32), jnp.uint32),
            pltpu.VMEM((NBUF, GW, D32), jnp.uint32),
            pltpu.VMEM((E_PER_W,), jnp.float32),
        ] + [pltpu.SemaphoreType.DMA((NBUF,)),
             pltpu.SemaphoreType.DMA((NBUF,))],
    )
    def k(h_hbm, u_hbm, v_hbm, out_hbm,
          idx_u, idx_v, ring_u, ring_v, out_v, sem_u, sem_v):
        wid = lax.axis_index("s") * NC + lax.axis_index("c")
        base = wid * E_PER_W
        pltpu.sync_copy(u_hbm.at[pl.ds(base, E_PER_W)], idx_u)
        pltpu.sync_copy(v_hbm.at[pl.ds(base, E_PER_W)], idx_v)

        def start(jj, b, n):
            pltpu.async_copy(h_hbm.at[idx_u.at[pl.ds(jj * GW, n)]],
                             ring_u.at[b].at[pl.ds(0, n)], sem_u.at[b])
            pltpu.async_copy(h_hbm.at[idx_v.at[pl.ds(jj * GW, n)]],
                             ring_v.at[b].at[pl.ds(0, n)], sem_v.at[b])

        def wait(b, n):
            pltpu.make_async_copy(h_hbm.at[pl.ds(0, n), :],
                                  ring_u.at[b].at[pl.ds(0, n)], sem_u.at[b]).wait()
            pltpu.make_async_copy(h_hbm.at[pl.ds(0, n), :],
                                  ring_v.at[b].at[pl.ds(0, n)], sem_v.at[b]).wait()

        hi_mask = jnp.full((L,), 0xFFFF0000, jnp.uint32)
        shift16 = jnp.full((L,), 16, jnp.uint32)

        def dot_terms(ru, rv, i, c):
            wu = ru[i, pl.ds(c * L, L)]
            wv = rv[i, pl.ds(c * L, L)]
            pu = plsc.bitcast(wu, jnp.bfloat16)
            pv = plsc.bitcast(wv, jnp.bfloat16)
            pw = plsc.bitcast(pu * pv, jnp.uint32)
            lo = plsc.bitcast(lax.shift_left(pw, shift16), jnp.float32)
            hi = plsc.bitcast(pw & hi_mask, jnp.float32)
            return lo + hi

        lane = jax.lax.iota(jnp.int32, L)
        _dn = lax.GatherDimensionNumbers(
            offset_dims=(), collapsed_slice_dims=(0,), start_index_map=(0,))

        def perm(x, idx):
            return lax.gather(x, idx[:, None], _dn, slice_sizes=(1,),
                              mode=lax.GatherScatterMode.PROMISE_IN_BOUNDS)

        def lane_merge(x, y, k):
            return jnp.where((lane & k) == 0,
                             x + perm(x, lane ^ k),
                             y + perm(y, lane ^ k))

        def block16(ru, rv, i0, out_off):
            accs = [dot_terms(ru, rv, i0 + r, 0) for r in range(L)]
            for c in range(1, D32 // L):
                for r in range(L):
                    accs[r] = accs[r] + dot_terms(ru, rv, i0 + r, c)
            vecs = accs
            k = 1
            while len(vecs) > 1:
                vecs = [lane_merge(vecs[i], vecs[i + 1], k)
                        for i in range(0, len(vecs), 2)]
                k *= 2
            out_v[pl.ds(out_off, L)] = 1.0 / (1.0 + jnp.exp(-vecs[0]))

        def compute(jj, ru, rv):
            @pl.loop(0, GW, step=L)
            def _(i0):
                block16(ru, rv, i0, jj * GW + i0)

        for b in range(NBUF):
            start(b, b, GW)

        @pl.loop(0, NWIN)
        def _(j):
            b = j & (NBUF - 1)
            wait(b, GW)
            compute(j, ring_u.at[b], ring_v.at[b])

            @pl.when(j + NBUF < NWIN)
            def _():
                start(j + NBUF, b, GW)

        start(NWIN, 0, TAIL)
        wait(0, TAIL)
        block16(ring_u.at[0], ring_v.at[0], 0, NWIN * GW)

        pltpu.sync_copy(out_v, out_hbm.at[pl.ds(base, E_PER_W)])

    return k(h32, u1, v1)

# --- scband reference (transcript-rebuilt; emitter-appended) ---
"""Pipeline reference for scband-link-decoder-17815524343863 (READ-ONLY COPY).

The authoritative reference and input builder live on the scoring server;
editing this copy changes nothing except your own understanding.
"""

import jax, jax.numpy as jnp
import numpy as np

N_NODES = 10000
N_EDGES = 320000
D_FEAT = 128

def setup_inputs(seed: int = 0) -> dict:
    key = jax.random.key(seed)
    k1, k2 = jax.random.split(key)
    h = jax.random.normal(k1, (N_NODES, D_FEAT), dtype=jnp.float32)
    edge_index = jax.random.randint(k2, (2, N_EDGES), 0, N_NODES, dtype=jnp.int64)
    return {"h": h, "edge_index": edge_index}

def reference(h, edge_index):
    # LinkDecoder with method='ip', asymmetric=False, norm=False, activation=sigmoid
    u = edge_index[0]
    v = edge_index[1]
    emb_u = jnp.take(h, u, axis=0)
    emb_v = jnp.take(h, v, axis=0)
    res = jnp.sum(emb_u * emb_v, axis=1, keepdims=True)  # [E, 1]
    res = jax.nn.sigmoid(res)
    return jnp.squeeze(res)

if __name__ == "__main__":
    import jax
    _d = setup_inputs()
    print(jax.jit(kernel)(*tuple(_d.values())))

</pallas_src>

<mosaic_0001>
#map = affine_map<(d0, d1) -> (0, 0)>
#map1 = affine_map<(d0, d1) -> (0)>
module attributes {stable_mosaic.version = 14 : i64} {
  func.func @k(%arg0: i32, %arg1: i32, %arg2: memref<10000x64xi32, #tpu.memory_space<hbm>>, %arg3: memref<320000xi32, #tpu.memory_space<hbm>>, %arg4: memref<320000xi32, #tpu.memory_space<hbm>>, %arg5: memref<320000xf32, #tpu.memory_space<hbm>>, %arg6: memref<10000xi32, #tpu.memory_space<vmem>>, %arg7: memref<10000xi32, #tpu.memory_space<vmem>>, %arg8: memref<2x128x64xi32, #tpu.memory_space<vmem>>, %arg9: memref<2x128x64xi32, #tpu.memory_space<vmem>>, %arg10: memref<10000xf32, #tpu.memory_space<vmem>>, %arg11: memref<2x!tpu.dma_semaphore, #tpu.memory_space<semaphore_mem>>, %arg12: memref<2x!tpu.dma_semaphore, #tpu.memory_space<semaphore_mem>>) attributes {dimension_semantics = [#tpu.dimension_semantics<core_parallel>, #tpu.dimension_semantics<subcore_parallel>], iteration_bounds = array<i64: 2, 16>, scalar_prefetch = 0 : i64, scratch_operands = 7 : i64, tpu.core_type = #tpu.core_type<sc_vector_subcore>, window_params = [{transform_indices = #map}, {transform_indices = #map1}, {transform_indices = #map1}, {transform_indices = #map1}]} {
    %mul3A = arith.constant 2 : i32
    %mul3A_0 = arith.muli %arg1, %mul3A : i32
    %add3A = arith.addi %mul3A_0, %arg0 : i32
    %mul3A_1 = arith.constant 10000 : i32
    %mul3A_2 = arith.muli %add3A, %mul3A_1 : i32
    "tpu.region"() ({
      %run_scoped3A = tpu.sem_alloc : memref<!tpu.dma_semaphore, #tpu.memory_space<semaphore_mem>>
      %dma_start3A_2243 = tpu.memref_slice %arg3[%mul3A_2] : memref<320000xi32, #tpu.memory_space<hbm>> -> memref<10000xi32, #tpu.memory_space<hbm>>
      %dma_start3A_2244 = tpu.memref_slice %arg3[%mul3A_2] : memref<320000xi32, #tpu.memory_space<hbm>> -> memref<10000xi32, #tpu.memory_space<hbm>>
      tpu.enqueue_dma source(%dma_start3A_2244 : memref<10000xi32, #tpu.memory_space<hbm>>) target(%arg6 : memref<10000xi32, #tpu.memory_space<vmem>>) target_semaphore(%run_scoped3A : memref<!tpu.dma_semaphore, #tpu.memory_space<semaphore_mem>>)
      %dma_wait3A_2245 = tpu.memref_slice %arg3[%mul3A_2] : memref<320000xi32, #tpu.memory_space<hbm>> -> memref<10000xi32, #tpu.memory_space<hbm>>
      %dma_wait3A_2246 = tpu.memref_slice %arg3[%mul3A_2] : memref<320000xi32, #tpu.memory_space<hbm>> -> memref<10000xi32, #tpu.memory_space<hbm>>
      tpu.wait_dma2 semaphore(%run_scoped3A : memref<!tpu.dma_semaphore, #tpu.memory_space<semaphore_mem>>) src(%dma_wait3A_2246 : memref<10000xi32, #tpu.memory_space<hbm>>) dst(%arg6 : memref<10000xi32, #tpu.memory_space<vmem>>)
      tpu.yield
    }) : () -> ()
    "tpu.region"() ({
      %run_scoped3A = tpu.sem_alloc : memref<!tpu.dma_semaphore, #tpu.memory_space<semaphore_mem>>
      %dma_start3A_2243 = tpu.memref_slice %arg4[%mul3A_2] : memref<320000xi32, #tpu.memory_space<hbm>> -> memref<10000xi32, #tpu.memory_space<hbm>>
      %dma_start3A_2244 = tpu.memref_slice %arg4[%mul3A_2] : memref<320000xi32, #tpu.memory_space<hbm>> -> memref<10000xi32, #tpu.memory_space<hbm>>
      tpu.enqueue_dma source(%dma_start3A_2244 : memref<10000xi32, #tpu.memory_space<hbm>>) target(%arg7 : memref<10000xi32, #tpu.memory_space<vmem>>) target_semaphore(%run_scoped3A : memref<!tpu.dma_semaphore, #tpu.memory_space<semaphore_mem>>)
      %dma_wait3A_2245 = tpu.memref_slice %arg4[%mul3A_2] : memref<320000xi32, #tpu.memory_space<hbm>> -> memref<10000xi32, #tpu.memory_space<hbm>>
      %dma_wait3A_2246 = tpu.memref_slice %arg4[%mul3A_2] : memref<320000xi32, #tpu.memory_space<hbm>> -> memref<10000xi32, #tpu.memory_space<hbm>>
      tpu.wait_dma2 semaphore(%run_scoped3A : memref<!tpu.dma_semaphore, #tpu.memory_space<semaphore_mem>>) src(%dma_wait3A_2246 : memref<10000xi32, #tpu.memory_space<hbm>>) dst(%arg7 : memref<10000xi32, #tpu.memory_space<vmem>>)
      tpu.yield
    }) : () -> ()
    %broadcast_in_dim3A = arith.constant -65536 : i32
    %broadcast_in_dim3A_3 = vector.broadcast %broadcast_in_dim3A : i32 to vector<16xi32>
    %broadcast_in_dim3A_4 = arith.constant 16 : i32
    %broadcast_in_dim3A_5 = vector.broadcast %broadcast_in_dim3A_4 : i32 to vector<16xi32>
    %iota3A = tpu.iota {dimensions = array<i32: 0>} : vector<16xi32>
    %dma_start3A = arith.constant 0 : i32
    %dma_start3A_6 = arith.constant 0 : i32
    %dma_start3A_7 = arith.constant 0 : i32
    %dma_start3A_8 = arith.constant 0 : i32
    %dma_start3A_9 = tpu.memref_slice %arg8[%dma_start3A, %dma_start3A_7, %dma_start3A_8] : memref<2x128x64xi32, #tpu.memory_space<vmem>> -> memref<1x128x64xi32, #tpu.memory_space<vmem>>
    %dma_start3A_10 = tpu.memref_squeeze %dma_start3A_9 : memref<1x128x64xi32, #tpu.memory_space<vmem>> -> memref<128x64xi32, #tpu.memory_space<vmem>>
    %dma_start3A_11 = arith.constant 0 : i32
    %dma_start3A_12 = arith.constant 0 : i32
    %dma_start3A_13 = tpu.memref_slice %dma_start3A_10[%dma_start3A_11, %dma_start3A_12] : memref<128x64xi32, #tpu.memory_space<vmem>> -> memref<128x64xi32, #tpu.memory_space<vmem>>
    %dma_start3A_14 = arith.constant 0 : i32
    %dma_start3A_15 = tpu.memref_slice %arg6[%dma_start3A_14] : memref<10000xi32, #tpu.memory_space<vmem>> -> memref<128xi32, #tpu.memory_space<vmem>>
    %dma_start3A_16 = arith.constant 0 : i32
    %dma_start3A_17 = arith.constant 0 : i32
    %dma_start3A_18 = tpu.memref_slice %arg2[%dma_start3A_16, %dma_start3A_17] : memref<10000x64xi32, #tpu.memory_space<hbm>> -> memref<10000x64xi32, #tpu.memory_space<hbm>>
    %dma_start3A_19 = tpu.memref_slice %arg11[%dma_start3A_6] : memref<2x!tpu.dma_semaphore, #tpu.memory_space<semaphore_mem>> -> memref<1x!tpu.dma_semaphore, #tpu.memory_space<semaphore_mem>>
    %dma_start3A_20 = tpu.memref_squeeze %dma_start3A_19 : memref<1x!tpu.dma_semaphore, #tpu.memory_space<semaphore_mem>> -> memref<!tpu.dma_semaphore, #tpu.memory_space<semaphore_mem>>
    tpu.enqueue_indirect_dma source(%dma_start3A_18 : memref<10000x64xi32, #tpu.memory_space<hbm>>) target(%dma_start3A_13 : memref<128x64xi32, #tpu.memory_space<vmem>>) offsets(%dma_start3A_15 : memref<128xi32, #tpu.memory_space<vmem>>) semaphore(%dma_start3A_20 : memref<!tpu.dma_semaphore, #tpu.memory_space<semaphore_mem>>)
    %dma_start3A_21 = arith.constant 0 : i32
    %dma_start3A_22 = arith.constant 0 : i32
    %dma_start3A_23 = arith.constant 0 : i32
    %dma_start3A_24 = arith.constant 0 : i32
    %dma_start3A_25 = tpu.memref_slice %arg9[%dma_start3A_21, %dma_start3A_23, %dma_start3A_24] : memref<2x128x64xi32, #tpu.memory_space<vmem>> -> memref<1x128x64xi32, #tpu.memory_space<vmem>>
    %dma_start3A_26 = tpu.memref_squeeze %dma_start3A_25 : memref<1x128x64xi32, #tpu.memory_space<vmem>> -> memref<128x64xi32, #tpu.memory_space<vmem>>
    %dma_start3A_27 = arith.constant 0 : i32
    %dma_start3A_28 = arith.constant 0 : i32
    %dma_start3A_29 = tpu.memref_slice %dma_start3A_26[%dma_start3A_27, %dma_start3A_28] : memref<128x64xi32, #tpu.memory_space<vmem>> -> memref<128x64xi32, #tpu.memory_space<vmem>>
    %dma_start3A_30 = arith.constant 0 : i32
    %dma_start3A_31 = tpu.memref_slice %arg7[%dma_start3A_30] : memref<10000xi32, #tpu.memory_space<vmem>> -> memref<128xi32, #tpu.memory_space<vmem>>
    %dma_start3A_32 = arith.constant 0 : i32
    %dma_start3A_33 = arith.constant 0 : i32
    %dma_start3A_34 = tpu.memref_slice %arg2[%dma_start3A_32, %dma_start3A_33] : memref<10000x64xi32, #tpu.memory_space<hbm>> -> memref<10000x64xi32, #tpu.memory_space<hbm>>
    %dma_start3A_35 = tpu.memref_slice %arg12[%dma_start3A_22] : memref<2x!tpu.dma_semaphore, #tpu.memory_space<semaphore_mem>> -> memref<1x!tpu.dma_semaphore, #tpu.memory_space<semaphore_mem>>
    %dma_start3A_36 = tpu.memref_squeeze %dma_start3A_35 : memref<1x!tpu.dma_semaphore, #tpu.memory_space<semaphore_mem>> -> memref<!tpu.dma_semaphore, #tpu.memory_space<semaphore_mem>>
    tpu.enqueue_indirect_dma source(%dma_start3A_34 : memref<10000x64xi32, #tpu.memory_space<hbm>>) target(%dma_start3A_29 : memref<128x64xi32, #tpu.memory_space<vmem>>) offsets(%dma_start3A_31 : memref<128xi32, #tpu.memory_space<vmem>>) semaphore(%dma_start3A_36 : memref<!tpu.dma_semaphore, #tpu.memory_space<semaphore_mem>>)
    %dma_start3A_37 = arith.constant 1 : i32
    %dma_start3A_38 = arith.constant 1 : i32
    %dma_start3A_39 = arith.constant 0 : i32
    %dma_start3A_40 = arith.constant 0 : i32
    %dma_start3A_41 = tpu.memref_slice %arg8[%dma_start3A_37, %dma_start3A_39, %dma_start3A_40] : memref<2x128x64xi32, #tpu.memory_space<vmem>> -> memref<1x128x64xi32, #tpu.memory_space<vmem>>
    %dma_start3A_42 = tpu.memref_squeeze %dma_start3A_41 : memref<1x128x64xi32, #tpu.memory_space<vmem>> -> memref<128x64xi32, #tpu.memory_space<vmem>>
    %dma_start3A_43 = arith.constant 0 : i32
    %dma_start3A_44 = arith.constant 0 : i32
    %dma_start3A_45 = tpu.memref_slice %dma_start3A_42[%dma_start3A_43, %dma_start3A_44] : memref<128x64xi32, #tpu.memory_space<vmem>> -> memref<128x64xi32, #tpu.memory_space<vmem>>
    %dma_start3A_46 = arith.constant 128 : i32
    %dma_start3A_47 = tpu.memref_slice %arg6[%dma_start3A_46] : memref<10000xi32, #tpu.memory_space<vmem>> -> memref<128xi32, #tpu.memory_space<vmem>>
    %dma_start3A_48 = arith.constant 0 : i32
    %dma_start3A_49 = arith.constant 0 : i32
    %dma_start3A_50 = tpu.memref_slice %arg2[%dma_start3A_48, %dma_start3A_49] : memref<10000x64xi32, #tpu.memory_space<hbm>> -> memref<10000x64xi32, #tpu.memory_space<hbm>>
    %dma_start3A_51 = tpu.memref_slice %arg11[%dma_start3A_38] : memref<2x!tpu.dma_semaphore, #tpu.memory_space<semaphore_mem>> -> memref<1x!tpu.dma_semaphore, #tpu.memory_space<semaphore_mem>>
    %dma_start3A_52 = tpu.memref_squeeze %dma_start3A_51 : memref<1x!tpu.dma_semaphore, #tpu.memory_space<semaphore_mem>> -> memref<!tpu.dma_semaphore, #tpu.memory_space<semaphore_mem>>
    tpu.enqueue_indirect_dma source(%dma_start3A_50 : memref<10000x64xi32, #tpu.memory_space<hbm>>) target(%dma_start3A_45 : memref<128x64xi32, #tpu.memory_space<vmem>>) offsets(%dma_start3A_47 : memref<128xi32, #tpu.memory_space<vmem>>) semaphore(%dma_start3A_52 : memref<!tpu.dma_semaphore, #tpu.memory_space<semaphore_mem>>)
    %dma_start3A_53 = arith.constant 1 : i32
    %dma_start3A_54 = arith.constant 1 : i32
    %dma_start3A_55 = arith.constant 0 : i32
    %dma_start3A_56 = arith.constant 0 : i32
    %dma_start3A_57 = tpu.memref_slice %arg9[%dma_start3A_53, %dma_start3A_55, %dma_start3A_56] : memref<2x128x64xi32, #tpu.memory_space<vmem>> -> memref<1x128x64xi32, #tpu.memory_space<vmem>>
    %dma_start3A_58 = tpu.memref_squeeze %dma_start3A_57 : memref<1x128x64xi32, #tpu.memory_space<vmem>> -> memref<128x64xi32, #tpu.memory_space<vmem>>
    %dma_start3A_59 = arith.constant 0 : i32
    %dma_start3A_60 = arith.constant 0 : i32
    %dma_start3A_61 = tpu.memref_slice %dma_start3A_58[%dma_start3A_59, %dma_start3A_60] : memref<128x64xi32, #tpu.memory_space<vmem>> -> memref<128x64xi32, #tpu.memory_space<vmem>>
    %dma_start3A_62 = arith.constant 128 : i32
    %dma_start3A_63 = tpu.memref_slice %arg7[%dma_start3A_62] : memref<10000xi32, #tpu.memory_space<vmem>> -> memref<128xi32, #tpu.memory_space<vmem>>
    %dma_start3A_64 = arith.constant 0 : i32
    %dma_start3A_65 = arith.constant 0 : i32
    %dma_start3A_66 = tpu.memref_slice %arg2[%dma_start3A_64, %dma_start3A_65] : memref<10000x64xi32, #tpu.memory_space<hbm>> -> memref<10000x64xi32, #tpu.memory_space<hbm>>
    %dma_start3A_67 = tpu.memref_slice %arg12[%dma_start3A_54] : memref<2x!tpu.dma_semaphore, #tpu.memory_space<semaphore_mem>> -> memref<1x!tpu.dma_semaphore, #tpu.memory_space<semaphore_mem>>
    %dma_start3A_68 = tpu.memref_squeeze %dma_start3A_67 : memref<1x!tpu.dma_semaphore, #tpu.memory_space<semaphore_mem>> -> memref<!tpu.dma_semaphore, #tpu.memory_space<semaphore_mem>>
    tpu.enqueue_indirect_dma source(%dma_start3A_66 : memref<10000x64xi32, #tpu.memory_space<hbm>>) target(%dma_start3A_61 : memref<128x64xi32, #tpu.memory_space<vmem>>) offsets(%dma_start3A_63 : memref<128xi32, #tpu.memory_space<vmem>>) semaphore(%dma_start3A_68 : memref<!tpu.dma_semaphore, #tpu.memory_space<semaphore_mem>>)
    %scan3A = arith.constant 0 : i32
    %scan3A_69 = arith.constant 78 : i32
    %scan3A_70 = arith.addi %scan3A, %scan3A_69 : i32
    %scan3A_71 = arith.constant 1 : i32
    scf.for %scan3A_2243 = %scan3A to %scan3A_70 step %scan3A_71  : i32 {
      %mul3A_2244 = arith.constant 1 : i32
      %mul3A_2245 = arith.muli %scan3A_2243, %mul3A_2244 : i32
      %add3A_2246 = arith.constant 0 : i32
      %add3A_2247 = arith.addi %add3A_2246, %mul3A_2245 : i32
      %and3A_2248 = arith.constant 1 : i32
      %and3A_2249 = arith.andi %add3A_2247, %and3A_2248 : i32
      %dma_wait3A_2250 = arith.constant 0 : i32
      %dma_wait3A_2251 = arith.constant 0 : i32
      %dma_wait3A_2252 = tpu.memref_slice %arg8[%and3A_2249, %dma_wait3A_2250, %dma_wait3A_2251] : memref<2x128x64xi32, #tpu.memory_space<vmem>> -> memref<1x128x64xi32, #tpu.memory_space<vmem>>
      %dma_wait3A_2253 = tpu.memref_squeeze %dma_wait3A_2252 : memref<1x128x64xi32, #tpu.memory_space<vmem>> -> memref<128x64xi32, #tpu.memory_space<vmem>>
      %dma_wait3A_2254 = arith.constant 0 : i32
      %dma_wait3A_2255 = arith.constant 0 : i32
      %dma_wait3A_2256 = tpu.memref_slice %dma_wait3A_2253[%dma_wait3A_2254, %dma_wait3A_2255] : memref<128x64xi32, #tpu.memory_space<vmem>> -> memref<128x64xi32, #tpu.memory_space<vmem>>
      %dma_wait3A_2257 = arith.constant 0 : i32
      %dma_wait3A_2258 = arith.constant 0 : i32
      %dma_wait3A_2259 = tpu.memref_slice %arg2[%dma_wait3A_2257, %dma_wait3A_2258] : memref<10000x64xi32, #tpu.memory_space<hbm>> -> memref<128x64xi32, #tpu.memory_space<hbm>>
      %dma_wait3A_2260 = tpu.memref_slice %arg11[%and3A_2249] : memref<2x!tpu.dma_semaphore, #tpu.memory_space<semaphore_mem>> -> memref<1x!tpu.dma_semaphore, #tpu.memory_space<semaphore_mem>>
      %dma_wait3A_2261 = tpu.memref_squeeze %dma_wait3A_2260 : memref<1x!tpu.dma_semaphore, #tpu.memory_space<semaphore_mem>> -> memref<!tpu.dma_semaphore, #tpu.memory_space<semaphore_mem>>
      %dma_wait3A_2262 = arith.constant 0 : i32
      %dma_wait3A_2263 = arith.constant 0 : i32
      %dma_wait3A_2264 = tpu.memref_slice %arg8[%and3A_2249, %dma_wait3A_2262, %dma_wait3A_2263] : memref<2x128x64xi32, #tpu.memory_space<vmem>> -> memref<1x128x64xi32, #tpu.memory_space<vmem>>
      %dma_wait3A_2265 = tpu.memref_squeeze %dma_wait3A_2264 : memref<1x128x64xi32, #tpu.memory_space<vmem>> -> memref<128x64xi32, #tpu.memory_space<vmem>>
      %dma_wait3A_2266 = arith.constant 0 : i32
      %dma_wait3A_2267 = arith.constant 0 : i32
      %dma_wait3A_2268 = tpu.memref_slice %dma_wait3A_2265[%dma_wait3A_2266, %dma_wait3A_2267] : memref<128x64xi32, #tpu.memory_space<vmem>> -> memref<128x64xi32, #tpu.memory_space<vmem>>
      %dma_wait3A_2269 = arith.constant 0 : i32
      %dma_wait3A_2270 = arith.constant 0 : i32
      %dma_wait3A_2271 = tpu.memref_slice %arg2[%dma_wait3A_2269, %dma_wait3A_2270] : memref<10000x64xi32, #tpu.memory_space<hbm>> -> memref<128x64xi32, #tpu.memory_space<hbm>>
      tpu.wait_dma2 semaphore(%dma_wait3A_2261 : memref<!tpu.dma_semaphore, #tpu.memory_space<semaphore_mem>>) src(%dma_wait3A_2271 : memref<128x64xi32, #tpu.memory_space<hbm>>) dst(%dma_wait3A_2268 : memref<128x64xi32, #tpu.memory_space<vmem>>)
      %dma_wait3A_2272 = arith.constant 0 : i32
      %dma_wait3A_2273 = arith.constant 0 : i32
      %dma_wait3A_2274 = tpu.memref_slice %arg9[%and3A_2249, %dma_wait3A_2272, %dma_wait3A_2273] : memref<2x128x64xi32, #tpu.memory_space<vmem>> -> memref<1x128x64xi32, #tpu.memory_space<vmem>>
      %dma_wait3A_2275 = tpu.memref_squeeze %dma_wait3A_2274 : memref<1x128x64xi32, #tpu.memory_space<vmem>> -> memref<128x64xi32, #tpu.memory_space<vmem>>
      %dma_wait3A_2276 = arith.constant 0 : i32
      %dma_wait3A_2277 = arith.constant 0 : i32
      %dma_wait3A_2278 = tpu.memref_slice %dma_wait3A_2275[%dma_wait3A_2276, %dma_wait3A_2277] : memref<128x64xi32, #tpu.memory_space<vmem>> -> memref<128x64xi32, #tpu.memory_space<vmem>>
      %dma_wait3A_2279 = arith.constant 0 : i32
      %dma_wait3A_2280 = arith.constant 0 : i32
      %dma_wait3A_2281 = tpu.memref_slice %arg2[%dma_wait3A_2279, %dma_wait3A_2280] : memref<10000x64xi32, #tpu.memory_space<hbm>> -> memref<128x64xi32, #tpu.memory_space<hbm>>
      %dma_wait3A_2282 = tpu.memref_slice %arg12[%and3A_2249] : memref<2x!tpu.dma_semaphore, #tpu.memory_space<semaphore_mem>> -> memref<1x!tpu.dma_semaphore, #tpu.memory_space<semaphore_mem>>
      %dma_wait3A_2283 = tpu.memref_squeeze %dma_wait3A_2282 : memref<1x!tpu.dma_semaphore, #tpu.memory_space<semaphore_mem>> -> memref<!tpu.dma_semaphore, #tpu.memory_space<semaphore_mem>>
      %dma_wait3A_2284 = arith.constant 0 : i32
      %dma_wait3A_2285 = arith.constant 0 : i32
      %dma_wait3A_2286 = tpu.memref_slice %arg9[%and3A_2249, %dma_wait3A_2284, %dma_wait3A_2285] : memref<2x128x64xi32, #tpu.memory_space<vmem>> -> memref<1x128x64xi32, #tpu.memory_space<vmem>>
      %dma_wait3A_2287 = tpu.memref_squeeze %dma_wait3A_2286 : memref<1x128x64xi32, #tpu.memory_space<vmem>> -> memref<128x64xi32, #tpu.memory_space<vmem>>
      %dma_wait3A_2288 = arith.constant 0 : i32
      %dma_wait3A_2289 = arith.constant 0 : i32
      %dma_wait3A_2290 = tpu.memref_slice %dma_wait3A_2287[%dma_wait3A_2288, %dma_wait3A_2289] : memref<128x64xi32, #tpu.memory_space<vmem>> -> memref<128x64xi32, #tpu.memory_space<vmem>>
      %dma_wait3A_2291 = arith.constant 0 : i32
      %dma_wait3A_2292 = arith.constant 0 : i32
      %dma_wait3A_2293 = tpu.memref_slice %arg2[%dma_wait3A_2291, %dma_wait3A_2292] : memref<10000x64xi32, #tpu.memory_space<hbm>> -> memref<128x64xi32, #tpu.memory_space<hbm>>
      tpu.wait_dma2 semaphore(%dma_wait3A_2283 : memref<!tpu.dma_semaphore, #tpu.memory_space<semaphore_mem>>) src(%dma_wait3A_2293 : memref<128x64xi32, #tpu.memory_space<hbm>>) dst(%dma_wait3A_2290 : memref<128x64xi32, #tpu.memory_space<vmem>>)
      %scan3A_2294 = arith.constant 0 : i32
      %scan3A_2295 = arith.constant 8 : i32
      %scan3A_2296 = arith.addi %scan3A_2294, %scan3A_2295 : i32
      %scan3A_2297 = arith.constant 1 : i32
      scf.for %scan3A_2303 = %scan3A_2294 to %scan3A_2296 step %scan3A_2297  : i32 {
        %mul3A_2304 = arith.constant 16 : i32
        %mul3A_2305 = arith.muli %scan3A_2303, %mul3A_2304 : i32
        %add3A_2306 = arith.constant 0 : i32
        %add3A_2307 = arith.addi %add3A_2306, %mul3A_2305 : i32
        %mul3A_2308 = arith.constant 128 : i32
        %mul3A_2309 = arith.muli %add3A_2247, %mul3A_2308 : i32
        %add3A_2310 = arith.addi %mul3A_2309, %add3A_2307 : i32
        %add3A_2311 = arith.constant 0 : i32
        %add3A_2312 = arith.addi %add3A_2307, %add3A_2311 : i32
        %get3A_2313 = arith.constant 0 : i32
        %get3A_2314 = arith.constant 0 : i32
        %get3A_2315 = tpu.memref_slice %arg8[%and3A_2249, %get3A_2313, %get3A_2314] : memref<2x128x64xi32, #tpu.memory_space<vmem>> -> memref<1x128x64xi32, #tpu.memory_space<vmem>>
        %get3A_2316 = tpu.memref_squeeze %get3A_2315 : memref<1x128x64xi32, #tpu.memory_space<vmem>> -> memref<128x64xi32, #tpu.memory_space<vmem>>
        %get3A_2317 = arith.index_cast %add3A_2312 : i32 to index
        %get3A_2318 = arith.constant 0 : index
        %get3A_2319 = tpu.vector_load %get3A_2316[%get3A_2317, %get3A_2318] {strides = array<i32>} : memref<128x64xi32, #tpu.memory_space<vmem>>, vector<16xi32>,
        %get3A_2320 = arith.constant 0 : i32
        %get3A_2321 = arith.constant 0 : i32
        %get3A_2322 = tpu.memref_slice %arg9[%and3A_2249, %get3A_2320, %get3A_2321] : memref<2x128x64xi32, #tpu.memory_space<vmem>> -> memref<1x128x64xi32, #tpu.memory_space<vmem>>
        %get3A_2323 = tpu.memref_squeeze %get3A_2322 : memref<1x128x64xi32, #tpu.memory_space<vmem>> -> memref<128x64xi32, #tpu.memory_space<vmem>>
        %get3A_2324 = arith.index_cast %add3A_2312 : i32 to index
        %get3A_2325 = arith.constant 0 : index
        %get3A_2326 = tpu.vector_load %get3A_2323[%get3A_2324, %get3A_2325] {strides = array<i32>} : memref<128x64xi32, #tpu.memory_space<vmem>>, vector<16xi32>,
        %bitcast3A_2327 = vector.bitcast %get3A_2319 : vector<16xi32> to vector<32xbf16>
        %bitcast3A_2328 = vector.bitcast %get3A_2326 : vector<16xi32> to vector<32xbf16>
        %mul3A_2329 = arith.mulf %bitcast3A_2327, %bitcast3A_2328 : vector<32xbf16>
        %bitcast3A_2330 = vector.bitcast %mul3A_2329 : vector<32xbf16> to vector<16xi32>
        %shift_left3A_2331 = arith.shli %bitcast3A_2330, %broadcast_in_dim3A_5 : vector<16xi32>
        %bitcast3A_2332 = vector.bitcast %shift_left3A_2331 : vector<16xi32> to vector<16xf32>
        %and3A_2333 = arith.andi %bitcast3A_2330, %broadcast_in_dim3A_3 : vector<16xi32>
        %bitcast3A_2334 = vector.bitcast %and3A_2333 : vector<16xi32> to vector<16xf32>
        %add3A_2335 = arith.addf %bitcast3A_2332, %bitcast3A_2334 : vector<16xf32>
        %add3A_2336 = arith.constant 1 : i32
        %add3A_2337 = arith.addi %add3A_2307, %add3A_2336 : i32
        %get3A_2338 = arith.constant 0 : i32
        %get3A_2339 = arith.constant 0 : i32
        %get3A_2340 = tpu.memref_slice %arg8[%and3A_2249, %get3A_2338, %get3A_2339] : memref<2x128x64xi32, #tpu.memory_space<vmem>> -> memref<1x128x64xi32, #tpu.memory_space<vmem>>
        %get3A_2341 = tpu.memref_squeeze %get3A_2340 : memref<1x128x64xi32, #tpu.memory_space<vmem>> -> memref<128x64xi32, #tpu.memory_space<vmem>>
        %get3A_2342 = arith.index_cast %add3A_2337 : i32 to index
        %get3A_2343 = arith.constant 0 : index
        %get3A_2344 = tpu.vector_load %get3A_2341[%get3A_2342, %get3A_2343] {strides = array<i32>} : memref<128x64xi32, #tpu.memory_space<vmem>>, vector<16xi32>,
        %get3A_2345 = arith.constant 0 : i32
        %get3A_2346 = arith.constant 0 : i32
        %get3A_2347 = tpu.memref_slice %arg9[%and3A_2249, %get3A_2345, %get3A_2346] : memref<2x128x64xi32, #tpu.memory_space<vmem>> -> memref<1x128x64xi32, #tpu.memory_space<vmem>>
        %get3A_2348 = tpu.memref_squeeze %get3A_2347 : memref<1x128x64xi32, #tpu.memory_space<vmem>> -> memref<128x64xi32, #tpu.memory_space<vmem>>
        %get3A_2349 = arith.index_cast %add3A_2337 : i32 to index
        %get3A_2350 = arith.constant 0 : index
        %get3A_2351 = tpu.vector_load %get3A_2348[%get3A_2349, %get3A_2350] {strides = array<i32>} : memref<128x64xi32, #tpu.memory_space<vmem>>, vector<16xi32>,
        %bitcast3A_2352 = vector.bitcast %get3A_2344 : vector<16xi32> to vector<32xbf16>
        %bitcast3A_2353 = vector.bitcast %get3A_2351 : vector<16xi32> to vector<32xbf16>
        %mul3A_2354 = arith.mulf %bitcast3A_2352, %bitcast3A_2353 : vector<32xbf16>
        %bitcast3A_2355 = vector.bitcast %mul3A_2354 : vector<32xbf16> to vector<16xi32>
        %shift_left3A_2356 = arith.shli %bitcast3A_2355, %broadcast_in_dim3A_5 : vector<16xi32>
        %bitcast3A_2357 = vector.bitcast %shift_left3A_2356 : vector<16xi32> to vector<16xf32>
        %and3A_2358 = arith.andi %bitcast3A_2355, %broadcast_in_dim3A_3 : vector<16xi32>
        %bitcast3A_2359 = vector.bitcast %and3A_2358 : vector<16xi32> to vector<16xf32>
        %add3A_2360 = arith.addf %bitcast3A_2357, %bitcast3A_2359 : vector<16xf32>
        %add3A_2361 = arith.constant 2 : i32
        %add3A_2362 = arith.addi %add3A_2307, %add3A_2361 : i32
        %get3A_2363 = arith.constant 0 : i32
        %get3A_2364 = arith.constant 0 : i32
        %get3A_2365 = tpu.memref_slice %arg8[%and3A_2249, %get3A_2363, %get3A_2364] : memref<2x128x64xi32, #tpu.memory_space<vmem>> -> memref<1x128x64xi32, #tpu.memory_space<vmem>>
        %get3A_2366 = tpu.memref_squeeze %get3A_2365 : memref<1x128x64xi32, #tpu.memory_space<vmem>> -> memref<128x64xi32, #tpu.memory_space<vmem>>
        %get3A_2367 = arith.index_cast %add3A_2362 : i32 to index
        %get3A_2368 = arith.constant 0 : index
        %get3A_2369 = tpu.vector_load %get3A_2366[%get3A_2367, %get3A_2368] {strides = array<i32>} : memref<128x64xi32, #tpu.memory_space<vmem>>, vector<16xi32>,
        %get3A_2370 = arith.constant 0 : i32
        %get3A_2371 = arith.constant 0 : i32
        %get3A_2372 = tpu.memref_slice %arg9[%and3A_2249, %get3A_2370, %get3A_2371] : memref<2x128x64xi32, #tpu.memory_space<vmem>> -> memref<1x128x64xi32, #tpu.memory_space<vmem>>
        %get3A_2373 = tpu.memref_squeeze %get3A_2372 : memref<1x128x64xi32, #tpu.memory_space<vmem>> -> memref<128x64xi32, #tpu.memory_space<vmem>>
        %get3A_2374 = arith.index_cast %add3A_2362 : i32 to index
        %get3A_2375 = arith.constant 0 : index
        %get3A_2376 = tpu.vector_load %get3A_2373[%get3A_2374, %get3A_2375] {strides = array<i32>} : memref<128x64xi32, #tpu.memory_space<vmem>>, vector<16xi32>,
        %bitcast3A_2377 = vector.bitcast %get3A_2369 : vector<16xi32> to vector<32xbf16>
        %bitcast3A_2378 = vector.bitcast %get3A_2376 : vector<16xi32> to vector<32xbf16>
        %mul3A_2379 = arith.mulf %bitcast3A_2377, %bitcast3A_2378 : vector<32xbf16>
        %bitcast3A_2380 = vector.bitcast %mul3A_2379 : vector<32xbf16> to vector<16xi32>
        %shift_left3A_2381 = arith.shli %bitcast3A_2380, %broadcast_in_dim3A_5 : vector<16xi32>
        %bitcast3A_2382 = vector.bitcast %shift_left3A_2381 : vector<16xi32> to vector<16xf32>
        %and3A_2383 = arith.andi %bitcast3A_2380, %broadcast_in_dim3A_3 : vector<16xi32>
        %bitcast3A_2384 = vector.bitcast %and3A_2383 : vector<16xi32> to vector<16xf32>
        %add3A_2385 = arith.addf %bitcast3A_2382, %bitcast3A_2384 : vector<16xf32>
        %add3A_2386 = arith.constant 3 : i32
        %add3A_2387 = arith.addi %add3A_2307, %add3A_2386 : i32
        %get3A_2388 = arith.constant 0 : i32
        %get3A_2389 = arith.constant 0 : i32
        %get3A_2390 = tpu.memref_slice %arg8[%and3A_2249, %get3A_2388, %get3A_2389] : memref<2x128x64xi32, #tpu.memory_space<vmem>> -> memref<1x128x64xi32, #tpu.memory_space<vmem>>
        %get3A_2391 = tpu.memref_squeeze %get3A_2390 : memref<1x128x64xi32, #tpu.memory_space<vmem>> -> memref<128x64xi32, #tpu.memory_space<vmem>>
        %get3A_2392 = arith.index_cast %add3A_2387 : i32 to index
        %get3A_2393 = arith.constant 0 : index
        %get3A_2394 = tpu.vector_load %get3A_2391[%get3A_2392, %get3A_2393] {strides = array<i32>} : memref<128x64xi32, #tpu.memory_space<vmem>>, vector<16xi32>,
        %get3A_2395 = arith.constant 0 : i32
        %get3A_2396 = arith.constant 0 : i32
        %get3A_2397 = tpu.memref_slice %arg9[%and3A_2249, %get3A_2395, %get3A_2396] : memref<2x128x64xi32, #tpu.memory_space<vmem>> -> memref<1x128x64xi32, #tpu.memory_space<vmem>>
        %get3A_2398 = tpu.memref_squeeze %get3A_2397 : memref<1x128x64xi32, #tpu.memory_space<vmem>> -> memref<128x64xi32, #tpu.memory_space<vmem>>
        %get3A_2399 = arith.index_cast %add3A_2387 : i32 to index
        %get3A_2400 = arith.constant 0 : index
        %get3A_2401 = tpu.vector_load %get3A_2398[%get3A_2399, %get3A_2400] {strides = array<i32>} : memref<128x64xi32, #tpu.memory_space<vmem>>, vector<16xi32>,
        %bitcast3A_2402 = vector.bitcast %get3A_2394 : vector<16xi32> to vector<32xbf16>
        %bitcast3A_2403 = vector.bitcast %get3A_2401 : vector<16xi32> to vector<32xbf16>
        %mul3A_2404 = arith.mulf %bitcast3A_2402, %bitcast3A_2403 : vector<32xbf16>
        %bitcast3A_2405 = vector.bitcast %mul3A_2404 : vector<32xbf16> to vector<16xi32>
        %shift_left3A_2406 = arith.shli %bitcast3A_2405, %broadcast_in_dim3A_5 : vector<16xi32>
        %bitcast3A_2407 = vector.bitcast %shift_left3A_2406 : vector<16xi32> to vector<16xf32>
        %and3A_2408 = arith.andi %bitcast3A_2405, %broadcast_in_dim3A_3 : vector<16xi32>
        %bitcast3A_2409 = vector.bitcast %and3A_2408 : vector<16xi32> to vector<16xf32>
        %add3A_2410 = arith.addf %bitcast3A_2407, %bitcast3A_2409 : vector<16xf32>
        %add3A_2411 = arith.constant 4 : i32
        %add3A_2412 = arith.addi %add3A_2307, %add3A_2411 : i32
        %get3A_2413 = arith.constant 0 : i32
        %get3A_2414 = arith.constant 0 : i32
        %get3A_2415 = tpu.memref_slice %arg8[%and3A_2249, %get3A_2413, %get3A_2414] : memref<2x128x64xi32, #tpu.memory_space<vmem>> -> memref<1x128x64xi32, #tpu.memory_space<vmem>>
        %get3A_2416 = tpu.memref_squeeze %get3A_2415 : memref<1x128x64xi32, #tpu.memory_space<vmem>> -> memref<128x64xi32, #tpu.memory_space<vmem>>
        %get3A_2417 = arith.index_cast %add3A_2412 : i32 to index
        %get3A_2418 = arith.constant 0 : index
        %get3A_2419 = tpu.vector_load %get3A_2416[%get3A_2417, %get3A_2418] {strides = array<i32>} : memref<128x64xi32, #tpu.memory_space<vmem>>, vector<16xi32>,
        %get3A_2420 = arith.constant 0 : i32
        %get3A_2421 = arith.constant 0 : i32
        %get3A_2422 = tpu.memref_slice %arg9[%and3A_2249, %get3A_2420, %get3A_2421] : memref<2x128x64xi32, #tpu.memory_space<vmem>> -> memref<1x128x64xi32, #tpu.memory_space<vmem>>
        %get3A_2423 = tpu.memref_squeeze %get3A_2422 : memref<1x128x64xi32, #tpu.memory_space<vmem>> -> memref<128x64xi32, #tpu.memory_space<vmem>>
        %get3A_2424 = arith.index_cast %add3A_2412 : i32 to index
        %get3A_2425 = arith.constant 0 : index
        %get3A_2426 = tpu.vector_load %get3A_2423[%get3A_2424, %get3A_2425] {strides = array<i32>} : memref<128x64xi32, #tpu.memory_space<vmem>>, vector<16xi32>,
        %bitcast3A_2427 = vector.bitcast %get3A_2419 : vector<16xi32> to vector<32xbf16>
        %bitcast3A_2428 = vector.bitcast %get3A_2426 : vector<16xi32> to vector<32xbf16>
        %mul3A_2429 = arith.mulf %bitcast3A_2427, %bitcast3A_2428 : vector<32xbf16>
        %bitcast3A_2430 = vector.bitcast %mul3A_2429 : vector<32xbf16> to vector<16xi32>
        %shift_left3A_2431 = arith.shli %bitcast3A_2430, %broadcast_in_dim3A_5 : vector<16xi32>
        %bitcast3A_2432 = vector.bitcast %shift_left3A_2431 : vector<16xi32> to vector<16xf32>
        %and3A_2433 = arith.andi %bitcast3A_2430, %broadcast_in_dim3A_3 : vector<16xi32>
        %bitcast3A_2434 = vector.bitcast %and3A_2433 : vector<16xi32> to vector<16xf32>
        %add3A_2435 = arith.addf %bitcast3A_2432, %bitcast3A_2434 : vector<16xf32>
        %add3A_2436 = arith.constant 5 : i32
        %add3A_2437 = arith.addi %add3A_2307, %add3A_2436 : i32
        %get3A_2438 = arith.constant 0 : i32
        %get3A_2439 = arith.constant 0 : i32
        %get3A_2440 = tpu.memref_slice %arg8[%and3A_2249, %get3A_2438, %get3A_2439] : memref<2x128x64xi32, #tpu.memory_space<vmem>> -> memref<1x128x64xi32, #tpu.memory_space<vmem>>
        %get3A_2441 = tpu.memref_squeeze %get3A_2440 : memref<1x128x64xi32, #tpu.memory_space<vmem>> -> memref<128x64xi32, #tpu.memory_space<vmem>>
        %get3A_2442 = arith.index_cast %add3A_2437 : i32 to index
        %get3A_2443 = arith.constant 0 : index
        %get3A_2444 = tpu.vector_load %get3A_2441[%get3A_2442, %get3A_2443] {strides = array<i32>} : memref<128x64xi32, #tpu.memory_space<vmem>>, vector<16xi32>,
        %get3A_2445 = arith.constant 0 : i32
        %get3A_2446 = arith.constant 0 : i32
        %get3A_2447 = tpu.memref_slice %arg9[%and3A_2249, %get3A_2445, %get3A_2446] : memref<2x128x64xi32, #tpu.memory_space<vmem>> -> memref<1x128x64xi32, #tpu.memory_space<vmem>>
        %get3A_2448 = tpu.memref_squeeze %get3A_2447 : memref<1x128x64xi32, #tpu.memory_space<vmem>> -> memref<128x64xi32, #tpu.memory_space<vmem>>
        %get3A_2449 = arith.index_cast %add3A_2437 : i32 to index
        %get3A_2450 = arith.constant 0 : index
        %get3A_2451 = tpu.vector_load %get3A_2448[%get3A_2449, %get3A_2450] {strides = array<i32>} : memref<128x64xi32, #tpu.memory_space<vmem>>, vector<16xi32>,
        %bitcast3A_2452 = vector.bitcast %get3A_2444 : vector<16xi32> to vector<32xbf16>
        %bitcast3A_2453 = vector.bitcast %get3A_2451 : vector<16xi32> to vector<32xbf16>
        %mul3A_2454 = arith.mulf %bitcast3A_2452, %bitcast3A_2453 : vector<32xbf16>
        %bitcast3A_2455 = vector.bitcast %mul3A_2454 : vector<32xbf16> to vector<16xi32>
        %shift_left3A_2456 = arith.shli %bitcast3A_2455, %broadcast_in_dim3A_5 : vector<16xi32>
        %bitcast3A_2457 = vector.bitcast %shift_left3A_2456 : vector<16xi32> to vector<16xf32>
        %and3A_2458 = arith.andi %bitcast3A_2455, %broadcast_in_dim3A_3 : vector<16xi32>
        %bitcast3A_2459 = vector.bitcast %and3A_2458 : vector<16xi32> to vector<16xf32>
        %add3A_2460 = arith.addf %bitcast3A_2457, %bitcast3A_2459 : vector<16xf32>
        %add3A_2461 = arith.constant 6 : i32
        %add3A_2462 = arith.addi %add3A_2307, %add3A_2461 : i32
        %get3A_2463 = arith.constant 0 : i32
        %get3A_2464 = arith.constant 0 : i32
        %get3A_2465 = tpu.memref_slice %arg8[%and3A_2249, %get3A_2463, %get3A_2464] : memref<2x128x64xi32, #tpu.memory_space<vmem>> -> memref<1x128x64xi32, #tpu.memory_space<vmem>>
        %get3A_2466 = tpu.memref_squeeze %get3A_2465 : memref<1x128x64xi32, #tpu.memory_space<vmem>> -> memref<128x64xi32, #tpu.memory_space<vmem>>
        %get3A_2467 = arith.index_cast %add3A_2462 : i32 to index
        %get3A_2468 = arith.constant 0 : index
        %get3A_2469 = tpu.vector_load %get3A_2466[%get3A_2467, %get3A_2468] {strides = array<i32>} : memref<128x64xi32, #tpu.memory_space<vmem>>, vector<16xi32>,
        %get3A_2470 = arith.constant 0 : i32
        %get3A_2471 = arith.constant 0 : i32
        %get3A_2472 = tpu.memref_slice %arg9[%and3A_2249, %get3A_2470, %get3A_2471] : memref<2x128x64xi32, #tpu.memory_space<vmem>> -> memref<1x128x64xi32, #tpu.memory_space<vmem>>
        %get3A_2473 = tpu.memref_squeeze %get3A_2472 : memref<1x128x64xi32, #tpu.memory_space<vmem>> -> memref<128x64xi32, #tpu.memory_space<vmem>>
        %get3A_2474 = arith.index_cast %add3A_2462 : i32 to index
        %get3A_2475 = arith.constant 0 : index
        %get3A_2476 = tpu.vector_load %get3A_2473[%get3A_2474, %get3A_2475] {strides = array<i32>} : memref<128x64xi32, #tpu.memory_space<vmem>>, vector<16xi32>,
        %bitcast3A_2477 = vector.bitcast %get3A_2469 : vector<16xi32> to vector<32xbf16>
        %bitcast3A_2478 = vector.bitcast %get3A_2476 : vector<16xi32> to vector<32xbf16>
        %mul3A_2479 = arith.mulf %bitcast3A_2477, %bitcast3A_2478 : vector<32xbf16>
        %bitcast3A_2480 = vector.bitcast %mul3A_2479 : vector<32xbf16> to vector<16xi32>
        %shift_left3A_2481 = arith.shli %bitcast3A_2480, %broadcast_in_dim3A_5 : vector<16xi32>
        %bitcast3A_2482 = vector.bitcast %shift_left3A_2481 : vector<16xi32> to vector<16xf32>
        %and3A_2483 = arith.andi %bitcast3A_2480, %broadcast_in_dim3A_3 : vector<16xi32>
        %bitcast3A_2484 = vector.bitcast %and3A_2483 : vector<16xi32> to vector<16xf32>
        %add3A_2485 = arith.addf %bitcast3A_2482, %bitcast3A_2484 : vector<16xf32>
        %add3A_2486 = arith.constant 7 : i32
        %add3A_2487 = arith.addi %add3A_2307, %add3A_2486 : i32
        %get3A_2488 = arith.constant 0 : i32
        %get3A_2489 = arith.constant 0 : i32
        %get3A_2490 = tpu.memref_slice %arg8[%and3A_2249, %get3A_2488, %get3A_2489] : memref<2x128x64xi32, #tpu.memory_space<vmem>> -> memref<1x128x64xi32, #tpu.memory_space<vmem>>
        %get3A_2491 = tpu.memref_squeeze %get3A_2490 : memref<1x128x64xi32, #tpu.memory_space<vmem>> -> memref<128x64xi32, #tpu.memory_space<vmem>>
        %get3A_2492 = arith.index_cast %add3A_2487 : i32 to index
        %get3A_2493 = arith.constant 0 : index
        %get3A_2494 = tpu.vector_load %get3A_2491[%get3A_2492, %get3A_2493] {strides = array<i32>} : memref<128x64xi32, #tpu.memory_space<vmem>>, vector<16xi32>,
        %get3A_2495 = arith.constant 0 : i32
        %get3A_2496 = arith.constant 0 : i32
        %get3A_2497 = tpu.memref_slice %arg9[%and3A_2249, %get3A_2495, %get3A_2496] : memref<2x128x64xi32, #tpu.memory_space<vmem>> -> memref<1x128x64xi32, #tpu.memory_space<vmem>>
        %get3A_2498 = tpu.memref_squeeze %get3A_2497 : memref<1x128x64xi32, #tpu.memory_space<vmem>> -> memref<128x64xi32, #tpu.memory_space<vmem>>
        %get3A_2499 = arith.index_cast %add3A_2487 : i32 to index
        %get3A_2500 = arith.constant 0 : index
        %get3A_2501 = tpu.vector_load %get3A_2498[%get3A_2499, %get3A_2500] {strides = array<i32>} : memref<128x64xi32, #tpu.memory_space<vmem>>, vector<16xi32>,
        %bitcast3A_2502 = vector.bitcast %get3A_2494 : vector<16xi32> to vector<32xbf16>
        %bitcast3A_2503 = vector.bitcast %get3A_2501 : vector<16xi32> to vector<32xbf16>
        %mul3A_2504 = arith.mulf %bitcast3A_2502, %bitcast3A_2503 : vector<32xbf16>
        %bitcast3A_2505 = vector.bitcast %mul3A_2504 : vector<32xbf16> to vector<16xi32>
        %shift_left3A_2506 = arith.shli %bitcast3A_2505, %broadcast_in_dim3A_5 : vector<16xi32>
        %bitcast3A_2507 = vector.bitcast %shift_left3A_2506 : vector<16xi32> to vector<16xf32>
        %and3A_2508 = arith.andi %bitcast3A_2505, %broadcast_in_dim3A_3 : vector<16xi32>
        %bitcast3A_2509 = vector.bitcast %and3A_2508 : vector<16xi32> to vector<16xf32>
        %add3A_2510 = arith.addf %bitcast3A_2507, %bitcast3A_2509 : vector<16xf32>
        %add3A_2511 = arith.constant 8 : i32
        %add3A_2512 = arith.addi %add3A_2307, %add3A_2511 : i32
        %get3A_2513 = arith.constant 0 : i32
        %get3A_2514 = arith.constant 0 : i32
        %get3A_2515 = tpu.memref_slice %arg8[%and3A_2249, %get3A_2513, %get3A_2514] : memref<2x128x64xi32, #tpu.memory_space<vmem>> -> memref<1x128x64xi32, #tpu.memory_space<vmem>>
        %get3A_2516 = tpu.memref_squeeze %get3A_2515 : memref<1x128x64xi32, #tpu.memory_space<vmem>> -> memref<128x64xi32, #tpu.memory_space<vmem>>
        %get3A_2517 = arith.index_cast %add3A_2512 : i32 to index
        %get3A_2518 = arith.constant 0 : index
        %get3A_2519 = tpu.vector_load %get3A_2516[%get3A_2517, %get3A_2518] {strides = array<i32>} : memref<128x64xi32, #tpu.memory_space<vmem>>, vector<16xi32>,
        %get3A_2520 = arith.constant 0 : i32
        %get3A_2521 = arith.constant 0 : i32
        %get3A_2522 = tpu.memref_slice %arg9[%and3A_2249, %get3A_2520, %get3A_2521] : memref<2x128x64xi32, #tpu.memory_space<vmem>> -> memref<1x128x64xi32, #tpu.memory_space<vmem>>
        %get3A_2523 = tpu.memref_squeeze %get3A_2522 : memref<1x128x64xi32, #tpu.memory_space<vmem>> -> memref<128x64xi32, #tpu.memory_space<vmem>>
        %get3A_2524 = arith.index_cast %add3A_2512 : i32 to index
        %get3A_2525 = arith.constant 0 : index
        %get3A_2526 = tpu.vector_load %get3A_2523[%get3A_2524, %get3A_2525] {strides = array<i32>} : memref<128x64xi32, #tpu.memory_space<vmem>>, vector<16xi32>,
        %bitcast3A_2527 = vector.bitcast %get3A_2519 : vector<16xi32> to vector<32xbf16>
        %bitcast3A_2528 = vector.bitcast %get3A_2526 : vector<16xi32> to vector<32xbf16>
        %mul3A_2529 = arith.mulf %bitcast3A_2527, %bitcast3A_2528 : vector<32xbf16>
        %bitcast3A_2530 = vector.bitcast %mul3A_2529 : vector<32xbf16> to vector<16xi32>
        %shift_left3A_2531 = arith.shli %bitcast3A_2530, %broadcast_in_dim3A_5 : vector<16xi32>
        %bitcast3A_2532 = vector.bitcast %shift_left3A_2531 : vector<16xi32> to vector<16xf32>
        %and3A_2533 = arith.andi %bitcast3A_2530, %broadcast_in_dim3A_3 : vector<16xi32>
        %bitcast3A_2534 = vector.bitcast %and3A_2533 : vector<16xi32> to vector<16xf32>
        %add3A_2535 = arith.addf %bitcast3A_2532, %bitcast3A_2534 : vector<16xf32>
        %add3A_2536 = arith.constant 9 : i32
        %add3A_2537 = arith.addi %add3A_2307, %add3A_2536 : i32
        %get3A_2538 = arith.constant 0 : i32
        %get3A_2539 = arith.constant 0 : i32
        %get3A_2540 = tpu.memref_slice %arg8[%and3A_2249, %get3A_2538, %get3A_2539] : memref<2x128x64xi32, #tpu.memory_space<vmem>> -> memref<1x128x64xi32, #tpu.memory_space<vmem>>
        %get3A_2541 = tpu.memref_squeeze %get3A_2540 : memref<1x128x64xi32, #tpu.memory_space<vmem>> -> memref<128x64xi32, #tpu.memory_space<vmem>>
        %get3A_2542 = arith.index_cast %add3A_2537 : i32 to index
        %get3A_2543 = arith.constant 0 : index
        %get3A_2544 = tpu.vector_load %get3A_2541[%get3A_2542, %get3A_2543] {strides = array<i32>} : memref<128x64xi32, #tpu.memory_space<vmem>>, vector<16xi32>,
        %get3A_2545 = arith.constant 0 : i32
        %get3A_2546 = arith.constant 0 : i32
        %get3A_2547 = tpu.memref_slice %arg9[%and3A_2249, %get3A_2545, %get3A_2546] : memref<2x128x64xi32, #tpu.memory_space<vmem>> -> memref<1x128x64xi32, #tpu.memory_space<vmem>>
        %get3A_2548 = tpu.memref_squeeze %get3A_2547 : memref<1x128x64xi32, #tpu.memory_space<vmem>> -> memref<128x64xi32, #tpu.memory_space<vmem>>
        %get3A_2549 = arith.index_cast %add3A_2537 : i32 to index
        %get3A_2550 = arith.constant 0 : index
        %get3A_2551 = tpu.vector_load %get3A_2548[%get3A_2549, %get3A_2550] {strides = array<i32>} : memref<128x64xi32, #tpu.memory_space<vmem>>, vector<16xi32>,
        %bitcast3A_2552 = vector.bitcast %get3A_2544 : vector<16xi32> to vector<32xbf16>
        %bitcast3A_2553 = vector.bitcast %get3A_2551 : vector<16xi32> to vector<32xbf16>
        %mul3A_2554 = arith.mulf %bitcast3A_2552, %bitcast3A_2553 : vector<32xbf16>
        %bitcast3A_2555 = vector.bitcast %mul3A_2554 : vector<32xbf16> to vector<16xi32>
        %shift_left3A_2556 = arith.shli %bitcast3A_2555, %broadcast_in_dim3A_5 : vector<16xi32>
        %bitcast3A_2557 = vector.bitcast %shift_left3A_2556 : vector<16xi32> to vector<16xf32>
        %and3A_2558 = arith.andi %bitcast3A_2555, %broadcast_in_dim3A_3 : vector<16xi32>
        %bitcast3A_2559 = vector.bitcast %and3A_2558 : vector<16xi32> to vector<16xf32>
        %add3A_2560 = arith.addf %bitcast3A_2557, %bitcast3A_2559 : vector<16xf32>
        %add3A_2561 = arith.constant 10 : i32
        %add3A_2562 = arith.addi %add3A_2307, %add3A_2561 : i32
        %get3A_2563 = arith.constant 0 : i32
        %get3A_2564 = arith.constant 0 : i32
        %get3A_2565 = tpu.memref_slice %arg8[%and3A_2249, %get3A_2563, %get3A_2564] : memref<2x128x64xi32, #tpu.memory_space<vmem>> -> memref<1x128x64xi32, #tpu.memory_space<vmem>>
        %get3A_2566 = tpu.memref_squeeze %get3A_2565 : memref<1x128x64xi32, #tpu.memory_space<vmem>> -> memref<128x64xi32, #tpu.memory_space<vmem>>
        %get3A_2567 = arith.index_cast %add3A_2562 : i32 to index
        %get3A_2568 = arith.constant 0 : index
        %get3A_2569 = tpu.vector_load %get3A_2566[%get3A_2567, %get3A_2568] {strides = array<i32>} : memref<128x64xi32, #tpu.memory_space<vmem>>, vector<16xi32>,
        %get3A_2570 = arith.constant 0 : i32
        %get3A_2571 = arith.constant 0 : i32
        %get3A_2572 = tpu.memref_slice %arg9[%and3A_2249, %get3A_2570, %get3A_2571] : memref<2x128x64xi32, #tpu.memory_space<vmem>> -> memref<1x128x64xi32, #tpu.memory_space<vmem>>
        %get3A_2573 = tpu.memref_squeeze %get3A_2572 : memref<1x128x64xi32, #tpu.memory_space<vmem>> -> memref<128x64xi32, #tpu.memory_space<vmem>>
        %get3A_2574 = arith.index_cast %add3A_2562 : i32 to index
        %get3A_2575 = arith.constant 0 : index
        %get3A_2576 = tpu.vector_load %get3A_2573[%get3A_2574, %get3A_2575] {strides = array<i32>} : memref<128x64xi32, #tpu.memory_space<vmem>>, vector<16xi32>,
        %bitcast3A_2577 = vector.bitcast %get3A_2569 : vector<16xi32> to vector<32xbf16>
        %bitcast3A_2578 = vector.bitcast %get3A_2576 : vector<16xi32> to vector<32xbf16>
        %mul3A_2579 = arith.mulf %bitcast3A_2577, %bitcast3A_2578 : vector<32xbf16>
        %bitcast3A_2580 = vector.bitcast %mul3A_2579 : vector<32xbf16> to vector<16xi32>
        %shift_left3A_2581 = arith.shli %bitcast3A_2580, %broadcast_in_dim3A_5 : vector<16xi32>
        %bitcast3A_2582 = vector.bitcast %shift_left3A_2581 : vector<16xi32> to vector<16xf32>
        %and3A_2583 = arith.andi %bitcast3A_2580, %broadcast_in_dim3A_3 : vector<16xi32>
        %bitcast3A_2584 = vector.bitcast %and3A_2583 : vector<16xi32> to vector<16xf32>
        %add3A_2585 = arith.addf %bitcast3A_2582, %bitcast3A_2584 : vector<16xf32>
        %add3A_2586 = arith.constant 11 : i32
        %add3A_2587 = arith.addi %add3A_2307, %add3A_2586 : i32
        %get3A_2588 = arith.constant 0 : i32
        %get3A_2589 = arith.constant 0 : i32
        %get3A_2590 = tpu.memref_slice %arg8[%and3A_2249, %get3A_2588, %get3A_2589] : memref<2x128x64xi32, #tpu.memory_space<vmem>> -> memref<1x128x64xi32, #tpu.memory_space<vmem>>
        %get3A_2591 = tpu.memref_squeeze %get3A_2590 : memref<1x128x64xi32, #tpu.memory_space<vmem>> -> memref<128x64xi32, #tpu.memory_space<vmem>>
        %get3A_2592 = arith.index_cast %add3A_2587 : i32 to index
        %get3A_2593 = arith.constant 0 : index
        %get3A_2594 = tpu.vector_load %get3A_2591[%get3A_2592, %get3A_2593] {strides = array<i32>} : memref<128x64xi32, #tpu.memory_space<vmem>>, vector<16xi32>,
        %get3A_2595 = arith.constant 0 : i32
        %get3A_2596 = arith.constant 0 : i32
        %get3A_2597 = tpu.memref_slice %arg9[%and3A_2249, %get3A_2595, %get3A_2596] : memref<2x128x64xi32, #tpu.memory_space<vmem>> -> memref<1x128x64xi32, #tpu.memory_space<vmem>>
        %get3A_2598 = tpu.memref_squeeze %get3A_2597 : memref<1x128x64xi32, #tpu.memory_space<vmem>> -> memref<128x64xi32, #tpu.memory_space<vmem>>
        %get3A_2599 = arith.index_cast %add3A_2587 : i32 to index
        %get3A_2600 = arith.constant 0 : index
        %get3A_2601 = tpu.vector_load %get3A_2598[%get3A_2599, %get3A_2600] {strides = array<i32>} : memref<128x64xi32, #tpu.memory_space<vmem>>, vector<16xi32>,
        %bitcast3A_2602 = vector.bitcast %get3A_2594 : vector<16xi32> to vector<32xbf16>
        %bitcast3A_2603 = vector.bitcast %get3A_2601 : vector<16xi32> to vector<32xbf16>
        %mul3A_2604 = arith.mulf %bitcast3A_2602, %bitcast3A_2603 : vector<32xbf16>
        %bitcast3A_2605 = vector.bitcast %mul3A_2604 : vector<32xbf16> to vector<16xi32>
        %shift_left3A_2606 = arith.shli %bitcast3A_2605, %broadcast_in_dim3A_5 : vector<16xi32>
        %bitcast3A_2607 = vector.bitcast %shift_left3A_2606 : vector<16xi32> to vector<16xf32>
        %and3A_2608 = arith.andi %bitcast3A_2605, %broadcast_in_dim3A_3 : vector<16xi32>
        %bitcast3A_2609 = vector.bitcast %and3A_2608 : vector<16xi32> to vector<16xf32>
        %add3A_2610 = arith.addf %bitcast3A_2607, %bitcast3A_2609 : vector<16xf32>
        %add3A_2611 = arith.constant 12 : i32
        %add3A_2612 = arith.addi %add3A_2307, %add3A_2611 : i32
        %get3A_2613 = arith.constant 0 : i32
        %get3A_2614 = arith.constant 0 : i32
        %get3A_2615 = tpu.memref_slice %arg8[%and3A_2249, %get3A_2613, %get3A_2614] : memref<2x128x64xi32, #tpu.memory_space<vmem>> -> memref<1x128x64xi32, #tpu.memory_space<vmem>>
        %get3A_2616 = tpu.memref_squeeze %get3A_2615 : memref<1x128x64xi32, #tpu.memory_space<vmem>> -> memref<128x64xi32, #tpu.memory_space<vmem>>
        %get3A_2617 = arith.index_cast %add3A_2612 : i32 to index
        %get3A_2618 = arith.constant 0 : index
        %get3A_2619 = tpu.vector_load %get3A_2616[%get3A_2617, %get3A_2618] {strides = array<i32>} : memref<128x64xi32, #tpu.memory_space<vmem>>, vector<16xi32>,
        %get3A_2620 = arith.constant 0 : i32
        %get3A_2621 = arith.constant 0 : i32
        %get3A_2622 = tpu.memref_slice %arg9[%and3A_2249, %get3A_2620, %get3A_2621] : memref<2x128x64xi32, #tpu.memory_space<vmem>> -> memref<1x128x64xi32, #tpu.memory_space<vmem>>
        %get3A_2623 = tpu.memref_squeeze %get3A_2622 : memref<1x128x64xi32, #tpu.memory_space<vmem>> -> memref<128x64xi32, #tpu.memory_space<vmem>>
        %get3A_2624 = arith.index_cast %add3A_2612 : i32 to index
        %get3A_2625 = arith.constant 0 : index
        %get3A_2626 = tpu.vector_load %get3A_2623[%get3A_2624, %get3A_2625] {strides = array<i32>} : memref<128x64xi32, #tpu.memory_space<vmem>>, vector<16xi32>,
        %bitcast3A_2627 = vector.bitcast %get3A_2619 : vector<16xi32> to vector<32xbf16>
        %bitcast3A_2628 = vector.bitcast %get3A_2626 : vector<16xi32> to vector<32xbf16>
        %mul3A_2629 = arith.mulf %bitcast3A_2627, %bitcast3A_2628 : vector<32xbf16>
        %bitcast3A_2630 = vector.bitcast %mul3A_2629 : vector<32xbf16> to vector<16xi32>
        %shift_left3A_2631 = arith.shli %bitcast3A_2630, %broadcast_in_dim3A_5 : vector<16xi32>
        %bitcast3A_2632 = vector.bitcast %shift_left3A_2631 : vector<16xi32> to vector<16xf32>
        %and3A_2633 = arith.andi %bitcast3A_2630, %broadcast_in_dim3A_3 : vector<16xi32>
        %bitcast3A_2634 = vector.bitcast %and3A_2633 : vector<16xi32> to vector<16xf32>
        %add3A_2635 = arith.addf %bitcast3A_2632, %bitcast3A_2634 : vector<16xf32>
        %add3A_2636 = arith.constant 13 : i32
        %add3A_2637 = arith.addi %add3A_2307, %add3A_2636 : i32
        %get3A_2638 = arith.constant 0 : i32
        %get3A_2639 = arith.constant 0 : i32
        %get3A_2640 = tpu.memref_slice %arg8[%and3A_2249, %get3A_2638, %get3A_2639] : memref<2x128x64xi32, #tpu.memory_space<vmem>> -> memref<1x128x64xi32, #tpu.memory_space<vmem>>
        %get3A_2641 = tpu.memref_squeeze %get3A_2640 : memref<1x128x64xi32, #tpu.memory_space<vmem>> -> memref<128x64xi32, #tpu.memory_space<vmem>>
        %get3A_2642 = arith.index_cast %add3A_2637 : i32 to index
        %get3A_2643 = arith.constant 0 : index
        %get3A_2644 = tpu.vector_load %get3A_2641[%get3A_2642, %get3A_2643] {strides = array<i32>} : memref<128x64xi32, #tpu.memory_space<vmem>>, vector<16xi32>,
        %get3A_2645 = arith.constant 0 : i32
        %get3A_2646 = arith.constant 0 : i32
        %get3A_2647 = tpu.memref_slice %arg9[%and3A_2249, %get3A_2645, %get3A_2646] : memref<2x128x64xi32, #tpu.memory_space<vmem>> -> memref<1x128x64xi32, #tpu.memory_space<vmem>>
        %get3A_2648 = tpu.memref_squeeze %get3A_2647 : memref<1x128x64xi32, #tpu.memory_space<vmem>> -> memref<128x64xi32, #tpu.memory_space<vmem>>
        %get3A_2649 = arith.index_cast %add3A_2637 : i32 to index
        %get3A_2650 = arith.constant 0 : index
        %get3A_2651 = tpu.vector_load %get3A_2648[%get3A_2649, %get3A_2650] {strides = array<i32>} : memref<128x64xi32, #tpu.memory_space<vmem>>, vector<16xi32>,
        %bitcast3A_2652 = vector.bitcast %get3A_2644 : vector<16xi32> to vector<32xbf16>
        %bitcast3A_2653 = vector.bitcast %get3A_2651 : vector<16xi32> to vector<32xbf16>
        %mul3A_2654 = arith.mulf %bitcast3A_2652, %bitcast3A_2653 : vector<32xbf16>
        %bitcast3A_2655 = vector.bitcast %mul3A_2654 : vector<32xbf16> to vector<16xi32>
        %shift_left3A_2656 = arith.shli %bitcast3A_2655, %broadcast_in_dim3A_5 : vector<16xi32>
        %bitcast3A_2657 = vector.bitcast %shift_left3A_2656 : vector<16xi32> to vector<16xf32>
        %and3A_2658 = arith.andi %bitcast3A_2655, %broadcast_in_dim3A_3 : vector<16xi32>
        %bitcast3A_2659 = vector.bitcast %and3A_2658 : vector<16xi32> to vector<16xf32>
        %add3A_2660 = arith.addf %bitcast3A_2657, %bitcast3A_2659 : vector<16xf32>
        %add3A_2661 = arith.constant 14 : i32
        %add3A_2662 = arith.addi %add3A_2307, %add3A_2661 : i32
        %get3A_2663 = arith.constant 0 : i32
        %get3A_2664 = arith.constant 0 : i32
        %get3A_2665 = tpu.memref_slice %arg8[%and3A_2249, %get3A_2663, %get3A_2664] : memref<2x128x64xi32, #tpu.memory_space<vmem>> -> memref<1x128x64xi32, #tpu.memory_space<vmem>>
        %get3A_2666 = tpu.memref_squeeze %get3A_2665 : memref<1x128x64xi32, #tpu.memory_space<vmem>> -> memref<128x64xi32, #tpu.memory_space<vmem>>
        %get3A_2667 = arith.index_cast %add3A_2662 : i32 to index
        %get3A_2668 = arith.constant 0 : index
        %get3A_2669 = tpu.vector_load %get3A_2666[%get3A_2667, %get3A_2668] {strides = array<i32>} : memref<128x64xi32, #tpu.memory_space<vmem>>, vector<16xi32>,
        %get3A_2670 = arith.constant 0 : i32
        %get3A_2671 = arith.constant 0 : i32
        %get3A_2672 = tpu.memref_slice %arg9[%and3A_2249, %get3A_2670, %get3A_2671] : memref<2x128x64xi32, #tpu.memory_space<vmem>> -> memref<1x128x64xi32, #tpu.memory_space<vmem>>
        %get3A_2673 = tpu.memref_squeeze %get3A_2672 : memref<1x128x64xi32, #tpu.memory_space<vmem>> -> memref<128x64xi32, #tpu.memory_space<vmem>>
        %get3A_2674 = arith.index_cast %add3A_2662 : i32 to index
        %get3A_2675 = arith.constant 0 : index
        %get3A_2676 = tpu.vector_load %get3A_2673[%get3A_2674, %get3A_2675] {strides = array<i32>} : memref<128x64xi32, #tpu.memory_space<vmem>>, vector<16xi32>,
        %bitcast3A_2677 = vector.bitcast %get3A_2669 : vector<16xi32> to vector<32xbf16>
        %bitcast3A_2678 = vector.bitcast %get3A_2676 : vector<16xi32> to vector<32xbf16>
        %mul3A_2679 = arith.mulf %bitcast3A_2677, %bitcast3A_2678 : vector<32xbf16>
        %bitcast3A_2680 = vector.bitcast %mul3A_2679 : vector<32xbf16> to vector<16xi32>
        %shift_left3A_2681 = arith.shli %bitcast3A_2680, %broadcast_in_dim3A_5 : vector<16xi32>
        %bitcast3A_2682 = vector.bitcast %shift_left3A_2681 : vector<16xi32> to vector<16xf32>
        %and3A_2683 = arith.andi %bitcast3A_2680, %broadcast_in_dim3A_3 : vector<16xi32>
        %bitcast3A_2684 = vector.bitcast %and3A_2683 : vector<16xi32> to vector<16xf32>
        %add3A_2685 = arith.addf %bitcast3A_2682, %bitcast3A_2684 : vector<16xf32>
        %add3A_2686 = arith.constant 15 : i32
        %add3A_2687 = arith.addi %add3A_2307, %add3A_2686 : i32
        %get3A_2688 = arith.constant 0 : i32
        %get3A_2689 = arith.constant 0 : i32
        %get3A_2690 = tpu.memref_slice %arg8[%and3A_2249, %get3A_2688, %get3A_2689] : memref<2x128x64xi32, #tpu.memory_space<vmem>> -> memref<1x128x64xi32, #tpu.memory_space<vmem>>
        %get3A_2691 = tpu.memref_squeeze %get3A_2690 : memref<1x128x64xi32, #tpu.memory_space<vmem>> -> memref<128x64xi32, #tpu.memory_space<vmem>>
        %get3A_2692 = arith.index_cast %add3A_2687 : i32 to index
        %get3A_2693 = arith.constant 0 : index
        %get3A_2694 = tpu.vector_load %get3A_2691[%get3A_2692, %get3A_2693] {strides = array<i32>} : memref<128x64xi32, #tpu.memory_space<vmem>>, vector<16xi32>,
        %get3A_2695 = arith.constant 0 : i32
        %get3A_2696 = arith.constant 0 : i32
        %get3A_2697 = tpu.memref_slice %arg9[%and3A_2249, %get3A_2695, %get3A_2696] : memref<2x128x64xi32, #tpu.memory_space<vmem>> -> memref<1x128x64xi32, #tpu.memory_space<vmem>>
        %get3A_2698 = tpu.memref_squeeze %get3A_2697 : memref<1x128x64xi32, #tpu.memory_space<vmem>> -> memref<128x64xi32, #tpu.memory_space<vmem>>
        %get3A_2699 = arith.index_cast %add3A_2687 : i32 to index
        %get3A_2700 = arith.constant 0 : index
        %get3A_2701 = tpu.vector_load %get3A_2698[%get3A_2699, %get3A_2700] {strides = array<i32>} : memref<128x64xi32, #tpu.memory_space<vmem>>, vector<16xi32>,
        %bitcast3A_2702 = vector.bitcast %get3A_2694 : vector<16xi32> to vector<32xbf16>
        %bitcast3A_2703 = vector.bitcast %get3A_2701 : vector<16xi32> to vector<32xbf16>
        %mul3A_2704 = arith.mulf %bitcast3A_2702, %bitcast3A_2703 : vector<32xbf16>
        %bitcast3A_2705 = vector.bitcast %mul3A_2704 : vector<32xbf16> to vector<16xi32>
        %shift_left3A_2706 = arith.shli %bitcast3A_2705, %broadcast_in_dim3A_5 : vector<16xi32>
        %bitcast3A_2707 = vector.bitcast %shift_left3A_2706 : vector<16xi32> to vector<16xf32>
        %and3A_2708 = arith.andi %bitcast3A_2705, %broadcast_in_dim3A_3 : vector<16xi32>
        %bitcast3A_2709 = vector.bitcast %and3A_2708 : vector<16xi32> to vector<16xf32>
        %add3A_2710 = arith.addf %bitcast3A_2707, %bitcast3A_2709 : vector<16xf32>
        %add3A_2711 = arith.constant 0 : i32
        %add3A_2712 = arith.addi %add3A_2307, %add3A_2711 : i32
        %get3A_2713 = arith.constant 0 : i32
        %get3A_2714 = arith.constant 0 : i32
        %get3A_2715 = tpu.memref_slice %arg8[%and3A_2249, %get3A_2713, %get3A_2714] : memref<2x128x64xi32, #tpu.memory_space<vmem>> -> memref<1x128x64xi32, #tpu.memory_space<vmem>>
        %get3A_2716 = tpu.memref_squeeze %get3A_2715 : memref<1x128x64xi32, #tpu.memory_space<vmem>> -> memref<128x64xi32, #tpu.memory_space<vmem>>
        %get3A_2717 = arith.index_cast %add3A_2712 : i32 to index
        %get3A_2718 = arith.constant 16 : index
        %get3A_2719 = tpu.vector_load %get3A_2716[%get3A_2717, %get3A_2718] {strides = array<i32>} : memref<128x64xi32, #tpu.memory_space<vmem>>, vector<16xi32>,
        %get3A_2720 = arith.constant 0 : i32
        %get3A_2721 = arith.constant 0 : i32
        %get3A_2722 = tpu.memref_slice %arg9[%and3A_2249, %get3A_2720, %get3A_2721] : memref<2x128x64xi32, #tpu.memory_space<vmem>> -> memref<1x128x64xi32, #tpu.memory_space<vmem>>
        %get3A_2723 = tpu.memref_squeeze %get3A_2722 : memref<1x128x64xi32, #tpu.memory_space<vmem>> -> memref<128x64xi32, #tpu.memory_space<vmem>>
        %get3A_2724 = arith.index_cast %add3A_2712 : i32 to index
        %get3A_2725 = arith.constant 16 : index
        %get3A_2726 = tpu.vector_load %get3A_2723[%get3A_2724, %get3A_2725] {strides = array<i32>} : memref<128x64xi32, #tpu.memory_space<vmem>>, vector<16xi32>,
        %bitcast3A_2727 = vector.bitcast %get3A_2719 : vector<16xi32> to vector<32xbf16>
        %bitcast3A_2728 = vector.bitcast %get3A_2726 : vector<16xi32> to vector<32xbf16>
        %mul3A_2729 = arith.mulf %bitcast3A_2727, %bitcast3A_2728 : vector<32xbf16>
        %bitcast3A_2730 = vector.bitcast %mul3A_2729 : vector<32xbf16> to vector<16xi32>
        %shift_left3A_2731 = arith.shli %bitcast3A_2730, %broadcast_in_dim3A_5 : vector<16xi32>
        %bitcast3A_2732 = vector.bitcast %shift_left3A_2731 : vector<16xi32> to vector<16xf32>
        %and3A_2733 = arith.andi %bitcast3A_2730, %broadcast_in_dim3A_3 : vector<16xi32>
        %bitcast3A_2734 = vector.bitcast %and3A_2733 : vector<16xi32> to vector<16xf32>
        %add3A_2735 = arith.addf %bitcast3A_2732, %bitcast3A_2734 : vector<16xf32>
        %add3A_2736 = arith.addf %add3A_2335, %add3A_2735 : vector<16xf32>
        %add3A_2737 = arith.constant 1 : i32
        %add3A_2738 = arith.addi %add3A_2307, %add3A_2737 : i32
        %get3A_2739 = arith.constant 0 : i32
        %get3A_2740 = arith.constant 0 : i32
        %get3A_2741 = tpu.memref_slice %arg8[%and3A_2249, %get3A_2739, %get3A_2740] : memref<2x128x64xi32, #tpu.memory_space<vmem>> -> memref<1x128x64xi32, #tpu.memory_space<vmem>>
        %get3A_2742 = tpu.memref_squeeze %get3A_2741 : memref<1x128x64xi32, #tpu.memory_space<vmem>> -> memref<128x64xi32, #tpu.memory_space<vmem>>
        %get3A_2743 = arith.index_cast %add3A_2738 : i32 to index
        %get3A_2744 = arith.constant 16 : index
        %get3A_2745 = tpu.vector_load %get3A_2742[%get3A_2743, %get3A_2744] {strides = array<i32>} : memref<128x64xi32, #tpu.memory_space<vmem>>, vector<16xi32>,
        %get3A_2746 = arith.constant 0 : i32
        %get3A_2747 = arith.constant 0 : i32
        %get3A_2748 = tpu.memref_slice %arg9[%and3A_2249, %get3A_2746, %get3A_2747] : memref<2x128x64xi32, #tpu.memory_space<vmem>> -> memref<1x128x64xi32, #tpu.memory_space<vmem>>
        %get3A_2749 = tpu.memref_squeeze %get3A_2748 : memref<1x128x64xi32, #tpu.memory_space<vmem>> -> memref<128x64xi32, #tpu.memory_space<vmem>>
        %get3A_2750 = arith.index_cast %add3A_2738 : i32 to index
        %get3A_2751 = arith.constant 16 : index
        %get3A_2752 = tpu.vector_load %get3A_2749[%get3A_2750, %get3A_2751] {strides = array<i32>} : memref<128x64xi32, #tpu.memory_space<vmem>>, vector<16xi32>,
        %bitcast3A_2753 = vector.bitcast %get3A_2745 : vector<16xi32> to vector<32xbf16>
        %bitcast3A_2754 = vector.bitcast %get3A_2752 : vector<16xi32> to vector<32xbf16>
        %mul3A_2755 = arith.mulf %bitcast3A_2753, %bitcast3A_2754 : vector<32xbf16>
        %bitcast3A_2756 = vector.bitcast %mul3A_2755 : vector<32xbf16> to vector<16xi32>
        %shift_left3A_2757 = arith.shli %bitcast3A_2756, %broadcast_in_dim3A_5 : vector<16xi32>
        %bitcast3A_2758 = vector.bitcast %shift_left3A_2757 : vector<16xi32> to vector<16xf32>
        %and3A_2759 = arith.andi %bitcast3A_2756, %broadcast_in_dim3A_3 : vector<16xi32>
        %bitcast3A_2760 = vector.bitcast %and3A_2759 : vector<16xi32> to vector<16xf32>
        %add3A_2761 = arith.addf %bitcast3A_2758, %bitcast3A_2760 : vector<16xf32>
        %add3A_2762 = arith.addf %add3A_2360, %add3A_2761 : vector<16xf32>
        %add3A_2763 = arith.constant 2 : i32
        %add3A_2764 = arith.addi %add3A_2307, %add3A_2763 : i32
        %get3A_2765 = arith.constant 0 : i32
        %get3A_2766 = arith.constant 0 : i32
        %get3A_2767 = tpu.memref_slice %arg8[%and3A_2249, %get3A_2765, %get3A_2766] : memref<2x128x64xi32, #tpu.memory_space<vmem>> -> memref<1x128x64xi32, #tpu.memory_space<vmem>>
        %get3A_2768 = tpu.memref_squeeze %get3A_2767 : memref<1x128x64xi32, #tpu.memory_space<vmem>> -> memref<128x64xi32, #tpu.memory_space<vmem>>
        %get3A_2769 = arith.index_cast %add3A_2764 : i32 to index
        %get3A_2770 = arith.constant 16 : index
        %get3A_2771 = tpu.vector_load %get3A_2768[%get3A_2769, %get3A_2770] {strides = array<i32>} : memref<128x64xi32, #tpu.memory_space<vmem>>, vector<16xi32>,
        %get3A_2772 = arith.constant 0 : i32
        %get3A_2773 = arith.constant 0 : i32
        %get3A_2774 = tpu.memref_slice %arg9[%and3A_2249, %get3A_2772, %get3A_2773] : memref<2x128x64xi32, #tpu.memory_space<vmem>> -> memref<1x128x64xi32, #tpu.memory_space<vmem>>
        %get3A_2775 = tpu.memref_squeeze %get3A_2774 : memref<1x128x64xi32, #tpu.memory_space<vmem>> -> memref<128x64xi32, #tpu.memory_space<vmem>>
        %get3A_2776 = arith.index_cast %add3A_2764 : i32 to index
        %get3A_2777 = arith.constant 16 : index
        %get3A_2778 = tpu.vector_load %get3A_2775[%get3A_2776, %get3A_2777] {strides = array<i32>} : memref<128x64xi32, #tpu.memory_space<vmem>>, vector<16xi32>,
        %bitcast3A_2779 = vector.bitcast %get3A_2771 : vector<16xi32> to vector<32xbf16>
        %bitcast3A_2780 = vector.bitcast %get3A_2778 : vector<16xi32> to vector<32xbf16>
        %mul3A_2781 = arith.mulf %bitcast3A_2779, %bitcast3A_2780 : vector<32xbf16>
        %bitcast3A_2782 = vector.bitcast %mul3A_2781 : vector<32xbf16> to vector<16xi32>
        %shift_left3A_2783 = arith.shli %bitcast3A_2782, %broadcast_in_dim3A_5 : vector<16xi32>
        %bitcast3A_2784 = vector.bitcast %shift_left3A_2783 : vector<16xi32> to vector<16xf32>
        %and3A_2785 = arith.andi %bitcast3A_2782, %broadcast_in_dim3A_3 : vector<16xi32>
        %bitcast3A_2786 = vector.bitcast %and3A_2785 : vector<16xi32> to vector<16xf32>
        %add3A_2787 = arith.addf %bitcast3A_2784, %bitcast3A_2786 : vector<16xf32>
        %add3A_2788 = arith.addf %add3A_2385, %add3A_2787 : vector<16xf32>
        %add3A_2789 = arith.constant 3 : i32
        %add3A_2790 = arith.addi %add3A_2307, %add3A_2789 : i32
        %get3A_2791 = arith.constant 0 : i32
        %get3A_2792 = arith.constant 0 : i32
        %get3A_2793 = tpu.memref_slice %arg8[%and3A_2249, %get3A_2791, %get3A_2792] : memref<2x128x64xi32, #tpu.memory_space<vmem>> -> memref<1x128x64xi32, #tpu.memory_space<vmem>>
        %get3A_2794 = tpu.memref_squeeze %get3A_2793 : memref<1x128x64xi32, #tpu.memory_space<vmem>> -> memref<128x64xi32, #tpu.memory_space<vmem>>
        %get3A_2795 = arith.index_cast %add3A_2790 : i32 to index
        %get3A_2796 = arith.constant 16 : index
        %get3A_2797 = tpu.vector_load %get3A_2794[%get3A_2795, %get3A_2796] {strides = array<i32>} : memref<128x64xi32, #tpu.memory_space<vmem>>, vector<16xi32>,
        %get3A_2798 = arith.constant 0 : i32
        %get3A_2799 = arith.constant 0 : i32
        %get3A_2800 = tpu.memref_slice %arg9[%and3A_2249, %get3A_2798, %get3A_2799] : memref<2x128x64xi32, #tpu.memory_space<vmem>> -> memref<1x128x64xi32, #tpu.memory_space<vmem>>
        %get3A_2801 = tpu.memref_squeeze %get3A_2800 : memref<1x128x64xi32, #tpu.memory_space<vmem>> -> memref<128x64xi32, #tpu.memory_space<vmem>>
        %get3A_2802 = arith.index_cast %add3A_2790 : i32 to index
        %get3A_2803 = arith.constant 16 : index
        %get3A_2804 = tpu.vector_load %get3A_2801[%get3A_2802, %get3A_2803] {strides = array<i32>} : memref<128x64xi32, #tpu.memory_space<vmem>>, vector<16xi32>,
        %bitcast3A_2805 = vector.bitcast %get3A_2797 : vector<16xi32> to vector<32xbf16>
        %bitcast3A_2806 = vector.bitcast %get3A_2804 : vector<16xi32> to vector<32xbf16>
        %mul3A_2807 = arith.mulf %bitcast3A_2805, %bitcast3A_2806 : vector<32xbf16>
        %bitcast3A_2808 = vector.bitcast %mul3A_2807 : vector<32xbf16> to vector<16xi32>
        %shift_left3A_2809 = arith.shli %bitcast3A_2808, %broadcast_in_dim3A_5 : vector<16xi32>
        %bitcast3A_2810 = vector.bitcast %shift_left3A_2809 : vector<16xi32> to vector<16xf32>
        %and3A_2811 = arith.andi %bitcast3A_2808, %broadcast_in_dim3A_3 : vector<16xi32>
        %bitcast3A_2812 = vector.bitcast %and3A_2811 : vector<16xi32> to vector<16xf32>
        %add3A_2813 = arith.addf %bitcast3A_2810, %bitcast3A_2812 : vector<16xf32>
        %add3A_2814 = arith.addf %add3A_2410, %add3A_2813 : vector<16xf32>
        %add3A_2815 = arith.constant 4 : i32
        %add3A_2816 = arith.addi %add3A_2307, %add3A_2815 : i32
        %get3A_2817 = arith.constant 0 : i32
        %get3A_2818 = arith.constant 0 : i32
        %get3A_2819 = tpu.memref_slice %arg8[%and3A_2249, %get3A_2817, %get3A_2818] : memref<2x128x64xi32, #tpu.memory_space<vmem>> -> memref<1x128x64xi32, #tpu.memory_space<vmem>>
        %get3A_2820 = tpu.memref_squeeze %get3A_2819 : memref<1x128x64xi32, #tpu.memory_space<vmem>> -> memref<128x64xi32, #tpu.memory_space<vmem>>
        %get3A_2821 = arith.index_cast %add3A_2816 : i32 to index
        %get3A_2822 = arith.constant 16 : index
        %get3A_2823 = tpu.vector_load %get3A_2820[%get3A_2821, %get3A_2822] {strides = array<i32>} : memref<128x64xi32, #tpu.memory_space<vmem>>, vector<16xi32>,
        %get3A_2824 = arith.constant 0 : i32
        %get3A_2825 = arith.constant 0 : i32
        %get3A_2826 = tpu.memref_slice %arg9[%and3A_2249, %get3A_2824, %get3A_2825] : memref<2x128x64xi32, #tpu.memory_space<vmem>> -> memref<1x128x64xi32, #tpu.memory_space<vmem>>
        %get3A_2827 = tpu.memref_squeeze %get3A_2826 : memref<1x128x64xi32, #tpu.memory_space<vmem>> -> memref<128x64xi32, #tpu.memory_space<vmem>>
        %get3A_2828 = arith.index_cast %add3A_2816 : i32 to index
        %get3A_2829 = arith.constant 16 : index
        %get3A_2830 = tpu.vector_load %get3A_2827[%get3A_2828, %get3A_2829] {strides = array<i32>} : memref<128x64xi32, #tpu.memory_space<vmem>>, vector<16xi32>,
        %bitcast3A_2831 = vector.bitcast %get3A_2823 : vector<16xi32> to vector<32xbf16>
        %bitcast3A_2832 = vector.bitcast %get3A_2830 : vector<16xi32> to vector<32xbf16>
        %mul3A_2833 = arith.mulf %bitcast3A_2831, %bitcast3A_2832 : vector<32xbf16>
        %bitcast3A_2834 = vector.bitcast %mul3A_2833 : vector<32xbf16> to vector<16xi32>
        %shift_left3A_2835 = arith.shli %bitcast3A_2834, %broadcast_in_dim3A_5 : vector<16xi32>
        %bitcast3A_2836 = vector.bitcast %shift_left3A_2835 : vector<16xi32> to vector<16xf32>
        %and3A_2837 = arith.andi %bitcast3A_2834, %broadcast_in_dim3A_3 : vector<16xi32>
        %bitcast3A_2838 = vector.bitcast %and3A_2837 : vector<16xi32> to vector<16xf32>
        %add3A_2839 = arith.addf %bitcast3A_2836, %bitcast3A_2838 : vector<16xf32>
        %add3A_2840 = arith.addf %add3A_2435, %add3A_2839 : vector<16xf32>
        %add3A_2841 = arith.constant 5 : i32
        %add3A_2842 = arith.addi %add3A_2307, %add3A_2841 : i32
        %get3A_2843 = arith.constant 0 : i32
        %get3A_2844 = arith.constant 0 : i32
        %get3A_2845 = tpu.memref_slice %arg8[%and3A_2249, %get3A_2843, %get3A_2844] : memref<2x128x64xi32, #tpu.memory_space<vmem>> -> memref<1x128x64xi32, #tpu.memory_space<vmem>>
        %get3A_2846 = tpu.memref_squeeze %get3A_2845 : memref<1x128x64xi32, #tpu.memory_space<vmem>> -> memref<128x64xi32, #tpu.memory_space<vmem>>
        %get3A_2847 = arith.index_cast %add3A_2842 : i32 to index
        %get3A_2848 = arith.constant 16 : index
        %get3A_2849 = tpu.vector_load %get3A_2846[%get3A_2847, %get3A_2848] {strides = array<i32>} : memref<128x64xi32, #tpu.memory_space<vmem>>, vector<16xi32>,
        %get3A_2850 = arith.constant 0 : i32
        %get3A_2851 = arith.constant 0 : i32
        %get3A_2852 = tpu.memref_slice %arg9[%and3A_2249, %get3A_2850, %get3A_2851] : memref<2x128x64xi32, #tpu.memory_space<vmem>> -> memref<1x128x64xi32, #tpu.memory_space<vmem>>
        %get3A_2853 = tpu.memref_squeeze %get3A_2852 : memref<1x128x64xi32, #tpu.memory_space<vmem>> -> memref<128x64xi32, #tpu.memory_space<vmem>>
        %get3A_2854 = arith.index_cast %add3A_2842 : i32 to index
        %get3A_2855 = arith.constant 16 : index
        %get3A_2856 = tpu.vector_load %get3A_2853[%get3A_2854, %get3A_2855] {strides = array<i32>} : memref<128x64xi32, #tpu.memory_space<vmem>>, vector<16xi32>,
        %bitcast3A_2857 = vector.bitcast %get3A_2849 : vector<16xi32> to vector<32xbf16>
        %bitcast3A_2858 = vector.bitcast %get3A_2856 : vector<16xi32> to vector<32xbf16>
        %mul3A_2859 = arith.mulf %bitcast3A_2857, %bitcast3A_2858 : vector<32xbf16>
        %bitcast3A_2860 = vector.bitcast %mul3A_2859 : vector<32xbf16> to vector<16xi32>
        %shift_left3A_2861 = arith.shli %bitcast3A_2860, %broadcast_in_dim3A_5 : vector<16xi32>
        %bitcast3A_2862 = vector.bitcast %shift_left3A_2861 : vector<16xi32> to vector<16xf32>
        %and3A_2863 = arith.andi %bitcast3A_2860, %broadcast_in_dim3A_3 : vector<16xi32>
        %bitcast3A_2864 = vector.bitcast %and3A_2863 : vector<16xi32> to vector<16xf32>
        %add3A_2865 = arith.addf %bitcast3A_2862, %bitcast3A_2864 : vector<16xf32>
        %add3A_2866 = arith.addf %add3A_2460, %add3A_2865 : vector<16xf32>
        %add3A_2867 = arith.constant 6 : i32
        %add3A_2868 = arith.addi %add3A_2307, %add3A_2867 : i32
        %get3A_2869 = arith.constant 0 : i32
        %get3A_2870 = arith.constant 0 : i32
        %get3A_2871 = tpu.memref_slice %arg8[%and3A_2249, %get3A_2869, %get3A_2870] : memref<2x128x64xi32, #tpu.memory_space<vmem>> -> memref<1x128x64xi32, #tpu.memory_space<vmem>>
        %get3A_2872 = tpu.memref_squeeze %get3A_2871 : memref<1x128x64xi32, #tpu.memory_space<vmem>> -> memref<128x64xi32, #tpu.memory_space<vmem>>
        %get3A_2873 = arith.index_cast %add3A_2868 : i32 to index
        %get3A_2874 = arith.constant 16 : index
        %get3A_2875 = tpu.vector_load %get3A_2872[%get3A_2873, %get3A_2874] {strides = array<i32>} : memref<128x64xi32, #tpu.memory_space<vmem>>, vector<16xi32>,
        %get3A_2876 = arith.constant 0 : i32
        %get3A_2877 = arith.constant 0 : i32
        %get3A_2878 = tpu.memref_slice %arg9[%and3A_2249, %get3A_2876, %get3A_2877] : memref<2x128x64xi32, #tpu.memory_space<vmem>> -> memref<1x128x64xi32, #tpu.memory_space<vmem>>
        %get3A_2879 = tpu.memref_squeeze %get3A_2878 : memref<1x128x64xi32, #tpu.memory_space<vmem>> -> memref<128x64xi32, #tpu.memory_space<vmem>>
        %get3A_2880 = arith.index_cast %add3A_2868 : i32 to index
        %get3A_2881 = arith.constant 16 : index
        %get3A_2882 = tpu.vector_load %get3A_2879[%get3A_2880, %get3A_2881] {strides = array<i32>} : memref<128x64xi32, #tpu.memory_space<vmem>>, vector<16xi32>,
        %bitcast3A_2883 = vector.bitcast %get3A_2875 : vector<16xi32> to vector<32xbf16>
        %bitcast3A_2884 = vector.bitcast %get3A_2882 : vector<16xi32> to vector<32xbf16>
        %mul3A_2885 = arith.mulf %bitcast3A_2883, %bitcast3A_2884 : vector<32xbf16>
        %bitcast3A_2886 = vector.bitcast %mul3A_2885 : vector<32xbf16> to vector<16xi32>
        %shift_left3A_2887 = arith.shli %bitcast3A_2886, %broadcast_in_dim3A_5 : vector<16xi32>
        %bitcast3A_2888 = vector.bitcast %shift_left3A_2887 : vector<16xi32> to vector<16xf32>
        %and3A_2889 = arith.andi %bitcast3A_2886, %broadcast_in_dim3A_3 : vector<16xi32>
        %bitcast3A_2890 = vector.bitcast %and3A_2889 : vector<16xi32> to vector<16xf32>
        %add3A_2891 = arith.addf %bitcast3A_2888, %bitcast3A_2890 : vector<16xf32>
        %add3A_2892 = arith.addf %add3A_2485, %add3A_2891 : vector<16xf32>
        %add3A_2893 = arith.constant 7 : i32
        %add3A_2894 = arith.addi %add3A_2307, %add3A_2893 : i32
        %get3A_2895 = arith.constant 0 : i32
        %get3A_2896 = arith.constant 0 : i32
        %get3A_2897 = tpu.memref_slice %arg8[%and3A_2249, %get3A_2895, %get3A_2896] : memref<2x128x64xi32, #tpu.memory_space<vmem>> -> memref<1x128x64xi32, #tpu.memory_space<vmem>>
        %get3A_2898 = tpu.memref_squeeze %get3A_2897 : memref<1x128x64xi32, #tpu.memory_space<vmem>> -> memref<128x64xi32, #tpu.memory_space<vmem>>
        %get3A_2899 = arith.index_cast %add3A_2894 : i32 to index
        %get3A_2900 = arith.constant 16 : index
        %get3A_2901 = tpu.vector_load %get3A_2898[%get3A_2899, %get3A_2900] {strides = array<i32>} : memref<128x64xi32, #tpu.memory_space<vmem>>, vector<16xi32>,
        %get3A_2902 = arith.constant 0 : i32
        %get3A_2903 = arith.constant 0 : i32
        %get3A_2904 = tpu.memref_slice %arg9[%and3A_2249, %get3A_2902, %get3A_2903] : memref<2x128x64xi32, #tpu.memory_space<vmem>> -> memref<1x128x64xi32, #tpu.memory_space<vmem>>
        %get3A_2905 = tpu.memref_squeeze %get3A_2904 : memref<1x128x64xi32, #tpu.memory_space<vmem>> -> memref<128x64xi32, #tpu.memory_space<vmem>>
        %get3A_2906 = arith.index_cast %add3A_2894 : i32 to index
        %get3A_2907 = arith.constant 16 : index
        %get3A_2908 = tpu.vector_load %get3A_2905[%get3A_2906, %get3A_2907] {strides = array<i32>} : memref<128x64xi32, #tpu.memory_space<vmem>>, vector<16xi32>,
        %bitcast3A_2909 = vector.bitcast %get3A_2901 : vector<16xi32> to vector<32xbf16>
        %bitcast3A_2910 = vector.bitcast %get3A_2908 : vector<16xi32> to vector<32xbf16>
        %mul3A_2911 = arith.mulf %bitcast3A_2909, %bitcast3A_2910 : vector<32xbf16>
        %bitcast3A_2912 = vector.bitcast %mul3A_2911 : vector<32xbf16> to vector<16xi32>
        %shift_left3A_2913 = arith.shli %bitcast3A_2912, %broadcast_in_dim3A_5 : vector<16xi32>
        %bitcast3A_2914 = vector.bitcast %shift_left3A_2913 : vector<16xi32> to vector<16xf32>
        %and3A_2915 = arith.andi %bitcast3A_2912, %broadcast_in_dim3A_3 : vector<16xi32>
        %bitcast3A_2916 = vector.bitcast %and3A_2915 : vector<16xi32> to vector<16xf32>
        %add3A_2917 = arith.addf %bitcast3A_2914, %bitcast3A_2916 : vector<16xf32>
        %add3A_2918 = arith.addf %add3A_2510, %add3A_2917 : vector<16xf32>
        %add3A_2919 = arith.constant 8 : i32
        %add3A_2920 = arith.addi %add3A_2307, %add3A_2919 : i32
        %get3A_2921 = arith.constant 0 : i32
        %get3A_2922 = arith.constant 0 : i32
        %get3A_2923 = tpu.memref_slice %arg8[%and3A_2249, %get3A_2921, %get3A_2922] : memref<2x128x64xi32, #tpu.memory_space<vmem>> -> memref<1x128x64xi32, #tpu.memory_space<vmem>>
        %get3A_2924 = tpu.memref_squeeze %get3A_2923 : memref<1x128x64xi32, #tpu.memory_space<vmem>> -> memref<128x64xi32, #tpu.memory_space<vmem>>
        %get3A_2925 = arith.index_cast %add3A_2920 : i32 to index
        %get3A_2926 = arith.constant 16 : index
        %get3A_2927 = tpu.vector_load %get3A_2924[%get3A_2925, %get3A_2926] {strides = array<i32>} : memref<128x64xi32, #tpu.memory_space<vmem>>, vector<16xi32>,
        %get3A_2928 = arith.constant 0 : i32
        %get3A_2929 = arith.constant 0 : i32
        %get3A_2930 = tpu.memref_slice %arg9[%and3A_2249, %get3A_2928, %get3A_2929] : memref<2x128x64xi32, #tpu.memory_space<vmem>> -> memref<1x128x64xi32, #tpu.memory_space<vmem>>
        %get3A_2931 = tpu.memref_squeeze %get3A_2930 : memref<1x128x64xi32, #tpu.memory_space<vmem>> -> memref<128x64xi32, #tpu.memory_space<vmem>>
        %get3A_2932 = arith.index_cast %add3A_2920 : i32 to index
        %get3A_2933 = arith.constant 16 : index
        %get3A_2934 = tpu.vector_load %get3A_2931[%get3A_2932, %get3A_2933] {strides = array<i32>} : memref<128x64xi32, #tpu.memory_space<vmem>>, vector<16xi32>,
        %bitcast3A_2935 = vector.bitcast %get3A_2927 : vector<16xi32> to vector<32xbf16>
        %bitcast3A_2936 = vector.bitcast %get3A_2934 : vector<16xi32> to vector<32xbf16>
        %mul3A_2937 = arith.mulf %bitcast3A_2935, %bitcast3A_2936 : vector<32xbf16>
        %bitcast3A_2938 = vector.bitcast %mul3A_2937 : vector<32xbf16> to vector<16xi32>
        %shift_left3A_2939 = arith.shli %bitcast3A_2938, %broadcast_in_dim3A_5 : vector<16xi32>
        %bitcast3A_2940 = vector.bitcast %shift_left3A_2939 : vector<16xi32> to vector<16xf32>
        %and3A_2941 = arith.andi %bitcast3A_2938, %broadcast_in_dim3A_3 : vector<16xi32>
        %bitcast3A_2942 = vector.bitcast %and3A_2941 : vector<16xi32> to vector<16xf32>
        %add3A_2943 = arith.addf %bitcast3A_2940, %bitcast3A_2942 : vector<16xf32>
        %add3A_2944 = arith.addf %add3A_2535, %add3A_2943 : vector<16xf32>
        %add3A_2945 = arith.constant 9 : i32
        %add3A_2946 = arith.addi %add3A_2307, %add3A_2945 : i32
        %get3A_2947 = arith.constant 0 : i32
        %get3A_2948 = arith.constant 0 : i32
        %get3A_2949 = tpu.memref_slice %arg8[%and3A_2249, %get3A_2947, %get3A_2948] : memref<2x128x64xi32, #tpu.memory_space<vmem>> -> memref<1x128x64xi32, #tpu.memory_space<vmem>>
        %get3A_2950 = tpu.memref_squeeze %get3A_2949 : memref<1x128x64xi32, #tpu.memory_space<vmem>> -> memref<128x64xi32, #tpu.memory_space<vmem>>
        %get3A_2951 = arith.index_cast %add3A_2946 : i32 to index
        %get3A_2952 = arith.constant 16 : index
        %get3A_2953 = tpu.vector_load %get3A_2950[%get3A_2951, %get3A_2952] {strides = array<i32>} : memref<128x64xi32, #tpu.memory_space<vmem>>, vector<16xi32>,
        %get3A_2954 = arith.constant 0 : i32
        %get3A_2955 = arith.constant 0 : i32
        %get3A_2956 = tpu.memref_slice %arg9[%and3A_2249, %get3A_2954, %get3A_2955] : memref<2x128x64xi32, #tpu.memory_space<vmem>> -> memref<1x128x64xi32, #tpu.memory_space<vmem>>
        %get3A_2957 = tpu.memref_squeeze %get3A_2956 : memref<1x128x64xi32, #tpu.memory_space<vmem>> -> memref<128x64xi32, #tpu.memory_space<vmem>>
        %get3A_2958 = arith.index_cast %add3A_2946 : i32 to index
        %get3A_2959 = arith.constant 16 : index
        %get3A_2960 = tpu.vector_load %get3A_2957[%get3A_2958, %get3A_2959] {strides = array<i32>} : memref<128x64xi32, #tpu.memory_space<vmem>>, vector<16xi32>,
        %bitcast3A_2961 = vector.bitcast %get3A_2953 : vector<16xi32> to vector<32xbf16>
        %bitcast3A_2962 = vector.bitcast %get3A_2960 : vector<16xi32> to vector<32xbf16>
        %mul3A_2963 = arith.mulf %bitcast3A_2961, %bitcast3A_2962 : vector<32xbf16>
        %bitcast3A_2964 = vector.bitcast %mul3A_2963 : vector<32xbf16> to vector<16xi32>
        %shift_left3A_2965 = arith.shli %bitcast3A_2964, %broadcast_in_dim3A_5 : vector<16xi32>
        %bitcast3A_2966 = vector.bitcast %shift_left3A_2965 : vector<16xi32> to vector<16xf32>
        %and3A_2967 = arith.andi %bitcast3A_2964, %broadcast_in_dim3A_3 : vector<16xi32>
        %bitcast3A_2968 = vector.bitcast %and3A_2967 : vector<16xi32> to vector<16xf32>
        %add3A_2969 = arith.addf %bitcast3A_2966, %bitcast3A_2968 : vector<16xf32>
        %add3A_2970 = arith.addf %add3A_2560, %add3A_2969 : vector<16xf32>
        %add3A_2971 = arith.constant 10 : i32
        %add3A_2972 = arith.addi %add3A_2307, %add3A_2971 : i32
        %get3A_2973 = arith.constant 0 : i32
        %get3A_2974 = arith.constant 0 : i32
        %get3A_2975 = tpu.memref_slice %arg8[%and3A_2249, %get3A_2973, %get3A_2974] : memref<2x128x64xi32, #tpu.memory_space<vmem>> -> memref<1x128x64xi32, #tpu.memory_space<vmem>>
        %get3A_2976 = tpu.memref_squeeze %get3A_2975 : memref<1x128x64xi32, #tpu.memory_space<vmem>> -> memref<128x64xi32, #tpu.memory_space<vmem>>
        %get3A_2977 = arith.index_cast %add3A_2972 : i32 to index
        %get3A_2978 = arith.constant 16 : index
        %get3A_2979 = tpu.vector_load %get3A_2976[%get3A_2977, %get3A_2978] {strides = array<i32>} : memref<128x64xi32, #tpu.memory_space<vmem>>, vector<16xi32>,
        %get3A_2980 = arith.constant 0 : i32
        %get3A_2981 = arith.constant 0 : i32
        %get3A_2982 = tpu.memref_slice %arg9[%and3A_2249, %get3A_2980, %get3A_2981] : memref<2x128x64xi32, #tpu.memory_space<vmem>> -> memref<1x128x64xi32, #tpu.memory_space<vmem>>
        %get3A_2983 = tpu.memref_squeeze %get3A_2982 : memref<1x128x64xi32, #tpu.memory_space<vmem>> -> memref<128x64xi32, #tpu.memory_space<vmem>>
        %get3A_2984 = arith.index_cast %add3A_2972 : i32 to index
        %get3A_2985 = arith.constant 16 : index
        %get3A_2986 = tpu.vector_load %get3A_2983[%get3A_2984, %get3A_2985] {strides = array<i32>} : memref<128x64xi32, #tpu.memory_space<vmem>>, vector<16xi32>,
        %bitcast3A_2987 = vector.bitcast %get3A_2979 : vector<16xi32> to vector<32xbf16>
        %bitcast3A_2988 = vector.bitcast %get3A_2986 : vector<16xi32> to vector<32xbf16>
        %mul3A_2989 = arith.mulf %bitcast3A_2987, %bitcast3A_2988 : vector<32xbf16>
        %bitcast3A_2990 = vector.bitcast %mul3A_2989 : vector<32xbf16> to vector<16xi32>
        %shift_left3A_2991 = arith.shli %bitcast3A_2990, %broadcast_in_dim3A_5 : vector<16xi32>
        %bitcast3A_2992 = vector.bitcast %shift_left3A_2991 : vector<16xi32> to vector<16xf32>
        %and3A_2993 = arith.andi %bitcast3A_2990, %broadcast_in_dim3A_3 : vector<16xi32>
        %bitcast3A_2994 = vector.bitcast %and3A_2993 : vector<16xi32> to vector<16xf32>
        %add3A_2995 = arith.addf %bitcast3A_2992, %bitcast3A_2994 : vector<16xf32>
        %add3A_2996 = arith.addf %add3A_2585, %add3A_2995 : vector<16xf32>
        %add3A_2997 = arith.constant 11 : i32
        %add3A_2998 = arith.addi %add3A_2307, %add3A_2997 : i32
        %get3A_2999 = arith.constant 0 : i32
        %get3A_3000 = arith.constant 0 : i32
        %get3A_3001 = tpu.memref_slice %arg8[%and3A_2249, %get3A_2999, %get3A_3000] : memref<2x128x64xi32, #tpu.memory_space<vmem>> -> memref<1x128x64xi32, #tpu.memory_space<vmem>>
        %get3A_3002 = tpu.memref_squeeze %get3A_3001 : memref<1x128x64xi32, #tpu.memory_space<vmem>> -> memref<128x64xi32, #tpu.memory_space<vmem>>
        %get3A_3003 = arith.index_cast %add3A_2998 : i32 to index
        %get3A_3004 = arith.constant 16 : index
        %get3A_3005 = tpu.vector_load %get3A_3002[%get3A_3003, %get3A_3004] {strides = array<i32>} : memref<128x64xi32, #tpu.memory_space<vmem>>, vector<16xi32>,
        %get3A_3006 = arith.constant 0 : i32
        %get3A_3007 = arith.constant 0 : i32
        %get3A_3008 = tpu.memref_slice %arg9[%and3A_2249, %get3A_3006, %get3A_3007] : memref<2x128x64xi32, #tpu.memory_space<vmem>> -> memref<1x128x64xi32, #tpu.memory_space<vmem>>
        %get3A_3009 = tpu.memref_squeeze %get3A_3008 : memref<1x128x64xi32, #tpu.memory_space<vmem>> -> memref<128x64xi32, #tpu.memory_space<vmem>>
        %get3A_3010 = arith.index_cast %add3A_2998 : i32 to index
        %get3A_3011 = arith.constant 16 : index
        %get3A_3012 = tpu.vector_load %get3A_3009[%get3A_3010, %get3A_3011] {strides = array<i32>} : memref<128x64xi32, #tpu.memory_space<vmem>>, vector<16xi32>,
        %bitcast3A_3013 = vector.bitcast %get3A_3005 : vector<16xi32> to vector<32xbf16>
        %bitcast3A_3014 = vector.bitcast %get3A_3012 : vector<16xi32> to vector<32xbf16>
        %mul3A_3015 = arith.mulf %bitcast3A_3013, %bitcast3A_3014 : vector<32xbf16>
        %bitcast3A_3016 = vector.bitcast %mul3A_3015 : vector<32xbf16> to vector<16xi32>
        %shift_left3A_3017 = arith.shli %bitcast3A_3016, %broadcast_in_dim3A_5 : vector<16xi32>
        %bitcast3A_3018 = vector.bitcast %shift_left3A_3017 : vector<16xi32> to vector<16xf32>
        %and3A_3019 = arith.andi %bitcast3A_3016, %broadcast_in_dim3A_3 : vector<16xi32>
        %bitcast3A_3020 = vector.bitcast %and3A_3019 : vector<16xi32> to vector<16xf32>
        %add3A_3021 = arith.addf %bitcast3A_3018, %bitcast3A_3020 : vector<16xf32>
        %add3A_3022 = arith.addf %add3A_2610, %add3A_3021 : vector<16xf32>
        %add3A_3023 = arith.constant 12 : i32
        %add3A_3024 = arith.addi %add3A_2307, %add3A_3023 : i32
        %get3A_3025 = arith.constant 0 : i32
        %get3A_3026 = arith.constant 0 : i32
        %get3A_3027 = tpu.memref_slice %arg8[%and3A_2249, %get3A_3025, %get3A_3026] : memref<2x128x64xi32, #tpu.memory_space<vmem>> -> memref<1x128x64xi32, #tpu.memory_space<vmem>>
        %get3A_3028 = tpu.memref_squeeze %get3A_3027 : memref<1x128x64xi32, #tpu.memory_space<vmem>> -> memref<128x64xi32, #tpu.memory_space<vmem>>
        %get3A_3029 = arith.index_cast %add3A_3024 : i32 to index
        %get3A_3030 = arith.constant 16 : index
        %get3A_3031 = tpu.vector_load %get3A_3028[%get3A_3029, %get3A_3030] {strides = array<i32>} : memref<128x64xi32, #tpu.memory_space<vmem>>, vector<16xi32>,
        %get3A_3032 = arith.constant 0 : i32
        %get3A_3033 = arith.constant 0 : i32
        %get3A_3034 = tpu.memref_slice %arg9[%and3A_2249, %get3A_3032, %get3A_3033] : memref<2x128x64xi32, #tpu.memory_space<vmem>> -> memref<1x128x64xi32, #tpu.memory_space<vmem>>
        %get3A_3035 = tpu.memref_squeeze %get3A_3034 : memref<1x128x64xi32, #tpu.memory_space<vmem>> -> memref<128x64xi32, #tpu.memory_space<vmem>>
        %get3A_3036 = arith.index_cast %add3A_3024 : i32 to index
        %get3A_3037 = arith.constant 16 : index
        %get3A_3038 = tpu.vector_load %get3A_3035[%get3A_3036, %get3A_3037] {strides = array<i32>} : memref<128x64xi32, #tpu.memory_space<vmem>>, vector<16xi32>,
        %bitcast3A_3039 = vector.bitcast %get3A_3031 : vector<16xi32> to vector<32xbf16>
        %bitcast3A_3040 = vector.bitcast %get3A_3038 : vector<16xi32> to vector<32xbf16>
        %mul3A_3041 = arith.mulf %bitcast3A_3039, %bitcast3A_3040 : vector<32xbf16>
        %bitcast3A_3042 = vector.bitcast %mul3A_3041 : vector<32xbf16> to vector<16xi32>
        %shift_left3A_3043 = arith.shli %bitcast3A_3042, %broadcast_in_dim3A_5 : vector<16xi32>
        %bitcast3A_3044 = vector.bitcast %shift_left3A_3043 : vector<16xi32> to vector<16xf32>
        %and3A_3045 = arith.andi %bitcast3A_3042, %broadcast_in_dim3A_3 : vector<16xi32>
        %bitcast3A_3046 = vector.bitcast %and3A_3045 : vector<16xi32> to vector<16xf32>
        %add3A_3047 = arith.addf %bitcast3A_3044, %bitcast3A_3046 : vector<16xf32>
        %add3A_3048 = arith.addf %add3A_2635, %add3A_3047 : vector<16xf32>
        %add3A_3049 = arith.constant 13 : i32
        %add3A_3050 = arith.addi %add3A_2307, %add3A_3049 : i32
        %get3A_3051 = arith.constant 0 : i32
        %get3A_3052 = arith.constant 0 : i32
        %get3A_3053 = tpu.memref_slice %arg8[%and3A_2249, %get3A_3051, %get3A_3052] : memref<2x128x64xi32, #tpu.memory_space<vmem>> -> memref<1x128x64xi32, #tpu.memory_space<vmem>>
        %get3A_3054 = tpu.memref_squeeze %get3A_3053 : memref<1x128x64xi32, #tpu.memory_space<vmem>> -> memref<128x64xi32, #tpu.memory_space<vmem>>
        %get3A_3055 = arith.index_cast %add3A_3050 : i32 to index
        %get3A_3056 = arith.constant 16 : index
        %get3A_3057 = tpu.vector_load %get3A_3054[%get3A_3055, %get3A_3056] {strides = array<i32>} : memref<128x64xi32, #tpu.memory_space<vmem>>, vector<16xi32>,
        %get3A_3058 = arith.constant 0 : i32
        %get3A_3059 = arith.constant 0 : i32
        %get3A_3060 = tpu.memref_slice %arg9[%and3A_2249, %get3A_3058, %get3A_3059] : memref<2x128x64xi32, #tpu.memory_space<vmem>> -> memref<1x128x64xi32, #tpu.memory_space<vmem>>
        %get3A_3061 = tpu.memref_squeeze %get3A_3060 : memref<1x128x64xi32, #tpu.memory_space<vmem>> -> memref<128x64xi32, #tpu.memory_space<vmem>>
        %get3A_3062 = arith.index_cast %add3A_3050 : i32 to index
        %get3A_3063 = arith.constant 16 : index
        %get3A_3064 = tpu.vector_load %get3A_3061[%get3A_3062, %get3A_3063] {strides = array<i32>} : memref<128x64xi32, #tpu.memory_space<vmem>>, vector<16xi32>,
        %bitcast3A_3065 = vector.bitcast %get3A_3057 : vector<16xi32> to vector<32xbf16>
        %bitcast3A_3066 = vector.bitcast %get3A_3064 : vector<16xi32> to vector<32xbf16>
        %mul3A_3067 = arith.mulf %bitcast3A_3065, %bitcast3A_3066 : vector<32xbf16>
        %bitcast3A_3068 = vector.bitcast %mul3A_3067 : vector<32xbf16> to vector<16xi32>
        %shift_left3A_3069 = arith.shli %bitcast3A_3068, %broadcast_in_dim3A_5 : vector<16xi32>
        %bitcast3A_3070 = vector.bitcast %shift_left3A_3069 : vector<16xi32> to vector<16xf32>
        %and3A_3071 = arith.andi %bitcast3A_3068, %broadcast_in_dim3A_3 : vector<16xi32>
        %bitcast3A_3072 = vector.bitcast %and3A_3071 : vector<16xi32> to vector<16xf32>
        %add3A_3073 = arith.addf %bitcast3A_3070, %bitcast3A_3072 : vector<16xf32>
        %add3A_3074 = arith.addf %add3A_2660, %add3A_3073 : vector<16xf32>
        %add3A_3075 = arith.constant 14 : i32
        %add3A_3076 = arith.addi %add3A_2307, %add3A_3075 : i32
        %get3A_3077 = arith.constant 0 : i32
        %get3A_3078 = arith.constant 0 : i32
        %get3A_3079 = tpu.memref_slice %arg8[%and3A_2249, %get3A_3077, %get3A_3078] : memref<2x128x64xi32, #tpu.memory_space<vmem>> -> memref<1x128x64xi32, #tpu.memory_space<vmem>>
        %get3A_3080 = tpu.memref_squeeze %get3A_3079 : memref<1x128x64xi32, #tpu.memory_space<vmem>> -> memref<128x64xi32, #tpu.memory_space<vmem>>
        %get3A_3081 = arith.index_cast %add3A_3076 : i32 to index
        %get3A_3082 = arith.constant 16 : index
        %get3A_3083 = tpu.vector_load %get3A_3080[%get3A_3081, %get3A_3082] {strides = array<i32>} : memref<128x64xi32, #tpu.memory_space<vmem>>, vector<16xi32>,
        %get3A_3084 = arith.constant 0 : i32
        %get3A_3085 = arith.constant 0 : i32
        %get3A_3086 = tpu.memref_slice %arg9[%and3A_2249, %get3A_3084, %get3A_3085] : memref<2x128x64xi32, #tpu.memory_space<vmem>> -> memref<1x128x64xi32, #tpu.memory_space<vmem>>
        %get3A_3087 = tpu.memref_squeeze %get3A_3086 : memref<1x128x64xi32, #tpu.memory_space<vmem>> -> memref<128x64xi32, #tpu.memory_space<vmem>>
        %get3A_3088 = arith.index_cast %add3A_3076 : i32 to index
        %get3A_3089 = arith.constant 16 : index
        %get3A_3090 = tpu.vector_load %get3A_3087[%get3A_3088, %get3A_3089] {strides = array<i32>} : memref<128x64xi32, #tpu.memory_space<vmem>>, vector<16xi32>,
        %bitcast3A_3091 = vector.bitcast %get3A_3083 : vector<16xi32> to vector<32xbf16>
        %bitcast3A_3092 = vector.bitcast %get3A_3090 : vector<16xi32> to vector<32xbf16>
        %mul3A_3093 = arith.mulf %bitcast3A_3091, %bitcast3A_3092 : vector<32xbf16>
        %bitcast3A_3094 = vector.bitcast %mul3A_3093 : vector<32xbf16> to vector<16xi32>
        %shift_left3A_3095 = arith.shli %bitcast3A_3094, %broadcast_in_dim3A_5 : vector<16xi32>
        %bitcast3A_3096 = vector.bitcast %shift_left3A_3095 : vector<16xi32> to vector<16xf32>
        %and3A_3097 = arith.andi %bitcast3A_3094, %broadcast_in_dim3A_3 : vector<16xi32>
        %bitcast3A_3098 = vector.bitcast %and3A_3097 : vector<16xi32> to vector<16xf32>
        %add3A_3099 = arith.addf %bitcast3A_3096, %bitcast3A_3098 : vector<16xf32>
        %add3A_3100 = arith.addf %add3A_2685, %add3A_3099 : vector<16xf32>
        %add3A_3101 = arith.constant 15 : i32
        %add3A_3102 = arith.addi %add3A_2307, %add3A_3101 : i32
        %get3A_3103 = arith.constant 0 : i32
        %get3A_3104 = arith.constant 0 : i32
        %get3A_3105 = tpu.memref_slice %arg8[%and3A_2249, %get3A_3103, %get3A_3104] : memref<2x128x64xi32, #tpu.memory_space<vmem>> -> memref<1x128x64xi32, #tpu.memory_space<vmem>>
        %get3A_3106 = tpu.memref_squeeze %get3A_3105 : memref<1x128x64xi32, #tpu.memory_space<vmem>> -> memref<128x64xi32, #tpu.memory_space<vmem>>
        %get3A_3107 = arith.index_cast %add3A_3102 : i32 to index
        %get3A_3108 = arith.constant 16 : index
        %get3A_3109 = tpu.vector_load %get3A_3106[%get3A_3107, %get3A_3108] {strides = array<i32>} : memref<128x64xi32, #tpu.memory_space<vmem>>, vector<16xi32>,
        %get3A_3110 = arith.constant 0 : i32
        %get3A_3111 = arith.constant 0 : i32
        %get3A_3112 = tpu.memref_slice %arg9[%and3A_2249, %get3A_3110, %get3A_3111] : memref<2x128x64xi32, #tpu.memory_space<vmem>> -> memref<1x128x64xi32, #tpu.memory_space<vmem>>
        %get3A_3113 = tpu.memref_squeeze %get3A_3112 : memref<1x128x64xi32, #tpu.memory_space<vmem>> -> memref<128x64xi32, #tpu.memory_space<vmem>>
        %get3A_3114 = arith.index_cast %add3A_3102 : i32 to index
        %get3A_3115 = arith.constant 16 : index
        %get3A_3116 = tpu.vector_load %get3A_3113[%get3A_3114, %get3A_3115] {strides = array<i32>} : memref<128x64xi32, #tpu.memory_space<vmem>>, vector<16xi32>,
        %bitcast3A_3117 = vector.bitcast %get3A_3109 : vector<16xi32> to vector<32xbf16>
        %bitcast3A_3118 = vector.bitcast %get3A_3116 : vector<16xi32> to vector<32xbf16>
        %mul3A_3119 = arith.mulf %bitcast3A_3117, %bitcast3A_3118 : vector<32xbf16>
        %bitcast3A_3120 = vector.bitcast %mul3A_3119 : vector<32xbf16> to vector<16xi32>
        %shift_left3A_3121 = arith.shli %bitcast3A_3120, %broadcast_in_dim3A_5 : vector<16xi32>
        %bitcast3A_3122 = vector.bitcast %shift_left3A_3121 : vector<16xi32> to vector<16xf32>
        %and3A_3123 = arith.andi %bitcast3A_3120, %broadcast_in_dim3A_3 : vector<16xi32>
        %bitcast3A_3124 = vector.bitcast %and3A_3123 : vector<16xi32> to vector<16xf32>
        %add3A_3125 = arith.addf %bitcast3A_3122, %bitcast3A_3124 : vector<16xf32>
        %add3A_3126 = arith.addf %add3A_2710, %add3A_3125 : vector<16xf32>
        %add3A_3127 = arith.constant 0 : i32
        %add3A_3128 = arith.addi %add3A_2307, %add3A_3127 : i32
        %get3A_3129 = arith.constant 0 : i32
        %get3A_3130 = arith.constant 0 : i32
        %get3A_3131 = tpu.memref_slice %arg8[%and3A_2249, %get3A_3129, %get3A_3130] : memref<2x128x64xi32, #tpu.memory_space<vmem>> -> memref<1x128x64xi32, #tpu.memory_space<vmem>>
        %get3A_3132 = tpu.memref_squeeze %get3A_3131 : memref<1x128x64xi32, #tpu.memory_space<vmem>> -> memref<128x64xi32, #tpu.memory_space<vmem>>
        %get3A_3133 = arith.index_cast %add3A_3128 : i32 to index
        %get3A_3134 = arith.constant 32 : index
        %get3A_3135 = tpu.vector_load %get3A_3132[%get3A_3133, %get3A_3134] {strides = array<i32>} : memref<128x64xi32, #tpu.memory_space<vmem>>, vector<16xi32>,
        %get3A_3136 = arith.constant 0 : i32
        %get3A_3137 = arith.constant 0 : i32
        %get3A_3138 = tpu.memref_slice %arg9[%and3A_2249, %get3A_3136, %get3A_3137] : memref<2x128x64xi32, #tpu.memory_space<vmem>> -> memref<1x128x64xi32, #tpu.memory_space<vmem>>
        %get3A_3139 = tpu.memref_squeeze %get3A_3138 : memref<1x128x64xi32, #tpu.memory_space<vmem>> -> memref<128x64xi32, #tpu.memory_space<vmem>>
        %get3A_3140 = arith.index_cast %add3A_3128 : i32 to index
        %get3A_3141 = arith.constant 32 : index
        %get3A_3142 = tpu.vector_load %get3A_3139[%get3A_3140, %get3A_3141] {strides = array<i32>} : memref<128x64xi32, #tpu.memory_space<vmem>>, vector<16xi32>,
        %bitcast3A_3143 = vector.bitcast %get3A_3135 : vector<16xi32> to vector<32xbf16>
        %bitcast3A_3144 = vector.bitcast %get3A_3142 : vector<16xi32> to vector<32xbf16>
        %mul3A_3145 = arith.mulf %bitcast3A_3143, %bitcast3A_3144 : vector<32xbf16>
        %bitcast3A_3146 = vector.bitcast %mul3A_3145 : vector<32xbf16> to vector<16xi32>
        %shift_left3A_3147 = arith.shli %bitcast3A_3146, %broadcast_in_dim3A_5 : vector<16xi32>
        %bitcast3A_3148 = vector.bitcast %shift_left3A_3147 : vector<16xi32> to vector<16xf32>
        %and3A_3149 = arith.andi %bitcast3A_3146, %broadcast_in_dim3A_3 : vector<16xi32>
        %bitcast3A_3150 = vector.bitcast %and3A_3149 : vector<16xi32> to vector<16xf32>
        %add3A_3151 = arith.addf %bitcast3A_3148, %bitcast3A_3150 : vector<16xf32>
        %add3A_3152 = arith.addf %add3A_2736, %add3A_3151 : vector<16xf32>
        %add3A_3153 = arith.constant 1 : i32
        %add3A_3154 = arith.addi %add3A_2307, %add3A_3153 : i32
        %get3A_3155 = arith.constant 0 : i32
        %get3A_3156 = arith.constant 0 : i32
        %get3A_3157 = tpu.memref_slice %arg8[%and3A_2249, %get3A_3155, %get3A_3156] : memref<2x128x64xi32, #tpu.memory_space<vmem>> -> memref<1x128x64xi32, #tpu.memory_space<vmem>>
        %get3A_3158 = tpu.memref_squeeze %get3A_3157 : memref<1x128x64xi32, #tpu.memory_space<vmem>> -> memref<128x64xi32, #tpu.memory_space<vmem>>
        %get3A_3159 = arith.index_cast %add3A_3154 : i32 to index
        %get3A_3160 = arith.constant 32 : index
        %get3A_3161 = tpu.vector_load %get3A_3158[%get3A_3159, %get3A_3160] {strides = array<i32>} : memref<128x64xi32, #tpu.memory_space<vmem>>, vector<16xi32>,
        %get3A_3162 = arith.constant 0 : i32
        %get3A_3163 = arith.constant 0 : i32
        %get3A_3164 = tpu.memref_slice %arg9[%and3A_2249, %get3A_3162, %get3A_3163] : memref<2x128x64xi32, #tpu.memory_space<vmem>> -> memref<1x128x64xi32, #tpu.memory_space<vmem>>
        %get3A_3165 = tpu.memref_squeeze %get3A_3164 : memref<1x128x64xi32, #tpu.memory_space<vmem>> -> memref<128x64xi32, #tpu.memory_space<vmem>>
        %get3A_3166 = arith.index_cast %add3A_3154 : i32 to index
        %get3A_3167 = arith.constant 32 : index
        %get3A_3168 = tpu.vector_load %get3A_3165[%get3A_3166, %get3A_3167] {strides = array<i32>} : memref<128x64xi32, #tpu.memory_space<vmem>>, vector<16xi32>,
        %bitcast3A_3169 = vector.bitcast %get3A_3161 : vector<16xi32> to vector<32xbf16>
        %bitcast3A_3170 = vector.bitcast %get3A_3168 : vector<16xi32> to vector<32xbf16>
        %mul3A_3171 = arith.mulf %bitcast3A_3169, %bitcast3A_3170 : vector<32xbf16>
        %bitcast3A_3172 = vector.bitcast %mul3A_3171 : vector<32xbf16> to vector<16xi32>
        %shift_left3A_3173 = arith.shli %bitcast3A_3172, %broadcast_in_dim3A_5 : vector<16xi32>
        %bitcast3A_3174 = vector.bitcast %shift_left3A_3173 : vector<16xi32> to vector<16xf32>
        %and3A_3175 = arith.andi %bitcast3A_3172, %broadcast_in_dim3A_3 : vector<16xi32>
        %bitcast3A_3176 = vector.bitcast %and3A_3175 : vector<16xi32> to vector<16xf32>
        %add3A_3177 = arith.addf %bitcast3A_3174, %bitcast3A_3176 : vector<16xf32>
        %add3A_3178 = arith.addf %add3A_2762, %add3A_3177 : vector<16xf32>
        %add3A_3179 = arith.constant 2 : i32
        %add3A_3180 = arith.addi %add3A_2307, %add3A_3179 : i32
        %get3A_3181 = arith.constant 0 : i32
        %get3A_3182 = arith.constant 0 : i32
        %get3A_3183 = tpu.memref_slice %arg8[%and3A_2249, %get3A_3181, %get3A_3182] : memref<2x128x64xi32, #tpu.memory_space<vmem>> -> memref<1x128x64xi32, #tpu.memory_space<vmem>>
        %get3A_3184 = tpu.memref_squeeze %get3A_3183 : memref<1x128x64xi32, #tpu.memory_space<vmem>> -> memref<128x64xi32, #tpu.memory_space<vmem>>
        %get3A_3185 = arith.index_cast %add3A_3180 : i32 to index
        %get3A_3186 = arith.constant 32 : index
        %get3A_3187 = tpu.vector_load %get3A_3184[%get3A_3185, %get3A_3186] {strides = array<i32>} : memref<128x64xi32, #tpu.memory_space<vmem>>, vector<16xi32>,
        %get3A_3188 = arith.constant 0 : i32
        %get3A_3189 = arith.constant 0 : i32
        %get3A_3190 = tpu.memref_slice %arg9[%and3A_2249, %get3A_3188, %get3A_3189] : memref<2x128x64xi32, #tpu.memory_space<vmem>> -> memref<1x128x64xi32, #tpu.memory_space<vmem>>
        %get3A_3191 = tpu.memref_squeeze %get3A_3190 : memref<1x128x64xi32, #tpu.memory_space<vmem>> -> memref<128x64xi32, #tpu.memory_space<vmem>>
        %get3A_3192 = arith.index_cast %add3A_3180 : i32 to index
        %get3A_3193 = arith.constant 32 : index
        %get3A_3194 = tpu.vector_load %get3A_3191[%get3A_3192, %get3A_3193] {strides = array<i32>} : memref<128x64xi32, #tpu.memory_space<vmem>>, vector<16xi32>,
        %bitcast3A_3195 = vector.bitcast %get3A_3187 : vector<16xi32> to vector<32xbf16>
        %bitcast3A_3196 = vector.bitcast %get3A_3194 : vector<16xi32> to vector<32xbf16>
        %mul3A_3197 = arith.mulf %bitcast3A_3195, %bitcast3A_3196 : vector<32xbf16>
        %bitcast3A_3198 = vector.bitcast %mul3A_3197 : vector<32xbf16> to vector<16xi32>
        %shift_left3A_3199 = arith.shli %bitcast3A_3198, %broadcast_in_dim3A_5 : vector<16xi32>
        %bitcast3A_3200 = vector.bitcast %shift_left3A_3199 : vector<16xi32> to vector<16xf32>
        %and3A_3201 = arith.andi %bitcast3A_3198, %broadcast_in_dim3A_3 : vector<16xi32>
        %bitcast3A_3202 = vector.bitcast %and3A_3201 : vector<16xi32> to vector<16xf32>
        %add3A_3203 = arith.addf %bitcast3A_3200, %bitcast3A_3202 : vector<16xf32>
        %add3A_3204 = arith.addf %add3A_2788, %add3A_3203 : vector<16xf32>
        %add3A_3205 = arith.constant 3 : i32
        %add3A_3206 = arith.addi %add3A_2307, %add3A_3205 : i32
        %get3A_3207 = arith.constant 0 : i32
        %get3A_3208 = arith.constant 0 : i32
        %get3A_3209 = tpu.memref_slice %arg8[%and3A_2249, %get3A_3207, %get3A_3208] : memref<2x128x64xi32, #tpu.memory_space<vmem>> -> memref<1x128x64xi32, #tpu.memory_space<vmem>>
        %get3A_3210 = tpu.memref_squeeze %get3A_3209 : memref<1x128x64xi32, #tpu.memory_space<vmem>> -> memref<128x64xi32, #tpu.memory_space<vmem>>
        %get3A_3211 = arith.index_cast %add3A_3206 : i32 to index
        %get3A_3212 = arith.constant 32 : index
        %get3A_3213 = tpu.vector_load %get3A_3210[%get3A_3211, %get3A_3212] {strides = array<i32>} : memref<128x64xi32, #tpu.memory_space<vmem>>, vector<16xi32>,
        %get3A_3214 = arith.constant 0 : i32
        %get3A_3215 = arith.constant 0 : i32
        %get3A_3216 = tpu.memref_slice %arg9[%and3A_2249, %get3A_3214, %get3A_3215] : memref<2x128x64xi32, #tpu.memory_space<vmem>> -> memref<1x128x64xi32, #tpu.memory_space<vmem>>
        %get3A_3217 = tpu.memref_squeeze %get3A_3216 : memref<1x128x64xi32, #tpu.memory_space<vmem>> -> memref<128x64xi32, #tpu.memory_space<vmem>>
        %get3A_3218 = arith.index_cast %add3A_3206 : i32 to index
        %get3A_3219 = arith.constant 32 : index
        %get3A_3220 = tpu.vector_load %get3A_3217[%get3A_3218, %get3A_3219] {strides = array<i32>} : memref<128x64xi32, #tpu.memory_space<vmem>>, vector<16xi32>,
        %bitcast3A_3221 = vector.bitcast %get3A_3213 : vector<16xi32> to vector<32xbf16>
        %bitcast3A_3222 = vector.bitcast %get3A_3220 : vector<16xi32> to vector<32xbf16>
        %mul3A_3223 = arith.mulf %bitcast3A_3221, %bitcast3A_3222 : vector<32xbf16>
        %bitcast3A_3224 = vector.bitcast %mul3A_3223 : vector<32xbf16> to vector<16xi32>
        %shift_left3A_3225 = arith.shli %bitcast3A_3224, %broadcast_in_dim3A_5 : vector<16xi32>
        %bitcast3A_3226 = vector.bitcast %shift_left3A_3225 : vector<16xi32> to vector<16xf32>
        %and3A_3227 = arith.andi %bitcast3A_3224, %broadcast_in_dim3A_3 : vector<16xi32>
        %bitcast3A_3228 = vector.bitcast %and3A_3227 : vector<16xi32> to vector<16xf32>
        %add3A_3229 = arith.addf %bitcast3A_3226, %bitcast3A_3228 : vector<16xf32>
        %add3A_3230 = arith.addf %add3A_2814, %add3A_3229 : vector<16xf32>
        %add3A_3231 = arith.constant 4 : i32
        %add3A_3232 = arith.addi %add3A_2307, %add3A_3231 : i32
        %get3A_3233 = arith.constant 0 : i32
        %get3A_3234 = arith.constant 0 : i32
        %get3A_3235 = tpu.memref_slice %arg8[%and3A_2249, %get3A_3233, %get3A_3234] : memref<2x128x64xi32, #tpu.memory_space<vmem>> -> memref<1x128x64xi32, #tpu.memory_space<vmem>>
        %get3A_3236 = tpu.memref_squeeze %get3A_3235 : memref<1x128x64xi32, #tpu.memory_space<vmem>> -> memref<128x64xi32, #tpu.memory_space<vmem>>
        %get3A_3237 = arith.index_cast %add3A_3232 : i32 to index
        %get3A_3238 = arith.constant 32 : index
        %get3A_3239 = tpu.vector_load %get3A_3236[%get3A_3237, %get3A_3238] {strides = array<i32>} : memref<128x64xi32, #tpu.memory_space<vmem>>, vector<16xi32>,
        %get3A_3240 = arith.constant 0 : i32
        %get3A_3241 = arith.constant 0 : i32
        %get3A_3242 = tpu.memref_slice %arg9[%and3A_2249, %get3A_3240, %get3A_3241] : memref<2x128x64xi32, #tpu.memory_space<vmem>> -> memref<1x128x64xi32, #tpu.memory_space<vmem>>
        %get3A_3243 = tpu.memref_squeeze %get3A_3242 : memref<1x128x64xi32, #tpu.memory_space<vmem>> -> memref<128x64xi32, #tpu.memory_space<vmem>>
        %get3A_3244 = arith.index_cast %add3A_3232 : i32 to index
        %get3A_3245 = arith.constant 32 : index
        %get3A_3246 = tpu.vector_load %get3A_3243[%get3A_3244, %get3A_3245] {strides = array<i32>} : memref<128x64xi32, #tpu.memory_space<vmem>>, vector<16xi32>,
        %bitcast3A_3247 = vector.bitcast %get3A_3239 : vector<16xi32> to vector<32xbf16>
        %bitcast3A_3248 = vector.bitcast %get3A_3246 : vector<16xi32> to vector<32xbf16>
        %mul3A_3249 = arith.mulf %bitcast3A_3247, %bitcast3A_3248 : vector<32xbf16>
        %bitcast3A_3250 = vector.bitcast %mul3A_3249 : vector<32xbf16> to vector<16xi32>
        %shift_left3A_3251 = arith.shli %bitcast3A_3250, %broadcast_in_dim3A_5 : vector<16xi32>
        %bitcast3A_3252 = vector.bitcast %shift_left3A_3251 : vector<16xi32> to vector<16xf32>
        %and3A_3253 = arith.andi %bitcast3A_3250, %broadcast_in_dim3A_3 : vector<16xi32>
        %bitcast3A_3254 = vector.bitcast %and3A_3253 : vector<16xi32> to vector<16xf32>
        %add3A_3255 = arith.addf %bitcast3A_3252, %bitcast3A_3254 : vector<16xf32>
        %add3A_3256 = arith.addf %add3A_2840, %add3A_3255 : vector<16xf32>
        %add3A_3257 = arith.constant 5 : i32
        %add3A_3258 = arith.addi %add3A_2307, %add3A_3257 : i32
        %get3A_3259 = arith.constant 0 : i32
        %get3A_3260 = arith.constant 0 : i32
        %get3A_3261 = tpu.memref_slice %arg8[%and3A_2249, %get3A_3259, %get3A_3260] : memref<2x128x64xi32, #tpu.memory_space<vmem>> -> memref<1x128x64xi32, #tpu.memory_space<vmem>>
        %get3A_3262 = tpu.memref_squeeze %get3A_3261 : memref<1x128x64xi32, #tpu.memory_space<vmem>> -> memref<128x64xi32, #tpu.memory_space<vmem>>
        %get3A_3263 = arith.index_cast %add3A_3258 : i32 to index
        %get3A_3264 = arith.constant 32 : index
        %get3A_3265 = tpu.vector_load %get3A_3262[%get3A_3263, %get3A_3264] {strides = array<i32>} : memref<128x64xi32, #tpu.memory_space<vmem>>, vector<16xi32>,
        %get3A_3266 = arith.constant 0 : i32
        %get3A_3267 = arith.constant 0 : i32
        %get3A_3268 = tpu.memref_slice %arg9[%and3A_2249, %get3A_3266, %get3A_3267] : memref<2x128x64xi32, #tpu.memory_space<vmem>> -> memref<1x128x64xi32, #tpu.memory_space<vmem>>
        %get3A_3269 = tpu.memref_squeeze %get3A_3268 : memref<1x128x64xi32, #tpu.memory_space<vmem>> -> memref<128x64xi32, #tpu.memory_space<vmem>>
        %get3A_3270 = arith.index_cast %add3A_3258 : i32 to index
        %get3A_3271 = arith.constant 32 : index
        %get3A_3272 = tpu.vector_load %get3A_3269[%get3A_3270, %get3A_3271] {strides = array<i32>} : memref<128x64xi32, #tpu.memory_space<vmem>>, vector<16xi32>,
        %bitcast3A_3273 = vector.bitcast %get3A_3265 : vector<16xi32> to vector<32xbf16>
        %bitcast3A_3274 = vector.bitcast %get3A_3272 : vector<16xi32> to vector<32xbf16>
        %mul3A_3275 = arith.mulf %bitcast3A_3273, %bitcast3A_3274 : vector<32xbf16>
        %bitcast3A_3276 = vector.bitcast %mul3A_3275 : vector<32xbf16> to vector<16xi32>
        %shift_left3A_3277 = arith.shli %bitcast3A_3276, %broadcast_in_dim3A_5 : vector<16xi32>
        %bitcast3A_3278 = vector.bitcast %shift_left3A_3277 : vector<16xi32> to vector<16xf32>
        %and3A_3279 = arith.andi %bitcast3A_3276, %broadcast_in_dim3A_3 : vector<16xi32>
        %bitcast3A_3280 = vector.bitcast %and3A_3279 : vector<16xi32> to vector<16xf32>
        %add3A_3281 = arith.addf %bitcast3A_3278, %bitcast3A_3280 : vector<16xf32>
        %add3A_3282 = arith.addf %add3A_2866, %add3A_3281 : vector<16xf32>
        %add3A_3283 = arith.constant 6 : i32
        %add3A_3284 = arith.addi %add3A_2307, %add3A_3283 : i32
        %get3A_3285 = arith.constant 0 : i32
        %get3A_3286 = arith.constant 0 : i32
        %get3A_3287 = tpu.memref_slice %arg8[%and3A_2249, %get3A_3285, %get3A_3286] : memref<2x128x64xi32, #tpu.memory_space<vmem>> -> memref<1x128x64xi32, #tpu.memory_space<vmem>>
        %get3A_3288 = tpu.memref_squeeze %get3A_3287 : memref<1x128x64xi32, #tpu.memory_space<vmem>> -> memref<128x64xi32, #tpu.memory_space<vmem>>
        %get3A_3289 = arith.index_cast %add3A_3284 : i32 to index
        %get3A_3290 = arith.constant 32 : index
        %get3A_3291 = tpu.vector_load %get3A_3288[%get3A_3289, %get3A_3290] {strides = array<i32>} : memref<128x64xi32, #tpu.memory_space<vmem>>, vector<16xi32>,
        %get3A_3292 = arith.constant 0 : i32
        %get3A_3293 = arith.constant 0 : i32
        %get3A_3294 = tpu.memref_slice %arg9[%and3A_2249, %get3A_3292, %get3A_3293] : memref<2x128x64xi32, #tpu.memory_space<vmem>> -> memref<1x128x64xi32, #tpu.memory_space<vmem>>
        %get3A_3295 = tpu.memref_squeeze %get3A_3294 : memref<1x128x64xi32, #tpu.memory_space<vmem>> -> memref<128x64xi32, #tpu.memory_space<vmem>>
        %get3A_3296 = arith.index_cast %add3A_3284 : i32 to index
        %get3A_3297 = arith.constant 32 : index
        %get3A_3298 = tpu.vector_load %get3A_3295[%get3A_3296, %get3A_3297] {strides = array<i32>} : memref<128x64xi32, #tpu.memory_space<vmem>>, vector<16xi32>,
        %bitcast3A_3299 = vector.bitcast %get3A_3291 : vector<16xi32> to vector<32xbf16>
        %bitcast3A_3300 = vector.bitcast %get3A_3298 : vector<16xi32> to vector<32xbf16>
        %mul3A_3301 = arith.mulf %bitcast3A_3299, %bitcast3A_3300 : vector<32xbf16>
        %bitcast3A_3302 = vector.bitcast %mul3A_3301 : vector<32xbf16> to vector<16xi32>
        %shift_left3A_3303 = arith.shli %bitcast3A_3302, %broadcast_in_dim3A_5 : vector<16xi32>
        %bitcast3A_3304 = vector.bitcast %shift_left3A_3303 : vector<16xi32> to vector<16xf32>
        %and3A_3305 = arith.andi %bitcast3A_3302, %broadcast_in_dim3A_3 : vector<16xi32>
        %bitcast3A_3306 = vector.bitcast %and3A_3305 : vector<16xi32> to vector<16xf32>
        %add3A_3307 = arith.addf %bitcast3A_3304, %bitcast3A_3306 : vector<16xf32>
        %add3A_3308 = arith.addf %add3A_2892, %add3A_3307 : vector<16xf32>
        %add3A_3309 = arith.constant 7 : i32
        %add3A_3310 = arith.addi %add3A_2307, %add3A_3309 : i32
        %get3A_3311 = arith.constant 0 : i32
        %get3A_3312 = arith.constant 0 : i32
        %get3A_3313 = tpu.memref_slice %arg8[%and3A_2249, %get3A_3311, %get3A_3312] : memref<2x128x64xi32, #tpu.memory_space<vmem>> -> memref<1x128x64xi32, #tpu.memory_space<vmem>>
        %get3A_3314 = tpu.memref_squeeze %get3A_3313 : memref<1x128x64xi32, #tpu.memory_space<vmem>> -> memref<128x64xi32, #tpu.memory_space<vmem>>
        %get3A_3315 = arith.index_cast %add3A_3310 : i32 to index
        %get3A_3316 = arith.constant 32 : index
        %get3A_3317 = tpu.vector_load %get3A_3314[%get3A_3315, %get3A_3316] {strides = array<i32>} : memref<128x64xi32, #tpu.memory_space<vmem>>, vector<16xi32>,
        %get3A_3318 = arith.constant 0 : i32
        %get3A_3319 = arith.constant 0 : i32
        %get3A_3320 = tpu.memref_slice %arg9[%and3A_2249, %get3A_3318, %get3A_3319] : memref<2x128x64xi32, #tpu.memory_space<vmem>> -> memref<1x128x64xi32, #tpu.memory_space<vmem>>
        %get3A_3321 = tpu.memref_squeeze %get3A_3320 : memref<1x128x64xi32, #tpu.memory_space<vmem>> -> memref<128x64xi32, #tpu.memory_space<vmem>>
        %get3A_3322 = arith.index_cast %add3A_3310 : i32 to index
        %get3A_3323 = arith.constant 32 : index
        %get3A_3324 = tpu.vector_load %get3A_3321[%get3A_3322, %get3A_3323] {strides = array<i32>} : memref<128x64xi32, #tpu.memory_space<vmem>>, vector<16xi32>,
        %bitcast3A_3325 = vector.bitcast %get3A_3317 : vector<16xi32> to vector<32xbf16>
        %bitcast3A_3326 = vector.bitcast %get3A_3324 : vector<16xi32> to vector<32xbf16>
        %mul3A_3327 = arith.mulf %bitcast3A_3325, %bitcast3A_3326 : vector<32xbf16>
        %bitcast3A_3328 = vector.bitcast %mul3A_3327 : vector<32xbf16> to vector<16xi32>
        %shift_left3A_3329 = arith.shli %bitcast3A_3328, %broadcast_in_dim3A_5 : vector<16xi32>
        %bitcast3A_3330 = vector.bitcast %shift_left3A_3329 : vector<16xi32> to vector<16xf32>
        %and3A_3331 = arith.andi %bitcast3A_3328, %broadcast_in_dim3A_3 : vector<16xi32>
        %bitcast3A_3332 = vector.bitcast %and3A_3331 : vector<16xi32> to vector<16xf32>
        %add3A_3333 = arith.addf %bitcast3A_3330, %bitcast3A_3332 : vector<16xf32>
        %add3A_3334 = arith.addf %add3A_2918, %add3A_3333 : vector<16xf32>
        %add3A_3335 = arith.constant 8 : i32
        %add3A_3336 = arith.addi %add3A_2307, %add3A_3335 : i32
        %get3A_3337 = arith.constant 0 : i32
        %get3A_3338 = arith.constant 0 : i32
        %get3A_3339 = tpu.memref_slice %arg8[%and3A_2249, %get3A_3337, %get3A_3338] : memref<2x128x64xi32, #tpu.memory_space<vmem>> -> memref<1x128x64xi32, #tpu.memory_space<vmem>>
        %get3A_3340 = tpu.memref_squeeze %get3A_3339 : memref<1x128x64xi32, #tpu.memory_space<vmem>> -> memref<128x64xi32, #tpu.memory_space<vmem>>
        %get3A_3341 = arith.index_cast %add3A_3336 : i32 to index
        %get3A_3342 = arith.constant 32 : index
        %get3A_3343 = tpu.vector_load %get3A_3340[%get3A_3341, %get3A_3342] {strides = array<i32>} : memref<128x64xi32, #tpu.memory_space<vmem>>, vector<16xi32>,
        %get3A_3344 = arith.constant 0 : i32
        %get3A_3345 = arith.constant 0 : i32
        %get3A_3346 = tpu.memref_slice %arg9[%and3A_2249, %get3A_3344, %get3A_3345] : memref<2x128x64xi32, #tpu.memory_space<vmem>> -> memref<1x128x64xi32, #tpu.memory_space<vmem>>
        %get3A_3347 = tpu.memref_squeeze %get3A_3346 : memref<1x128x64xi32, #tpu.memory_space<vmem>> -> memref<128x64xi32, #tpu.memory_space<vmem>>
        %get3A_3348 = arith.index_cast %add3A_3336 : i32 to index
        %get3A_3349 = arith.constant 32 : index
        %get3A_3350 = tpu.vector_load %get3A_3347[%get3A_3348, %get3A_3349] {strides = array<i32>} : memref<128x64xi32, #tpu.memory_space<vmem>>, vector<16xi32>,
        %bitcast3A_3351 = vector.bitcast %get3A_3343 : vector<16xi32> to vector<32xbf16>
        %bitcast3A_3352 = vector.bitcast %get3A_3350 : vector<16xi32> to vector<32xbf16>
        %mul3A_3353 = arith.mulf %bitcast3A_3351, %bitcast3A_3352 : vector<32xbf16>
        %bitcast3A_3354 = vector.bitcast %mul3A_3353 : vector<32xbf16> to vector<16xi32>
        %shift_left3A_3355 = arith.shli %bitcast3A_3354, %broadcast_in_dim3A_5 : vector<16xi32>
        %bitcast3A_3356 = vector.bitcast %shift_left3A_3355 : vector<16xi32> to vector<16xf32>
        %and3A_3357 = arith.andi %bitcast3A_3354, %broadcast_in_dim3A_3 : vector<16xi32>
        %bitcast3A_3358 = vector.bitcast %and3A_3357 : vector<16xi32> to vector<16xf32>
        %add3A_3359 = arith.addf %bitcast3A_3356, %bitcast3A_3358 : vector<16xf32>
        %add3A_3360 = arith.addf %add3A_2944, %add3A_3359 : vector<16xf32>
        %add3A_3361 = arith.constant 9 : i32
        %add3A_3362 = arith.addi %add3A_2307, %add3A_3361 : i32
        %get3A_3363 = arith.constant 0 : i32
        %get3A_3364 = arith.constant 0 : i32
        %get3A_3365 = tpu.memref_slice %arg8[%and3A_2249, %get3A_3363, %get3A_3364] : memref<2x128x64xi32, #tpu.memory_space<vmem>> -> memref<1x128x64xi32, #tpu.memory_space<vmem>>
        %get3A_3366 = tpu.memref_squeeze %get3A_3365 : memref<1x128x64xi32, #tpu.memory_space<vmem>> -> memref<128x64xi32, #tpu.memory_space<vmem>>
        %get3A_3367 = arith.index_cast %add3A_3362 : i32 to index
        %get3A_3368 = arith.constant 32 : index
        %get3A_3369 = tpu.vector_load %get3A_3366[%get3A_3367, %get3A_3368] {strides = array<i32>} : memref<128x64xi32, #tpu.memory_space<vmem>>, vector<16xi32>,
        %get3A_3370 = arith.constant 0 : i32
        %get3A_3371 = arith.constant 0 : i32
        %get3A_3372 = tpu.memref_slice %arg9[%and3A_2249, %get3A_3370, %get3A_3371] : memref<2x128x64xi32, #tpu.memory_space<vmem>> -> memref<1x128x64xi32, #tpu.memory_space<vmem>>
        %get3A_3373 = tpu.memref_squeeze %get3A_3372 : memref<1x128x64xi32, #tpu.memory_space<vmem>> -> memref<128x64xi32, #tpu.memory_space<vmem>>
        %get3A_3374 = arith.index_cast %add3A_3362 : i32 to index
        %get3A_3375 = arith.constant 32 : index
        %get3A_3376 = tpu.vector_load %get3A_3373[%get3A_3374, %get3A_3375] {strides = array<i32>} : memref<128x64xi32, #tpu.memory_space<vmem>>, vector<16xi32>,
        %bitcast3A_3377 = vector.bitcast %get3A_3369 : vector<16xi32> to vector<32xbf16>
        %bitcast3A_3378 = vector.bitcast %get3A_3376 : vector<16xi32> to vector<32xbf16>
        %mul3A_3379 = arith.mulf %bitcast3A_3377, %bitcast3A_3378 : vector<32xbf16>
        %bitcast3A_3380 = vector.bitcast %mul3A_3379 : vector<32xbf16> to vector<16xi32>
        %shift_left3A_3381 = arith.shli %bitcast3A_3380, %broadcast_in_dim3A_5 : vector<16xi32>
        %bitcast3A_3382 = vector.bitcast %shift_left3A_3381 : vector<16xi32> to vector<16xf32>
        %and3A_3383 = arith.andi %bitcast3A_3380, %broadcast_in_dim3A_3 : vector<16xi32>
        %bitcast3A_3384 = vector.bitcast %and3A_3383 : vector<16xi32> to vector<16xf32>
        %add3A_3385 = arith.addf %bitcast3A_3382, %bitcast3A_3384 : vector<16xf32>
        %add3A_3386 = arith.addf %add3A_2970, %add3A_3385 : vector<16xf32>
        %add3A_3387 = arith.constant 10 : i32
        %add3A_3388 = arith.addi %add3A_2307, %add3A_3387 : i32
        %get3A_3389 = arith.constant 0 : i32
        %get3A_3390 = arith.constant 0 : i32
        %get3A_3391 = tpu.memref_slice %arg8[%and3A_2249, %get3A_3389, %get3A_3390] : memref<2x128x64xi32, #tpu.memory_space<vmem>> -> memref<1x128x64xi32, #tpu.memory_space<vmem>>
        %get3A_3392 = tpu.memref_squeeze %get3A_3391 : memref<1x128x64xi32, #tpu.memory_space<vmem>> -> memref<128x64xi32, #tpu.memory_space<vmem>>
        %get3A_3393 = arith.index_cast %add3A_3388 : i32 to index
        %get3A_3394 = arith.constant 32 : index
        %get3A_3395 = tpu.vector_load %get3A_3392[%get3A_3393, %get3A_3394] {strides = array<i32>} : memref<128x64xi32, #tpu.memory_space<vmem>>, vector<16xi32>,
        %get3A_3396 = arith.constant 0 : i32
        %get3A_3397 = arith.constant 0 : i32
        %get3A_3398 = tpu.memref_slice %arg9[%and3A_2249, %get3A_3396, %get3A_3397] : memref<2x128x64xi32, #tpu.memory_space<vmem>> -> memref<1x128x64xi32, #tpu.memory_space<vmem>>
        %get3A_3399 = tpu.memref_squeeze %get3A_3398 : memref<1x128x64xi32, #tpu.memory_space<vmem>> -> memref<128x64xi32, #tpu.memory_space<vmem>>
        %get3A_3400 = arith.index_cast %add3A_3388 : i32 to index
        %get3A_3401 = arith.constant 32 : index
        %get3A_3402 = tpu.vector_load %get3A_3399[%get3A_3400, %get3A_3401] {strides = array<i32>} : memref<128x64xi32, #tpu.memory_space<vmem>>, vector<16xi32>,
        %bitcast3A_3403 = vector.bitcast %get3A_3395 : vector<16xi32> to vector<32xbf16>
        %bitcast3A_3404 = vector.bitcast %get3A_3402 : vector<16xi32> to vector<32xbf16>
        %mul3A_3405 = arith.mulf %bitcast3A_3403, %bitcast3A_3404 : vector<32xbf16>
        %bitcast3A_3406 = vector.bitcast %mul3A_3405 : vector<32xbf16> to vector<16xi32>
        %shift_left3A_3407 = arith.shli %bitcast3A_3406, %broadcast_in_dim3A_5 : vector<16xi32>
        %bitcast3A_3408 = vector.bitcast %shift_left3A_3407 : vector<16xi32> to vector<16xf32>
        %and3A_3409 = arith.andi %bitcast3A_3406, %broadcast_in_dim3A_3 : vector<16xi32>
        %bitcast3A_3410 = vector.bitcast %and3A_3409 : vector<16xi32> to vector<16xf32>
        %add3A_3411 = arith.addf %bitcast3A_3408, %bitcast3A_3410 : vector<16xf32>
        %add3A_3412 = arith.addf %add3A_2996, %add3A_3411 : vector<16xf32>
        %add3A_3413 = arith.constant 11 : i32
        %add3A_3414 = arith.addi %add3A_2307, %add3A_3413 : i32
        %get3A_3415 = arith.constant 0 : i32
        %get3A_3416 = arith.constant 0 : i32
        %get3A_3417 = tpu.memref_slice %arg8[%and3A_2249, %get3A_3415, %get3A_3416] : memref<2x128x64xi32, #tpu.memory_space<vmem>> -> memref<1x128x64xi32, #tpu.memory_space<vmem>>
        %get3A_3418 = tpu.memref_squeeze %get3A_3417 : memref<1x128x64xi32, #tpu.memory_space<vmem>> -> memref<128x64xi32, #tpu.memory_space<vmem>>
        %get3A_3419 = arith.index_cast %add3A_3414 : i32 to index
        %get3A_3420 = arith.constant 32 : index
        %get3A_3421 = tpu.vector_load %get3A_3418[%get3A_3419, %get3A_3420] {strides = array<i32>} : memref<128x64xi32, #tpu.memory_space<vmem>>, vector<16xi32>,
        %get3A_3422 = arith.constant 0 : i32
        %get3A_3423 = arith.constant 0 : i32
        %get3A_3424 = tpu.memref_slice %arg9[%and3A_2249, %get3A_3422, %get3A_3423] : memref<2x128x64xi32, #tpu.memory_space<vmem>> -> memref<1x128x64xi32, #tpu.memory_space<vmem>>
        %get3A_3425 = tpu.memref_squeeze %get3A_3424 : memref<1x128x64xi32, #tpu.memory_space<vmem>> -> memref<128x64xi32, #tpu.memory_space<vmem>>
        %get3A_3426 = arith.index_cast %add3A_3414 : i32 to index
        %get3A_3427 = arith.constant 32 : index
        %get3A_3428 = tpu.vector_load %get3A_3425[%get3A_3426, %get3A_3427] {strides = array<i32>} : memref<128x64xi32, #tpu.memory_space<vmem>>, vector<16xi32>,
        %bitcast3A_3429 = vector.bitcast %get3A_3421 : vector<16xi32> to vector<32xbf16>
        %bitcast3A_3430 = vector.bitcast %get3A_3428 : vector<16xi32> to vector<32xbf16>
        %mul3A_3431 = arith.mulf %bitcast3A_3429, %bitcast3A_3430 : vector<32xbf16>
        %bitcast3A_3432 = vector.bitcast %mul3A_3431 : vector<32xbf16> to vector<16xi32>
        %shift_left3A_3433 = arith.shli %bitcast3A_3432, %broadcast_in_dim3A_5 : vector<16xi32>
        %bitcast3A_3434 = vector.bitcast %shift_left3A_3433 : vector<16xi32> to vector<16xf32>
        %and3A_3435 = arith.andi %bitcast3A_3432, %broadcast_in_dim3A_3 : vector<16xi32>
        %bitcast3A_3436 = vector.bitcast %and3A_3435 : vector<16xi32> to vector<16xf32>
        %add3A_3437 = arith.addf %bitcast3A_3434, %bitcast3A_3436 : vector<16xf32>
        %add3A_3438 = arith.addf %add3A_3022, %add3A_3437 : vector<16xf32>
        %add3A_3439 = arith.constant 12 : i32
        %add3A_3440 = arith.addi %add3A_2307, %add3A_3439 : i32
        %get3A_3441 = arith.constant 0 : i32
        %get3A_3442 = arith.constant 0 : i32
        %get3A_3443 = tpu.memref_slice %arg8[%and3A_2249, %get3A_3441, %get3A_3442] : memref<2x128x64xi32, #tpu.memory_space<vmem>> -> memref<1x128x64xi32, #tpu.memory_space<vmem>>
        %get3A_3444 = tpu.memref_squeeze %get3A_3443 : memref<1x128x64xi32, #tpu.memory_space<vmem>> -> memref<128x64xi32, #tpu.memory_space<vmem>>
        %get3A_3445 = arith.index_cast %add3A_3440 : i32 to index
        %get3A_3446 = arith.constant 32 : index
        %get3A_3447 = tpu.vector_load %get3A_3444[%get3A_3445, %get3A_3446] {strides = array<i32>} : memref<128x64xi32, #tpu.memory_space<vmem>>, vector<16xi32>,
        %get3A_3448 = arith.constant 0 : i32
        %get3A_3449 = arith.constant 0 : i32
        %get3A_3450 = tpu.memref_slice %arg9[%and3A_2249, %get3A_3448, %get3A_3449] : memref<2x128x64xi32, #tpu.memory_space<vmem>> -> memref<1x128x64xi32, #tpu.memory_space<vmem>>
        %get3A_3451 = tpu.memref_squeeze %get3A_3450 : memref<1x128x64xi32, #tpu.memory_space<vmem>> -> memref<128x64xi32, #tpu.memory_space<vmem>>
        %get3A_3452 = arith.index_cast %add3A_3440 : i32 to index
        %get3A_3453 = arith.constant 32 : index
        %get3A_3454 = tpu.vector_load %get3A_3451[%get3A_3452, %get3A_3453] {strides = array<i32>} : memref<128x64xi32, #tpu.memory_space<vmem>>, vector<16xi32>,
        %bitcast3A_3455 = vector.bitcast %get3A_3447 : vector<16xi32> to vector<32xbf16>
        %bitcast3A_3456 = vector.bitcast %get3A_3454 : vector<16xi32> to vector<32xbf16>
        %mul3A_3457 = arith.mulf %bitcast3A_3455, %bitcast3A_3456 : vector<32xbf16>
        %bitcast3A_3458 = vector.bitcast %mul3A_3457 : vector<32xbf16> to vector<16xi32>
        %shift_left3A_3459 = arith.shli %bitcast3A_3458, %broadcast_in_dim3A_5 : vector<16xi32>
        %bitcast3A_3460 = vector.bitcast %shift_left3A_3459 : vector<16xi32> to vector<16xf32>
        %and3A_3461 = arith.andi %bitcast3A_3458, %broadcast_in_dim3A_3 : vector<16xi32>
        %bitcast3A_3462 = vector.bitcast %and3A_3461 : vector<16xi32> to vector<16xf32>
        %add3A_3463 = arith.addf %bitcast3A_3460, %bitcast3A_3462 : vector<16xf32>
        %add3A_3464 = arith.addf %add3A_3048, %add3A_3463 : vector<16xf32>
        %add3A_3465 = arith.constant 13 : i32
        %add3A_3466 = arith.addi %add3A_2307, %add3A_3465 : i32
        %get3A_3467 = arith.constant 0 : i32
        %get3A_3468 = arith.constant 0 : i32
        %get3A_3469 = tpu.memref_slice %arg8[%and3A_2249, %get3A_3467, %get3A_3468] : memref<2x128x64xi32, #tpu.memory_space<vmem>> -> memref<1x128x64xi32, #tpu.memory_space<vmem>>
        %get3A_3470 = tpu.memref_squeeze %get3A_3469 : memref<1x128x64xi32, #tpu.memory_space<vmem>> -> memref<128x64xi32, #tpu.memory_space<vmem>>
        %get3A_3471 = arith.index_cast %add3A_3466 : i32 to index
        %get3A_3472 = arith.constant 32 : index
        %get3A_3473 = tpu.vector_load %get3A_3470[%get3A_3471, %get3A_3472] {strides = array<i32>} : memref<128x64xi32, #tpu.memory_space<vmem>>, vector<16xi32>,
        %get3A_3474 = arith.constant 0 : i32
        %get3A_3475 = arith.constant 0 : i32
        %get3A_3476 = tpu.memref_slice %arg9[%and3A_2249, %get3A_3474, %get3A_3475] : memref<2x128x64xi32, #tpu.memory_space<vmem>> -> memref<1x128x64xi32, #tpu.memory_space<vmem>>
        %get3A_3477 = tpu.memref_squeeze %get3A_3476 : memref<1x128x64xi32, #tpu.memory_space<vmem>> -> memref<128x64xi32, #tpu.memory_space<vmem>>
        %get3A_3478 = arith.index_cast %add3A_3466 : i32 to index
        %get3A_3479 = arith.constant 32 : index
        %get3A_3480 = tpu.vector_load %get3A_3477[%get3A_3478, %get3A_3479] {strides = array<i32>} : memref<128x64xi32, #tpu.memory_space<vmem>>, vector<16xi32>,
        %bitcast3A_3481 = vector.bitcast %get3A_3473 : vector<16xi32> to vector<32xbf16>
        %bitcast3A_3482 = vector.bitcast %get3A_3480 : vector<16xi32> to vector<32xbf16>
        %mul3A_3483 = arith.mulf %bitcast3A_3481, %bitcast3A_3482 : vector<32xbf16>
        %bitcast3A_3484 = vector.bitcast %mul3A_3483 : vector<32xbf16> to vector<16xi32>
        %shift_left3A_3485 = arith.shli %bitcast3A_3484, %broadcast_in_dim3A_5 : vector<16xi32>
        %bitcast3A_3486 = vector.bitcast %shift_left3A_3485 : vector<16xi32> to vector<16xf32>
        %and3A_3487 = arith.andi %bitcast3A_3484, %broadcast_in_dim3A_3 : vector<16xi32>
        %bitcast3A_3488 = vector.bitcast %and3A_3487 : vector<16xi32> to vector<16xf32>
        %add3A_3489 = arith.addf %bitcast3A_3486, %bitcast3A_3488 : vector<16xf32>
        %add3A_3490 = arith.addf %add3A_3074, %add3A_3489 : vector<16xf32>
        %add3A_3491 = arith.constant 14 : i32
        %add3A_3492 = arith.addi %add3A_2307, %add3A_3491 : i32
        %get3A_3493 = arith.constant 0 : i32
        %get3A_3494 = arith.constant 0 : i32
        %get3A_3495 = tpu.memref_slice %arg8[%and3A_2249, %get3A_3493, %get3A_3494] : memref<2x128x64xi32, #tpu.memory_space<vmem>> -> memref<1x128x64xi32, #tpu.memory_space<vmem>>
        %get3A_3496 = tpu.memref_squeeze %get3A_3495 : memref<1x128x64xi32, #tpu.memory_space<vmem>> -> memref<128x64xi32, #tpu.memory_space<vmem>>
        %get3A_3497 = arith.index_cast %add3A_3492 : i32 to index
        %get3A_3498 = arith.constant 32 : index
        %get3A_3499 = tpu.vector_load %get3A_3496[%get3A_3497, %get3A_3498] {strides = array<i32>} : memref<128x64xi32, #tpu.memory_space<vmem>>, vector<16xi32>,
        %get3A_3500 = arith.constant 0 : i32
        %get3A_3501 = arith.constant 0 : i32
        %get3A_3502 = tpu.memref_slice %arg9[%and3A_2249, %get3A_3500, %get3A_3501] : memref<2x128x64xi32, #tpu.memory_space<vmem>> -> memref<1x128x64xi32, #tpu.memory_space<vmem>>
        %get3A_3503 = tpu.memref_squeeze %get3A_3502 : memref<1x128x64xi32, #tpu.memory_space<vmem>> -> memref<128x64xi32, #tpu.memory_space<vmem>>
        %get3A_3504 = arith.index_cast %add3A_3492 : i32 to index
        %get3A_3505 = arith.constant 32 : index
        %get3A_3506 = tpu.vector_load %get3A_3503[%get3A_3504, %get3A_3505] {strides = array<i32>} : memref<128x64xi32, #tpu.memory_space<vmem>>, vector<16xi32>,
        %bitcast3A_3507 = vector.bitcast %get3A_3499 : vector<16xi32> to vector<32xbf16>
        %bitcast3A_3508 = vector.bitcast %get3A_3506 : vector<16xi32> to vector<32xbf16>
        %mul3A_3509 = arith.mulf %bitcast3A_3507, %bitcast3A_3508 : vector<32xbf16>
        %bitcast3A_3510 = vector.bitcast %mul3A_3509 : vector<32xbf16> to vector<16xi32>
        %shift_left3A_3511 = arith.shli %bitcast3A_3510, %broadcast_in_dim3A_5 : vector<16xi32>
        %bitcast3A_3512 = vector.bitcast %shift_left3A_3511 : vector<16xi32> to vector<16xf32>
        %and3A_3513 = arith.andi %bitcast3A_3510, %broadcast_in_dim3A_3 : vector<16xi32>
        %bitcast3A_3514 = vector.bitcast %and3A_3513 : vector<16xi32> to vector<16xf32>
        %add3A_3515 = arith.addf %bitcast3A_3512, %bitcast3A_3514 : vector<16xf32>
        %add3A_3516 = arith.addf %add3A_3100, %add3A_3515 : vector<16xf32>
        %add3A_3517 = arith.constant 15 : i32
        %add3A_3518 = arith.addi %add3A_2307, %add3A_3517 : i32
        %get3A_3519 = arith.constant 0 : i32
        %get3A_3520 = arith.constant 0 : i32
        %get3A_3521 = tpu.memref_slice %arg8[%and3A_2249, %get3A_3519, %get3A_3520] : memref<2x128x64xi32, #tpu.memory_space<vmem>> -> memref<1x128x64xi32, #tpu.memory_space<vmem>>
        %get3A_3522 = tpu.memref_squeeze %get3A_3521 : memref<1x128x64xi32, #tpu.memory_space<vmem>> -> memref<128x64xi32, #tpu.memory_space<vmem>>
        %get3A_3523 = arith.index_cast %add3A_3518 : i32 to index
        %get3A_3524 = arith.constant 32 : index
        %get3A_3525 = tpu.vector_load %get3A_3522[%get3A_3523, %get3A_3524] {strides = array<i32>} : memref<128x64xi32, #tpu.memory_space<vmem>>, vector<16xi32>,
        %get3A_3526 = arith.constant 0 : i32
        %get3A_3527 = arith.constant 0 : i32
        %get3A_3528 = tpu.memref_slice %arg9[%and3A_2249, %get3A_3526, %get3A_3527] : memref<2x128x64xi32, #tpu.memory_space<vmem>> -> memref<1x128x64xi32, #tpu.memory_space<vmem>>
        %get3A_3529 = tpu.memref_squeeze %get3A_3528 : memref<1x128x64xi32, #tpu.memory_space<vmem>> -> memref<128x64xi32, #tpu.memory_space<vmem>>
        %get3A_3530 = arith.index_cast %add3A_3518 : i32 to index
        %get3A_3531 = arith.constant 32 : index
        %get3A_3532 = tpu.vector_load %get3A_3529[%get3A_3530, %get3A_3531] {strides = array<i32>} : memref<128x64xi32, #tpu.memory_space<vmem>>, vector<16xi32>,
        %bitcast3A_3533 = vector.bitcast %get3A_3525 : vector<16xi32> to vector<32xbf16>
        %bitcast3A_3534 = vector.bitcast %get3A_3532 : vector<16xi32> to vector<32xbf16>
        %mul3A_3535 = arith.mulf %bitcast3A_3533, %bitcast3A_3534 : vector<32xbf16>
        %bitcast3A_3536 = vector.bitcast %mul3A_3535 : vector<32xbf16> to vector<16xi32>
        %shift_left3A_3537 = arith.shli %bitcast3A_3536, %broadcast_in_dim3A_5 : vector<16xi32>
        %bitcast3A_3538 = vector.bitcast %shift_left3A_3537 : vector<16xi32> to vector<16xf32>
        %and3A_3539 = arith.andi %bitcast3A_3536, %broadcast_in_dim3A_3 : vector<16xi32>
        %bitcast3A_3540 = vector.bitcast %and3A_3539 : vector<16xi32> to vector<16xf32>
        %add3A_3541 = arith.addf %bitcast3A_3538, %bitcast3A_3540 : vector<16xf32>
        %add3A_3542 = arith.addf %add3A_3126, %add3A_3541 : vector<16xf32>
        %add3A_3543 = arith.constant 0 : i32
        %add3A_3544 = arith.addi %add3A_2307, %add3A_3543 : i32
        %get3A_3545 = arith.constant 0 : i32
        %get3A_3546 = arith.constant 0 : i32
        %get3A_3547 = tpu.memref_slice %arg8[%and3A_2249, %get3A_3545, %get3A_3546] : memref<2x128x64xi32, #tpu.memory_space<vmem>> -> memref<1x128x64xi32, #tpu.memory_space<vmem>>
        %get3A_3548 = tpu.memref_squeeze %get3A_3547 : memref<1x128x64xi32, #tpu.memory_space<vmem>> -> memref<128x64xi32, #tpu.memory_space<vmem>>
        %get3A_3549 = arith.index_cast %add3A_3544 : i32 to index
        %get3A_3550 = arith.constant 48 : index
        %get3A_3551 = tpu.vector_load %get3A_3548[%get3A_3549, %get3A_3550] {strides = array<i32>} : memref<128x64xi32, #tpu.memory_space<vmem>>, vector<16xi32>,
        %get3A_3552 = arith.constant 0 : i32
        %get3A_3553 = arith.constant 0 : i32
        %get3A_3554 = tpu.memref_slice %arg9[%and3A_2249, %get3A_3552, %get3A_3553] : memref<2x128x64xi32, #tpu.memory_space<vmem>> -> memref<1x128x64xi32, #tpu.memory_space<vmem>>
        %get3A_3555 = tpu.memref_squeeze %get3A_3554 : memref<1x128x64xi32, #tpu.memory_space<vmem>> -> memref<128x64xi32, #tpu.memory_space<vmem>>
        %get3A_3556 = arith.index_cast %add3A_3544 : i32 to index
        %get3A_3557 = arith.constant 48 : index
        %get3A_3558 = tpu.vector_load %get3A_3555[%get3A_3556, %get3A_3557] {strides = array<i32>} : memref<128x64xi32, #tpu.memory_space<vmem>>, vector<16xi32>,
        %bitcast3A_3559 = vector.bitcast %get3A_3551 : vector<16xi32> to vector<32xbf16>
        %bitcast3A_3560 = vector.bitcast %get3A_3558 : vector<16xi32> to vector<32xbf16>
        %mul3A_3561 = arith.mulf %bitcast3A_3559, %bitcast3A_3560 : vector<32xbf16>
        %bitcast3A_3562 = vector.bitcast %mul3A_3561 : vector<32xbf16> to vector<16xi32>
        %shift_left3A_3563 = arith.shli %bitcast3A_3562, %broadcast_in_dim3A_5 : vector<16xi32>
        %bitcast3A_3564 = vector.bitcast %shift_left3A_3563 : vector<16xi32> to vector<16xf32>
        %and3A_3565 = arith.andi %bitcast3A_3562, %broadcast_in_dim3A_3 : vector<16xi32>
        %bitcast3A_3566 = vector.bitcast %and3A_3565 : vector<16xi32> to vector<16xf32>
        %add3A_3567 = arith.addf %bitcast3A_3564, %bitcast3A_3566 : vector<16xf32>
        %add3A_3568 = arith.addf %add3A_3152, %add3A_3567 : vector<16xf32>
        %add3A_3569 = arith.constant 1 : i32
        %add3A_3570 = arith.addi %add3A_2307, %add3A_3569 : i32
        %get3A_3571 = arith.constant 0 : i32
        %get3A_3572 = arith.constant 0 : i32
        %get3A_3573 = tpu.memref_slice %arg8[%and3A_2249, %get3A_3571, %get3A_3572] : memref<2x128x64xi32, #tpu.memory_space<vmem>> -> memref<1x128x64xi32, #tpu.memory_space<vmem>>
        %get3A_3574 = tpu.memref_squeeze %get3A_3573 : memref<1x128x64xi32, #tpu.memory_space<vmem>> -> memref<128x64xi32, #tpu.memory_space<vmem>>
        %get3A_3575 = arith.index_cast %add3A_3570 : i32 to index
        %get3A_3576 = arith.constant 48 : index
        %get3A_3577 = tpu.vector_load %get3A_3574[%get3A_3575, %get3A_3576] {strides = array<i32>} : memref<128x64xi32, #tpu.memory_space<vmem>>, vector<16xi32>,
        %get3A_3578 = arith.constant 0 : i32
        %get3A_3579 = arith.constant 0 : i32
        %get3A_3580 = tpu.memref_slice %arg9[%and3A_2249, %get3A_3578, %get3A_3579] : memref<2x128x64xi32, #tpu.memory_space<vmem>> -> memref<1x128x64xi32, #tpu.memory_space<vmem>>
        %get3A_3581 = tpu.memref_squeeze %get3A_3580 : memref<1x128x64xi32, #tpu.memory_space<vmem>> -> memref<128x64xi32, #tpu.memory_space<vmem>>
        %get3A_3582 = arith.index_cast %add3A_3570 : i32 to index
        %get3A_3583 = arith.constant 48 : index
        %get3A_3584 = tpu.vector_load %get3A_3581[%get3A_3582, %get3A_3583] {strides = array<i32>} : memref<128x64xi32, #tpu.memory_space<vmem>>, vector<16xi32>,
        %bitcast3A_3585 = vector.bitcast %get3A_3577 : vector<16xi32> to vector<32xbf16>
        %bitcast3A_3586 = vector.bitcast %get3A_3584 : vector<16xi32> to vector<32xbf16>
        %mul3A_3587 = arith.mulf %bitcast3A_3585, %bitcast3A_3586 : vector<32xbf16>
        %bitcast3A_3588 = vector.bitcast %mul3A_3587 : vector<32xbf16> to vector<16xi32>
        %shift_left3A_3589 = arith.shli %bitcast3A_3588, %broadcast_in_dim3A_5 : vector<16xi32>
        %bitcast3A_3590 = vector.bitcast %shift_left3A_3589 : vector<16xi32> to vector<16xf32>
        %and3A_3591 = arith.andi %bitcast3A_3588, %broadcast_in_dim3A_3 : vector<16xi32>
        %bitcast3A_3592 = vector.bitcast %and3A_3591 : vector<16xi32> to vector<16xf32>
        %add3A_3593 = arith.addf %bitcast3A_3590, %bitcast3A_3592 : vector<16xf32>
        %add3A_3594 = arith.addf %add3A_3178, %add3A_3593 : vector<16xf32>
        %add3A_3595 = arith.constant 2 : i32
        %add3A_3596 = arith.addi %add3A_2307, %add3A_3595 : i32
        %get3A_3597 = arith.constant 0 : i32
        %get3A_3598 = arith.constant 0 : i32
        %get3A_3599 = tpu.memref_slice %arg8[%and3A_2249, %get3A_3597, %get3A_3598] : memref<2x128x64xi32, #tpu.memory_space<vmem>> -> memref<1x128x64xi32, #tpu.memory_space<vmem>>
        %get3A_3600 = tpu.memref_squeeze %get3A_3599 : memref<1x128x64xi32, #tpu.memory_space<vmem>> -> memref<128x64xi32, #tpu.memory_space<vmem>>
        %get3A_3601 = arith.index_cast %add3A_3596 : i32 to index
        %get3A_3602 = arith.constant 48 : index
        %get3A_3603 = tpu.vector_load %get3A_3600[%get3A_3601, %get3A_3602] {strides = array<i32>} : memref<128x64xi32, #tpu.memory_space<vmem>>, vector<16xi32>,
        %get3A_3604 = arith.constant 0 : i32
        %get3A_3605 = arith.constant 0 : i32
        %get3A_3606 = tpu.memref_slice %arg9[%and3A_2249, %get3A_3604, %get3A_3605] : memref<2x128x64xi32, #tpu.memory_space<vmem>> -> memref<1x128x64xi32, #tpu.memory_space<vmem>>
        %get3A_3607 = tpu.memref_squeeze %get3A_3606 : memref<1x128x64xi32, #tpu.memory_space<vmem>> -> memref<128x64xi32, #tpu.memory_space<vmem>>
        %get3A_3608 = arith.index_cast %add3A_3596 : i32 to index
        %get3A_3609 = arith.constant 48 : index
        %get3A_3610 = tpu.vector_load %get3A_3607[%get3A_3608, %get3A_3609] {strides = array<i32>} : memref<128x64xi32, #tpu.memory_space<vmem>>, vector<16xi32>,
        %bitcast3A_3611 = vector.bitcast %get3A_3603 : vector<16xi32> to vector<32xbf16>
        %bitcast3A_3612 = vector.bitcast %get3A_3610 : vector<16xi32> to vector<32xbf16>
        %mul3A_3613 = arith.mulf %bitcast3A_3611, %bitcast3A_3612 : vector<32xbf16>
        %bitcast3A_3614 = vector.bitcast %mul3A_3613 : vector<32xbf16> to vector<16xi32>
        %shift_left3A_3615 = arith.shli %bitcast3A_3614, %broadcast_in_dim3A_5 : vector<16xi32>
        %bitcast3A_3616 = vector.bitcast %shift_left3A_3615 : vector<16xi32> to vector<16xf32>
        %and3A_3617 = arith.andi %bitcast3A_3614, %broadcast_in_dim3A_3 : vector<16xi32>
        %bitcast3A_3618 = vector.bitcast %and3A_3617 : vector<16xi32> to vector<16xf32>
        %add3A_3619 = arith.addf %bitcast3A_3616, %bitcast3A_3618 : vector<16xf32>
        %add3A_3620 = arith.addf %add3A_3204, %add3A_3619 : vector<16xf32>
        %add3A_3621 = arith.constant 3 : i32
        %add3A_3622 = arith.addi %add3A_2307, %add3A_3621 : i32
        %get3A_3623 = arith.constant 0 : i32
        %get3A_3624 = arith.constant 0 : i32
        %get3A_3625 = tpu.memref_slice %arg8[%and3A_2249, %get3A_3623, %get3A_3624] : memref<2x128x64xi32, #tpu.memory_space<vmem>> -> memref<1x128x64xi32, #tpu.memory_space<vmem>>
        %get3A_3626 = tpu.memref_squeeze %get3A_3625 : memref<1x128x64xi32, #tpu.memory_space<vmem>> -> memref<128x64xi32, #tpu.memory_space<vmem>>
        %get3A_3627 = arith.index_cast %add3A_3622 : i32 to index
        %get3A_3628 = arith.constant 48 : index
        %get3A_3629 = tpu.vector_load %get3A_3626[%get3A_3627, %get3A_3628] {strides = array<i32>} : memref<128x64xi32, #tpu.memory_space<vmem>>, vector<16xi32>,
        %get3A_3630 = arith.constant 0 : i32
        %get3A_3631 = arith.constant 0 : i32
        %get3A_3632 = tpu.memref_slice %arg9[%and3A_2249, %get3A_3630, %get3A_3631] : memref<2x128x64xi32, #tpu.memory_space<vmem>> -> memref<1x128x64xi32, #tpu.memory_space<vmem>>
        %get3A_3633 = tpu.memref_squeeze %get3A_3632 : memref<1x128x64xi32, #tpu.memory_space<vmem>> -> memref<128x64xi32, #tpu.memory_space<vmem>>
        %get3A_3634 = arith.index_cast %add3A_3622 : i32 to index
        %get3A_3635 = arith.constant 48 : index
        %get3A_3636 = tpu.vector_load %get3A_3633[%get3A_3634, %get3A_3635] {strides = array<i32>} : memref<128x64xi32, #tpu.memory_space<vmem>>, vector<16xi32>,
        %bitcast3A_3637 = vector.bitcast %get3A_3629 : vector<16xi32> to vector<32xbf16>
        %bitcast3A_3638 = vector.bitcast %get3A_3636 : vector<16xi32> to vector<32xbf16>
        %mul3A_3639 = arith.mulf %bitcast3A_3637, %bitcast3A_3638 : vector<32xbf16>
        %bitcast3A_3640 = vector.bitcast %mul3A_3639 : vector<32xbf16> to vector<16xi32>
        %shift_left3A_3641 = arith.shli %bitcast3A_3640, %broadcast_in_dim3A_5 : vector<16xi32>
        %bitcast3A_3642 = vector.bitcast %shift_left3A_3641 : vector<16xi32> to vector<16xf32>
        %and3A_3643 = arith.andi %bitcast3A_3640, %broadcast_in_dim3A_3 : vector<16xi32>
        %bitcast3A_3644 = vector.bitcast %and3A_3643 : vector<16xi32> to vector<16xf32>
        %add3A_3645 = arith.addf %bitcast3A_3642, %bitcast3A_3644 : vector<16xf32>
        %add3A_3646 = arith.addf %add3A_3230, %add3A_3645 : vector<16xf32>
        %add3A_3647 = arith.constant 4 : i32
        %add3A_3648 = arith.addi %add3A_2307, %add3A_3647 : i32
        %get3A_3649 = arith.constant 0 : i32
        %get3A_3650 = arith.constant 0 : i32
        %get3A_3651 = tpu.memref_slice %arg8[%and3A_2249, %get3A_3649, %get3A_3650] : memref<2x128x64xi32, #tpu.memory_space<vmem>> -> memref<1x128x64xi32, #tpu.memory_space<vmem>>
        %get3A_3652 = tpu.memref_squeeze %get3A_3651 : memref<1x128x64xi32, #tpu.memory_space<vmem>> -> memref<128x64xi32, #tpu.memory_space<vmem>>
        %get3A_3653 = arith.index_cast %add3A_3648 : i32 to index
        %get3A_3654 = arith.constant 48 : index
        %get3A_3655 = tpu.vector_load %get3A_3652[%get3A_3653, %get3A_3654] {strides = array<i32>} : memref<128x64xi32, #tpu.memory_space<vmem>>, vector<16xi32>,
        %get3A_3656 = arith.constant 0 : i32
        %get3A_3657 = arith.constant 0 : i32
        %get3A_3658 = tpu.memref_slice %arg9[%and3A_2249, %get3A_3656, %get3A_3657] : memref<2x128x64xi32, #tpu.memory_space<vmem>> -> memref<1x128x64xi32, #tpu.memory_space<vmem>>
        %get3A_3659 = tpu.memref_squeeze %get3A_3658 : memref<1x128x64xi32, #tpu.memory_space<vmem>> -> memref<128x64xi32, #tpu.memory_space<vmem>>
        %get3A_3660 = arith.index_cast %add3A_3648 : i32 to index
        %get3A_3661 = arith.constant 48 : index
        %get3A_3662 = tpu.vector_load %get3A_3659[%get3A_3660, %get3A_3661] {strides = array<i32>} : memref<128x64xi32, #tpu.memory_space<vmem>>, vector<16xi32>,
        %bitcast3A_3663 = vector.bitcast %get3A_3655 : vector<16xi32> to vector<32xbf16>
        %bitcast3A_3664 = vector.bitcast %get3A_3662 : vector<16xi32> to vector<32xbf16>
        %mul3A_3665 = arith.mulf %bitcast3A_3663, %bitcast3A_3664 : vector<32xbf16>
        %bitcast3A_3666 = vector.bitcast %mul3A_3665 : vector<32xbf16> to vector<16xi32>
        %shift_left3A_3667 = arith.shli %bitcast3A_3666, %broadcast_in_dim3A_5 : vector<16xi32>
        %bitcast3A_3668 = vector.bitcast %shift_left3A_3667 : vector<16xi32> to vector<16xf32>
        %and3A_3669 = arith.andi %bitcast3A_3666, %broadcast_in_dim3A_3 : vector<16xi32>
        %bitcast3A_3670 = vector.bitcast %and3A_3669 : vector<16xi32> to vector<16xf32>
        %add3A_3671 = arith.addf %bitcast3A_3668, %bitcast3A_3670 : vector<16xf32>
        %add3A_3672 = arith.addf %add3A_3256, %add3A_3671 : vector<16xf32>
        %add3A_3673 = arith.constant 5 : i32
        %add3A_3674 = arith.addi %add3A_2307, %add3A_3673 : i32
        %get3A_3675 = arith.constant 0 : i32
        %get3A_3676 = arith.constant 0 : i32
        %get3A_3677 = tpu.memref_slice %arg8[%and3A_2249, %get3A_3675, %get3A_3676] : memref<2x128x64xi32, #tpu.memory_space<vmem>> -> memref<1x128x64xi32, #tpu.memory_space<vmem>>
        %get3A_3678 = tpu.memref_squeeze %get3A_3677 : memref<1x128x64xi32, #tpu.memory_space<vmem>> -> memref<128x64xi32, #tpu.memory_space<vmem>>
        %get3A_3679 = arith.index_cast %add3A_3674 : i32 to index
        %get3A_3680 = arith.constant 48 : index
        %get3A_3681 = tpu.vector_load %get3A_3678[%get3A_3679, %get3A_3680] {strides = array<i32>} : memref<128x64xi32, #tpu.memory_space<vmem>>, vector<16xi32>,
        %get3A_3682 = arith.constant 0 : i32
        %get3A_3683 = arith.constant 0 : i32
        %get3A_3684 = tpu.memref_slice %arg9[%and3A_2249, %get3A_3682, %get3A_3683] : memref<2x128x64xi32, #tpu.memory_space<vmem>> -> memref<1x128x64xi32, #tpu.memory_space<vmem>>
        %get3A_3685 = tpu.memref_squeeze %get3A_3684 : memref<1x128x64xi32, #tpu.memory_space<vmem>> -> memref<128x64xi32, #tpu.memory_space<vmem>>
        %get3A_3686 = arith.index_cast %add3A_3674 : i32 to index
        %get3A_3687 = arith.constant 48 : index
        %get3A_3688 = tpu.vector_load %get3A_3685[%get3A_3686, %get3A_3687] {strides = array<i32>} : memref<128x64xi32, #tpu.memory_space<vmem>>, vector<16xi32>,
        %bitcast3A_3689 = vector.bitcast %get3A_3681 : vector<16xi32> to vector<32xbf16>
        %bitcast3A_3690 = vector.bitcast %get3A_3688 : vector<16xi32> to vector<32xbf16>
        %mul3A_3691 = arith.mulf %bitcast3A_3689, %bitcast3A_3690 : vector<32xbf16>
        %bitcast3A_3692 = vector.bitcast %mul3A_3691 : vector<32xbf16> to vector<16xi32>
        %shift_left3A_3693 = arith.shli %bitcast3A_3692, %broadcast_in_dim3A_5 : vector<16xi32>
        %bitcast3A_3694 = vector.bitcast %shift_left3A_3693 : vector<16xi32> to vector<16xf32>
        %and3A_3695 = arith.andi %bitcast3A_3692, %broadcast_in_dim3A_3 : vector<16xi32>
        %bitcast3A_3696 = vector.bitcast %and3A_3695 : vector<16xi32> to vector<16xf32>
        %add3A_3697 = arith.addf %bitcast3A_3694, %bitcast3A_3696 : vector<16xf32>
        %add3A_3698 = arith.addf %add3A_3282, %add3A_3697 : vector<16xf32>
        %add3A_3699 = arith.constant 6 : i32
        %add3A_3700 = arith.addi %add3A_2307, %add3A_3699 : i32
        %get3A_3701 = arith.constant 0 : i32
        %get3A_3702 = arith.constant 0 : i32
        %get3A_3703 = tpu.memref_slice %arg8[%and3A_2249, %get3A_3701, %get3A_3702] : memref<2x128x64xi32, #tpu.memory_space<vmem>> -> memref<1x128x64xi32, #tpu.memory_space<vmem>>
        %get3A_3704 = tpu.memref_squeeze %get3A_3703 : memref<1x128x64xi32, #tpu.memory_space<vmem>> -> memref<128x64xi32, #tpu.memory_space<vmem>>
        %get3A_3705 = arith.index_cast %add3A_3700 : i32 to index
        %get3A_3706 = arith.constant 48 : index
        %get3A_3707 = tpu.vector_load %get3A_3704[%get3A_3705, %get3A_3706] {strides = array<i32>} : memref<128x64xi32, #tpu.memory_space<vmem>>, vector<16xi32>,
        %get3A_3708 = arith.constant 0 : i32
        %get3A_3709 = arith.constant 0 : i32
        %get3A_3710 = tpu.memref_slice %arg9[%and3A_2249, %get3A_3708, %get3A_3709] : memref<2x128x64xi32, #tpu.memory_space<vmem>> -> memref<1x128x64xi32, #tpu.memory_space<vmem>>
        %get3A_3711 = tpu.memref_squeeze %get3A_3710 : memref<1x128x64xi32, #tpu.memory_space<vmem>> -> memref<128x64xi32, #tpu.memory_space<vmem>>
        %get3A_3712 = arith.index_cast %add3A_3700 : i32 to index
        %get3A_3713 = arith.constant 48 : index
        %get3A_3714 = tpu.vector_load %get3A_3711[%get3A_3712, %get3A_3713] {strides = array<i32>} : memref<128x64xi32, #tpu.memory_space<vmem>>, vector<16xi32>,
        %bitcast3A_3715 = vector.bitcast %get3A_3707 : vector<16xi32> to vector<32xbf16>
        %bitcast3A_3716 = vector.bitcast %get3A_3714 : vector<16xi32> to vector<32xbf16>
        %mul3A_3717 = arith.mulf %bitcast3A_3715, %bitcast3A_3716 : vector<32xbf16>
        %bitcast3A_3718 = vector.bitcast %mul3A_3717 : vector<32xbf16> to vector<16xi32>
        %shift_left3A_3719 = arith.shli %bitcast3A_3718, %broadcast_in_dim3A_5 : vector<16xi32>
        %bitcast3A_3720 = vector.bitcast %shift_left3A_3719 : vector<16xi32> to vector<16xf32>
        %and3A_3721 = arith.andi %bitcast3A_3718, %broadcast_in_dim3A_3 : vector<16xi32>
        %bitcast3A_3722 = vector.bitcast %and3A_3721 : vector<16xi32> to vector<16xf32>
        %add3A_3723 = arith.addf %bitcast3A_3720, %bitcast3A_3722 : vector<16xf32>
        %add3A_3724 = arith.addf %add3A_3308, %add3A_3723 : vector<16xf32>
        %add3A_3725 = arith.constant 7 : i32
        %add3A_3726 = arith.addi %add3A_2307, %add3A_3725 : i32
        %get3A_3727 = arith.constant 0 : i32
        %get3A_3728 = arith.constant 0 : i32
        %get3A_3729 = tpu.memref_slice %arg8[%and3A_2249, %get3A_3727, %get3A_3728] : memref<2x128x64xi32, #tpu.memory_space<vmem>> -> memref<1x128x64xi32, #tpu.memory_space<vmem>>
        %get3A_3730 = tpu.memref_squeeze %get3A_3729 : memref<1x128x64xi32, #tpu.memory_space<vmem>> -> memref<128x64xi32, #tpu.memory_space<vmem>>
        %get3A_3731 = arith.index_cast %add3A_3726 : i32 to index
        %get3A_3732 = arith.constant 48 : index
        %get3A_3733 = tpu.vector_load %get3A_3730[%get3A_3731, %get3A_3732] {strides = array<i32>} : memref<128x64xi32, #tpu.memory_space<vmem>>, vector<16xi32>,
        %get3A_3734 = arith.constant 0 : i32
        %get3A_3735 = arith.constant 0 : i32
        %get3A_3736 = tpu.memref_slice %arg9[%and3A_2249, %get3A_3734, %get3A_3735] : memref<2x128x64xi32, #tpu.memory_space<vmem>> -> memref<1x128x64xi32, #tpu.memory_space<vmem>>
        %get3A_3737 = tpu.memref_squeeze %get3A_3736 : memref<1x128x64xi32, #tpu.memory_space<vmem>> -> memref<128x64xi32, #tpu.memory_space<vmem>>
        %get3A_3738 = arith.index_cast %add3A_3726 : i32 to index
        %get3A_3739 = arith.constant 48 : index
        %get3A_3740 = tpu.vector_load %get3A_3737[%get3A_3738, %get3A_3739] {strides = array<i32>} : memref<128x64xi32, #tpu.memory_space<vmem>>, vector<16xi32>,
        %bitcast3A_3741 = vector.bitcast %get3A_3733 : vector<16xi32> to vector<32xbf16>
        %bitcast3A_3742 = vector.bitcast %get3A_3740 : vector<16xi32> to vector<32xbf16>
        %mul3A_3743 = arith.mulf %bitcast3A_3741, %bitcast3A_3742 : vector<32xbf16>
        %bitcast3A_3744 = vector.bitcast %mul3A_3743 : vector<32xbf16> to vector<16xi32>
        %shift_left3A_3745 = arith.shli %bitcast3A_3744, %broadcast_in_dim3A_5 : vector<16xi32>
        %bitcast3A_3746 = vector.bitcast %shift_left3A_3745 : vector<16xi32> to vector<16xf32>
        %and3A_3747 = arith.andi %bitcast3A_3744, %broadcast_in_dim3A_3 : vector<16xi32>
        %bitcast3A_3748 = vector.bitcast %and3A_3747 : vector<16xi32> to vector<16xf32>
        %add3A_3749 = arith.addf %bitcast3A_3746, %bitcast3A_3748 : vector<16xf32>
        %add3A_3750 = arith.addf %add3A_3334, %add3A_3749 : vector<16xf32>
        %add3A_3751 = arith.constant 8 : i32
        %add3A_3752 = arith.addi %add3A_2307, %add3A_3751 : i32
        %get3A_3753 = arith.constant 0 : i32
        %get3A_3754 = arith.constant 0 : i32
        %get3A_3755 = tpu.memref_slice %arg8[%and3A_2249, %get3A_3753, %get3A_3754] : memref<2x128x64xi32, #tpu.memory_space<vmem>> -> memref<1x128x64xi32, #tpu.memory_space<vmem>>
        %get3A_3756 = tpu.memref_squeeze %get3A_3755 : memref<1x128x64xi32, #tpu.memory_space<vmem>> -> memref<128x64xi32, #tpu.memory_space<vmem>>
        %get3A_3757 = arith.index_cast %add3A_3752 : i32 to index
        %get3A_3758 = arith.constant 48 : index
        %get3A_3759 = tpu.vector_load %get3A_3756[%get3A_3757, %get3A_3758] {strides = array<i32>} : memref<128x64xi32, #tpu.memory_space<vmem>>, vector<16xi32>,
        %get3A_3760 = arith.constant 0 : i32
        %get3A_3761 = arith.constant 0 : i32
        %get3A_3762 = tpu.memref_slice %arg9[%and3A_2249, %get3A_3760, %get3A_3761] : memref<2x128x64xi32, #tpu.memory_space<vmem>> -> memref<1x128x64xi32, #tpu.memory_space<vmem>>
        %get3A_3763 = tpu.memref_squeeze %get3A_3762 : memref<1x128x64xi32, #tpu.memory_space<vmem>> -> memref<128x64xi32, #tpu.memory_space<vmem>>
        %get3A_3764 = arith.index_cast %add3A_3752 : i32 to index
        %get3A_3765 = arith.constant 48 : index
        %get3A_3766 = tpu.vector_load %get3A_3763[%get3A_3764, %get3A_3765] {strides = array<i32>} : memref<128x64xi32, #tpu.memory_space<vmem>>, vector<16xi32>,
        %bitcast3A_3767 = vector.bitcast %get3A_3759 : vector<16xi32> to vector<32xbf16>
        %bitcast3A_3768 = vector.bitcast %get3A_3766 : vector<16xi32> to vector<32xbf16>
        %mul3A_3769 = arith.mulf %bitcast3A_3767, %bitcast3A_3768 : vector<32xbf16>
        %bitcast3A_3770 = vector.bitcast %mul3A_3769 : vector<32xbf16> to vector<16xi32>
        %shift_left3A_3771 = arith.shli %bitcast3A_3770, %broadcast_in_dim3A_5 : vector<16xi32>
        %bitcast3A_3772 = vector.bitcast %shift_left3A_3771 : vector<16xi32> to vector<16xf32>
        %and3A_3773 = arith.andi %bitcast3A_3770, %broadcast_in_dim3A_3 : vector<16xi32>
        %bitcast3A_3774 = vector.bitcast %and3A_3773 : vector<16xi32> to vector<16xf32>
        %add3A_3775 = arith.addf %bitcast3A_3772, %bitcast3A_3774 : vector<16xf32>
        %add3A_3776 = arith.addf %add3A_3360, %add3A_3775 : vector<16xf32>
        %add3A_3777 = arith.constant 9 : i32
        %add3A_3778 = arith.addi %add3A_2307, %add3A_3777 : i32
        %get3A_3779 = arith.constant 0 : i32
        %get3A_3780 = arith.constant 0 : i32
        %get3A_3781 = tpu.memref_slice %arg8[%and3A_2249, %get3A_3779, %get3A_3780] : memref<2x128x64xi32, #tpu.memory_space<vmem>> -> memref<1x128x64xi32, #tpu.memory_space<vmem>>
        %get3A_3782 = tpu.memref_squeeze %get3A_3781 : memref<1x128x64xi32, #tpu.memory_space<vmem>> -> memref<128x64xi32, #tpu.memory_space<vmem>>
        %get3A_3783 = arith.index_cast %add3A_3778 : i32 to index
        %get3A_3784 = arith.constant 48 : index
        %get3A_3785 = tpu.vector_load %get3A_3782[%get3A_3783, %get3A_3784] {strides = array<i32>} : memref<128x64xi32, #tpu.memory_space<vmem>>, vector<16xi32>,
        %get3A_3786 = arith.constant 0 : i32
        %get3A_3787 = arith.constant 0 : i32
        %get3A_3788 = tpu.memref_slice %arg9[%and3A_2249, %get3A_3786, %get3A_3787] : memref<2x128x64xi32, #tpu.memory_space<vmem>> -> memref<1x128x64xi32, #tpu.memory_space<vmem>>
        %get3A_3789 = tpu.memref_squeeze %get3A_3788 : memref<1x128x64xi32, #tpu.memory_space<vmem>> -> memref<128x64xi32, #tpu.memory_space<vmem>>
        %get3A_3790 = arith.index_cast %add3A_3778 : i32 to index
        %get3A_3791 = arith.constant 48 : index
        %get3A_3792 = tpu.vector_load %get3A_3789[%get3A_3790, %get3A_3791] {strides = array<i32>} : memref<128x64xi32, #tpu.memory_space<vmem>>, vector<16xi32>,
        %bitcast3A_3793 = vector.bitcast %get3A_3785 : vector<16xi32> to vector<32xbf16>
        %bitcast3A_3794 = vector.bitcast %get3A_3792 : vector<16xi32> to vector<32xbf16>
        %mul3A_3795 = arith.mulf %bitcast3A_3793, %bitcast3A_3794 : vector<32xbf16>
        %bitcast3A_3796 = vector.bitcast %mul3A_3795 : vector<32xbf16> to vector<16xi32>
        %shift_left3A_3797 = arith.shli %bitcast3A_3796, %broadcast_in_dim3A_5 : vector<16xi32>
        %bitcast3A_3798 = vector.bitcast %shift_left3A_3797 : vector<16xi32> to vector<16xf32>
        %and3A_3799 = arith.andi %bitcast3A_3796, %broadcast_in_dim3A_3 : vector<16xi32>
        %bitcast3A_3800 = vector.bitcast %and3A_3799 : vector<16xi32> to vector<16xf32>
        %add3A_3801 = arith.addf %bitcast3A_3798, %bitcast3A_3800 : vector<16xf32>
        %add3A_3802 = arith.addf %add3A_3386, %add3A_3801 : vector<16xf32>
        %add3A_3803 = arith.constant 10 : i32
        %add3A_3804 = arith.addi %add3A_2307, %add3A_3803 : i32
        %get3A_3805 = arith.constant 0 : i32
        %get3A_3806 = arith.constant 0 : i32
        %get3A_3807 = tpu.memref_slice %arg8[%and3A_2249, %get3A_3805, %get3A_3806] : memref<2x128x64xi32, #tpu.memory_space<vmem>> -> memref<1x128x64xi32, #tpu.memory_space<vmem>>
        %get3A_3808 = tpu.memref_squeeze %get3A_3807 : memref<1x128x64xi32, #tpu.memory_space<vmem>> -> memref<128x64xi32, #tpu.memory_space<vmem>>
        %get3A_3809 = arith.index_cast %add3A_3804 : i32 to index
        %get3A_3810 = arith.constant 48 : index
        %get3A_3811 = tpu.vector_load %get3A_3808[%get3A_3809, %get3A_3810] {strides = array<i32>} : memref<128x64xi32, #tpu.memory_space<vmem>>, vector<16xi32>,
        %get3A_3812 = arith.constant 0 : i32
        %get3A_3813 = arith.constant 0 : i32
        %get3A_3814 = tpu.memref_slice %arg9[%and3A_2249, %get3A_3812, %get3A_3813] : memref<2x128x64xi32, #tpu.memory_space<vmem>> -> memref<1x128x64xi32, #tpu.memory_space<vmem>>
        %get3A_3815 = tpu.memref_squeeze %get3A_3814 : memref<1x128x64xi32, #tpu.memory_space<vmem>> -> memref<128x64xi32, #tpu.memory_space<vmem>>
        %get3A_3816 = arith.index_cast %add3A_3804 : i32 to index
        %get3A_3817 = arith.constant 48 : index
        %get3A_3818 = tpu.vector_load %get3A_3815[%get3A_3816, %get3A_3817] {strides = array<i32>} : memref<128x64xi32, #tpu.memory_space<vmem>>, vector<16xi32>,
        %bitcast3A_3819 = vector.bitcast %get3A_3811 : vector<16xi32> to vector<32xbf16>
        %bitcast3A_3820 = vector.bitcast %get3A_3818 : vector<16xi32> to vector<32xbf16>
        %mul3A_3821 = arith.mulf %bitcast3A_3819, %bitcast3A_3820 : vector<32xbf16>
        %bitcast3A_3822 = vector.bitcast %mul3A_3821 : vector<32xbf16> to vector<16xi32>
        %shift_left3A_3823 = arith.shli %bitcast3A_3822, %broadcast_in_dim3A_5 : vector<16xi32>
        %bitcast3A_3824 = vector.bitcast %shift_left3A_3823 : vector<16xi32> to vector<16xf32>
        %and3A_3825 = arith.andi %bitcast3A_3822, %broadcast_in_dim3A_3 : vector<16xi32>
        %bitcast3A_3826 = vector.bitcast %and3A_3825 : vector<16xi32> to vector<16xf32>
        %add3A_3827 = arith.addf %bitcast3A_3824, %bitcast3A_3826 : vector<16xf32>
        %add3A_3828 = arith.addf %add3A_3412, %add3A_3827 : vector<16xf32>
        %add3A_3829 = arith.constant 11 : i32
        %add3A_3830 = arith.addi %add3A_2307, %add3A_3829 : i32
        %get3A_3831 = arith.constant 0 : i32
        %get3A_3832 = arith.constant 0 : i32
        %get3A_3833 = tpu.memref_slice %arg8[%and3A_2249, %get3A_3831, %get3A_3832] : memref<2x128x64xi32, #tpu.memory_space<vmem>> -> memref<1x128x64xi32, #tpu.memory_space<vmem>>
        %get3A_3834 = tpu.memref_squeeze %get3A_3833 : memref<1x128x64xi32, #tpu.memory_space<vmem>> -> memref<128x64xi32, #tpu.memory_space<vmem>>
        %get3A_3835 = arith.index_cast %add3A_3830 : i32 to index
        %get3A_3836 = arith.constant 48 : index
        %get3A_3837 = tpu.vector_load %get3A_3834[%get3A_3835, %get3A_3836] {strides = array<i32>} : memref<128x64xi32, #tpu.memory_space<vmem>>, vector<16xi32>,
        %get3A_3838 = arith.constant 0 : i32
        %get3A_3839 = arith.constant 0 : i32
        %get3A_3840 = tpu.memref_slice %arg9[%and3A_2249, %get3A_3838, %get3A_3839] : memref<2x128x64xi32, #tpu.memory_space<vmem>> -> memref<1x128x64xi32, #tpu.memory_space<vmem>>
        %get3A_3841 = tpu.memref_squeeze %get3A_3840 : memref<1x128x64xi32, #tpu.memory_space<vmem>> -> memref<128x64xi32, #tpu.memory_space<vmem>>
        %get3A_3842 = arith.index_cast %add3A_3830 : i32 to index
        %get3A_3843 = arith.constant 48 : index
        %get3A_3844 = tpu.vector_load %get3A_3841[%get3A_3842, %get3A_3843] {strides = array<i32>} : memref<128x64xi32, #tpu.memory_space<vmem>>, vector<16xi32>,
        %bitcast3A_3845 = vector.bitcast %get3A_3837 : vector<16xi32> to vector<32xbf16>
        %bitcast3A_3846 = vector.bitcast %get3A_3844 : vector<16xi32> to vector<32xbf16>
        %mul3A_3847 = arith.mulf %bitcast3A_3845, %bitcast3A_3846 : vector<32xbf16>
        %bitcast3A_3848 = vector.bitcast %mul3A_3847 : vector<32xbf16> to vector<16xi32>
        %shift_left3A_3849 = arith.shli %bitcast3A_3848, %broadcast_in_dim3A_5 : vector<16xi32>
        %bitcast3A_3850 = vector.bitcast %shift_left3A_3849 : vector<16xi32> to vector<16xf32>
        %and3A_3851 = arith.andi %bitcast3A_3848, %broadcast_in_dim3A_3 : vector<16xi32>
        %bitcast3A_3852 = vector.bitcast %and3A_3851 : vector<16xi32> to vector<16xf32>
        %add3A_3853 = arith.addf %bitcast3A_3850, %bitcast3A_3852 : vector<16xf32>
        %add3A_3854 = arith.addf %add3A_3438, %add3A_3853 : vector<16xf32>
        %add3A_3855 = arith.constant 12 : i32
        %add3A_3856 = arith.addi %add3A_2307, %add3A_3855 : i32
        %get3A_3857 = arith.constant 0 : i32
        %get3A_3858 = arith.constant 0 : i32
        %get3A_3859 = tpu.memref_slice %arg8[%and3A_2249, %get3A_3857, %get3A_3858] : memref<2x128x64xi32, #tpu.memory_space<vmem>> -> memref<1x128x64xi32, #tpu.memory_space<vmem>>
        %get3A_3860 = tpu.memref_squeeze %get3A_3859 : memref<1x128x64xi32, #tpu.memory_space<vmem>> -> memref<128x64xi32, #tpu.memory_space<vmem>>
        %get3A_3861 = arith.index_cast %add3A_3856 : i32 to index
        %get3A_3862 = arith.constant 48 : index
        %get3A_3863 = tpu.vector_load %get3A_3860[%get3A_3861, %get3A_3862] {strides = array<i32>} : memref<128x64xi32, #tpu.memory_space<vmem>>, vector<16xi32>,
        %get3A_3864 = arith.constant 0 : i32
        %get3A_3865 = arith.constant 0 : i32
        %get3A_3866 = tpu.memref_slice %arg9[%and3A_2249, %get3A_3864, %get3A_3865] : memref<2x128x64xi32, #tpu.memory_space<vmem>> -> memref<1x128x64xi32, #tpu.memory_space<vmem>>
        %get3A_3867 = tpu.memref_squeeze %get3A_3866 : memref<1x128x64xi32, #tpu.memory_space<vmem>> -> memref<128x64xi32, #tpu.memory_space<vmem>>
        %get3A_3868 = arith.index_cast %add3A_3856 : i32 to index
        %get3A_3869 = arith.constant 48 : index
        %get3A_3870 = tpu.vector_load %get3A_3867[%get3A_3868, %get3A_3869] {strides = array<i32>} : memref<128x64xi32, #tpu.memory_space<vmem>>, vector<16xi32>,
        %bitcast3A_3871 = vector.bitcast %get3A_3863 : vector<16xi32> to vector<32xbf16>
        %bitcast3A_3872 = vector.bitcast %get3A_3870 : vector<16xi32> to vector<32xbf16>
        %mul3A_3873 = arith.mulf %bitcast3A_3871, %bitcast3A_3872 : vector<32xbf16>
        %bitcast3A_3874 = vector.bitcast %mul3A_3873 : vector<32xbf16> to vector<16xi32>
        %shift_left3A_3875 = arith.shli %bitcast3A_3874, %broadcast_in_dim3A_5 : vector<16xi32>
        %bitcast3A_3876 = vector.bitcast %shift_left3A_3875 : vector<16xi32> to vector<16xf32>
        %and3A_3877 = arith.andi %bitcast3A_3874, %broadcast_in_dim3A_3 : vector<16xi32>
        %bitcast3A_3878 = vector.bitcast %and3A_3877 : vector<16xi32> to vector<16xf32>
        %add3A_3879 = arith.addf %bitcast3A_3876, %bitcast3A_3878 : vector<16xf32>
        %add3A_3880 = arith.addf %add3A_3464, %add3A_3879 : vector<16xf32>
        %add3A_3881 = arith.constant 13 : i32
        %add3A_3882 = arith.addi %add3A_2307, %add3A_3881 : i32
        %get3A_3883 = arith.constant 0 : i32
        %get3A_3884 = arith.constant 0 : i32
        %get3A_3885 = tpu.memref_slice %arg8[%and3A_2249, %get3A_3883, %get3A_3884] : memref<2x128x64xi32, #tpu.memory_space<vmem>> -> memref<1x128x64xi32, #tpu.memory_space<vmem>>
        %get3A_3886 = tpu.memref_squeeze %get3A_3885 : memref<1x128x64xi32, #tpu.memory_space<vmem>> -> memref<128x64xi32, #tpu.memory_space<vmem>>
        %get3A_3887 = arith.index_cast %add3A_3882 : i32 to index
        %get3A_3888 = arith.constant 48 : index
        %get3A_3889 = tpu.vector_load %get3A_3886[%get3A_3887, %get3A_3888] {strides = array<i32>} : memref<128x64xi32, #tpu.memory_space<vmem>>, vector<16xi32>,
        %get3A_3890 = arith.constant 0 : i32
        %get3A_3891 = arith.constant 0 : i32
        %get3A_3892 = tpu.memref_slice %arg9[%and3A_2249, %get3A_3890, %get3A_3891] : memref<2x128x64xi32, #tpu.memory_space<vmem>> -> memref<1x128x64xi32, #tpu.memory_space<vmem>>
        %get3A_3893 = tpu.memref_squeeze %get3A_3892 : memref<1x128x64xi32, #tpu.memory_space<vmem>> -> memref<128x64xi32, #tpu.memory_space<vmem>>
        %get3A_3894 = arith.index_cast %add3A_3882 : i32 to index
        %get3A_3895 = arith.constant 48 : index
        %get3A_3896 = tpu.vector_load %get3A_3893[%get3A_3894, %get3A_3895] {strides = array<i32>} : memref<128x64xi32, #tpu.memory_space<vmem>>, vector<16xi32>,
        %bitcast3A_3897 = vector.bitcast %get3A_3889 : vector<16xi32> to vector<32xbf16>
        %bitcast3A_3898 = vector.bitcast %get3A_3896 : vector<16xi32> to vector<32xbf16>
        %mul3A_3899 = arith.mulf %bitcast3A_3897, %bitcast3A_3898 : vector<32xbf16>
        %bitcast3A_3900 = vector.bitcast %mul3A_3899 : vector<32xbf16> to vector<16xi32>
        %shift_left3A_3901 = arith.shli %bitcast3A_3900, %broadcast_in_dim3A_5 : vector<16xi32>
        %bitcast3A_3902 = vector.bitcast %shift_left3A_3901 : vector<16xi32> to vector<16xf32>
        %and3A_3903 = arith.andi %bitcast3A_3900, %broadcast_in_dim3A_3 : vector<16xi32>
        %bitcast3A_3904 = vector.bitcast %and3A_3903 : vector<16xi32> to vector<16xf32>
        %add3A_3905 = arith.addf %bitcast3A_3902, %bitcast3A_3904 : vector<16xf32>
        %add3A_3906 = arith.addf %add3A_3490, %add3A_3905 : vector<16xf32>
        %add3A_3907 = arith.constant 14 : i32
        %add3A_3908 = arith.addi %add3A_2307, %add3A_3907 : i32
        %get3A_3909 = arith.constant 0 : i32
        %get3A_3910 = arith.constant 0 : i32
        %get3A_3911 = tpu.memref_slice %arg8[%and3A_2249, %get3A_3909, %get3A_3910] : memref<2x128x64xi32, #tpu.memory_space<vmem>> -> memref<1x128x64xi32, #tpu.memory_space<vmem>>
        %get3A_3912 = tpu.memref_squeeze %get3A_3911 : memref<1x128x64xi32, #tpu.memory_space<vmem>> -> memref<128x64xi32, #tpu.memory_space<vmem>>
        %get3A_3913 = arith.index_cast %add3A_3908 : i32 to index
        %get3A_3914 = arith.constant 48 : index
        %get3A_3915 = tpu.vector_load %get3A_3912[%get3A_3913, %get3A_3914] {strides = array<i32>} : memref<128x64xi32, #tpu.memory_space<vmem>>, vector<16xi32>,
        %get3A_3916 = arith.constant 0 : i32
        %get3A_3917 = arith.constant 0 : i32
        %get3A_3918 = tpu.memref_slice %arg9[%and3A_2249, %get3A_3916, %get3A_3917] : memref<2x128x64xi32, #tpu.memory_space<vmem>> -> memref<1x128x64xi32, #tpu.memory_space<vmem>>
        %get3A_3919 = tpu.memref_squeeze %get3A_3918 : memref<1x128x64xi32, #tpu.memory_space<vmem>> -> memref<128x64xi32, #tpu.memory_space<vmem>>
        %get3A_3920 = arith.index_cast %add3A_3908 : i32 to index
        %get3A_3921 = arith.constant 48 : index
        %get3A_3922 = tpu.vector_load %get3A_3919[%get3A_3920, %get3A_3921] {strides = array<i32>} : memref<128x64xi32, #tpu.memory_space<vmem>>, vector<16xi32>,
        %bitcast3A_3923 = vector.bitcast %get3A_3915 : vector<16xi32> to vector<32xbf16>
        %bitcast3A_3924 = vector.bitcast %get3A_3922 : vector<16xi32> to vector<32xbf16>
        %mul3A_3925 = arith.mulf %bitcast3A_3923, %bitcast3A_3924 : vector<32xbf16>
        %bitcast3A_3926 = vector.bitcast %mul3A_3925 : vector<32xbf16> to vector<16xi32>
        %shift_left3A_3927 = arith.shli %bitcast3A_3926, %broadcast_in_dim3A_5 : vector<16xi32>
        %bitcast3A_3928 = vector.bitcast %shift_left3A_3927 : vector<16xi32> to vector<16xf32>
        %and3A_3929 = arith.andi %bitcast3A_3926, %broadcast_in_dim3A_3 : vector<16xi32>
        %bitcast3A_3930 = vector.bitcast %and3A_3929 : vector<16xi32> to vector<16xf32>
        %add3A_3931 = arith.addf %bitcast3A_3928, %bitcast3A_3930 : vector<16xf32>
        %add3A_3932 = arith.addf %add3A_3516, %add3A_3931 : vector<16xf32>
        %add3A_3933 = arith.constant 15 : i32
        %add3A_3934 = arith.addi %add3A_2307, %add3A_3933 : i32
        %get3A_3935 = arith.constant 0 : i32
        %get3A_3936 = arith.constant 0 : i32
        %get3A_3937 = tpu.memref_slice %arg8[%and3A_2249, %get3A_3935, %get3A_3936] : memref<2x128x64xi32, #tpu.memory_space<vmem>> -> memref<1x128x64xi32, #tpu.memory_space<vmem>>
        %get3A_3938 = tpu.memref_squeeze %get3A_3937 : memref<1x128x64xi32, #tpu.memory_space<vmem>> -> memref<128x64xi32, #tpu.memory_space<vmem>>
        %get3A_3939 = arith.index_cast %add3A_3934 : i32 to index
        %get3A_3940 = arith.constant 48 : index
        %get3A_3941 = tpu.vector_load %get3A_3938[%get3A_3939, %get3A_3940] {strides = array<i32>} : memref<128x64xi32, #tpu.memory_space<vmem>>, vector<16xi32>,
        %get3A_3942 = arith.constant 0 : i32
        %get3A_3943 = arith.constant 0 : i32
        %get3A_3944 = tpu.memref_slice %arg9[%and3A_2249, %get3A_3942, %get3A_3943] : memref<2x128x64xi32, #tpu.memory_space<vmem>> -> memref<1x128x64xi32, #tpu.memory_space<vmem>>
        %get3A_3945 = tpu.memref_squeeze %get3A_3944 : memref<1x128x64xi32, #tpu.memory_space<vmem>> -> memref<128x64xi32, #tpu.memory_space<vmem>>
        %get3A_3946 = arith.index_cast %add3A_3934 : i32 to index
        %get3A_3947 = arith.constant 48 : index
        %get3A_3948 = tpu.vector_load %get3A_3945[%get3A_3946, %get3A_3947] {strides = array<i32>} : memref<128x64xi32, #tpu.memory_space<vmem>>, vector<16xi32>,
        %bitcast3A_3949 = vector.bitcast %get3A_3941 : vector<16xi32> to vector<32xbf16>
        %bitcast3A_3950 = vector.bitcast %get3A_3948 : vector<16xi32> to vector<32xbf16>
        %mul3A_3951 = arith.mulf %bitcast3A_3949, %bitcast3A_3950 : vector<32xbf16>
        %bitcast3A_3952 = vector.bitcast %mul3A_3951 : vector<32xbf16> to vector<16xi32>
        %shift_left3A_3953 = arith.shli %bitcast3A_3952, %broadcast_in_dim3A_5 : vector<16xi32>
        %bitcast3A_3954 = vector.bitcast %shift_left3A_3953 : vector<16xi32> to vector<16xf32>
        %and3A_3955 = arith.andi %bitcast3A_3952, %broadcast_in_dim3A_3 : vector<16xi32>
        %bitcast3A_3956 = vector.bitcast %and3A_3955 : vector<16xi32> to vector<16xf32>
        %add3A_3957 = arith.addf %bitcast3A_3954, %bitcast3A_3956 : vector<16xf32>
        %add3A_3958 = arith.addf %add3A_3542, %add3A_3957 : vector<16xf32>
        %and3A_3959 = arith.constant 1 : i32
        %and3A_3960 = vector.broadcast %and3A_3959 : i32 to vector<16xi32>
        %and3A_3961 = arith.andi %iota3A, %and3A_3960 : vector<16xi32>
        %eq3A_3962 = arith.constant 0 : i32
        %eq3A_3963 = vector.broadcast %eq3A_3962 : i32 to vector<16xi32>
        %eq3A_3964 = arith.cmpi eq, %and3A_3961, %eq3A_3963 : vector<16xi32>
        %xor3A_3965 = arith.constant 1 : i32
        %xor3A_3966 = vector.broadcast %xor3A_3965 : i32 to vector<16xi32>
        %xor3A_3967 = arith.xori %iota3A, %xor3A_3966 : vector<16xi32>
        %broadcast_in_dim3A_3968 = vector.shape_cast %xor3A_3967 : vector<16xi32> to vector<16x1xi32>
        %gather3A_3969 = vector.shape_cast %broadcast_in_dim3A_3968 : vector<16x1xi32> to vector<16xi32>
        %gather3A_3970 = tpu.dynamic_gather %add3A_3568[%gather3A_3969] in [0] : vector<16xf32>, vector<16xi32> -> vector<16xf32>
        %add3A_3971 = arith.addf %add3A_3568, %gather3A_3970 : vector<16xf32>
        %xor3A_3972 = arith.constant 1 : i32
        %xor3A_3973 = vector.broadcast %xor3A_3972 : i32 to vector<16xi32>
        %xor3A_3974 = arith.xori %iota3A, %xor3A_3973 : vector<16xi32>
        %broadcast_in_dim3A_3975 = vector.shape_cast %xor3A_3974 : vector<16xi32> to vector<16x1xi32>
        %gather3A_3976 = vector.shape_cast %broadcast_in_dim3A_3975 : vector<16x1xi32> to vector<16xi32>
        %gather3A_3977 = tpu.dynamic_gather %add3A_3594[%gather3A_3976] in [0] : vector<16xf32>, vector<16xi32> -> vector<16xf32>
        %add3A_3978 = arith.addf %add3A_3594, %gather3A_3977 : vector<16xf32>
        %select_n3A_3979 = arith.select %eq3A_3964, %add3A_3971, %add3A_3978 : vector<16xi1>, vector<16xf32>
        %and3A_3980 = arith.constant 1 : i32
        %and3A_3981 = vector.broadcast %and3A_3980 : i32 to vector<16xi32>
        %and3A_3982 = arith.andi %iota3A, %and3A_3981 : vector<16xi32>
        %eq3A_3983 = arith.constant 0 : i32
        %eq3A_3984 = vector.broadcast %eq3A_3983 : i32 to vector<16xi32>
        %eq3A_3985 = arith.cmpi eq, %and3A_3982, %eq3A_3984 : vector<16xi32>
        %xor3A_3986 = arith.constant 1 : i32
        %xor3A_3987 = vector.broadcast %xor3A_3986 : i32 to vector<16xi32>
        %xor3A_3988 = arith.xori %iota3A, %xor3A_3987 : vector<16xi32>
        %broadcast_in_dim3A_3989 = vector.shape_cast %xor3A_3988 : vector<16xi32> to vector<16x1xi32>
        %gather3A_3990 = vector.shape_cast %broadcast_in_dim3A_3989 : vector<16x1xi32> to vector<16xi32>
        %gather3A_3991 = tpu.dynamic_gather %add3A_3620[%gather3A_3990] in [0] : vector<16xf32>, vector<16xi32> -> vector<16xf32>
        %add3A_3992 = arith.addf %add3A_3620, %gather3A_3991 : vector<16xf32>
        %xor3A_3993 = arith.constant 1 : i32
        %xor3A_3994 = vector.broadcast %xor3A_3993 : i32 to vector<16xi32>
        %xor3A_3995 = arith.xori %iota3A, %xor3A_3994 : vector<16xi32>
        %broadcast_in_dim3A_3996 = vector.shape_cast %xor3A_3995 : vector<16xi32> to vector<16x1xi32>
        %gather3A_3997 = vector.shape_cast %broadcast_in_dim3A_3996 : vector<16x1xi32> to vector<16xi32>
        %gather3A_3998 = tpu.dynamic_gather %add3A_3646[%gather3A_3997] in [0] : vector<16xf32>, vector<16xi32> -> vector<16xf32>
        %add3A_3999 = arith.addf %add3A_3646, %gather3A_3998 : vector<16xf32>
        %select_n3A_4000 = arith.select %eq3A_3985, %add3A_3992, %add3A_3999 : vector<16xi1>, vector<16xf32>
        %and3A_4001 = arith.constant 1 : i32
        %and3A_4002 = vector.broadcast %and3A_4001 : i32 to vector<16xi32>
        %and3A_4003 = arith.andi %iota3A, %and3A_4002 : vector<16xi32>
        %eq3A_4004 = arith.constant 0 : i32
        %eq3A_4005 = vector.broadcast %eq3A_4004 : i32 to vector<16xi32>
        %eq3A_4006 = arith.cmpi eq, %and3A_4003, %eq3A_4005 : vector<16xi32>
        %xor3A_4007 = arith.constant 1 : i32
        %xor3A_4008 = vector.broadcast %xor3A_4007 : i32 to vector<16xi32>
        %xor3A_4009 = arith.xori %iota3A, %xor3A_4008 : vector<16xi32>
        %broadcast_in_dim3A_4010 = vector.shape_cast %xor3A_4009 : vector<16xi32> to vector<16x1xi32>
        %gather3A_4011 = vector.shape_cast %broadcast_in_dim3A_4010 : vector<16x1xi32> to vector<16xi32>
        %gather3A_4012 = tpu.dynamic_gather %add3A_3672[%gather3A_4011] in [0] : vector<16xf32>, vector<16xi32> -> vector<16xf32>
        %add3A_4013 = arith.addf %add3A_3672, %gather3A_4012 : vector<16xf32>
        %xor3A_4014 = arith.constant 1 : i32
        %xor3A_4015 = vector.broadcast %xor3A_4014 : i32 to vector<16xi32>
        %xor3A_4016 = arith.xori %iota3A, %xor3A_4015 : vector<16xi32>
        %broadcast_in_dim3A_4017 = vector.shape_cast %xor3A_4016 : vector<16xi32> to vector<16x1xi32>
        %gather3A_4018 = vector.shape_cast %broadcast_in_dim3A_4017 : vector<16x1xi32> to vector<16xi32>
        %gather3A_4019 = tpu.dynamic_gather %add3A_3698[%gather3A_4018] in [0] : vector<16xf32>, vector<16xi32> -> vector<16xf32>
        %add3A_4020 = arith.addf %add3A_3698, %gather3A_4019 : vector<16xf32>
        %select_n3A_4021 = arith.select %eq3A_4006, %add3A_4013, %add3A_4020 : vector<16xi1>, vector<16xf32>
        %and3A_4022 = arith.constant 1 : i32
        %and3A_4023 = vector.broadcast %and3A_4022 : i32 to vector<16xi32>
        %and3A_4024 = arith.andi %iota3A, %and3A_4023 : vector<16xi32>
        %eq3A_4025 = arith.constant 0 : i32
        %eq3A_4026 = vector.broadcast %eq3A_4025 : i32 to vector<16xi32>
        %eq3A_4027 = arith.cmpi eq, %and3A_4024, %eq3A_4026 : vector<16xi32>
        %xor3A_4028 = arith.constant 1 : i32
        %xor3A_4029 = vector.broadcast %xor3A_4028 : i32 to vector<16xi32>
        %xor3A_4030 = arith.xori %iota3A, %xor3A_4029 : vector<16xi32>
        %broadcast_in_dim3A_4031 = vector.shape_cast %xor3A_4030 : vector<16xi32> to vector<16x1xi32>
        %gather3A_4032 = vector.shape_cast %broadcast_in_dim3A_4031 : vector<16x1xi32> to vector<16xi32>
        %gather3A_4033 = tpu.dynamic_gather %add3A_3724[%gather3A_4032] in [0] : vector<16xf32>, vector<16xi32> -> vector<16xf32>
        %add3A_4034 = arith.addf %add3A_3724, %gather3A_4033 : vector<16xf32>
        %xor3A_4035 = arith.constant 1 : i32
        %xor3A_4036 = vector.broadcast %xor3A_4035 : i32 to vector<16xi32>
        %xor3A_4037 = arith.xori %iota3A, %xor3A_4036 : vector<16xi32>
        %broadcast_in_dim3A_4038 = vector.shape_cast %xor3A_4037 : vector<16xi32> to vector<16x1xi32>
        %gather3A_4039 = vector.shape_cast %broadcast_in_dim3A_4038 : vector<16x1xi32> to vector<16xi32>
        %gather3A_4040 = tpu.dynamic_gather %add3A_3750[%gather3A_4039] in [0] : vector<16xf32>, vector<16xi32> -> vector<16xf32>
        %add3A_4041 = arith.addf %add3A_3750, %gather3A_4040 : vector<16xf32>
        %select_n3A_4042 = arith.select %eq3A_4027, %add3A_4034, %add3A_4041 : vector<16xi1>, vector<16xf32>
        %and3A_4043 = arith.constant 1 : i32
        %and3A_4044 = vector.broadcast %and3A_4043 : i32 to vector<16xi32>
        %and3A_4045 = arith.andi %iota3A, %and3A_4044 : vector<16xi32>
        %eq3A_4046 = arith.constant 0 : i32
        %eq3A_4047 = vector.broadcast %eq3A_4046 : i32 to vector<16xi32>
        %eq3A_4048 = arith.cmpi eq, %and3A_4045, %eq3A_4047 : vector<16xi32>
        %xor3A_4049 = arith.constant 1 : i32
        %xor3A_4050 = vector.broadcast %xor3A_4049 : i32 to vector<16xi32>
        %xor3A_4051 = arith.xori %iota3A, %xor3A_4050 : vector<16xi32>
        %broadcast_in_dim3A_4052 = vector.shape_cast %xor3A_4051 : vector<16xi32> to vector<16x1xi32>
        %gather3A_4053 = vector.shape_cast %broadcast_in_dim3A_4052 : vector<16x1xi32> to vector<16xi32>
        %gather3A_4054 = tpu.dynamic_gather %add3A_3776[%gather3A_4053] in [0] : vector<16xf32>, vector<16xi32> -> vector<16xf32>
        %add3A_4055 = arith.addf %add3A_3776, %gather3A_4054 : vector<16xf32>
        %xor3A_4056 = arith.constant 1 : i32
        %xor3A_4057 = vector.broadcast %xor3A_4056 : i32 to vector<16xi32>
        %xor3A_4058 = arith.xori %iota3A, %xor3A_4057 : vector<16xi32>
        %broadcast_in_dim3A_4059 = vector.shape_cast %xor3A_4058 : vector<16xi32> to vector<16x1xi32>
        %gather3A_4060 = vector.shape_cast %broadcast_in_dim3A_4059 : vector<16x1xi32> to vector<16xi32>
        %gather3A_4061 = tpu.dynamic_gather %add3A_3802[%gather3A_4060] in [0] : vector<16xf32>, vector<16xi32> -> vector<16xf32>
        %add3A_4062 = arith.addf %add3A_3802, %gather3A_4061 : vector<16xf32>
        %select_n3A_4063 = arith.select %eq3A_4048, %add3A_4055, %add3A_4062 : vector<16xi1>, vector<16xf32>
        %and3A_4064 = arith.constant 1 : i32
        %and3A_4065 = vector.broadcast %and3A_4064 : i32 to vector<16xi32>
        %and3A_4066 = arith.andi %iota3A, %and3A_4065 : vector<16xi32>
        %eq3A_4067 = arith.constant 0 : i32
        %eq3A_4068 = vector.broadcast %eq3A_4067 : i32 to vector<16xi32>
        %eq3A_4069 = arith.cmpi eq, %and3A_4066, %eq3A_4068 : vector<16xi32>
        %xor3A_4070 = arith.constant 1 : i32
        %xor3A_4071 = vector.broadcast %xor3A_4070 : i32 to vector<16xi32>
        %xor3A_4072 = arith.xori %iota3A, %xor3A_4071 : vector<16xi32>
        %broadcast_in_dim3A_4073 = vector.shape_cast %xor3A_4072 : vector<16xi32> to vector<16x1xi32>
        %gather3A_4074 = vector.shape_cast %broadcast_in_dim3A_4073 : vector<16x1xi32> to vector<16xi32>
        %gather3A_4075 = tpu.dynamic_gather %add3A_3828[%gather3A_4074] in [0] : vector<16xf32>, vector<16xi32> -> vector<16xf32>
        %add3A_4076 = arith.addf %add3A_3828, %gather3A_4075 : vector<16xf32>
        %xor3A_4077 = arith.constant 1 : i32
        %xor3A_4078 = vector.broadcast %xor3A_4077 : i32 to vector<16xi32>
        %xor3A_4079 = arith.xori %iota3A, %xor3A_4078 : vector<16xi32>
        %broadcast_in_dim3A_4080 = vector.shape_cast %xor3A_4079 : vector<16xi32> to vector<16x1xi32>
        %gather3A_4081 = vector.shape_cast %broadcast_in_dim3A_4080 : vector<16x1xi32> to vector<16xi32>
        %gather3A_4082 = tpu.dynamic_gather %add3A_3854[%gather3A_4081] in [0] : vector<16xf32>, vector<16xi32> -> vector<16xf32>
        %add3A_4083 = arith.addf %add3A_3854, %gather3A_4082 : vector<16xf32>
        %select_n3A_4084 = arith.select %eq3A_4069, %add3A_4076, %add3A_4083 : vector<16xi1>, vector<16xf32>
        %and3A_4085 = arith.constant 1 : i32
        %and3A_4086 = vector.broadcast %and3A_4085 : i32 to vector<16xi32>
        %and3A_4087 = arith.andi %iota3A, %and3A_4086 : vector<16xi32>
        %eq3A_4088 = arith.constant 0 : i32
        %eq3A_4089 = vector.broadcast %eq3A_4088 : i32 to vector<16xi32>
        %eq3A_4090 = arith.cmpi eq, %and3A_4087, %eq3A_4089 : vector<16xi32>
        %xor3A_4091 = arith.constant 1 : i32
        %xor3A_4092 = vector.broadcast %xor3A_4091 : i32 to vector<16xi32>
        %xor3A_4093 = arith.xori %iota3A, %xor3A_4092 : vector<16xi32>
        %broadcast_in_dim3A_4094 = vector.shape_cast %xor3A_4093 : vector<16xi32> to vector<16x1xi32>
        %gather3A_4095 = vector.shape_cast %broadcast_in_dim3A_4094 : vector<16x1xi32> to vector<16xi32>
        %gather3A_4096 = tpu.dynamic_gather %add3A_3880[%gather3A_4095] in [0] : vector<16xf32>, vector<16xi32> -> vector<16xf32>
        %add3A_4097 = arith.addf %add3A_3880, %gather3A_4096 : vector<16xf32>
        %xor3A_4098 = arith.constant 1 : i32
        %xor3A_4099 = vector.broadcast %xor3A_4098 : i32 to vector<16xi32>
        %xor3A_4100 = arith.xori %iota3A, %xor3A_4099 : vector<16xi32>
        %broadcast_in_dim3A_4101 = vector.shape_cast %xor3A_4100 : vector<16xi32> to vector<16x1xi32>
        %gather3A_4102 = vector.shape_cast %broadcast_in_dim3A_4101 : vector<16x1xi32> to vector<16xi32>
        %gather3A_4103 = tpu.dynamic_gather %add3A_3906[%gather3A_4102] in [0] : vector<16xf32>, vector<16xi32> -> vector<16xf32>
        %add3A_4104 = arith.addf %add3A_3906, %gather3A_4103 : vector<16xf32>
        %select_n3A_4105 = arith.select %eq3A_4090, %add3A_4097, %add3A_4104 : vector<16xi1>, vector<16xf32>
        %and3A_4106 = arith.constant 1 : i32
        %and3A_4107 = vector.broadcast %and3A_4106 : i32 to vector<16xi32>
        %and3A_4108 = arith.andi %iota3A, %and3A_4107 : vector<16xi32>
        %eq3A_4109 = arith.constant 0 : i32
        %eq3A_4110 = vector.broadcast %eq3A_4109 : i32 to vector<16xi32>
        %eq3A_4111 = arith.cmpi eq, %and3A_4108, %eq3A_4110 : vector<16xi32>
        %xor3A_4112 = arith.constant 1 : i32
        %xor3A_4113 = vector.broadcast %xor3A_4112 : i32 to vector<16xi32>
        %xor3A_4114 = arith.xori %iota3A, %xor3A_4113 : vector<16xi32>
        %broadcast_in_dim3A_4115 = vector.shape_cast %xor3A_4114 : vector<16xi32> to vector<16x1xi32>
        %gather3A_4116 = vector.shape_cast %broadcast_in_dim3A_4115 : vector<16x1xi32> to vector<16xi32>
        %gather3A_4117 = tpu.dynamic_gather %add3A_3932[%gather3A_4116] in [0] : vector<16xf32>, vector<16xi32> -> vector<16xf32>
        %add3A_4118 = arith.addf %add3A_3932, %gather3A_4117 : vector<16xf32>
        %xor3A_4119 = arith.constant 1 : i32
        %xor3A_4120 = vector.broadcast %xor3A_4119 : i32 to vector<16xi32>
        %xor3A_4121 = arith.xori %iota3A, %xor3A_4120 : vector<16xi32>
        %broadcast_in_dim3A_4122 = vector.shape_cast %xor3A_4121 : vector<16xi32> to vector<16x1xi32>
        %gather3A_4123 = vector.shape_cast %broadcast_in_dim3A_4122 : vector<16x1xi32> to vector<16xi32>
        %gather3A_4124 = tpu.dynamic_gather %add3A_3958[%gather3A_4123] in [0] : vector<16xf32>, vector<16xi32> -> vector<16xf32>
        %add3A_4125 = arith.addf %add3A_3958, %gather3A_4124 : vector<16xf32>
        %select_n3A_4126 = arith.select %eq3A_4111, %add3A_4118, %add3A_4125 : vector<16xi1>, vector<16xf32>
        %and3A_4127 = arith.constant 2 : i32
        %and3A_4128 = vector.broadcast %and3A_4127 : i32 to vector<16xi32>
        %and3A_4129 = arith.andi %iota3A, %and3A_4128 : vector<16xi32>
        %eq3A_4130 = arith.constant 0 : i32
        %eq3A_4131 = vector.broadcast %eq3A_4130 : i32 to vector<16xi32>
        %eq3A_4132 = arith.cmpi eq, %and3A_4129, %eq3A_4131 : vector<16xi32>
        %xor3A_4133 = arith.constant 2 : i32
        %xor3A_4134 = vector.broadcast %xor3A_4133 : i32 to vector<16xi32>
        %xor3A_4135 = arith.xori %iota3A, %xor3A_4134 : vector<16xi32>
        %broadcast_in_dim3A_4136 = vector.shape_cast %xor3A_4135 : vector<16xi32> to vector<16x1xi32>
        %gather3A_4137 = vector.shape_cast %broadcast_in_dim3A_4136 : vector<16x1xi32> to vector<16xi32>
        %gather3A_4138 = tpu.dynamic_gather %select_n3A_3979[%gather3A_4137] in [0] : vector<16xf32>, vector<16xi32> -> vector<16xf32>
        %add3A_4139 = arith.addf %select_n3A_3979, %gather3A_4138 : vector<16xf32>
        %xor3A_4140 = arith.constant 2 : i32
        %xor3A_4141 = vector.broadcast %xor3A_4140 : i32 to vector<16xi32>
        %xor3A_4142 = arith.xori %iota3A, %xor3A_4141 : vector<16xi32>
        %broadcast_in_dim3A_4143 = vector.shape_cast %xor3A_4142 : vector<16xi32> to vector<16x1xi32>
        %gather3A_4144 = vector.shape_cast %broadcast_in_dim3A_4143 : vector<16x1xi32> to vector<16xi32>
        %gather3A_4145 = tpu.dynamic_gather %select_n3A_4000[%gather3A_4144] in [0] : vector<16xf32>, vector<16xi32> -> vector<16xf32>
        %add3A_4146 = arith.addf %select_n3A_4000, %gather3A_4145 : vector<16xf32>
        %select_n3A_4147 = arith.select %eq3A_4132, %add3A_4139, %add3A_4146 : vector<16xi1>, vector<16xf32>
        %and3A_4148 = arith.constant 2 : i32
        %and3A_4149 = vector.broadcast %and3A_4148 : i32 to vector<16xi32>
        %and3A_4150 = arith.andi %iota3A, %and3A_4149 : vector<16xi32>
        %eq3A_4151 = arith.constant 0 : i32
        %eq3A_4152 = vector.broadcast %eq3A_4151 : i32 to vector<16xi32>
        %eq3A_4153 = arith.cmpi eq, %and3A_4150, %eq3A_4152 : vector<16xi32>
        %xor3A_4154 = arith.constant 2 : i32
        %xor3A_4155 = vector.broadcast %xor3A_4154 : i32 to vector<16xi32>
        %xor3A_4156 = arith.xori %iota3A, %xor3A_4155 : vector<16xi32>
        %broadcast_in_dim3A_4157 = vector.shape_cast %xor3A_4156 : vector<16xi32> to vector<16x1xi32>
        %gather3A_4158 = vector.shape_cast %broadcast_in_dim3A_4157 : vector<16x1xi32> to vector<16xi32>
        %gather3A_4159 = tpu.dynamic_gather %select_n3A_4021[%gather3A_4158] in [0] : vector<16xf32>, vector<16xi32> -> vector<16xf32>
        %add3A_4160 = arith.addf %select_n3A_4021, %gather3A_4159 : vector<16xf32>
        %xor3A_4161 = arith.constant 2 : i32
        %xor3A_4162 = vector.broadcast %xor3A_4161 : i32 to vector<16xi32>
        %xor3A_4163 = arith.xori %iota3A, %xor3A_4162 : vector<16xi32>
        %broadcast_in_dim3A_4164 = vector.shape_cast %xor3A_4163 : vector<16xi32> to vector<16x1xi32>
        %gather3A_4165 = vector.shape_cast %broadcast_in_dim3A_4164 : vector<16x1xi32> to vector<16xi32>
        %gather3A_4166 = tpu.dynamic_gather %select_n3A_4042[%gather3A_4165] in [0] : vector<16xf32>, vector<16xi32> -> vector<16xf32>
        %add3A_4167 = arith.addf %select_n3A_4042, %gather3A_4166 : vector<16xf32>
        %select_n3A_4168 = arith.select %eq3A_4153, %add3A_4160, %add3A_4167 : vector<16xi1>, vector<16xf32>
        %and3A_4169 = arith.constant 2 : i32
        %and3A_4170 = vector.broadcast %and3A_4169 : i32 to vector<16xi32>
        %and3A_4171 = arith.andi %iota3A, %and3A_4170 : vector<16xi32>
        %eq3A_4172 = arith.constant 0 : i32
        %eq3A_4173 = vector.broadcast %eq3A_4172 : i32 to vector<16xi32>
        %eq3A_4174 = arith.cmpi eq, %and3A_4171, %eq3A_4173 : vector<16xi32>
        %xor3A_4175 = arith.constant 2 : i32
        %xor3A_4176 = vector.broadcast %xor3A_4175 : i32 to vector<16xi32>
        %xor3A_4177 = arith.xori %iota3A, %xor3A_4176 : vector<16xi32>
        %broadcast_in_dim3A_4178 = vector.shape_cast %xor3A_4177 : vector<16xi32> to vector<16x1xi32>
        %gather3A_4179 = vector.shape_cast %broadcast_in_dim3A_4178 : vector<16x1xi32> to vector<16xi32>
        %gather3A_4180 = tpu.dynamic_gather %select_n3A_4063[%gather3A_4179] in [0] : vector<16xf32>, vector<16xi32> -> vector<16xf32>
        %add3A_4181 = arith.addf %select_n3A_4063, %gather3A_4180 : vector<16xf32>
        %xor3A_4182 = arith.constant 2 : i32
        %xor3A_4183 = vector.broadcast %xor3A_4182 : i32 to vector<16xi32>
        %xor3A_4184 = arith.xori %iota3A, %xor3A_4183 : vector<16xi32>
        %broadcast_in_dim3A_4185 = vector.shape_cast %xor3A_4184 : vector<16xi32> to vector<16x1xi32>
        %gather3A_4186 = vector.shape_cast %broadcast_in_dim3A_4185 : vector<16x1xi32> to vector<16xi32>
        %gather3A_4187 = tpu.dynamic_gather %select_n3A_4084[%gather3A_4186] in [0] : vector<16xf32>, vector<16xi32> -> vector<16xf32>
        %add3A_4188 = arith.addf %select_n3A_4084, %gather3A_4187 : vector<16xf32>
        %select_n3A_4189 = arith.select %eq3A_4174, %add3A_4181, %add3A_4188 : vector<16xi1>, vector<16xf32>
        %and3A_4190 = arith.constant 2 : i32
        %and3A_4191 = vector.broadcast %and3A_4190 : i32 to vector<16xi32>
        %and3A_4192 = arith.andi %iota3A, %and3A_4191 : vector<16xi32>
        %eq3A_4193 = arith.constant 0 : i32
        %eq3A_4194 = vector.broadcast %eq3A_4193 : i32 to vector<16xi32>
        %eq3A_4195 = arith.cmpi eq, %and3A_4192, %eq3A_4194 : vector<16xi32>
        %xor3A_4196 = arith.constant 2 : i32
        %xor3A_4197 = vector.broadcast %xor3A_4196 : i32 to vector<16xi32>
        %xor3A_4198 = arith.xori %iota3A, %xor3A_4197 : vector<16xi32>
        %broadcast_in_dim3A_4199 = vector.shape_cast %xor3A_4198 : vector<16xi32> to vector<16x1xi32>
        %gather3A_4200 = vector.shape_cast %broadcast_in_dim3A_4199 : vector<16x1xi32> to vector<16xi32>
        %gather3A_4201 = tpu.dynamic_gather %select_n3A_4105[%gather3A_4200] in [0] : vector<16xf32>, vector<16xi32> -> vector<16xf32>
        %add3A_4202 = arith.addf %select_n3A_4105, %gather3A_4201 : vector<16xf32>
        %xor3A_4203 = arith.constant 2 : i32
        %xor3A_4204 = vector.broadcast %xor3A_4203 : i32 to vector<16xi32>
        %xor3A_4205 = arith.xori %iota3A, %xor3A_4204 : vector<16xi32>
        %broadcast_in_dim3A_4206 = vector.shape_cast %xor3A_4205 : vector<16xi32> to vector<16x1xi32>
        %gather3A_4207 = vector.shape_cast %broadcast_in_dim3A_4206 : vector<16x1xi32> to vector<16xi32>
        %gather3A_4208 = tpu.dynamic_gather %select_n3A_4126[%gather3A_4207] in [0] : vector<16xf32>, vector<16xi32> -> vector<16xf32>
        %add3A_4209 = arith.addf %select_n3A_4126, %gather3A_4208 : vector<16xf32>
        %select_n3A_4210 = arith.select %eq3A_4195, %add3A_4202, %add3A_4209 : vector<16xi1>, vector<16xf32>
        %and3A_4211 = arith.constant 4 : i32
        %and3A_4212 = vector.broadcast %and3A_4211 : i32 to vector<16xi32>
        %and3A_4213 = arith.andi %iota3A, %and3A_4212 : vector<16xi32>
        %eq3A_4214 = arith.constant 0 : i32
        %eq3A_4215 = vector.broadcast %eq3A_4214 : i32 to vector<16xi32>
        %eq3A_4216 = arith.cmpi eq, %and3A_4213, %eq3A_4215 : vector<16xi32>
        %xor3A_4217 = arith.constant 4 : i32
        %xor3A_4218 = vector.broadcast %xor3A_4217 : i32 to vector<16xi32>
        %xor3A_4219 = arith.xori %iota3A, %xor3A_4218 : vector<16xi32>
        %broadcast_in_dim3A_4220 = vector.shape_cast %xor3A_4219 : vector<16xi32> to vector<16x1xi32>
        %gather3A_4221 = vector.shape_cast %broadcast_in_dim3A_4220 : vector<16x1xi32> to vector<16xi32>
        %gather3A_4222 = tpu.dynamic_gather %select_n3A_4147[%gather3A_4221] in [0] : vector<16xf32>, vector<16xi32> -> vector<16xf32>
        %add3A_4223 = arith.addf %select_n3A_4147, %gather3A_4222 : vector<16xf32>
        %xor3A_4224 = arith.constant 4 : i32
        %xor3A_4225 = vector.broadcast %xor3A_4224 : i32 to vector<16xi32>
        %xor3A_4226 = arith.xori %iota3A, %xor3A_4225 : vector<16xi32>
        %broadcast_in_dim3A_4227 = vector.shape_cast %xor3A_4226 : vector<16xi32> to vector<16x1xi32>
        %gather3A_4228 = vector.shape_cast %broadcast_in_dim3A_4227 : vector<16x1xi32> to vector<16xi32>
        %gather3A_4229 = tpu.dynamic_gather %select_n3A_4168[%gather3A_4228] in [0] : vector<16xf32>, vector<16xi32> -> vector<16xf32>
        %add3A_4230 = arith.addf %select_n3A_4168, %gather3A_4229 : vector<16xf32>
        %select_n3A_4231 = arith.select %eq3A_4216, %add3A_4223, %add3A_4230 : vector<16xi1>, vector<16xf32>
        %and3A_4232 = arith.constant 4 : i32
        %and3A_4233 = vector.broadcast %and3A_4232 : i32 to vector<16xi32>
        %and3A_4234 = arith.andi %iota3A, %and3A_4233 : vector<16xi32>
        %eq3A_4235 = arith.constant 0 : i32
        %eq3A_4236 = vector.broadcast %eq3A_4235 : i32 to vector<16xi32>
        %eq3A_4237 = arith.cmpi eq, %and3A_4234, %eq3A_4236 : vector<16xi32>
        %xor3A_4238 = arith.constant 4 : i32
        %xor3A_4239 = vector.broadcast %xor3A_4238 : i32 to vector<16xi32>
        %xor3A_4240 = arith.xori %iota3A, %xor3A_4239 : vector<16xi32>
        %broadcast_in_dim3A_4241 = vector.shape_cast %xor3A_4240 : vector<16xi32> to vector<16x1xi32>
        %gather3A_4242 = vector.shape_cast %broadcast_in_dim3A_4241 : vector<16x1xi32> to vector<16xi32>
        %gather3A_4243 = tpu.dynamic_gather %select_n3A_4189[%gather3A_4242] in [0] : vector<16xf32>, vector<16xi32> -> vector<16xf32>
        %add3A_4244 = arith.addf %select_n3A_4189, %gather3A_4243 : vector<16xf32>
        %xor3A_4245 = arith.constant 4 : i32
        %xor3A_4246 = vector.broadcast %xor3A_4245 : i32 to vector<16xi32>
        %xor3A_4247 = arith.xori %iota3A, %xor3A_4246 : vector<16xi32>
        %broadcast_in_dim3A_4248 = vector.shape_cast %xor3A_4247 : vector<16xi32> to vector<16x1xi32>
        %gather3A_4249 = vector.shape_cast %broadcast_in_dim3A_4248 : vector<16x1xi32> to vector<16xi32>
        %gather3A_4250 = tpu.dynamic_gather %select_n3A_4210[%gather3A_4249] in [0] : vector<16xf32>, vector<16xi32> -> vector<16xf32>
        %add3A_4251 = arith.addf %select_n3A_4210, %gather3A_4250 : vector<16xf32>
        %select_n3A_4252 = arith.select %eq3A_4237, %add3A_4244, %add3A_4251 : vector<16xi1>, vector<16xf32>
        %and3A_4253 = arith.constant 8 : i32
        %and3A_4254 = vector.broadcast %and3A_4253 : i32 to vector<16xi32>
        %and3A_4255 = arith.andi %iota3A, %and3A_4254 : vector<16xi32>
        %eq3A_4256 = arith.constant 0 : i32
        %eq3A_4257 = vector.broadcast %eq3A_4256 : i32 to vector<16xi32>
        %eq3A_4258 = arith.cmpi eq, %and3A_4255, %eq3A_4257 : vector<16xi32>
        %xor3A_4259 = arith.constant 8 : i32
        %xor3A_4260 = vector.broadcast %xor3A_4259 : i32 to vector<16xi32>
        %xor3A_4261 = arith.xori %iota3A, %xor3A_4260 : vector<16xi32>
        %broadcast_in_dim3A_4262 = vector.shape_cast %xor3A_4261 : vector<16xi32> to vector<16x1xi32>
        %gather3A_4263 = vector.shape_cast %broadcast_in_dim3A_4262 : vector<16x1xi32> to vector<16xi32>
        %gather3A_4264 = tpu.dynamic_gather %select_n3A_4231[%gather3A_4263] in [0] : vector<16xf32>, vector<16xi32> -> vector<16xf32>
        %add3A_4265 = arith.addf %select_n3A_4231, %gather3A_4264 : vector<16xf32>
        %xor3A_4266 = arith.constant 8 : i32
        %xor3A_4267 = vector.broadcast %xor3A_4266 : i32 to vector<16xi32>
        %xor3A_4268 = arith.xori %iota3A, %xor3A_4267 : vector<16xi32>
        %broadcast_in_dim3A_4269 = vector.shape_cast %xor3A_4268 : vector<16xi32> to vector<16x1xi32>
        %gather3A_4270 = vector.shape_cast %broadcast_in_dim3A_4269 : vector<16x1xi32> to vector<16xi32>
        %gather3A_4271 = tpu.dynamic_gather %select_n3A_4252[%gather3A_4270] in [0] : vector<16xf32>, vector<16xi32> -> vector<16xf32>
        %add3A_4272 = arith.addf %select_n3A_4252, %gather3A_4271 : vector<16xf32>
        %select_n3A_4273 = arith.select %eq3A_4258, %add3A_4265, %add3A_4272 : vector<16xi1>, vector<16xf32>
        %neg3A_4274 = arith.constant 0.000000e+00 : f32
        %neg3A_4275 = vector.broadcast %neg3A_4274 : f32 to vector<16xf32>
        %neg3A_4276 = arith.subf %neg3A_4275, %select_n3A_4273 : vector<16xf32>
        %exp3A_4277 = math.exp %neg3A_4276 : vector<16xf32>
        %add3A_4278 = arith.constant 1.000000e+00 : f32
        %add3A_4279 = vector.broadcast %add3A_4278 : f32 to vector<16xf32>
        %add3A_4280 = arith.addf %add3A_4279, %exp3A_4277 : vector<16xf32>
        %div3A_4281 = arith.constant 1.000000e+00 : f32
        %div3A_4282 = vector.broadcast %div3A_4281 : f32 to vector<16xf32>
        %div3A_4283 = arith.divf %div3A_4282, %add3A_4280 : vector<16xf32>
        %swap3A_4284 = arith.index_cast %add3A_2310 : i32 to index
        %swap3A_4285 = tpu.vector_load %arg10[%swap3A_4284] {strides = array<i32>} : memref<10000xf32, #tpu.memory_space<vmem>>, vector<16xf32>,
        tpu.vector_store %arg10[%swap3A_4284], %div3A_4283 {strides = array<i32>} : memref<10000xf32, #tpu.memory_space<vmem>>, vector<16xf32>,
      }
      %scan3A_2298 = arith.constant 8 : i32
      %add3A_2299 = arith.constant 2 : i32
      %add3A_2300 = arith.addi %add3A_2247, %add3A_2299 : i32
      %lt3A = arith.constant 78 : i32
      %lt3A_2301 = arith.cmpi slt, %add3A_2300, %lt3A : i32
      %convert_element_type3A = arith.extui %lt3A_2301 : i1 to i32
      %cond3A = arith.constant 0 : i32
      %cond3A_2302 = arith.cmpi ne, %convert_element_type3A, %cond3A : i32
      scf.if %cond3A_2302 {
        %add3A_2303 = arith.constant 2 : i32
        %add3A_2304 = arith.addi %add3A_2247, %add3A_2303 : i32
        %mul3A_2305 = arith.constant 128 : i32
        %mul3A_2306 = arith.muli %add3A_2304, %mul3A_2305 : i32
        %dma_start3A_2307 = arith.constant 0 : i32
        %dma_start3A_2308 = arith.constant 0 : i32
        %dma_start3A_2309 = tpu.memref_slice %arg8[%and3A_2249, %dma_start3A_2307, %dma_start3A_2308] : memref<2x128x64xi32, #tpu.memory_space<vmem>> -> memref<1x128x64xi32, #tpu.memory_space<vmem>>
        %dma_start3A_2310 = tpu.memref_squeeze %dma_start3A_2309 : memref<1x128x64xi32, #tpu.memory_space<vmem>> -> memref<128x64xi32, #tpu.memory_space<vmem>>
        %dma_start3A_2311 = arith.constant 0 : i32
        %dma_start3A_2312 = arith.constant 0 : i32
        %dma_start3A_2313 = tpu.memref_slice %dma_start3A_2310[%dma_start3A_2311, %dma_start3A_2312] : memref<128x64xi32, #tpu.memory_space<vmem>> -> memref<128x64xi32, #tpu.memory_space<vmem>>
        %dma_start3A_2314 = tpu.memref_slice %arg6[%mul3A_2306] : memref<10000xi32, #tpu.memory_space<vmem>> -> memref<128xi32, #tpu.memory_space<vmem>>
        %dma_start3A_2315 = arith.constant 0 : i32
        %dma_start3A_2316 = arith.constant 0 : i32
        %dma_start3A_2317 = tpu.memref_slice %arg2[%dma_start3A_2315, %dma_start3A_2316] : memref<10000x64xi32, #tpu.memory_space<hbm>> -> memref<10000x64xi32, #tpu.memory_space<hbm>>
        %dma_start3A_2318 = tpu.memref_slice %arg11[%and3A_2249] : memref<2x!tpu.dma_semaphore, #tpu.memory_space<semaphore_mem>> -> memref<1x!tpu.dma_semaphore, #tpu.memory_space<semaphore_mem>>
        %dma_start3A_2319 = tpu.memref_squeeze %dma_start3A_2318 : memref<1x!tpu.dma_semaphore, #tpu.memory_space<semaphore_mem>> -> memref<!tpu.dma_semaphore, #tpu.memory_space<semaphore_mem>>
        tpu.enqueue_indirect_dma source(%dma_start3A_2317 : memref<10000x64xi32, #tpu.memory_space<hbm>>) target(%dma_start3A_2313 : memref<128x64xi32, #tpu.memory_space<vmem>>) offsets(%dma_start3A_2314 : memref<128xi32, #tpu.memory_space<vmem>>) semaphore(%dma_start3A_2319 : memref<!tpu.dma_semaphore, #tpu.memory_space<semaphore_mem>>)
        %mul3A_2320 = arith.constant 128 : i32
        %mul3A_2321 = arith.muli %add3A_2304, %mul3A_2320 : i32
        %dma_start3A_2322 = arith.constant 0 : i32
        %dma_start3A_2323 = arith.constant 0 : i32
        %dma_start3A_2324 = tpu.memref_slice %arg9[%and3A_2249, %dma_start3A_2322, %dma_start3A_2323] : memref<2x128x64xi32, #tpu.memory_space<vmem>> -> memref<1x128x64xi32, #tpu.memory_space<vmem>>
        %dma_start3A_2325 = tpu.memref_squeeze %dma_start3A_2324 : memref<1x128x64xi32, #tpu.memory_space<vmem>> -> memref<128x64xi32, #tpu.memory_space<vmem>>
        %dma_start3A_2326 = arith.constant 0 : i32
        %dma_start3A_2327 = arith.constant 0 : i32
        %dma_start3A_2328 = tpu.memref_slice %dma_start3A_2325[%dma_start3A_2326, %dma_start3A_2327] : memref<128x64xi32, #tpu.memory_space<vmem>> -> memref<128x64xi32, #tpu.memory_space<vmem>>
        %dma_start3A_2329 = tpu.memref_slice %arg7[%mul3A_2321] : memref<10000xi32, #tpu.memory_space<vmem>> -> memref<128xi32, #tpu.memory_space<vmem>>
        %dma_start3A_2330 = arith.constant 0 : i32
        %dma_start3A_2331 = arith.constant 0 : i32
        %dma_start3A_2332 = tpu.memref_slice %arg2[%dma_start3A_2330, %dma_start3A_2331] : memref<10000x64xi32, #tpu.memory_space<hbm>> -> memref<10000x64xi32, #tpu.memory_space<hbm>>
        %dma_start3A_2333 = tpu.memref_slice %arg12[%and3A_2249] : memref<2x!tpu.dma_semaphore, #tpu.memory_space<semaphore_mem>> -> memref<1x!tpu.dma_semaphore, #tpu.memory_space<semaphore_mem>>
        %dma_start3A_2334 = tpu.memref_squeeze %dma_start3A_2333 : memref<1x!tpu.dma_semaphore, #tpu.memory_space<semaphore_mem>> -> memref<!tpu.dma_semaphore, #tpu.memory_space<semaphore_mem>>
        tpu.enqueue_indirect_dma source(%dma_start3A_2332 : memref<10000x64xi32, #tpu.memory_space<hbm>>) target(%dma_start3A_2328 : memref<128x64xi32, #tpu.memory_space<vmem>>) offsets(%dma_start3A_2329 : memref<128xi32, #tpu.memory_space<vmem>>) semaphore(%dma_start3A_2334 : memref<!tpu.dma_semaphore, #tpu.memory_space<semaphore_mem>>)
      } else {
      }
    }
    %scan3A_72 = arith.constant 78 : i32
    %dma_start3A_73 = arith.constant 0 : i32
    %dma_start3A_74 = arith.constant 0 : i32
    %dma_start3A_75 = arith.constant 0 : i32
    %dma_start3A_76 = arith.constant 0 : i32
    %dma_start3A_77 = tpu.memref_slice %arg8[%dma_start3A_73, %dma_start3A_75, %dma_start3A_76] : memref<2x128x64xi32, #tpu.memory_space<vmem>> -> memref<1x128x64xi32, #tpu.memory_space<vmem>>
    %dma_start3A_78 = tpu.memref_squeeze %dma_start3A_77 : memref<1x128x64xi32, #tpu.memory_space<vmem>> -> memref<128x64xi32, #tpu.memory_space<vmem>>
    %dma_start3A_79 = arith.constant 0 : i32
    %dma_start3A_80 = arith.constant 0 : i32
    %dma_start3A_81 = tpu.memref_slice %dma_start3A_78[%dma_start3A_79, %dma_start3A_80] : memref<128x64xi32, #tpu.memory_space<vmem>> -> memref<16x64xi32, #tpu.memory_space<vmem>>
    %dma_start3A_82 = arith.constant 9984 : i32
    %dma_start3A_83 = tpu.memref_slice %arg6[%dma_start3A_82] : memref<10000xi32, #tpu.memory_space<vmem>> -> memref<16xi32, #tpu.memory_space<vmem>>
    %dma_start3A_84 = arith.constant 0 : i32
    %dma_start3A_85 = arith.constant 0 : i32
    %dma_start3A_86 = tpu.memref_slice %arg2[%dma_start3A_84, %dma_start3A_85] : memref<10000x64xi32, #tpu.memory_space<hbm>> -> memref<10000x64xi32, #tpu.memory_space<hbm>>
    %dma_start3A_87 = tpu.memref_slice %arg11[%dma_start3A_74] : memref<2x!tpu.dma_semaphore, #tpu.memory_space<semaphore_mem>> -> memref<1x!tpu.dma_semaphore, #tpu.memory_space<semaphore_mem>>
    %dma_start3A_88 = tpu.memref_squeeze %dma_start3A_87 : memref<1x!tpu.dma_semaphore, #tpu.memory_space<semaphore_mem>> -> memref<!tpu.dma_semaphore, #tpu.memory_space<semaphore_mem>>
    tpu.enqueue_indirect_dma source(%dma_start3A_86 : memref<10000x64xi32, #tpu.memory_space<hbm>>) target(%dma_start3A_81 : memref<16x64xi32, #tpu.memory_space<vmem>>) offsets(%dma_start3A_83 : memref<16xi32, #tpu.memory_space<vmem>>) semaphore(%dma_start3A_88 : memref<!tpu.dma_semaphore, #tpu.memory_space<semaphore_mem>>)
    %dma_start3A_89 = arith.constant 0 : i32
    %dma_start3A_90 = arith.constant 0 : i32
    %dma_start3A_91 = arith.constant 0 : i32
    %dma_start3A_92 = arith.constant 0 : i32
    %dma_start3A_93 = tpu.memref_slice %arg9[%dma_start3A_89, %dma_start3A_91, %dma_start3A_92] : memref<2x128x64xi32, #tpu.memory_space<vmem>> -> memref<1x128x64xi32, #tpu.memory_space<vmem>>
    %dma_start3A_94 = tpu.memref_squeeze %dma_start3A_93 : memref<1x128x64xi32, #tpu.memory_space<vmem>> -> memref<128x64xi32, #tpu.memory_space<vmem>>
    %dma_start3A_95 = arith.constant 0 : i32
    %dma_start3A_96 = arith.constant 0 : i32
    %dma_start3A_97 = tpu.memref_slice %dma_start3A_94[%dma_start3A_95, %dma_start3A_96] : memref<128x64xi32, #tpu.memory_space<vmem>> -> memref<16x64xi32, #tpu.memory_space<vmem>>
    %dma_start3A_98 = arith.constant 9984 : i32
    %dma_start3A_99 = tpu.memref_slice %arg7[%dma_start3A_98] : memref<10000xi32, #tpu.memory_space<vmem>> -> memref<16xi32, #tpu.memory_space<vmem>>
    %dma_start3A_100 = arith.constant 0 : i32
    %dma_start3A_101 = arith.constant 0 : i32
    %dma_start3A_102 = tpu.memref_slice %arg2[%dma_start3A_100, %dma_start3A_101] : memref<10000x64xi32, #tpu.memory_space<hbm>> -> memref<10000x64xi32, #tpu.memory_space<hbm>>
    %dma_start3A_103 = tpu.memref_slice %arg12[%dma_start3A_90] : memref<2x!tpu.dma_semaphore, #tpu.memory_space<semaphore_mem>> -> memref<1x!tpu.dma_semaphore, #tpu.memory_space<semaphore_mem>>
    %dma_start3A_104 = tpu.memref_squeeze %dma_start3A_103 : memref<1x!tpu.dma_semaphore, #tpu.memory_space<semaphore_mem>> -> memref<!tpu.dma_semaphore, #tpu.memory_space<semaphore_mem>>
    tpu.enqueue_indirect_dma source(%dma_start3A_102 : memref<10000x64xi32, #tpu.memory_space<hbm>>) target(%dma_start3A_97 : memref<16x64xi32, #tpu.memory_space<vmem>>) offsets(%dma_start3A_99 : memref<16xi32, #tpu.memory_space<vmem>>) semaphore(%dma_start3A_104 : memref<!tpu.dma_semaphore, #tpu.memory_space<semaphore_mem>>)
    %dma_wait3A = arith.constant 0 : i32
    %dma_wait3A_105 = arith.constant 0 : i32
    %dma_wait3A_106 = arith.constant 0 : i32
    %dma_wait3A_107 = arith.constant 0 : i32
    %dma_wait3A_108 = tpu.memref_slice %arg8[%dma_wait3A, %dma_wait3A_106, %dma_wait3A_107] : memref<2x128x64xi32, #tpu.memory_space<vmem>> -> memref<1x128x64xi32, #tpu.memory_space<vmem>>
    %dma_wait3A_109 = tpu.memref_squeeze %dma_wait3A_108 : memref<1x128x64xi32, #tpu.memory_space<vmem>> -> memref<128x64xi32, #tpu.memory_space<vmem>>
    %dma_wait3A_110 = arith.constant 0 : i32
    %dma_wait3A_111 = arith.constant 0 : i32
    %dma_wait3A_112 = tpu.memref_slice %dma_wait3A_109[%dma_wait3A_110, %dma_wait3A_111] : memref<128x64xi32, #tpu.memory_space<vmem>> -> memref<16x64xi32, #tpu.memory_space<vmem>>
    %dma_wait3A_113 = arith.constant 0 : i32
    %dma_wait3A_114 = arith.constant 0 : i32
    %dma_wait3A_115 = tpu.memref_slice %arg2[%dma_wait3A_113, %dma_wait3A_114] : memref<10000x64xi32, #tpu.memory_space<hbm>> -> memref<16x64xi32, #tpu.memory_space<hbm>>
    %dma_wait3A_116 = tpu.memref_slice %arg11[%dma_wait3A_105] : memref<2x!tpu.dma_semaphore, #tpu.memory_space<semaphore_mem>> -> memref<1x!tpu.dma_semaphore, #tpu.memory_space<semaphore_mem>>
    %dma_wait3A_117 = tpu.memref_squeeze %dma_wait3A_116 : memref<1x!tpu.dma_semaphore, #tpu.memory_space<semaphore_mem>> -> memref<!tpu.dma_semaphore, #tpu.memory_space<semaphore_mem>>
    %dma_wait3A_118 = arith.constant 0 : i32
    %dma_wait3A_119 = arith.constant 0 : i32
    %dma_wait3A_120 = tpu.memref_slice %arg8[%dma_wait3A, %dma_wait3A_118, %dma_wait3A_119] : memref<2x128x64xi32, #tpu.memory_space<vmem>> -> memref<1x128x64xi32, #tpu.memory_space<vmem>>
    %dma_wait3A_121 = tpu.memref_squeeze %dma_wait3A_120 : memref<1x128x64xi32, #tpu.memory_space<vmem>> -> memref<128x64xi32, #tpu.memory_space<vmem>>
    %dma_wait3A_122 = arith.constant 0 : i32
    %dma_wait3A_123 = arith.constant 0 : i32
    %dma_wait3A_124 = tpu.memref_slice %dma_wait3A_121[%dma_wait3A_122, %dma_wait3A_123] : memref<128x64xi32, #tpu.memory_space<vmem>> -> memref<16x64xi32, #tpu.memory_space<vmem>>
    %dma_wait3A_125 = arith.constant 0 : i32
    %dma_wait3A_126 = arith.constant 0 : i32
    %dma_wait3A_127 = tpu.memref_slice %arg2[%dma_wait3A_125, %dma_wait3A_126] : memref<10000x64xi32, #tpu.memory_space<hbm>> -> memref<16x64xi32, #tpu.memory_space<hbm>>
    tpu.wait_dma2 semaphore(%dma_wait3A_117 : memref<!tpu.dma_semaphore, #tpu.memory_space<semaphore_mem>>) src(%dma_wait3A_127 : memref<16x64xi32, #tpu.memory_space<hbm>>) dst(%dma_wait3A_124 : memref<16x64xi32, #tpu.memory_space<vmem>>)
    %dma_wait3A_128 = arith.constant 0 : i32
    %dma_wait3A_129 = arith.constant 0 : i32
    %dma_wait3A_130 = arith.constant 0 : i32
    %dma_wait3A_131 = arith.constant 0 : i32
    %dma_wait3A_132 = tpu.memref_slice %arg9[%dma_wait3A_128, %dma_wait3A_130, %dma_wait3A_131] : memref<2x128x64xi32, #tpu.memory_space<vmem>> -> memref<1x128x64xi32, #tpu.memory_space<vmem>>
    %dma_wait3A_133 = tpu.memref_squeeze %dma_wait3A_132 : memref<1x128x64xi32, #tpu.memory_space<vmem>> -> memref<128x64xi32, #tpu.memory_space<vmem>>
    %dma_wait3A_134 = arith.constant 0 : i32
    %dma_wait3A_135 = arith.constant 0 : i32
    %dma_wait3A_136 = tpu.memref_slice %dma_wait3A_133[%dma_wait3A_134, %dma_wait3A_135] : memref<128x64xi32, #tpu.memory_space<vmem>> -> memref<16x64xi32, #tpu.memory_space<vmem>>
    %dma_wait3A_137 = arith.constant 0 : i32
    %dma_wait3A_138 = arith.constant 0 : i32
    %dma_wait3A_139 = tpu.memref_slice %arg2[%dma_wait3A_137, %dma_wait3A_138] : memref<10000x64xi32, #tpu.memory_space<hbm>> -> memref<16x64xi32, #tpu.memory_space<hbm>>
    %dma_wait3A_140 = tpu.memref_slice %arg12[%dma_wait3A_129] : memref<2x!tpu.dma_semaphore, #tpu.memory_space<semaphore_mem>> -> memref<1x!tpu.dma_semaphore, #tpu.memory_space<semaphore_mem>>
    %dma_wait3A_141 = tpu.memref_squeeze %dma_wait3A_140 : memref<1x!tpu.dma_semaphore, #tpu.memory_space<semaphore_mem>> -> memref<!tpu.dma_semaphore, #tpu.memory_space<semaphore_mem>>
    %dma_wait3A_142 = arith.constant 0 : i32
    %dma_wait3A_143 = arith.constant 0 : i32
    %dma_wait3A_144 = tpu.memref_slice %arg9[%dma_wait3A_128, %dma_wait3A_142, %dma_wait3A_143] : memref<2x128x64xi32, #tpu.memory_space<vmem>> -> memref<1x128x64xi32, #tpu.memory_space<vmem>>
    %dma_wait3A_145 = tpu.memref_squeeze %dma_wait3A_144 : memref<1x128x64xi32, #tpu.memory_space<vmem>> -> memref<128x64xi32, #tpu.memory_space<vmem>>
    %dma_wait3A_146 = arith.constant 0 : i32
    %dma_wait3A_147 = arith.constant 0 : i32
    %dma_wait3A_148 = tpu.memref_slice %dma_wait3A_145[%dma_wait3A_146, %dma_wait3A_147] : memref<128x64xi32, #tpu.memory_space<vmem>> -> memref<16x64xi32, #tpu.memory_space<vmem>>
    %dma_wait3A_149 = arith.constant 0 : i32
    %dma_wait3A_150 = arith.constant 0 : i32
    %dma_wait3A_151 = tpu.memref_slice %arg2[%dma_wait3A_149, %dma_wait3A_150] : memref<10000x64xi32, #tpu.memory_space<hbm>> -> memref<16x64xi32, #tpu.memory_space<hbm>>
    tpu.wait_dma2 semaphore(%dma_wait3A_141 : memref<!tpu.dma_semaphore, #tpu.memory_space<semaphore_mem>>) src(%dma_wait3A_151 : memref<16x64xi32, #tpu.memory_space<hbm>>) dst(%dma_wait3A_148 : memref<16x64xi32, #tpu.memory_space<vmem>>)
    %get3A = arith.constant 0 : i32
    %get3A_152 = arith.constant 0 : i32
    %get3A_153 = arith.constant 0 : i32
    %get3A_154 = arith.constant 0 : i32
    %get3A_155 = tpu.memref_slice %arg8[%get3A, %get3A_153, %get3A_154] : memref<2x128x64xi32, #tpu.memory_space<vmem>> -> memref<1x128x64xi32, #tpu.memory_space<vmem>>
    %get3A_156 = tpu.memref_squeeze %get3A_155 : memref<1x128x64xi32, #tpu.memory_space<vmem>> -> memref<128x64xi32, #tpu.memory_space<vmem>>
    %get3A_157 = arith.index_cast %get3A_152 : i32 to index
    %get3A_158 = arith.constant 0 : index
    %get3A_159 = tpu.vector_load %get3A_156[%get3A_157, %get3A_158] {strides = array<i32>} : memref<128x64xi32, #tpu.memory_space<vmem>>, vector<16xi32>,
    %get3A_160 = arith.constant 0 : i32
    %get3A_161 = arith.constant 0 : i32
    %get3A_162 = arith.constant 0 : i32
    %get3A_163 = arith.constant 0 : i32
    %get3A_164 = tpu.memref_slice %arg9[%get3A_160, %get3A_162, %get3A_163] : memref<2x128x64xi32, #tpu.memory_space<vmem>> -> memref<1x128x64xi32, #tpu.memory_space<vmem>>
    %get3A_165 = tpu.memref_squeeze %get3A_164 : memref<1x128x64xi32, #tpu.memory_space<vmem>> -> memref<128x64xi32, #tpu.memory_space<vmem>>
    %get3A_166 = arith.index_cast %get3A_161 : i32 to index
    %get3A_167 = arith.constant 0 : index
    %get3A_168 = tpu.vector_load %get3A_165[%get3A_166, %get3A_167] {strides = array<i32>} : memref<128x64xi32, #tpu.memory_space<vmem>>, vector<16xi32>,
    %bitcast3A = vector.bitcast %get3A_159 : vector<16xi32> to vector<32xbf16>
    %bitcast3A_169 = vector.bitcast %get3A_168 : vector<16xi32> to vector<32xbf16>
    %mul3A_170 = arith.mulf %bitcast3A, %bitcast3A_169 : vector<32xbf16>
    %bitcast3A_171 = vector.bitcast %mul3A_170 : vector<32xbf16> to vector<16xi32>
    %shift_left3A = arith.shli %bitcast3A_171, %broadcast_in_dim3A_5 : vector<16xi32>
    %bitcast3A_172 = vector.bitcast %shift_left3A : vector<16xi32> to vector<16xf32>
    %and3A = arith.andi %bitcast3A_171, %broadcast_in_dim3A_3 : vector<16xi32>
    %bitcast3A_173 = vector.bitcast %and3A : vector<16xi32> to vector<16xf32>
    %add3A_174 = arith.addf %bitcast3A_172, %bitcast3A_173 : vector<16xf32>
    %get3A_175 = arith.constant 0 : i32
    %get3A_176 = arith.constant 1 : i32
    %get3A_177 = arith.constant 0 : i32
    %get3A_178 = arith.constant 0 : i32
    %get3A_179 = tpu.memref_slice %arg8[%get3A_175, %get3A_177, %get3A_178] : memref<2x128x64xi32, #tpu.memory_space<vmem>> -> memref<1x128x64xi32, #tpu.memory_space<vmem>>
    %get3A_180 = tpu.memref_squeeze %get3A_179 : memref<1x128x64xi32, #tpu.memory_space<vmem>> -> memref<128x64xi32, #tpu.memory_space<vmem>>
    %get3A_181 = arith.index_cast %get3A_176 : i32 to index
    %get3A_182 = arith.constant 0 : index
    %get3A_183 = tpu.vector_load %get3A_180[%get3A_181, %get3A_182] {strides = array<i32>} : memref<128x64xi32, #tpu.memory_space<vmem>>, vector<16xi32>,
    %get3A_184 = arith.constant 0 : i32
    %get3A_185 = arith.constant 1 : i32
    %get3A_186 = arith.constant 0 : i32
    %get3A_187 = arith.constant 0 : i32
    %get3A_188 = tpu.memref_slice %arg9[%get3A_184, %get3A_186, %get3A_187] : memref<2x128x64xi32, #tpu.memory_space<vmem>> -> memref<1x128x64xi32, #tpu.memory_space<vmem>>
    %get3A_189 = tpu.memref_squeeze %get3A_188 : memref<1x128x64xi32, #tpu.memory_space<vmem>> -> memref<128x64xi32, #tpu.memory_space<vmem>>
    %get3A_190 = arith.index_cast %get3A_185 : i32 to index
    %get3A_191 = arith.constant 0 : index
    %get3A_192 = tpu.vector_load %get3A_189[%get3A_190, %get3A_191] {strides = array<i32>} : memref<128x64xi32, #tpu.memory_space<vmem>>, vector<16xi32>,
    %bitcast3A_193 = vector.bitcast %get3A_183 : vector<16xi32> to vector<32xbf16>
    %bitcast3A_194 = vector.bitcast %get3A_192 : vector<16xi32> to vector<32xbf16>
    %mul3A_195 = arith.mulf %bitcast3A_193, %bitcast3A_194 : vector<32xbf16>
    %bitcast3A_196 = vector.bitcast %mul3A_195 : vector<32xbf16> to vector<16xi32>
    %shift_left3A_197 = arith.shli %bitcast3A_196, %broadcast_in_dim3A_5 : vector<16xi32>
    %bitcast3A_198 = vector.bitcast %shift_left3A_197 : vector<16xi32> to vector<16xf32>
    %and3A_199 = arith.andi %bitcast3A_196, %broadcast_in_dim3A_3 : vector<16xi32>
    %bitcast3A_200 = vector.bitcast %and3A_199 : vector<16xi32> to vector<16xf32>
    %add3A_201 = arith.addf %bitcast3A_198, %bitcast3A_200 : vector<16xf32>
    %get3A_202 = arith.constant 0 : i32
    %get3A_203 = arith.constant 2 : i32
    %get3A_204 = arith.constant 0 : i32
    %get3A_205 = arith.constant 0 : i32
    %get3A_206 = tpu.memref_slice %arg8[%get3A_202, %get3A_204, %get3A_205] : memref<2x128x64xi32, #tpu.memory_space<vmem>> -> memref<1x128x64xi32, #tpu.memory_space<vmem>>
    %get3A_207 = tpu.memref_squeeze %get3A_206 : memref<1x128x64xi32, #tpu.memory_space<vmem>> -> memref<128x64xi32, #tpu.memory_space<vmem>>
    %get3A_208 = arith.index_cast %get3A_203 : i32 to index
    %get3A_209 = arith.constant 0 : index
    %get3A_210 = tpu.vector_load %get3A_207[%get3A_208, %get3A_209] {strides = array<i32>} : memref<128x64xi32, #tpu.memory_space<vmem>>, vector<16xi32>,
    %get3A_211 = arith.constant 0 : i32
    %get3A_212 = arith.constant 2 : i32
    %get3A_213 = arith.constant 0 : i32
    %get3A_214 = arith.constant 0 : i32
    %get3A_215 = tpu.memref_slice %arg9[%get3A_211, %get3A_213, %get3A_214] : memref<2x128x64xi32, #tpu.memory_space<vmem>> -> memref<1x128x64xi32, #tpu.memory_space<vmem>>
    %get3A_216 = tpu.memref_squeeze %get3A_215 : memref<1x128x64xi32, #tpu.memory_space<vmem>> -> memref<128x64xi32, #tpu.memory_space<vmem>>
    %get3A_217 = arith.index_cast %get3A_212 : i32 to index
    %get3A_218 = arith.constant 0 : index
    %get3A_219 = tpu.vector_load %get3A_216[%get3A_217, %get3A_218] {strides = array<i32>} : memref<128x64xi32, #tpu.memory_space<vmem>>, vector<16xi32>,
    %bitcast3A_220 = vector.bitcast %get3A_210 : vector<16xi32> to vector<32xbf16>
    %bitcast3A_221 = vector.bitcast %get3A_219 : vector<16xi32> to vector<32xbf16>
    %mul3A_222 = arith.mulf %bitcast3A_220, %bitcast3A_221 : vector<32xbf16>
    %bitcast3A_223 = vector.bitcast %mul3A_222 : vector<32xbf16> to vector<16xi32>
    %shift_left3A_224 = arith.shli %bitcast3A_223, %broadcast_in_dim3A_5 : vector<16xi32>
    %bitcast3A_225 = vector.bitcast %shift_left3A_224 : vector<16xi32> to vector<16xf32>
    %and3A_226 = arith.andi %bitcast3A_223, %broadcast_in_dim3A_3 : vector<16xi32>
    %bitcast3A_227 = vector.bitcast %and3A_226 : vector<16xi32> to vector<16xf32>
    %add3A_228 = arith.addf %bitcast3A_225, %bitcast3A_227 : vector<16xf32>
    %get3A_229 = arith.constant 0 : i32
    %get3A_230 = arith.constant 3 : i32
    %get3A_231 = arith.constant 0 : i32
    %get3A_232 = arith.constant 0 : i32
    %get3A_233 = tpu.memref_slice %arg8[%get3A_229, %get3A_231, %get3A_232] : memref<2x128x64xi32, #tpu.memory_space<vmem>> -> memref<1x128x64xi32, #tpu.memory_space<vmem>>
    %get3A_234 = tpu.memref_squeeze %get3A_233 : memref<1x128x64xi32, #tpu.memory_space<vmem>> -> memref<128x64xi32, #tpu.memory_space<vmem>>
    %get3A_235 = arith.index_cast %get3A_230 : i32 to index
    %get3A_236 = arith.constant 0 : index
    %get3A_237 = tpu.vector_load %get3A_234[%get3A_235, %get3A_236] {strides = array<i32>} : memref<128x64xi32, #tpu.memory_space<vmem>>, vector<16xi32>,
    %get3A_238 = arith.constant 0 : i32
    %get3A_239 = arith.constant 3 : i32
    %get3A_240 = arith.constant 0 : i32
    %get3A_241 = arith.constant 0 : i32
    %get3A_242 = tpu.memref_slice %arg9[%get3A_238, %get3A_240, %get3A_241] : memref<2x128x64xi32, #tpu.memory_space<vmem>> -> memref<1x128x64xi32, #tpu.memory_space<vmem>>
    %get3A_243 = tpu.memref_squeeze %get3A_242 : memref<1x128x64xi32, #tpu.memory_space<vmem>> -> memref<128x64xi32, #tpu.memory_space<vmem>>
    %get3A_244 = arith.index_cast %get3A_239 : i32 to index
    %get3A_245 = arith.constant 0 : index
    %get3A_246 = tpu.vector_load %get3A_243[%get3A_244, %get3A_245] {strides = array<i32>} : memref<128x64xi32, #tpu.memory_space<vmem>>, vector<16xi32>,
    %bitcast3A_247 = vector.bitcast %get3A_237 : vector<16xi32> to vector<32xbf16>
    %bitcast3A_248 = vector.bitcast %get3A_246 : vector<16xi32> to vector<32xbf16>
    %mul3A_249 = arith.mulf %bitcast3A_247, %bitcast3A_248 : vector<32xbf16>
    %bitcast3A_250 = vector.bitcast %mul3A_249 : vector<32xbf16> to vector<16xi32>
    %shift_left3A_251 = arith.shli %bitcast3A_250, %broadcast_in_dim3A_5 : vector<16xi32>
    %bitcast3A_252 = vector.bitcast %shift_left3A_251 : vector<16xi32> to vector<16xf32>
    %and3A_253 = arith.andi %bitcast3A_250, %broadcast_in_dim3A_3 : vector<16xi32>
    %bitcast3A_254 = vector.bitcast %and3A_253 : vector<16xi32> to vector<16xf32>
    %add3A_255 = arith.addf %bitcast3A_252, %bitcast3A_254 : vector<16xf32>
    %get3A_256 = arith.constant 0 : i32
    %get3A_257 = arith.constant 4 : i32
    %get3A_258 = arith.constant 0 : i32
    %get3A_259 = arith.constant 0 : i32
    %get3A_260 = tpu.memref_slice %arg8[%get3A_256, %get3A_258, %get3A_259] : memref<2x128x64xi32, #tpu.memory_space<vmem>> -> memref<1x128x64xi32, #tpu.memory_space<vmem>>
    %get3A_261 = tpu.memref_squeeze %get3A_260 : memref<1x128x64xi32, #tpu.memory_space<vmem>> -> memref<128x64xi32, #tpu.memory_space<vmem>>
    %get3A_262 = arith.index_cast %get3A_257 : i32 to index
    %get3A_263 = arith.constant 0 : index
    %get3A_264 = tpu.vector_load %get3A_261[%get3A_262, %get3A_263] {strides = array<i32>} : memref<128x64xi32, #tpu.memory_space<vmem>>, vector<16xi32>,
    %get3A_265 = arith.constant 0 : i32
    %get3A_266 = arith.constant 4 : i32
    %get3A_267 = arith.constant 0 : i32
    %get3A_268 = arith.constant 0 : i32
    %get3A_269 = tpu.memref_slice %arg9[%get3A_265, %get3A_267, %get3A_268] : memref<2x128x64xi32, #tpu.memory_space<vmem>> -> memref<1x128x64xi32, #tpu.memory_space<vmem>>
    %get3A_270 = tpu.memref_squeeze %get3A_269 : memref<1x128x64xi32, #tpu.memory_space<vmem>> -> memref<128x64xi32, #tpu.memory_space<vmem>>
    %get3A_271 = arith.index_cast %get3A_266 : i32 to index
    %get3A_272 = arith.constant 0 : index
    %get3A_273 = tpu.vector_load %get3A_270[%get3A_271, %get3A_272] {strides = array<i32>} : memref<128x64xi32, #tpu.memory_space<vmem>>, vector<16xi32>,
    %bitcast3A_274 = vector.bitcast %get3A_264 : vector<16xi32> to vector<32xbf16>
    %bitcast3A_275 = vector.bitcast %get3A_273 : vector<16xi32> to vector<32xbf16>
    %mul3A_276 = arith.mulf %bitcast3A_274, %bitcast3A_275 : vector<32xbf16>
    %bitcast3A_277 = vector.bitcast %mul3A_276 : vector<32xbf16> to vector<16xi32>
    %shift_left3A_278 = arith.shli %bitcast3A_277, %broadcast_in_dim3A_5 : vector<16xi32>
    %bitcast3A_279 = vector.bitcast %shift_left3A_278 : vector<16xi32> to vector<16xf32>
    %and3A_280 = arith.andi %bitcast3A_277, %broadcast_in_dim3A_3 : vector<16xi32>
    %bitcast3A_281 = vector.bitcast %and3A_280 : vector<16xi32> to vector<16xf32>
    %add3A_282 = arith.addf %bitcast3A_279, %bitcast3A_281 : vector<16xf32>
    %get3A_283 = arith.constant 0 : i32
    %get3A_284 = arith.constant 5 : i32
    %get3A_285 = arith.constant 0 : i32
    %get3A_286 = arith.constant 0 : i32
    %get3A_287 = tpu.memref_slice %arg8[%get3A_283, %get3A_285, %get3A_286] : memref<2x128x64xi32, #tpu.memory_space<vmem>> -> memref<1x128x64xi32, #tpu.memory_space<vmem>>
    %get3A_288 = tpu.memref_squeeze %get3A_287 : memref<1x128x64xi32, #tpu.memory_space<vmem>> -> memref<128x64xi32, #tpu.memory_space<vmem>>
    %get3A_289 = arith.index_cast %get3A_284 : i32 to index
    %get3A_290 = arith.constant 0 : index
    %get3A_291 = tpu.vector_load %get3A_288[%get3A_289, %get3A_290] {strides = array<i32>} : memref<128x64xi32, #tpu.memory_space<vmem>>, vector<16xi32>,
    %get3A_292 = arith.constant 0 : i32
    %get3A_293 = arith.constant 5 : i32
    %get3A_294 = arith.constant 0 : i32
    %get3A_295 = arith.constant 0 : i32
    %get3A_296 = tpu.memref_slice %arg9[%get3A_292, %get3A_294, %get3A_295] : memref<2x128x64xi32, #tpu.memory_space<vmem>> -> memref<1x128x64xi32, #tpu.memory_space<vmem>>
    %get3A_297 = tpu.memref_squeeze %get3A_296 : memref<1x128x64xi32, #tpu.memory_space<vmem>> -> memref<128x64xi32, #tpu.memory_space<vmem>>
    %get3A_298 = arith.index_cast %get3A_293 : i32 to index
    %get3A_299 = arith.constant 0 : index
    %get3A_300 = tpu.vector_load %get3A_297[%get3A_298, %get3A_299] {strides = array<i32>} : memref<128x64xi32, #tpu.memory_space<vmem>>, vector<16xi32>,
    %bitcast3A_301 = vector.bitcast %get3A_291 : vector<16xi32> to vector<32xbf16>
    %bitcast3A_302 = vector.bitcast %get3A_300 : vector<16xi32> to vector<32xbf16>
    %mul3A_303 = arith.mulf %bitcast3A_301, %bitcast3A_302 : vector<32xbf16>
    %bitcast3A_304 = vector.bitcast %mul3A_303 : vector<32xbf16> to vector<16xi32>
    %shift_left3A_305 = arith.shli %bitcast3A_304, %broadcast_in_dim3A_5 : vector<16xi32>
    %bitcast3A_306 = vector.bitcast %shift_left3A_305 : vector<16xi32> to vector<16xf32>
    %and3A_307 = arith.andi %bitcast3A_304, %broadcast_in_dim3A_3 : vector<16xi32>
    %bitcast3A_308 = vector.bitcast %and3A_307 : vector<16xi32> to vector<16xf32>
    %add3A_309 = arith.addf %bitcast3A_306, %bitcast3A_308 : vector<16xf32>
    %get3A_310 = arith.constant 0 : i32
    %get3A_311 = arith.constant 6 : i32
    %get3A_312 = arith.constant 0 : i32
    %get3A_313 = arith.constant 0 : i32
    %get3A_314 = tpu.memref_slice %arg8[%get3A_310, %get3A_312, %get3A_313] : memref<2x128x64xi32, #tpu.memory_space<vmem>> -> memref<1x128x64xi32, #tpu.memory_space<vmem>>
    %get3A_315 = tpu.memref_squeeze %get3A_314 : memref<1x128x64xi32, #tpu.memory_space<vmem>> -> memref<128x64xi32, #tpu.memory_space<vmem>>
    %get3A_316 = arith.index_cast %get3A_311 : i32 to index
    %get3A_317 = arith.constant 0 : index
    %get3A_318 = tpu.vector_load %get3A_315[%get3A_316, %get3A_317] {strides = array<i32>} : memref<128x64xi32, #tpu.memory_space<vmem>>, vector<16xi32>,
    %get3A_319 = arith.constant 0 : i32
    %get3A_320 = arith.constant 6 : i32
    %get3A_321 = arith.constant 0 : i32
    %get3A_322 = arith.constant 0 : i32
    %get3A_323 = tpu.memref_slice %arg9[%get3A_319, %get3A_321, %get3A_322] : memref<2x128x64xi32, #tpu.memory_space<vmem>> -> memref<1x128x64xi32, #tpu.memory_space<vmem>>
    %get3A_324 = tpu.memref_squeeze %get3A_323 : memref<1x128x64xi32, #tpu.memory_space<vmem>> -> memref<128x64xi32, #tpu.memory_space<vmem>>
    %get3A_325 = arith.index_cast %get3A_320 : i32 to index
    %get3A_326 = arith.constant 0 : index
    %get3A_327 = tpu.vector_load %get3A_324[%get3A_325, %get3A_326] {strides = array<i32>} : memref<128x64xi32, #tpu.memory_space<vmem>>, vector<16xi32>,
    %bitcast3A_328 = vector.bitcast %get3A_318 : vector<16xi32> to vector<32xbf16>
    %bitcast3A_329 = vector.bitcast %get3A_327 : vector<16xi32> to vector<32xbf16>
    %mul3A_330 = arith.mulf %bitcast3A_328, %bitcast3A_329 : vector<32xbf16>
    %bitcast3A_331 = vector.bitcast %mul3A_330 : vector<32xbf16> to vector<16xi32>
    %shift_left3A_332 = arith.shli %bitcast3A_331, %broadcast_in_dim3A_5 : vector<16xi32>
    %bitcast3A_333 = vector.bitcast %shift_left3A_332 : vector<16xi32> to vector<16xf32>
    %and3A_334 = arith.andi %bitcast3A_331, %broadcast_in_dim3A_3 : vector<16xi32>
    %bitcast3A_335 = vector.bitcast %and3A_334 : vector<16xi32> to vector<16xf32>
    %add3A_336 = arith.addf %bitcast3A_333, %bitcast3A_335 : vector<16xf32>
    %get3A_337 = arith.constant 0 : i32
    %get3A_338 = arith.constant 7 : i32
    %get3A_339 = arith.constant 0 : i32
    %get3A_340 = arith.constant 0 : i32
    %get3A_341 = tpu.memref_slice %arg8[%get3A_337, %get3A_339, %get3A_340] : memref<2x128x64xi32, #tpu.memory_space<vmem>> -> memref<1x128x64xi32, #tpu.memory_space<vmem>>
    %get3A_342 = tpu.memref_squeeze %get3A_341 : memref<1x128x64xi32, #tpu.memory_space<vmem>> -> memref<128x64xi32, #tpu.memory_space<vmem>>
    %get3A_343 = arith.index_cast %get3A_338 : i32 to index
    %get3A_344 = arith.constant 0 : index
    %get3A_345 = tpu.vector_load %get3A_342[%get3A_343, %get3A_344] {strides = array<i32>} : memref<128x64xi32, #tpu.memory_space<vmem>>, vector<16xi32>,
    %get3A_346 = arith.constant 0 : i32
    %get3A_347 = arith.constant 7 : i32
    %get3A_348 = arith.constant 0 : i32
    %get3A_349 = arith.constant 0 : i32
    %get3A_350 = tpu.memref_slice %arg9[%get3A_346, %get3A_348, %get3A_349] : memref<2x128x64xi32, #tpu.memory_space<vmem>> -> memref<1x128x64xi32, #tpu.memory_space<vmem>>
    %get3A_351 = tpu.memref_squeeze %get3A_350 : memref<1x128x64xi32, #tpu.memory_space<vmem>> -> memref<128x64xi32, #tpu.memory_space<vmem>>
    %get3A_352 = arith.index_cast %get3A_347 : i32 to index
    %get3A_353 = arith.constant 0 : index
    %get3A_354 = tpu.vector_load %get3A_351[%get3A_352, %get3A_353] {strides = array<i32>} : memref<128x64xi32, #tpu.memory_space<vmem>>, vector<16xi32>,
    %bitcast3A_355 = vector.bitcast %get3A_345 : vector<16xi32> to vector<32xbf16>
    %bitcast3A_356 = vector.bitcast %get3A_354 : vector<16xi32> to vector<32xbf16>
    %mul3A_357 = arith.mulf %bitcast3A_355, %bitcast3A_356 : vector<32xbf16>
    %bitcast3A_358 = vector.bitcast %mul3A_357 : vector<32xbf16> to vector<16xi32>
    %shift_left3A_359 = arith.shli %bitcast3A_358, %broadcast_in_dim3A_5 : vector<16xi32>
    %bitcast3A_360 = vector.bitcast %shift_left3A_359 : vector<16xi32> to vector<16xf32>
    %and3A_361 = arith.andi %bitcast3A_358, %broadcast_in_dim3A_3 : vector<16xi32>
    %bitcast3A_362 = vector.bitcast %and3A_361 : vector<16xi32> to vector<16xf32>
    %add3A_363 = arith.addf %bitcast3A_360, %bitcast3A_362 : vector<16xf32>
    %get3A_364 = arith.constant 0 : i32
    %get3A_365 = arith.constant 8 : i32
    %get3A_366 = arith.constant 0 : i32
    %get3A_367 = arith.constant 0 : i32
    %get3A_368 = tpu.memref_slice %arg8[%get3A_364, %get3A_366, %get3A_367] : memref<2x128x64xi32, #tpu.memory_space<vmem>> -> memref<1x128x64xi32, #tpu.memory_space<vmem>>
    %get3A_369 = tpu.memref_squeeze %get3A_368 : memref<1x128x64xi32, #tpu.memory_space<vmem>> -> memref<128x64xi32, #tpu.memory_space<vmem>>
    %get3A_370 = arith.index_cast %get3A_365 : i32 to index
    %get3A_371 = arith.constant 0 : index
    %get3A_372 = tpu.vector_load %get3A_369[%get3A_370, %get3A_371] {strides = array<i32>} : memref<128x64xi32, #tpu.memory_space<vmem>>, vector<16xi32>,
    %get3A_373 = arith.constant 0 : i32
    %get3A_374 = arith.constant 8 : i32
    %get3A_375 = arith.constant 0 : i32
    %get3A_376 = arith.constant 0 : i32
    %get3A_377 = tpu.memref_slice %arg9[%get3A_373, %get3A_375, %get3A_376] : memref<2x128x64xi32, #tpu.memory_space<vmem>> -> memref<1x128x64xi32, #tpu.memory_space<vmem>>
    %get3A_378 = tpu.memref_squeeze %get3A_377 : memref<1x128x64xi32, #tpu.memory_space<vmem>> -> memref<128x64xi32, #tpu.memory_space<vmem>>
    %get3A_379 = arith.index_cast %get3A_374 : i32 to index
    %get3A_380 = arith.constant 0 : index
    %get3A_381 = tpu.vector_load %get3A_378[%get3A_379, %get3A_380] {strides = array<i32>} : memref<128x64xi32, #tpu.memory_space<vmem>>, vector<16xi32>,
    %bitcast3A_382 = vector.bitcast %get3A_372 : vector<16xi32> to vector<32xbf16>
    %bitcast3A_383 = vector.bitcast %get3A_381 : vector<16xi32> to vector<32xbf16>
    %mul3A_384 = arith.mulf %bitcast3A_382, %bitcast3A_383 : vector<32xbf16>
    %bitcast3A_385 = vector.bitcast %mul3A_384 : vector<32xbf16> to vector<16xi32>
    %shift_left3A_386 = arith.shli %bitcast3A_385, %broadcast_in_dim3A_5 : vector<16xi32>
    %bitcast3A_387 = vector.bitcast %shift_left3A_386 : vector<16xi32> to vector<16xf32>
    %and3A_388 = arith.andi %bitcast3A_385, %broadcast_in_dim3A_3 : vector<16xi32>
    %bitcast3A_389 = vector.bitcast %and3A_388 : vector<16xi32> to vector<16xf32>
    %add3A_390 = arith.addf %bitcast3A_387, %bitcast3A_389 : vector<16xf32>
    %get3A_391 = arith.constant 0 : i32
    %get3A_392 = arith.constant 9 : i32
    %get3A_393 = arith.constant 0 : i32
    %get3A_394 = arith.constant 0 : i32
    %get3A_395 = tpu.memref_slice %arg8[%get3A_391, %get3A_393, %get3A_394] : memref<2x128x64xi32, #tpu.memory_space<vmem>> -> memref<1x128x64xi32, #tpu.memory_space<vmem>>
    %get3A_396 = tpu.memref_squeeze %get3A_395 : memref<1x128x64xi32, #tpu.memory_space<vmem>> -> memref<128x64xi32, #tpu.memory_space<vmem>>
    %get3A_397 = arith.index_cast %get3A_392 : i32 to index
    %get3A_398 = arith.constant 0 : index
    %get3A_399 = tpu.vector_load %get3A_396[%get3A_397, %get3A_398] {strides = array<i32>} : memref<128x64xi32, #tpu.memory_space<vmem>>, vector<16xi32>,
    %get3A_400 = arith.constant 0 : i32
    %get3A_401 = arith.constant 9 : i32
    %get3A_402 = arith.constant 0 : i32
    %get3A_403 = arith.constant 0 : i32
    %get3A_404 = tpu.memref_slice %arg9[%get3A_400, %get3A_402, %get3A_403] : memref<2x128x64xi32, #tpu.memory_space<vmem>> -> memref<1x128x64xi32, #tpu.memory_space<vmem>>
    %get3A_405 = tpu.memref_squeeze %get3A_404 : memref<1x128x64xi32, #tpu.memory_space<vmem>> -> memref<128x64xi32, #tpu.memory_space<vmem>>
    %get3A_406 = arith.index_cast %get3A_401 : i32 to index
    %get3A_407 = arith.constant 0 : index
    %get3A_408 = tpu.vector_load %get3A_405[%get3A_406, %get3A_407] {strides = array<i32>} : memref<128x64xi32, #tpu.memory_space<vmem>>, vector<16xi32>,
    %bitcast3A_409 = vector.bitcast %get3A_399 : vector<16xi32> to vector<32xbf16>
    %bitcast3A_410 = vector.bitcast %get3A_408 : vector<16xi32> to vector<32xbf16>
    %mul3A_411 = arith.mulf %bitcast3A_409, %bitcast3A_410 : vector<32xbf16>
    %bitcast3A_412 = vector.bitcast %mul3A_411 : vector<32xbf16> to vector<16xi32>
    %shift_left3A_413 = arith.shli %bitcast3A_412, %broadcast_in_dim3A_5 : vector<16xi32>
    %bitcast3A_414 = vector.bitcast %shift_left3A_413 : vector<16xi32> to vector<16xf32>
    %and3A_415 = arith.andi %bitcast3A_412, %broadcast_in_dim3A_3 : vector<16xi32>
    %bitcast3A_416 = vector.bitcast %and3A_415 : vector<16xi32> to vector<16xf32>
    %add3A_417 = arith.addf %bitcast3A_414, %bitcast3A_416 : vector<16xf32>
    %get3A_418 = arith.constant 0 : i32
    %get3A_419 = arith.constant 10 : i32
    %get3A_420 = arith.constant 0 : i32
    %get3A_421 = arith.constant 0 : i32
    %get3A_422 = tpu.memref_slice %arg8[%get3A_418, %get3A_420, %get3A_421] : memref<2x128x64xi32, #tpu.memory_space<vmem>> -> memref<1x128x64xi32, #tpu.memory_space<vmem>>
    %get3A_423 = tpu.memref_squeeze %get3A_422 : memref<1x128x64xi32, #tpu.memory_space<vmem>> -> memref<128x64xi32, #tpu.memory_space<vmem>>
    %get3A_424 = arith.index_cast %get3A_419 : i32 to index
    %get3A_425 = arith.constant 0 : index
    %get3A_426 = tpu.vector_load %get3A_423[%get3A_424, %get3A_425] {strides = array<i32>} : memref<128x64xi32, #tpu.memory_space<vmem>>, vector<16xi32>,
    %get3A_427 = arith.constant 0 : i32
    %get3A_428 = arith.constant 10 : i32
    %get3A_429 = arith.constant 0 : i32
    %get3A_430 = arith.constant 0 : i32
    %get3A_431 = tpu.memref_slice %arg9[%get3A_427, %get3A_429, %get3A_430] : memref<2x128x64xi32, #tpu.memory_space<vmem>> -> memref<1x128x64xi32, #tpu.memory_space<vmem>>
    %get3A_432 = tpu.memref_squeeze %get3A_431 : memref<1x128x64xi32, #tpu.memory_space<vmem>> -> memref<128x64xi32, #tpu.memory_space<vmem>>
    %get3A_433 = arith.index_cast %get3A_428 : i32 to index
    %get3A_434 = arith.constant 0 : index
    %get3A_435 = tpu.vector_load %get3A_432[%get3A_433, %get3A_434] {strides = array<i32>} : memref<128x64xi32, #tpu.memory_space<vmem>>, vector<16xi32>,
    %bitcast3A_436 = vector.bitcast %get3A_426 : vector<16xi32> to vector<32xbf16>
    %bitcast3A_437 = vector.bitcast %get3A_435 : vector<16xi32> to vector<32xbf16>
    %mul3A_438 = arith.mulf %bitcast3A_436, %bitcast3A_437 : vector<32xbf16>
    %bitcast3A_439 = vector.bitcast %mul3A_438 : vector<32xbf16> to vector<16xi32>
    %shift_left3A_440 = arith.shli %bitcast3A_439, %broadcast_in_dim3A_5 : vector<16xi32>
    %bitcast3A_441 = vector.bitcast %shift_left3A_440 : vector<16xi32> to vector<16xf32>
    %and3A_442 = arith.andi %bitcast3A_439, %broadcast_in_dim3A_3 : vector<16xi32>
    %bitcast3A_443 = vector.bitcast %and3A_442 : vector<16xi32> to vector<16xf32>
    %add3A_444 = arith.addf %bitcast3A_441, %bitcast3A_443 : vector<16xf32>
    %get3A_445 = arith.constant 0 : i32
    %get3A_446 = arith.constant 11 : i32
    %get3A_447 = arith.constant 0 : i32
    %get3A_448 = arith.constant 0 : i32
    %get3A_449 = tpu.memref_slice %arg8[%get3A_445, %get3A_447, %get3A_448] : memref<2x128x64xi32, #tpu.memory_space<vmem>> -> memref<1x128x64xi32, #tpu.memory_space<vmem>>
    %get3A_450 = tpu.memref_squeeze %get3A_449 : memref<1x128x64xi32, #tpu.memory_space<vmem>> -> memref<128x64xi32, #tpu.memory_space<vmem>>
    %get3A_451 = arith.index_cast %get3A_446 : i32 to index
    %get3A_452 = arith.constant 0 : index
    %get3A_453 = tpu.vector_load %get3A_450[%get3A_451, %get3A_452] {strides = array<i32>} : memref<128x64xi32, #tpu.memory_space<vmem>>, vector<16xi32>,
    %get3A_454 = arith.constant 0 : i32
    %get3A_455 = arith.constant 11 : i32
    %get3A_456 = arith.constant 0 : i32
    %get3A_457 = arith.constant 0 : i32
    %get3A_458 = tpu.memref_slice %arg9[%get3A_454, %get3A_456, %get3A_457] : memref<2x128x64xi32, #tpu.memory_space<vmem>> -> memref<1x128x64xi32, #tpu.memory_space<vmem>>
    %get3A_459 = tpu.memref_squeeze %get3A_458 : memref<1x128x64xi32, #tpu.memory_space<vmem>> -> memref<128x64xi32, #tpu.memory_space<vmem>>
    %get3A_460 = arith.index_cast %get3A_455 : i32 to index
    %get3A_461 = arith.constant 0 : index
    %get3A_462 = tpu.vector_load %get3A_459[%get3A_460, %get3A_461] {strides = array<i32>} : memref<128x64xi32, #tpu.memory_space<vmem>>, vector<16xi32>,
    %bitcast3A_463 = vector.bitcast %get3A_453 : vector<16xi32> to vector<32xbf16>
    %bitcast3A_464 = vector.bitcast %get3A_462 : vector<16xi32> to vector<32xbf16>
    %mul3A_465 = arith.mulf %bitcast3A_463, %bitcast3A_464 : vector<32xbf16>
    %bitcast3A_466 = vector.bitcast %mul3A_465 : vector<32xbf16> to vector<16xi32>
    %shift_left3A_467 = arith.shli %bitcast3A_466, %broadcast_in_dim3A_5 : vector<16xi32>
    %bitcast3A_468 = vector.bitcast %shift_left3A_467 : vector<16xi32> to vector<16xf32>
    %and3A_469 = arith.andi %bitcast3A_466, %broadcast_in_dim3A_3 : vector<16xi32>
    %bitcast3A_470 = vector.bitcast %and3A_469 : vector<16xi32> to vector<16xf32>
    %add3A_471 = arith.addf %bitcast3A_468, %bitcast3A_470 : vector<16xf32>
    %get3A_472 = arith.constant 0 : i32
    %get3A_473 = arith.constant 12 : i32
    %get3A_474 = arith.constant 0 : i32
    %get3A_475 = arith.constant 0 : i32
    %get3A_476 = tpu.memref_slice %arg8[%get3A_472, %get3A_474, %get3A_475] : memref<2x128x64xi32, #tpu.memory_space<vmem>> -> memref<1x128x64xi32, #tpu.memory_space<vmem>>
    %get3A_477 = tpu.memref_squeeze %get3A_476 : memref<1x128x64xi32, #tpu.memory_space<vmem>> -> memref<128x64xi32, #tpu.memory_space<vmem>>
    %get3A_478 = arith.index_cast %get3A_473 : i32 to index
    %get3A_479 = arith.constant 0 : index
    %get3A_480 = tpu.vector_load %get3A_477[%get3A_478, %get3A_479] {strides = array<i32>} : memref<128x64xi32, #tpu.memory_space<vmem>>, vector<16xi32>,
    %get3A_481 = arith.constant 0 : i32
    %get3A_482 = arith.constant 12 : i32
    %get3A_483 = arith.constant 0 : i32
    %get3A_484 = arith.constant 0 : i32
    %get3A_485 = tpu.memref_slice %arg9[%get3A_481, %get3A_483, %get3A_484] : memref<2x128x64xi32, #tpu.memory_space<vmem>> -> memref<1x128x64xi32, #tpu.memory_space<vmem>>
    %get3A_486 = tpu.memref_squeeze %get3A_485 : memref<1x128x64xi32, #tpu.memory_space<vmem>> -> memref<128x64xi32, #tpu.memory_space<vmem>>
    %get3A_487 = arith.index_cast %get3A_482 : i32 to index
    %get3A_488 = arith.constant 0 : index
    %get3A_489 = tpu.vector_load %get3A_486[%get3A_487, %get3A_488] {strides = array<i32>} : memref<128x64xi32, #tpu.memory_space<vmem>>, vector<16xi32>,
    %bitcast3A_490 = vector.bitcast %get3A_480 : vector<16xi32> to vector<32xbf16>
    %bitcast3A_491 = vector.bitcast %get3A_489 : vector<16xi32> to vector<32xbf16>
    %mul3A_492 = arith.mulf %bitcast3A_490, %bitcast3A_491 : vector<32xbf16>
    %bitcast3A_493 = vector.bitcast %mul3A_492 : vector<32xbf16> to vector<16xi32>
    %shift_left3A_494 = arith.shli %bitcast3A_493, %broadcast_in_dim3A_5 : vector<16xi32>
    %bitcast3A_495 = vector.bitcast %shift_left3A_494 : vector<16xi32> to vector<16xf32>
    %and3A_496 = arith.andi %bitcast3A_493, %broadcast_in_dim3A_3 : vector<16xi32>
    %bitcast3A_497 = vector.bitcast %and3A_496 : vector<16xi32> to vector<16xf32>
    %add3A_498 = arith.addf %bitcast3A_495, %bitcast3A_497 : vector<16xf32>
    %get3A_499 = arith.constant 0 : i32
    %get3A_500 = arith.constant 13 : i32
    %get3A_501 = arith.constant 0 : i32
    %get3A_502 = arith.constant 0 : i32
    %get3A_503 = tpu.memref_slice %arg8[%get3A_499, %get3A_501, %get3A_502] : memref<2x128x64xi32, #tpu.memory_space<vmem>> -> memref<1x128x64xi32, #tpu.memory_space<vmem>>
    %get3A_504 = tpu.memref_squeeze %get3A_503 : memref<1x128x64xi32, #tpu.memory_space<vmem>> -> memref<128x64xi32, #tpu.memory_space<vmem>>
    %get3A_505 = arith.index_cast %get3A_500 : i32 to index
    %get3A_506 = arith.constant 0 : index
    %get3A_507 = tpu.vector_load %get3A_504[%get3A_505, %get3A_506] {strides = array<i32>} : memref<128x64xi32, #tpu.memory_space<vmem>>, vector<16xi32>,
    %get3A_508 = arith.constant 0 : i32
    %get3A_509 = arith.constant 13 : i32
    %get3A_510 = arith.constant 0 : i32
    %get3A_511 = arith.constant 0 : i32
    %get3A_512 = tpu.memref_slice %arg9[%get3A_508, %get3A_510, %get3A_511] : memref<2x128x64xi32, #tpu.memory_space<vmem>> -> memref<1x128x64xi32, #tpu.memory_space<vmem>>
    %get3A_513 = tpu.memref_squeeze %get3A_512 : memref<1x128x64xi32, #tpu.memory_space<vmem>> -> memref<128x64xi32, #tpu.memory_space<vmem>>
    %get3A_514 = arith.index_cast %get3A_509 : i32 to index
    %get3A_515 = arith.constant 0 : index
    %get3A_516 = tpu.vector_load %get3A_513[%get3A_514, %get3A_515] {strides = array<i32>} : memref<128x64xi32, #tpu.memory_space<vmem>>, vector<16xi32>,
    %bitcast3A_517 = vector.bitcast %get3A_507 : vector<16xi32> to vector<32xbf16>
    %bitcast3A_518 = vector.bitcast %get3A_516 : vector<16xi32> to vector<32xbf16>
    %mul3A_519 = arith.mulf %bitcast3A_517, %bitcast3A_518 : vector<32xbf16>
    %bitcast3A_520 = vector.bitcast %mul3A_519 : vector<32xbf16> to vector<16xi32>
    %shift_left3A_521 = arith.shli %bitcast3A_520, %broadcast_in_dim3A_5 : vector<16xi32>
    %bitcast3A_522 = vector.bitcast %shift_left3A_521 : vector<16xi32> to vector<16xf32>
    %and3A_523 = arith.andi %bitcast3A_520, %broadcast_in_dim3A_3 : vector<16xi32>
    %bitcast3A_524 = vector.bitcast %and3A_523 : vector<16xi32> to vector<16xf32>
    %add3A_525 = arith.addf %bitcast3A_522, %bitcast3A_524 : vector<16xf32>
    %get3A_526 = arith.constant 0 : i32
    %get3A_527 = arith.constant 14 : i32
    %get3A_528 = arith.constant 0 : i32
    %get3A_529 = arith.constant 0 : i32
    %get3A_530 = tpu.memref_slice %arg8[%get3A_526, %get3A_528, %get3A_529] : memref<2x128x64xi32, #tpu.memory_space<vmem>> -> memref<1x128x64xi32, #tpu.memory_space<vmem>>
    %get3A_531 = tpu.memref_squeeze %get3A_530 : memref<1x128x64xi32, #tpu.memory_space<vmem>> -> memref<128x64xi32, #tpu.memory_space<vmem>>
    %get3A_532 = arith.index_cast %get3A_527 : i32 to index
    %get3A_533 = arith.constant 0 : index
    %get3A_534 = tpu.vector_load %get3A_531[%get3A_532, %get3A_533] {strides = array<i32>} : memref<128x64xi32, #tpu.memory_space<vmem>>, vector<16xi32>,
    %get3A_535 = arith.constant 0 : i32
    %get3A_536 = arith.constant 14 : i32
    %get3A_537 = arith.constant 0 : i32
    %get3A_538 = arith.constant 0 : i32
    %get3A_539 = tpu.memref_slice %arg9[%get3A_535, %get3A_537, %get3A_538] : memref<2x128x64xi32, #tpu.memory_space<vmem>> -> memref<1x128x64xi32, #tpu.memory_space<vmem>>
    %get3A_540 = tpu.memref_squeeze %get3A_539 : memref<1x128x64xi32, #tpu.memory_space<vmem>> -> memref<128x64xi32, #tpu.memory_space<vmem>>
    %get3A_541 = arith.index_cast %get3A_536 : i32 to index
    %get3A_542 = arith.constant 0 : index
    %get3A_543 = tpu.vector_load %get3A_540[%get3A_541, %get3A_542] {strides = array<i32>} : memref<128x64xi32, #tpu.memory_space<vmem>>, vector<16xi32>,
    %bitcast3A_544 = vector.bitcast %get3A_534 : vector<16xi32> to vector<32xbf16>
    %bitcast3A_545 = vector.bitcast %get3A_543 : vector<16xi32> to vector<32xbf16>
    %mul3A_546 = arith.mulf %bitcast3A_544, %bitcast3A_545 : vector<32xbf16>
    %bitcast3A_547 = vector.bitcast %mul3A_546 : vector<32xbf16> to vector<16xi32>
    %shift_left3A_548 = arith.shli %bitcast3A_547, %broadcast_in_dim3A_5 : vector<16xi32>
    %bitcast3A_549 = vector.bitcast %shift_left3A_548 : vector<16xi32> to vector<16xf32>
    %and3A_550 = arith.andi %bitcast3A_547, %broadcast_in_dim3A_3 : vector<16xi32>
    %bitcast3A_551 = vector.bitcast %and3A_550 : vector<16xi32> to vector<16xf32>
    %add3A_552 = arith.addf %bitcast3A_549, %bitcast3A_551 : vector<16xf32>
    %get3A_553 = arith.constant 0 : i32
    %get3A_554 = arith.constant 15 : i32
    %get3A_555 = arith.constant 0 : i32
    %get3A_556 = arith.constant 0 : i32
    %get3A_557 = tpu.memref_slice %arg8[%get3A_553, %get3A_555, %get3A_556] : memref<2x128x64xi32, #tpu.memory_space<vmem>> -> memref<1x128x64xi32, #tpu.memory_space<vmem>>
    %get3A_558 = tpu.memref_squeeze %get3A_557 : memref<1x128x64xi32, #tpu.memory_space<vmem>> -> memref<128x64xi32, #tpu.memory_space<vmem>>
    %get3A_559 = arith.index_cast %get3A_554 : i32 to index
    %get3A_560 = arith.constant 0 : index
    %get3A_561 = tpu.vector_load %get3A_558[%get3A_559, %get3A_560] {strides = array<i32>} : memref<128x64xi32, #tpu.memory_space<vmem>>, vector<16xi32>,
    %get3A_562 = arith.constant 0 : i32
    %get3A_563 = arith.constant 15 : i32
    %get3A_564 = arith.constant 0 : i32
    %get3A_565 = arith.constant 0 : i32
    %get3A_566 = tpu.memref_slice %arg9[%get3A_562, %get3A_564, %get3A_565] : memref<2x128x64xi32, #tpu.memory_space<vmem>> -> memref<1x128x64xi32, #tpu.memory_space<vmem>>
    %get3A_567 = tpu.memref_squeeze %get3A_566 : memref<1x128x64xi32, #tpu.memory_space<vmem>> -> memref<128x64xi32, #tpu.memory_space<vmem>>
    %get3A_568 = arith.index_cast %get3A_563 : i32 to index
    %get3A_569 = arith.constant 0 : index
    %get3A_570 = tpu.vector_load %get3A_567[%get3A_568, %get3A_569] {strides = array<i32>} : memref<128x64xi32, #tpu.memory_space<vmem>>, vector<16xi32>,
    %bitcast3A_571 = vector.bitcast %get3A_561 : vector<16xi32> to vector<32xbf16>
    %bitcast3A_572 = vector.bitcast %get3A_570 : vector<16xi32> to vector<32xbf16>
    %mul3A_573 = arith.mulf %bitcast3A_571, %bitcast3A_572 : vector<32xbf16>
    %bitcast3A_574 = vector.bitcast %mul3A_573 : vector<32xbf16> to vector<16xi32>
    %shift_left3A_575 = arith.shli %bitcast3A_574, %broadcast_in_dim3A_5 : vector<16xi32>
    %bitcast3A_576 = vector.bitcast %shift_left3A_575 : vector<16xi32> to vector<16xf32>
    %and3A_577 = arith.andi %bitcast3A_574, %broadcast_in_dim3A_3 : vector<16xi32>
    %bitcast3A_578 = vector.bitcast %and3A_577 : vector<16xi32> to vector<16xf32>
    %add3A_579 = arith.addf %bitcast3A_576, %bitcast3A_578 : vector<16xf32>
    %get3A_580 = arith.constant 0 : i32
    %get3A_581 = arith.constant 0 : i32
    %get3A_582 = arith.constant 0 : i32
    %get3A_583 = arith.constant 0 : i32
    %get3A_584 = tpu.memref_slice %arg8[%get3A_580, %get3A_582, %get3A_583] : memref<2x128x64xi32, #tpu.memory_space<vmem>> -> memref<1x128x64xi32, #tpu.memory_space<vmem>>
    %get3A_585 = tpu.memref_squeeze %get3A_584 : memref<1x128x64xi32, #tpu.memory_space<vmem>> -> memref<128x64xi32, #tpu.memory_space<vmem>>
    %get3A_586 = arith.index_cast %get3A_581 : i32 to index
    %get3A_587 = arith.constant 16 : index
    %get3A_588 = tpu.vector_load %get3A_585[%get3A_586, %get3A_587] {strides = array<i32>} : memref<128x64xi32, #tpu.memory_space<vmem>>, vector<16xi32>,
    %get3A_589 = arith.constant 0 : i32
    %get3A_590 = arith.constant 0 : i32
    %get3A_591 = arith.constant 0 : i32
    %get3A_592 = arith.constant 0 : i32
    %get3A_593 = tpu.memref_slice %arg9[%get3A_589, %get3A_591, %get3A_592] : memref<2x128x64xi32, #tpu.memory_space<vmem>> -> memref<1x128x64xi32, #tpu.memory_space<vmem>>
    %get3A_594 = tpu.memref_squeeze %get3A_593 : memref<1x128x64xi32, #tpu.memory_space<vmem>> -> memref<128x64xi32, #tpu.memory_space<vmem>>
    %get3A_595 = arith.index_cast %get3A_590 : i32 to index
    %get3A_596 = arith.constant 16 : index
    %get3A_597 = tpu.vector_load %get3A_594[%get3A_595, %get3A_596] {strides = array<i32>} : memref<128x64xi32, #tpu.memory_space<vmem>>, vector<16xi32>,
    %bitcast3A_598 = vector.bitcast %get3A_588 : vector<16xi32> to vector<32xbf16>
    %bitcast3A_599 = vector.bitcast %get3A_597 : vector<16xi32> to vector<32xbf16>
    %mul3A_600 = arith.mulf %bitcast3A_598, %bitcast3A_599 : vector<32xbf16>
    %bitcast3A_601 = vector.bitcast %mul3A_600 : vector<32xbf16> to vector<16xi32>
    %shift_left3A_602 = arith.shli %bitcast3A_601, %broadcast_in_dim3A_5 : vector<16xi32>
    %bitcast3A_603 = vector.bitcast %shift_left3A_602 : vector<16xi32> to vector<16xf32>
    %and3A_604 = arith.andi %bitcast3A_601, %broadcast_in_dim3A_3 : vector<16xi32>
    %bitcast3A_605 = vector.bitcast %and3A_604 : vector<16xi32> to vector<16xf32>
    %add3A_606 = arith.addf %bitcast3A_603, %bitcast3A_605 : vector<16xf32>
    %add3A_607 = arith.addf %add3A_174, %add3A_606 : vector<16xf32>
    %get3A_608 = arith.constant 0 : i32
    %get3A_609 = arith.constant 1 : i32
    %get3A_610 = arith.constant 0 : i32
    %get3A_611 = arith.constant 0 : i32
    %get3A_612 = tpu.memref_slice %arg8[%get3A_608, %get3A_610, %get3A_611] : memref<2x128x64xi32, #tpu.memory_space<vmem>> -> memref<1x128x64xi32, #tpu.memory_space<vmem>>
    %get3A_613 = tpu.memref_squeeze %get3A_612 : memref<1x128x64xi32, #tpu.memory_space<vmem>> -> memref<128x64xi32, #tpu.memory_space<vmem>>
    %get3A_614 = arith.index_cast %get3A_609 : i32 to index
    %get3A_615 = arith.constant 16 : index
    %get3A_616 = tpu.vector_load %get3A_613[%get3A_614, %get3A_615] {strides = array<i32>} : memref<128x64xi32, #tpu.memory_space<vmem>>, vector<16xi32>,
    %get3A_617 = arith.constant 0 : i32
    %get3A_618 = arith.constant 1 : i32
    %get3A_619 = arith.constant 0 : i32
    %get3A_620 = arith.constant 0 : i32
    %get3A_621 = tpu.memref_slice %arg9[%get3A_617, %get3A_619, %get3A_620] : memref<2x128x64xi32, #tpu.memory_space<vmem>> -> memref<1x128x64xi32, #tpu.memory_space<vmem>>
    %get3A_622 = tpu.memref_squeeze %get3A_621 : memref<1x128x64xi32, #tpu.memory_space<vmem>> -> memref<128x64xi32, #tpu.memory_space<vmem>>
    %get3A_623 = arith.index_cast %get3A_618 : i32 to index
    %get3A_624 = arith.constant 16 : index
    %get3A_625 = tpu.vector_load %get3A_622[%get3A_623, %get3A_624] {strides = array<i32>} : memref<128x64xi32, #tpu.memory_space<vmem>>, vector<16xi32>,
    %bitcast3A_626 = vector.bitcast %get3A_616 : vector<16xi32> to vector<32xbf16>
    %bitcast3A_627 = vector.bitcast %get3A_625 : vector<16xi32> to vector<32xbf16>
    %mul3A_628 = arith.mulf %bitcast3A_626, %bitcast3A_627 : vector<32xbf16>
    %bitcast3A_629 = vector.bitcast %mul3A_628 : vector<32xbf16> to vector<16xi32>
    %shift_left3A_630 = arith.shli %bitcast3A_629, %broadcast_in_dim3A_5 : vector<16xi32>
    %bitcast3A_631 = vector.bitcast %shift_left3A_630 : vector<16xi32> to vector<16xf32>
    %and3A_632 = arith.andi %bitcast3A_629, %broadcast_in_dim3A_3 : vector<16xi32>
    %bitcast3A_633 = vector.bitcast %and3A_632 : vector<16xi32> to vector<16xf32>
    %add3A_634 = arith.addf %bitcast3A_631, %bitcast3A_633 : vector<16xf32>
    %add3A_635 = arith.addf %add3A_201, %add3A_634 : vector<16xf32>
    %get3A_636 = arith.constant 0 : i32
    %get3A_637 = arith.constant 2 : i32
    %get3A_638 = arith.constant 0 : i32
    %get3A_639 = arith.constant 0 : i32
    %get3A_640 = tpu.memref_slice %arg8[%get3A_636, %get3A_638, %get3A_639] : memref<2x128x64xi32, #tpu.memory_space<vmem>> -> memref<1x128x64xi32, #tpu.memory_space<vmem>>
    %get3A_641 = tpu.memref_squeeze %get3A_640 : memref<1x128x64xi32, #tpu.memory_space<vmem>> -> memref<128x64xi32, #tpu.memory_space<vmem>>
    %get3A_642 = arith.index_cast %get3A_637 : i32 to index
    %get3A_643 = arith.constant 16 : index
    %get3A_644 = tpu.vector_load %get3A_641[%get3A_642, %get3A_643] {strides = array<i32>} : memref<128x64xi32, #tpu.memory_space<vmem>>, vector<16xi32>,
    %get3A_645 = arith.constant 0 : i32
    %get3A_646 = arith.constant 2 : i32
    %get3A_647 = arith.constant 0 : i32
    %get3A_648 = arith.constant 0 : i32
    %get3A_649 = tpu.memref_slice %arg9[%get3A_645, %get3A_647, %get3A_648] : memref<2x128x64xi32, #tpu.memory_space<vmem>> -> memref<1x128x64xi32, #tpu.memory_space<vmem>>
    %get3A_650 = tpu.memref_squeeze %get3A_649 : memref<1x128x64xi32, #tpu.memory_space<vmem>> -> memref<128x64xi32, #tpu.memory_space<vmem>>
    %get3A_651 = arith.index_cast %get3A_646 : i32 to index
    %get3A_652 = arith.constant 16 : index
    %get3A_653 = tpu.vector_load %get3A_650[%get3A_651, %get3A_652] {strides = array<i32>} : memref<128x64xi32, #tpu.memory_space<vmem>>, vector<16xi32>,
    %bitcast3A_654 = vector.bitcast %get3A_644 : vector<16xi32> to vector<32xbf16>
    %bitcast3A_655 = vector.bitcast %get3A_653 : vector<16xi32> to vector<32xbf16>
    %mul3A_656 = arith.mulf %bitcast3A_654, %bitcast3A_655 : vector<32xbf16>
    %bitcast3A_657 = vector.bitcast %mul3A_656 : vector<32xbf16> to vector<16xi32>
    %shift_left3A_658 = arith.shli %bitcast3A_657, %broadcast_in_dim3A_5 : vector<16xi32>
    %bitcast3A_659 = vector.bitcast %shift_left3A_658 : vector<16xi32> to vector<16xf32>
    %and3A_660 = arith.andi %bitcast3A_657, %broadcast_in_dim3A_3 : vector<16xi32>
    %bitcast3A_661 = vector.bitcast %and3A_660 : vector<16xi32> to vector<16xf32>
    %add3A_662 = arith.addf %bitcast3A_659, %bitcast3A_661 : vector<16xf32>
    %add3A_663 = arith.addf %add3A_228, %add3A_662 : vector<16xf32>
    %get3A_664 = arith.constant 0 : i32
    %get3A_665 = arith.constant 3 : i32
    %get3A_666 = arith.constant 0 : i32
    %get3A_667 = arith.constant 0 : i32
    %get3A_668 = tpu.memref_slice %arg8[%get3A_664, %get3A_666, %get3A_667] : memref<2x128x64xi32, #tpu.memory_space<vmem>> -> memref<1x128x64xi32, #tpu.memory_space<vmem>>
    %get3A_669 = tpu.memref_squeeze %get3A_668 : memref<1x128x64xi32, #tpu.memory_space<vmem>> -> memref<128x64xi32, #tpu.memory_space<vmem>>
    %get3A_670 = arith.index_cast %get3A_665 : i32 to index
    %get3A_671 = arith.constant 16 : index
    %get3A_672 = tpu.vector_load %get3A_669[%get3A_670, %get3A_671] {strides = array<i32>} : memref<128x64xi32, #tpu.memory_space<vmem>>, vector<16xi32>,
    %get3A_673 = arith.constant 0 : i32
    %get3A_674 = arith.constant 3 : i32
    %get3A_675 = arith.constant 0 : i32
    %get3A_676 = arith.constant 0 : i32
    %get3A_677 = tpu.memref_slice %arg9[%get3A_673, %get3A_675, %get3A_676] : memref<2x128x64xi32, #tpu.memory_space<vmem>> -> memref<1x128x64xi32, #tpu.memory_space<vmem>>
    %get3A_678 = tpu.memref_squeeze %get3A_677 : memref<1x128x64xi32, #tpu.memory_space<vmem>> -> memref<128x64xi32, #tpu.memory_space<vmem>>
    %get3A_679 = arith.index_cast %get3A_674 : i32 to index
    %get3A_680 = arith.constant 16 : index
    %get3A_681 = tpu.vector_load %get3A_678[%get3A_679, %get3A_680] {strides = array<i32>} : memref<128x64xi32, #tpu.memory_space<vmem>>, vector<16xi32>,
    %bitcast3A_682 = vector.bitcast %get3A_672 : vector<16xi32> to vector<32xbf16>
    %bitcast3A_683 = vector.bitcast %get3A_681 : vector<16xi32> to vector<32xbf16>
    %mul3A_684 = arith.mulf %bitcast3A_682, %bitcast3A_683 : vector<32xbf16>
    %bitcast3A_685 = vector.bitcast %mul3A_684 : vector<32xbf16> to vector<16xi32>
    %shift_left3A_686 = arith.shli %bitcast3A_685, %broadcast_in_dim3A_5 : vector<16xi32>
    %bitcast3A_687 = vector.bitcast %shift_left3A_686 : vector<16xi32> to vector<16xf32>
    %and3A_688 = arith.andi %bitcast3A_685, %broadcast_in_dim3A_3 : vector<16xi32>
    %bitcast3A_689 = vector.bitcast %and3A_688 : vector<16xi32> to vector<16xf32>
    %add3A_690 = arith.addf %bitcast3A_687, %bitcast3A_689 : vector<16xf32>
    %add3A_691 = arith.addf %add3A_255, %add3A_690 : vector<16xf32>
    %get3A_692 = arith.constant 0 : i32
    %get3A_693 = arith.constant 4 : i32
    %get3A_694 = arith.constant 0 : i32
    %get3A_695 = arith.constant 0 : i32
    %get3A_696 = tpu.memref_slice %arg8[%get3A_692, %get3A_694, %get3A_695] : memref<2x128x64xi32, #tpu.memory_space<vmem>> -> memref<1x128x64xi32, #tpu.memory_space<vmem>>
    %get3A_697 = tpu.memref_squeeze %get3A_696 : memref<1x128x64xi32, #tpu.memory_space<vmem>> -> memref<128x64xi32, #tpu.memory_space<vmem>>
    %get3A_698 = arith.index_cast %get3A_693 : i32 to index
    %get3A_699 = arith.constant 16 : index
    %get3A_700 = tpu.vector_load %get3A_697[%get3A_698, %get3A_699] {strides = array<i32>} : memref<128x64xi32, #tpu.memory_space<vmem>>, vector<16xi32>,
    %get3A_701 = arith.constant 0 : i32
    %get3A_702 = arith.constant 4 : i32
    %get3A_703 = arith.constant 0 : i32
    %get3A_704 = arith.constant 0 : i32
    %get3A_705 = tpu.memref_slice %arg9[%get3A_701, %get3A_703, %get3A_704] : memref<2x128x64xi32, #tpu.memory_space<vmem>> -> memref<1x128x64xi32, #tpu.memory_space<vmem>>
    %get3A_706 = tpu.memref_squeeze %get3A_705 : memref<1x128x64xi32, #tpu.memory_space<vmem>> -> memref<128x64xi32, #tpu.memory_space<vmem>>
    %get3A_707 = arith.index_cast %get3A_702 : i32 to index
    %get3A_708 = arith.constant 16 : index
    %get3A_709 = tpu.vector_load %get3A_706[%get3A_707, %get3A_708] {strides = array<i32>} : memref<128x64xi32, #tpu.memory_space<vmem>>, vector<16xi32>,
    %bitcast3A_710 = vector.bitcast %get3A_700 : vector<16xi32> to vector<32xbf16>
    %bitcast3A_711 = vector.bitcast %get3A_709 : vector<16xi32> to vector<32xbf16>
    %mul3A_712 = arith.mulf %bitcast3A_710, %bitcast3A_711 : vector<32xbf16>
    %bitcast3A_713 = vector.bitcast %mul3A_712 : vector<32xbf16> to vector<16xi32>
    %shift_left3A_714 = arith.shli %bitcast3A_713, %broadcast_in_dim3A_5 : vector<16xi32>
    %bitcast3A_715 = vector.bitcast %shift_left3A_714 : vector<16xi32> to vector<16xf32>
    %and3A_716 = arith.andi %bitcast3A_713, %broadcast_in_dim3A_3 : vector<16xi32>
    %bitcast3A_717 = vector.bitcast %and3A_716 : vector<16xi32> to vector<16xf32>
    %add3A_718 = arith.addf %bitcast3A_715, %bitcast3A_717 : vector<16xf32>
    %add3A_719 = arith.addf %add3A_282, %add3A_718 : vector<16xf32>
    %get3A_720 = arith.constant 0 : i32
    %get3A_721 = arith.constant 5 : i32
    %get3A_722 = arith.constant 0 : i32
    %get3A_723 = arith.constant 0 : i32
    %get3A_724 = tpu.memref_slice %arg8[%get3A_720, %get3A_722, %get3A_723] : memref<2x128x64xi32, #tpu.memory_space<vmem>> -> memref<1x128x64xi32, #tpu.memory_space<vmem>>
    %get3A_725 = tpu.memref_squeeze %get3A_724 : memref<1x128x64xi32, #tpu.memory_space<vmem>> -> memref<128x64xi32, #tpu.memory_space<vmem>>
    %get3A_726 = arith.index_cast %get3A_721 : i32 to index
    %get3A_727 = arith.constant 16 : index
    %get3A_728 = tpu.vector_load %get3A_725[%get3A_726, %get3A_727] {strides = array<i32>} : memref<128x64xi32, #tpu.memory_space<vmem>>, vector<16xi32>,
    %get3A_729 = arith.constant 0 : i32
    %get3A_730 = arith.constant 5 : i32
    %get3A_731 = arith.constant 0 : i32
    %get3A_732 = arith.constant 0 : i32
    %get3A_733 = tpu.memref_slice %arg9[%get3A_729, %get3A_731, %get3A_732] : memref<2x128x64xi32, #tpu.memory_space<vmem>> -> memref<1x128x64xi32, #tpu.memory_space<vmem>>
    %get3A_734 = tpu.memref_squeeze %get3A_733 : memref<1x128x64xi32, #tpu.memory_space<vmem>> -> memref<128x64xi32, #tpu.memory_space<vmem>>
    %get3A_735 = arith.index_cast %get3A_730 : i32 to index
    %get3A_736 = arith.constant 16 : index
    %get3A_737 = tpu.vector_load %get3A_734[%get3A_735, %get3A_736] {strides = array<i32>} : memref<128x64xi32, #tpu.memory_space<vmem>>, vector<16xi32>,
    %bitcast3A_738 = vector.bitcast %get3A_728 : vector<16xi32> to vector<32xbf16>
    %bitcast3A_739 = vector.bitcast %get3A_737 : vector<16xi32> to vector<32xbf16>
    %mul3A_740 = arith.mulf %bitcast3A_738, %bitcast3A_739 : vector<32xbf16>
    %bitcast3A_741 = vector.bitcast %mul3A_740 : vector<32xbf16> to vector<16xi32>
    %shift_left3A_742 = arith.shli %bitcast3A_741, %broadcast_in_dim3A_5 : vector<16xi32>
    %bitcast3A_743 = vector.bitcast %shift_left3A_742 : vector<16xi32> to vector<16xf32>
    %and3A_744 = arith.andi %bitcast3A_741, %broadcast_in_dim3A_3 : vector<16xi32>
    %bitcast3A_745 = vector.bitcast %and3A_744 : vector<16xi32> to vector<16xf32>
    %add3A_746 = arith.addf %bitcast3A_743, %bitcast3A_745 : vector<16xf32>
    %add3A_747 = arith.addf %add3A_309, %add3A_746 : vector<16xf32>
    %get3A_748 = arith.constant 0 : i32
    %get3A_749 = arith.constant 6 : i32
    %get3A_750 = arith.constant 0 : i32
    %get3A_751 = arith.constant 0 : i32
    %get3A_752 = tpu.memref_slice %arg8[%get3A_748, %get3A_750, %get3A_751] : memref<2x128x64xi32, #tpu.memory_space<vmem>> -> memref<1x128x64xi32, #tpu.memory_space<vmem>>
    %get3A_753 = tpu.memref_squeeze %get3A_752 : memref<1x128x64xi32, #tpu.memory_space<vmem>> -> memref<128x64xi32, #tpu.memory_space<vmem>>
    %get3A_754 = arith.index_cast %get3A_749 : i32 to index
    %get3A_755 = arith.constant 16 : index
    %get3A_756 = tpu.vector_load %get3A_753[%get3A_754, %get3A_755] {strides = array<i32>} : memref<128x64xi32, #tpu.memory_space<vmem>>, vector<16xi32>,
    %get3A_757 = arith.constant 0 : i32
    %get3A_758 = arith.constant 6 : i32
    %get3A_759 = arith.constant 0 : i32
    %get3A_760 = arith.constant 0 : i32
    %get3A_761 = tpu.memref_slice %arg9[%get3A_757, %get3A_759, %get3A_760] : memref<2x128x64xi32, #tpu.memory_space<vmem>> -> memref<1x128x64xi32, #tpu.memory_space<vmem>>
    %get3A_762 = tpu.memref_squeeze %get3A_761 : memref<1x128x64xi32, #tpu.memory_space<vmem>> -> memref<128x64xi32, #tpu.memory_space<vmem>>
    %get3A_763 = arith.index_cast %get3A_758 : i32 to index
    %get3A_764 = arith.constant 16 : index
    %get3A_765 = tpu.vector_load %get3A_762[%get3A_763, %get3A_764] {strides = array<i32>} : memref<128x64xi32, #tpu.memory_space<vmem>>, vector<16xi32>,
    %bitcast3A_766 = vector.bitcast %get3A_756 : vector<16xi32> to vector<32xbf16>
    %bitcast3A_767 = vector.bitcast %get3A_765 : vector<16xi32> to vector<32xbf16>
    %mul3A_768 = arith.mulf %bitcast3A_766, %bitcast3A_767 : vector<32xbf16>
    %bitcast3A_769 = vector.bitcast %mul3A_768 : vector<32xbf16> to vector<16xi32>
    %shift_left3A_770 = arith.shli %bitcast3A_769, %broadcast_in_dim3A_5 : vector<16xi32>
    %bitcast3A_771 = vector.bitcast %shift_left3A_770 : vector<16xi32> to vector<16xf32>
    %and3A_772 = arith.andi %bitcast3A_769, %broadcast_in_dim3A_3 : vector<16xi32>
    %bitcast3A_773 = vector.bitcast %and3A_772 : vector<16xi32> to vector<16xf32>
    %add3A_774 = arith.addf %bitcast3A_771, %bitcast3A_773 : vector<16xf32>
    %add3A_775 = arith.addf %add3A_336, %add3A_774 : vector<16xf32>
    %get3A_776 = arith.constant 0 : i32
    %get3A_777 = arith.constant 7 : i32
    %get3A_778 = arith.constant 0 : i32
    %get3A_779 = arith.constant 0 : i32
    %get3A_780 = tpu.memref_slice %arg8[%get3A_776, %get3A_778, %get3A_779] : memref<2x128x64xi32, #tpu.memory_space<vmem>> -> memref<1x128x64xi32, #tpu.memory_space<vmem>>
    %get3A_781 = tpu.memref_squeeze %get3A_780 : memref<1x128x64xi32, #tpu.memory_space<vmem>> -> memref<128x64xi32, #tpu.memory_space<vmem>>
    %get3A_782 = arith.index_cast %get3A_777 : i32 to index
    %get3A_783 = arith.constant 16 : index
    %get3A_784 = tpu.vector_load %get3A_781[%get3A_782, %get3A_783] {strides = array<i32>} : memref<128x64xi32, #tpu.memory_space<vmem>>, vector<16xi32>,
    %get3A_785 = arith.constant 0 : i32
    %get3A_786 = arith.constant 7 : i32
    %get3A_787 = arith.constant 0 : i32
    %get3A_788 = arith.constant 0 : i32
    %get3A_789 = tpu.memref_slice %arg9[%get3A_785, %get3A_787, %get3A_788] : memref<2x128x64xi32, #tpu.memory_space<vmem>> -> memref<1x128x64xi32, #tpu.memory_space<vmem>>
    %get3A_790 = tpu.memref_squeeze %get3A_789 : memref<1x128x64xi32, #tpu.memory_space<vmem>> -> memref<128x64xi32, #tpu.memory_space<vmem>>
    %get3A_791 = arith.index_cast %get3A_786 : i32 to index
    %get3A_792 = arith.constant 16 : index
    %get3A_793 = tpu.vector_load %get3A_790[%get3A_791, %get3A_792] {strides = array<i32>} : memref<128x64xi32, #tpu.memory_space<vmem>>, vector<16xi32>,
    %bitcast3A_794 = vector.bitcast %get3A_784 : vector<16xi32> to vector<32xbf16>
    %bitcast3A_795 = vector.bitcast %get3A_793 : vector<16xi32> to vector<32xbf16>
    %mul3A_796 = arith.mulf %bitcast3A_794, %bitcast3A_795 : vector<32xbf16>
    %bitcast3A_797 = vector.bitcast %mul3A_796 : vector<32xbf16> to vector<16xi32>
    %shift_left3A_798 = arith.shli %bitcast3A_797, %broadcast_in_dim3A_5 : vector<16xi32>
    %bitcast3A_799 = vector.bitcast %shift_left3A_798 : vector<16xi32> to vector<16xf32>
    %and3A_800 = arith.andi %bitcast3A_797, %broadcast_in_dim3A_3 : vector<16xi32>
    %bitcast3A_801 = vector.bitcast %and3A_800 : vector<16xi32> to vector<16xf32>
    %add3A_802 = arith.addf %bitcast3A_799, %bitcast3A_801 : vector<16xf32>
    %add3A_803 = arith.addf %add3A_363, %add3A_802 : vector<16xf32>
    %get3A_804 = arith.constant 0 : i32
    %get3A_805 = arith.constant 8 : i32
    %get3A_806 = arith.constant 0 : i32
    %get3A_807 = arith.constant 0 : i32
    %get3A_808 = tpu.memref_slice %arg8[%get3A_804, %get3A_806, %get3A_807] : memref<2x128x64xi32, #tpu.memory_space<vmem>> -> memref<1x128x64xi32, #tpu.memory_space<vmem>>
    %get3A_809 = tpu.memref_squeeze %get3A_808 : memref<1x128x64xi32, #tpu.memory_space<vmem>> -> memref<128x64xi32, #tpu.memory_space<vmem>>
    %get3A_810 = arith.index_cast %get3A_805 : i32 to index
    %get3A_811 = arith.constant 16 : index
    %get3A_812 = tpu.vector_load %get3A_809[%get3A_810, %get3A_811] {strides = array<i32>} : memref<128x64xi32, #tpu.memory_space<vmem>>, vector<16xi32>,
    %get3A_813 = arith.constant 0 : i32
    %get3A_814 = arith.constant 8 : i32
    %get3A_815 = arith.constant 0 : i32
    %get3A_816 = arith.constant 0 : i32
    %get3A_817 = tpu.memref_slice %arg9[%get3A_813, %get3A_815, %get3A_816] : memref<2x128x64xi32, #tpu.memory_space<vmem>> -> memref<1x128x64xi32, #tpu.memory_space<vmem>>
    %get3A_818 = tpu.memref_squeeze %get3A_817 : memref<1x128x64xi32, #tpu.memory_space<vmem>> -> memref<128x64xi32, #tpu.memory_space<vmem>>
    %get3A_819 = arith.index_cast %get3A_814 : i32 to index
    %get3A_820 = arith.constant 16 : index
    %get3A_821 = tpu.vector_load %get3A_818[%get3A_819, %get3A_820] {strides = array<i32>} : memref<128x64xi32, #tpu.memory_space<vmem>>, vector<16xi32>,
    %bitcast3A_822 = vector.bitcast %get3A_812 : vector<16xi32> to vector<32xbf16>
    %bitcast3A_823 = vector.bitcast %get3A_821 : vector<16xi32> to vector<32xbf16>
    %mul3A_824 = arith.mulf %bitcast3A_822, %bitcast3A_823 : vector<32xbf16>
    %bitcast3A_825 = vector.bitcast %mul3A_824 : vector<32xbf16> to vector<16xi32>
    %shift_left3A_826 = arith.shli %bitcast3A_825, %broadcast_in_dim3A_5 : vector<16xi32>
    %bitcast3A_827 = vector.bitcast %shift_left3A_826 : vector<16xi32> to vector<16xf32>
    %and3A_828 = arith.andi %bitcast3A_825, %broadcast_in_dim3A_3 : vector<16xi32>
    %bitcast3A_829 = vector.bitcast %and3A_828 : vector<16xi32> to vector<16xf32>
    %add3A_830 = arith.addf %bitcast3A_827, %bitcast3A_829 : vector<16xf32>
    %add3A_831 = arith.addf %add3A_390, %add3A_830 : vector<16xf32>
    %get3A_832 = arith.constant 0 : i32
    %get3A_833 = arith.constant 9 : i32
    %get3A_834 = arith.constant 0 : i32
    %get3A_835 = arith.constant 0 : i32
    %get3A_836 = tpu.memref_slice %arg8[%get3A_832, %get3A_834, %get3A_835] : memref<2x128x64xi32, #tpu.memory_space<vmem>> -> memref<1x128x64xi32, #tpu.memory_space<vmem>>
    %get3A_837 = tpu.memref_squeeze %get3A_836 : memref<1x128x64xi32, #tpu.memory_space<vmem>> -> memref<128x64xi32, #tpu.memory_space<vmem>>
    %get3A_838 = arith.index_cast %get3A_833 : i32 to index
    %get3A_839 = arith.constant 16 : index
    %get3A_840 = tpu.vector_load %get3A_837[%get3A_838, %get3A_839] {strides = array<i32>} : memref<128x64xi32, #tpu.memory_space<vmem>>, vector<16xi32>,
    %get3A_841 = arith.constant 0 : i32
    %get3A_842 = arith.constant 9 : i32
    %get3A_843 = arith.constant 0 : i32
    %get3A_844 = arith.constant 0 : i32
    %get3A_845 = tpu.memref_slice %arg9[%get3A_841, %get3A_843, %get3A_844] : memref<2x128x64xi32, #tpu.memory_space<vmem>> -> memref<1x128x64xi32, #tpu.memory_space<vmem>>
    %get3A_846 = tpu.memref_squeeze %get3A_845 : memref<1x128x64xi32, #tpu.memory_space<vmem>> -> memref<128x64xi32, #tpu.memory_space<vmem>>
    %get3A_847 = arith.index_cast %get3A_842 : i32 to index
    %get3A_848 = arith.constant 16 : index
    %get3A_849 = tpu.vector_load %get3A_846[%get3A_847, %get3A_848] {strides = array<i32>} : memref<128x64xi32, #tpu.memory_space<vmem>>, vector<16xi32>,
    %bitcast3A_850 = vector.bitcast %get3A_840 : vector<16xi32> to vector<32xbf16>
    %bitcast3A_851 = vector.bitcast %get3A_849 : vector<16xi32> to vector<32xbf16>
    %mul3A_852 = arith.mulf %bitcast3A_850, %bitcast3A_851 : vector<32xbf16>
    %bitcast3A_853 = vector.bitcast %mul3A_852 : vector<32xbf16> to vector<16xi32>
    %shift_left3A_854 = arith.shli %bitcast3A_853, %broadcast_in_dim3A_5 : vector<16xi32>
    %bitcast3A_855 = vector.bitcast %shift_left3A_854 : vector<16xi32> to vector<16xf32>
    %and3A_856 = arith.andi %bitcast3A_853, %broadcast_in_dim3A_3 : vector<16xi32>
    %bitcast3A_857 = vector.bitcast %and3A_856 : vector<16xi32> to vector<16xf32>
    %add3A_858 = arith.addf %bitcast3A_855, %bitcast3A_857 : vector<16xf32>
    %add3A_859 = arith.addf %add3A_417, %add3A_858 : vector<16xf32>
    %get3A_860 = arith.constant 0 : i32
    %get3A_861 = arith.constant 10 : i32
    %get3A_862 = arith.constant 0 : i32
    %get3A_863 = arith.constant 0 : i32
    %get3A_864 = tpu.memref_slice %arg8[%get3A_860, %get3A_862, %get3A_863] : memref<2x128x64xi32, #tpu.memory_space<vmem>> -> memref<1x128x64xi32, #tpu.memory_space<vmem>>
    %get3A_865 = tpu.memref_squeeze %get3A_864 : memref<1x128x64xi32, #tpu.memory_space<vmem>> -> memref<128x64xi32, #tpu.memory_space<vmem>>
    %get3A_866 = arith.index_cast %get3A_861 : i32 to index
    %get3A_867 = arith.constant 16 : index
    %get3A_868 = tpu.vector_load %get3A_865[%get3A_866, %get3A_867] {strides = array<i32>} : memref<128x64xi32, #tpu.memory_space<vmem>>, vector<16xi32>,
    %get3A_869 = arith.constant 0 : i32
    %get3A_870 = arith.constant 10 : i32
    %get3A_871 = arith.constant 0 : i32
    %get3A_872 = arith.constant 0 : i32
    %get3A_873 = tpu.memref_slice %arg9[%get3A_869, %get3A_871, %get3A_872] : memref<2x128x64xi32, #tpu.memory_space<vmem>> -> memref<1x128x64xi32, #tpu.memory_space<vmem>>
    %get3A_874 = tpu.memref_squeeze %get3A_873 : memref<1x128x64xi32, #tpu.memory_space<vmem>> -> memref<128x64xi32, #tpu.memory_space<vmem>>
    %get3A_875 = arith.index_cast %get3A_870 : i32 to index
    %get3A_876 = arith.constant 16 : index
    %get3A_877 = tpu.vector_load %get3A_874[%get3A_875, %get3A_876] {strides = array<i32>} : memref<128x64xi32, #tpu.memory_space<vmem>>, vector<16xi32>,
    %bitcast3A_878 = vector.bitcast %get3A_868 : vector<16xi32> to vector<32xbf16>
    %bitcast3A_879 = vector.bitcast %get3A_877 : vector<16xi32> to vector<32xbf16>
    %mul3A_880 = arith.mulf %bitcast3A_878, %bitcast3A_879 : vector<32xbf16>
    %bitcast3A_881 = vector.bitcast %mul3A_880 : vector<32xbf16> to vector<16xi32>
    %shift_left3A_882 = arith.shli %bitcast3A_881, %broadcast_in_dim3A_5 : vector<16xi32>
    %bitcast3A_883 = vector.bitcast %shift_left3A_882 : vector<16xi32> to vector<16xf32>
    %and3A_884 = arith.andi %bitcast3A_881, %broadcast_in_dim3A_3 : vector<16xi32>
    %bitcast3A_885 = vector.bitcast %and3A_884 : vector<16xi32> to vector<16xf32>
    %add3A_886 = arith.addf %bitcast3A_883, %bitcast3A_885 : vector<16xf32>
    %add3A_887 = arith.addf %add3A_444, %add3A_886 : vector<16xf32>
    %get3A_888 = arith.constant 0 : i32
    %get3A_889 = arith.constant 11 : i32
    %get3A_890 = arith.constant 0 : i32
    %get3A_891 = arith.constant 0 : i32
    %get3A_892 = tpu.memref_slice %arg8[%get3A_888, %get3A_890, %get3A_891] : memref<2x128x64xi32, #tpu.memory_space<vmem>> -> memref<1x128x64xi32, #tpu.memory_space<vmem>>
    %get3A_893 = tpu.memref_squeeze %get3A_892 : memref<1x128x64xi32, #tpu.memory_space<vmem>> -> memref<128x64xi32, #tpu.memory_space<vmem>>
    %get3A_894 = arith.index_cast %get3A_889 : i32 to index
    %get3A_895 = arith.constant 16 : index
    %get3A_896 = tpu.vector_load %get3A_893[%get3A_894, %get3A_895] {strides = array<i32>} : memref<128x64xi32, #tpu.memory_space<vmem>>, vector<16xi32>,
    %get3A_897 = arith.constant 0 : i32
    %get3A_898 = arith.constant 11 : i32
    %get3A_899 = arith.constant 0 : i32
    %get3A_900 = arith.constant 0 : i32
    %get3A_901 = tpu.memref_slice %arg9[%get3A_897, %get3A_899, %get3A_900] : memref<2x128x64xi32, #tpu.memory_space<vmem>> -> memref<1x128x64xi32, #tpu.memory_space<vmem>>
    %get3A_902 = tpu.memref_squeeze %get3A_901 : memref<1x128x64xi32, #tpu.memory_space<vmem>> -> memref<128x64xi32, #tpu.memory_space<vmem>>
    %get3A_903 = arith.index_cast %get3A_898 : i32 to index
    %get3A_904 = arith.constant 16 : index
    %get3A_905 = tpu.vector_load %get3A_902[%get3A_903, %get3A_904] {strides = array<i32>} : memref<128x64xi32, #tpu.memory_space<vmem>>, vector<16xi32>,
    %bitcast3A_906 = vector.bitcast %get3A_896 : vector<16xi32> to vector<32xbf16>
    %bitcast3A_907 = vector.bitcast %get3A_905 : vector<16xi32> to vector<32xbf16>
    %mul3A_908 = arith.mulf %bitcast3A_906, %bitcast3A_907 : vector<32xbf16>
    %bitcast3A_909 = vector.bitcast %mul3A_908 : vector<32xbf16> to vector<16xi32>
    %shift_left3A_910 = arith.shli %bitcast3A_909, %broadcast_in_dim3A_5 : vector<16xi32>
    %bitcast3A_911 = vector.bitcast %shift_left3A_910 : vector<16xi32> to vector<16xf32>
    %and3A_912 = arith.andi %bitcast3A_909, %broadcast_in_dim3A_3 : vector<16xi32>
    %bitcast3A_913 = vector.bitcast %and3A_912 : vector<16xi32> to vector<16xf32>
    %add3A_914 = arith.addf %bitcast3A_911, %bitcast3A_913 : vector<16xf32>
    %add3A_915 = arith.addf %add3A_471, %add3A_914 : vector<16xf32>
    %get3A_916 = arith.constant 0 : i32
    %get3A_917 = arith.constant 12 : i32
    %get3A_918 = arith.constant 0 : i32
    %get3A_919 = arith.constant 0 : i32
    %get3A_920 = tpu.memref_slice %arg8[%get3A_916, %get3A_918, %get3A_919] : memref<2x128x64xi32, #tpu.memory_space<vmem>> -> memref<1x128x64xi32, #tpu.memory_space<vmem>>
    %get3A_921 = tpu.memref_squeeze %get3A_920 : memref<1x128x64xi32, #tpu.memory_space<vmem>> -> memref<128x64xi32, #tpu.memory_space<vmem>>
    %get3A_922 = arith.index_cast %get3A_917 : i32 to index
    %get3A_923 = arith.constant 16 : index
    %get3A_924 = tpu.vector_load %get3A_921[%get3A_922, %get3A_923] {strides = array<i32>} : memref<128x64xi32, #tpu.memory_space<vmem>>, vector<16xi32>,
    %get3A_925 = arith.constant 0 : i32
    %get3A_926 = arith.constant 12 : i32
    %get3A_927 = arith.constant 0 : i32
    %get3A_928 = arith.constant 0 : i32
    %get3A_929 = tpu.memref_slice %arg9[%get3A_925, %get3A_927, %get3A_928] : memref<2x128x64xi32, #tpu.memory_space<vmem>> -> memref<1x128x64xi32, #tpu.memory_space<vmem>>
    %get3A_930 = tpu.memref_squeeze %get3A_929 : memref<1x128x64xi32, #tpu.memory_space<vmem>> -> memref<128x64xi32, #tpu.memory_space<vmem>>
    %get3A_931 = arith.index_cast %get3A_926 : i32 to index
    %get3A_932 = arith.constant 16 : index
    %get3A_933 = tpu.vector_load %get3A_930[%get3A_931, %get3A_932] {strides = array<i32>} : memref<128x64xi32, #tpu.memory_space<vmem>>, vector<16xi32>,
    %bitcast3A_934 = vector.bitcast %get3A_924 : vector<16xi32> to vector<32xbf16>
    %bitcast3A_935 = vector.bitcast %get3A_933 : vector<16xi32> to vector<32xbf16>
    %mul3A_936 = arith.mulf %bitcast3A_934, %bitcast3A_935 : vector<32xbf16>
    %bitcast3A_937 = vector.bitcast %mul3A_936 : vector<32xbf16> to vector<16xi32>
    %shift_left3A_938 = arith.shli %bitcast3A_937, %broadcast_in_dim3A_5 : vector<16xi32>
    %bitcast3A_939 = vector.bitcast %shift_left3A_938 : vector<16xi32> to vector<16xf32>
    %and3A_940 = arith.andi %bitcast3A_937, %broadcast_in_dim3A_3 : vector<16xi32>
    %bitcast3A_941 = vector.bitcast %and3A_940 : vector<16xi32> to vector<16xf32>
    %add3A_942 = arith.addf %bitcast3A_939, %bitcast3A_941 : vector<16xf32>
    %add3A_943 = arith.addf %add3A_498, %add3A_942 : vector<16xf32>
    %get3A_944 = arith.constant 0 : i32
    %get3A_945 = arith.constant 13 : i32
    %get3A_946 = arith.constant 0 : i32
    %get3A_947 = arith.constant 0 : i32
    %get3A_948 = tpu.memref_slice %arg8[%get3A_944, %get3A_946, %get3A_947] : memref<2x128x64xi32, #tpu.memory_space<vmem>> -> memref<1x128x64xi32, #tpu.memory_space<vmem>>
    %get3A_949 = tpu.memref_squeeze %get3A_948 : memref<1x128x64xi32, #tpu.memory_space<vmem>> -> memref<128x64xi32, #tpu.memory_space<vmem>>
    %get3A_950 = arith.index_cast %get3A_945 : i32 to index
    %get3A_951 = arith.constant 16 : index
    %get3A_952 = tpu.vector_load %get3A_949[%get3A_950, %get3A_951] {strides = array<i32>} : memref<128x64xi32, #tpu.memory_space<vmem>>, vector<16xi32>,
    %get3A_953 = arith.constant 0 : i32
    %get3A_954 = arith.constant 13 : i32
    %get3A_955 = arith.constant 0 : i32
    %get3A_956 = arith.constant 0 : i32
    %get3A_957 = tpu.memref_slice %arg9[%get3A_953, %get3A_955, %get3A_956] : memref<2x128x64xi32, #tpu.memory_space<vmem>> -> memref<1x128x64xi32, #tpu.memory_space<vmem>>
    %get3A_958 = tpu.memref_squeeze %get3A_957 : memref<1x128x64xi32, #tpu.memory_space<vmem>> -> memref<128x64xi32, #tpu.memory_space<vmem>>
    %get3A_959 = arith.index_cast %get3A_954 : i32 to index
    %get3A_960 = arith.constant 16 : index
    %get3A_961 = tpu.vector_load %get3A_958[%get3A_959, %get3A_960] {strides = array<i32>} : memref<128x64xi32, #tpu.memory_space<vmem>>, vector<16xi32>,
    %bitcast3A_962 = vector.bitcast %get3A_952 : vector<16xi32> to vector<32xbf16>
    %bitcast3A_963 = vector.bitcast %get3A_961 : vector<16xi32> to vector<32xbf16>
    %mul3A_964 = arith.mulf %bitcast3A_962, %bitcast3A_963 : vector<32xbf16>
    %bitcast3A_965 = vector.bitcast %mul3A_964 : vector<32xbf16> to vector<16xi32>
    %shift_left3A_966 = arith.shli %bitcast3A_965, %broadcast_in_dim3A_5 : vector<16xi32>
    %bitcast3A_967 = vector.bitcast %shift_left3A_966 : vector<16xi32> to vector<16xf32>
    %and3A_968 = arith.andi %bitcast3A_965, %broadcast_in_dim3A_3 : vector<16xi32>
    %bitcast3A_969 = vector.bitcast %and3A_968 : vector<16xi32> to vector<16xf32>
    %add3A_970 = arith.addf %bitcast3A_967, %bitcast3A_969 : vector<16xf32>
    %add3A_971 = arith.addf %add3A_525, %add3A_970 : vector<16xf32>
    %get3A_972 = arith.constant 0 : i32
    %get3A_973 = arith.constant 14 : i32
    %get3A_974 = arith.constant 0 : i32
    %get3A_975 = arith.constant 0 : i32
    %get3A_976 = tpu.memref_slice %arg8[%get3A_972, %get3A_974, %get3A_975] : memref<2x128x64xi32, #tpu.memory_space<vmem>> -> memref<1x128x64xi32, #tpu.memory_space<vmem>>
    %get3A_977 = tpu.memref_squeeze %get3A_976 : memref<1x128x64xi32, #tpu.memory_space<vmem>> -> memref<128x64xi32, #tpu.memory_space<vmem>>
    %get3A_978 = arith.index_cast %get3A_973 : i32 to index
    %get3A_979 = arith.constant 16 : index
    %get3A_980 = tpu.vector_load %get3A_977[%get3A_978, %get3A_979] {strides = array<i32>} : memref<128x64xi32, #tpu.memory_space<vmem>>, vector<16xi32>,
    %get3A_981 = arith.constant 0 : i32
    %get3A_982 = arith.constant 14 : i32
    %get3A_983 = arith.constant 0 : i32
    %get3A_984 = arith.constant 0 : i32
    %get3A_985 = tpu.memref_slice %arg9[%get3A_981, %get3A_983, %get3A_984] : memref<2x128x64xi32, #tpu.memory_space<vmem>> -> memref<1x128x64xi32, #tpu.memory_space<vmem>>
    %get3A_986 = tpu.memref_squeeze %get3A_985 : memref<1x128x64xi32, #tpu.memory_space<vmem>> -> memref<128x64xi32, #tpu.memory_space<vmem>>
    %get3A_987 = arith.index_cast %get3A_982 : i32 to index
    %get3A_988 = arith.constant 16 : index
    %get3A_989 = tpu.vector_load %get3A_986[%get3A_987, %get3A_988] {strides = array<i32>} : memref<128x64xi32, #tpu.memory_space<vmem>>, vector<16xi32>,
    %bitcast3A_990 = vector.bitcast %get3A_980 : vector<16xi32> to vector<32xbf16>
    %bitcast3A_991 = vector.bitcast %get3A_989 : vector<16xi32> to vector<32xbf16>
    %mul3A_992 = arith.mulf %bitcast3A_990, %bitcast3A_991 : vector<32xbf16>
    %bitcast3A_993 = vector.bitcast %mul3A_992 : vector<32xbf16> to vector<16xi32>
    %shift_left3A_994 = arith.shli %bitcast3A_993, %broadcast_in_dim3A_5 : vector<16xi32>
    %bitcast3A_995 = vector.bitcast %shift_left3A_994 : vector<16xi32> to vector<16xf32>
    %and3A_996 = arith.andi %bitcast3A_993, %broadcast_in_dim3A_3 : vector<16xi32>
    %bitcast3A_997 = vector.bitcast %and3A_996 : vector<16xi32> to vector<16xf32>
    %add3A_998 = arith.addf %bitcast3A_995, %bitcast3A_997 : vector<16xf32>
    %add3A_999 = arith.addf %add3A_552, %add3A_998 : vector<16xf32>
    %get3A_1000 = arith.constant 0 : i32
    %get3A_1001 = arith.constant 15 : i32
    %get3A_1002 = arith.constant 0 : i32
    %get3A_1003 = arith.constant 0 : i32
    %get3A_1004 = tpu.memref_slice %arg8[%get3A_1000, %get3A_1002, %get3A_1003] : memref<2x128x64xi32, #tpu.memory_space<vmem>> -> memref<1x128x64xi32, #tpu.memory_space<vmem>>
    %get3A_1005 = tpu.memref_squeeze %get3A_1004 : memref<1x128x64xi32, #tpu.memory_space<vmem>> -> memref<128x64xi32, #tpu.memory_space<vmem>>
    %get3A_1006 = arith.index_cast %get3A_1001 : i32 to index
    %get3A_1007 = arith.constant 16 : index
    %get3A_1008 = tpu.vector_load %get3A_1005[%get3A_1006, %get3A_1007] {strides = array<i32>} : memref<128x64xi32, #tpu.memory_space<vmem>>, vector<16xi32>,
    %get3A_1009 = arith.constant 0 : i32
    %get3A_1010 = arith.constant 15 : i32
    %get3A_1011 = arith.constant 0 : i32
    %get3A_1012 = arith.constant 0 : i32
    %get3A_1013 = tpu.memref_slice %arg9[%get3A_1009, %get3A_1011, %get3A_1012] : memref<2x128x64xi32, #tpu.memory_space<vmem>> -> memref<1x128x64xi32, #tpu.memory_space<vmem>>
    %get3A_1014 = tpu.memref_squeeze %get3A_1013 : memref<1x128x64xi32, #tpu.memory_space<vmem>> -> memref<128x64xi32, #tpu.memory_space<vmem>>
    %get3A_1015 = arith.index_cast %get3A_1010 : i32 to index
    %get3A_1016 = arith.constant 16 : index
    %get3A_1017 = tpu.vector_load %get3A_1014[%get3A_1015, %get3A_1016] {strides = array<i32>} : memref<128x64xi32, #tpu.memory_space<vmem>>, vector<16xi32>,
    %bitcast3A_1018 = vector.bitcast %get3A_1008 : vector<16xi32> to vector<32xbf16>
    %bitcast3A_1019 = vector.bitcast %get3A_1017 : vector<16xi32> to vector<32xbf16>
    %mul3A_1020 = arith.mulf %bitcast3A_1018, %bitcast3A_1019 : vector<32xbf16>
    %bitcast3A_1021 = vector.bitcast %mul3A_1020 : vector<32xbf16> to vector<16xi32>
    %shift_left3A_1022 = arith.shli %bitcast3A_1021, %broadcast_in_dim3A_5 : vector<16xi32>
    %bitcast3A_1023 = vector.bitcast %shift_left3A_1022 : vector<16xi32> to vector<16xf32>
    %and3A_1024 = arith.andi %bitcast3A_1021, %broadcast_in_dim3A_3 : vector<16xi32>
    %bitcast3A_1025 = vector.bitcast %and3A_1024 : vector<16xi32> to vector<16xf32>
    %add3A_1026 = arith.addf %bitcast3A_1023, %bitcast3A_1025 : vector<16xf32>
    %add3A_1027 = arith.addf %add3A_579, %add3A_1026 : vector<16xf32>
    %get3A_1028 = arith.constant 0 : i32
    %get3A_1029 = arith.constant 0 : i32
    %get3A_1030 = arith.constant 0 : i32
    %get3A_1031 = arith.constant 0 : i32
    %get3A_1032 = tpu.memref_slice %arg8[%get3A_1028, %get3A_1030, %get3A_1031] : memref<2x128x64xi32, #tpu.memory_space<vmem>> -> memref<1x128x64xi32, #tpu.memory_space<vmem>>
    %get3A_1033 = tpu.memref_squeeze %get3A_1032 : memref<1x128x64xi32, #tpu.memory_space<vmem>> -> memref<128x64xi32, #tpu.memory_space<vmem>>
    %get3A_1034 = arith.index_cast %get3A_1029 : i32 to index
    %get3A_1035 = arith.constant 32 : index
    %get3A_1036 = tpu.vector_load %get3A_1033[%get3A_1034, %get3A_1035] {strides = array<i32>} : memref<128x64xi32, #tpu.memory_space<vmem>>, vector<16xi32>,
    %get3A_1037 = arith.constant 0 : i32
    %get3A_1038 = arith.constant 0 : i32
    %get3A_1039 = arith.constant 0 : i32
    %get3A_1040 = arith.constant 0 : i32
    %get3A_1041 = tpu.memref_slice %arg9[%get3A_1037, %get3A_1039, %get3A_1040] : memref<2x128x64xi32, #tpu.memory_space<vmem>> -> memref<1x128x64xi32, #tpu.memory_space<vmem>>
    %get3A_1042 = tpu.memref_squeeze %get3A_1041 : memref<1x128x64xi32, #tpu.memory_space<vmem>> -> memref<128x64xi32, #tpu.memory_space<vmem>>
    %get3A_1043 = arith.index_cast %get3A_1038 : i32 to index
    %get3A_1044 = arith.constant 32 : index
    %get3A_1045 = tpu.vector_load %get3A_1042[%get3A_1043, %get3A_1044] {strides = array<i32>} : memref<128x64xi32, #tpu.memory_space<vmem>>, vector<16xi32>,
    %bitcast3A_1046 = vector.bitcast %get3A_1036 : vector<16xi32> to vector<32xbf16>
    %bitcast3A_1047 = vector.bitcast %get3A_1045 : vector<16xi32> to vector<32xbf16>
    %mul3A_1048 = arith.mulf %bitcast3A_1046, %bitcast3A_1047 : vector<32xbf16>
    %bitcast3A_1049 = vector.bitcast %mul3A_1048 : vector<32xbf16> to vector<16xi32>
    %shift_left3A_1050 = arith.shli %bitcast3A_1049, %broadcast_in_dim3A_5 : vector<16xi32>
    %bitcast3A_1051 = vector.bitcast %shift_left3A_1050 : vector<16xi32> to vector<16xf32>
    %and3A_1052 = arith.andi %bitcast3A_1049, %broadcast_in_dim3A_3 : vector<16xi32>
    %bitcast3A_1053 = vector.bitcast %and3A_1052 : vector<16xi32> to vector<16xf32>
    %add3A_1054 = arith.addf %bitcast3A_1051, %bitcast3A_1053 : vector<16xf32>
    %add3A_1055 = arith.addf %add3A_607, %add3A_1054 : vector<16xf32>
    %get3A_1056 = arith.constant 0 : i32
    %get3A_1057 = arith.constant 1 : i32
    %get3A_1058 = arith.constant 0 : i32
    %get3A_1059 = arith.constant 0 : i32
    %get3A_1060 = tpu.memref_slice %arg8[%get3A_1056, %get3A_1058, %get3A_1059] : memref<2x128x64xi32, #tpu.memory_space<vmem>> -> memref<1x128x64xi32, #tpu.memory_space<vmem>>
    %get3A_1061 = tpu.memref_squeeze %get3A_1060 : memref<1x128x64xi32, #tpu.memory_space<vmem>> -> memref<128x64xi32, #tpu.memory_space<vmem>>
    %get3A_1062 = arith.index_cast %get3A_1057 : i32 to index
    %get3A_1063 = arith.constant 32 : index
    %get3A_1064 = tpu.vector_load %get3A_1061[%get3A_1062, %get3A_1063] {strides = array<i32>} : memref<128x64xi32, #tpu.memory_space<vmem>>, vector<16xi32>,
    %get3A_1065 = arith.constant 0 : i32
    %get3A_1066 = arith.constant 1 : i32
    %get3A_1067 = arith.constant 0 : i32
    %get3A_1068 = arith.constant 0 : i32
    %get3A_1069 = tpu.memref_slice %arg9[%get3A_1065, %get3A_1067, %get3A_1068] : memref<2x128x64xi32, #tpu.memory_space<vmem>> -> memref<1x128x64xi32, #tpu.memory_space<vmem>>
    %get3A_1070 = tpu.memref_squeeze %get3A_1069 : memref<1x128x64xi32, #tpu.memory_space<vmem>> -> memref<128x64xi32, #tpu.memory_space<vmem>>
    %get3A_1071 = arith.index_cast %get3A_1066 : i32 to index
    %get3A_1072 = arith.constant 32 : index
    %get3A_1073 = tpu.vector_load %get3A_1070[%get3A_1071, %get3A_1072] {strides = array<i32>} : memref<128x64xi32, #tpu.memory_space<vmem>>, vector<16xi32>,
    %bitcast3A_1074 = vector.bitcast %get3A_1064 : vector<16xi32> to vector<32xbf16>
    %bitcast3A_1075 = vector.bitcast %get3A_1073 : vector<16xi32> to vector<32xbf16>
    %mul3A_1076 = arith.mulf %bitcast3A_1074, %bitcast3A_1075 : vector<32xbf16>
    %bitcast3A_1077 = vector.bitcast %mul3A_1076 : vector<32xbf16> to vector<16xi32>
    %shift_left3A_1078 = arith.shli %bitcast3A_1077, %broadcast_in_dim3A_5 : vector<16xi32>
    %bitcast3A_1079 = vector.bitcast %shift_left3A_1078 : vector<16xi32> to vector<16xf32>
    %and3A_1080 = arith.andi %bitcast3A_1077, %broadcast_in_dim3A_3 : vector<16xi32>
    %bitcast3A_1081 = vector.bitcast %and3A_1080 : vector<16xi32> to vector<16xf32>
    %add3A_1082 = arith.addf %bitcast3A_1079, %bitcast3A_1081 : vector<16xf32>
    %add3A_1083 = arith.addf %add3A_635, %add3A_1082 : vector<16xf32>
    %get3A_1084 = arith.constant 0 : i32
    %get3A_1085 = arith.constant 2 : i32
    %get3A_1086 = arith.constant 0 : i32
    %get3A_1087 = arith.constant 0 : i32
    %get3A_1088 = tpu.memref_slice %arg8[%get3A_1084, %get3A_1086, %get3A_1087] : memref<2x128x64xi32, #tpu.memory_space<vmem>> -> memref<1x128x64xi32, #tpu.memory_space<vmem>>
    %get3A_1089 = tpu.memref_squeeze %get3A_1088 : memref<1x128x64xi32, #tpu.memory_space<vmem>> -> memref<128x64xi32, #tpu.memory_space<vmem>>
    %get3A_1090 = arith.index_cast %get3A_1085 : i32 to index
    %get3A_1091 = arith.constant 32 : index
    %get3A_1092 = tpu.vector_load %get3A_1089[%get3A_1090, %get3A_1091] {strides = array<i32>} : memref<128x64xi32, #tpu.memory_space<vmem>>, vector<16xi32>,
    %get3A_1093 = arith.constant 0 : i32
    %get3A_1094 = arith.constant 2 : i32
    %get3A_1095 = arith.constant 0 : i32
    %get3A_1096 = arith.constant 0 : i32
    %get3A_1097 = tpu.memref_slice %arg9[%get3A_1093, %get3A_1095, %get3A_1096] : memref<2x128x64xi32, #tpu.memory_space<vmem>> -> memref<1x128x64xi32, #tpu.memory_space<vmem>>
    %get3A_1098 = tpu.memref_squeeze %get3A_1097 : memref<1x128x64xi32, #tpu.memory_space<vmem>> -> memref<128x64xi32, #tpu.memory_space<vmem>>
    %get3A_1099 = arith.index_cast %get3A_1094 : i32 to index
    %get3A_1100 = arith.constant 32 : index
    %get3A_1101 = tpu.vector_load %get3A_1098[%get3A_1099, %get3A_1100] {strides = array<i32>} : memref<128x64xi32, #tpu.memory_space<vmem>>, vector<16xi32>,
    %bitcast3A_1102 = vector.bitcast %get3A_1092 : vector<16xi32> to vector<32xbf16>
    %bitcast3A_1103 = vector.bitcast %get3A_1101 : vector<16xi32> to vector<32xbf16>
    %mul3A_1104 = arith.mulf %bitcast3A_1102, %bitcast3A_1103 : vector<32xbf16>
    %bitcast3A_1105 = vector.bitcast %mul3A_1104 : vector<32xbf16> to vector<16xi32>
    %shift_left3A_1106 = arith.shli %bitcast3A_1105, %broadcast_in_dim3A_5 : vector<16xi32>
    %bitcast3A_1107 = vector.bitcast %shift_left3A_1106 : vector<16xi32> to vector<16xf32>
    %and3A_1108 = arith.andi %bitcast3A_1105, %broadcast_in_dim3A_3 : vector<16xi32>
    %bitcast3A_1109 = vector.bitcast %and3A_1108 : vector<16xi32> to vector<16xf32>
    %add3A_1110 = arith.addf %bitcast3A_1107, %bitcast3A_1109 : vector<16xf32>
    %add3A_1111 = arith.addf %add3A_663, %add3A_1110 : vector<16xf32>
    %get3A_1112 = arith.constant 0 : i32
    %get3A_1113 = arith.constant 3 : i32
    %get3A_1114 = arith.constant 0 : i32
    %get3A_1115 = arith.constant 0 : i32
    %get3A_1116 = tpu.memref_slice %arg8[%get3A_1112, %get3A_1114, %get3A_1115] : memref<2x128x64xi32, #tpu.memory_space<vmem>> -> memref<1x128x64xi32, #tpu.memory_space<vmem>>
    %get3A_1117 = tpu.memref_squeeze %get3A_1116 : memref<1x128x64xi32, #tpu.memory_space<vmem>> -> memref<128x64xi32, #tpu.memory_space<vmem>>
    %get3A_1118 = arith.index_cast %get3A_1113 : i32 to index
    %get3A_1119 = arith.constant 32 : index
    %get3A_1120 = tpu.vector_load %get3A_1117[%get3A_1118, %get3A_1119] {strides = array<i32>} : memref<128x64xi32, #tpu.memory_space<vmem>>, vector<16xi32>,
    %get3A_1121 = arith.constant 0 : i32
    %get3A_1122 = arith.constant 3 : i32
    %get3A_1123 = arith.constant 0 : i32
    %get3A_1124 = arith.constant 0 : i32
    %get3A_1125 = tpu.memref_slice %arg9[%get3A_1121, %get3A_1123, %get3A_1124] : memref<2x128x64xi32, #tpu.memory_space<vmem>> -> memref<1x128x64xi32, #tpu.memory_space<vmem>>
    %get3A_1126 = tpu.memref_squeeze %get3A_1125 : memref<1x128x64xi32, #tpu.memory_space<vmem>> -> memref<128x64xi32, #tpu.memory_space<vmem>>
    %get3A_1127 = arith.index_cast %get3A_1122 : i32 to index
    %get3A_1128 = arith.constant 32 : index
    %get3A_1129 = tpu.vector_load %get3A_1126[%get3A_1127, %get3A_1128] {strides = array<i32>} : memref<128x64xi32, #tpu.memory_space<vmem>>, vector<16xi32>,
    %bitcast3A_1130 = vector.bitcast %get3A_1120 : vector<16xi32> to vector<32xbf16>
    %bitcast3A_1131 = vector.bitcast %get3A_1129 : vector<16xi32> to vector<32xbf16>
    %mul3A_1132 = arith.mulf %bitcast3A_1130, %bitcast3A_1131 : vector<32xbf16>
    %bitcast3A_1133 = vector.bitcast %mul3A_1132 : vector<32xbf16> to vector<16xi32>
    %shift_left3A_1134 = arith.shli %bitcast3A_1133, %broadcast_in_dim3A_5 : vector<16xi32>
    %bitcast3A_1135 = vector.bitcast %shift_left3A_1134 : vector<16xi32> to vector<16xf32>
    %and3A_1136 = arith.andi %bitcast3A_1133, %broadcast_in_dim3A_3 : vector<16xi32>
    %bitcast3A_1137 = vector.bitcast %and3A_1136 : vector<16xi32> to vector<16xf32>
    %add3A_1138 = arith.addf %bitcast3A_1135, %bitcast3A_1137 : vector<16xf32>
    %add3A_1139 = arith.addf %add3A_691, %add3A_1138 : vector<16xf32>
    %get3A_1140 = arith.constant 0 : i32
    %get3A_1141 = arith.constant 4 : i32
    %get3A_1142 = arith.constant 0 : i32
    %get3A_1143 = arith.constant 0 : i32
    %get3A_1144 = tpu.memref_slice %arg8[%get3A_1140, %get3A_1142, %get3A_1143] : memref<2x128x64xi32, #tpu.memory_space<vmem>> -> memref<1x128x64xi32, #tpu.memory_space<vmem>>
    %get3A_1145 = tpu.memref_squeeze %get3A_1144 : memref<1x128x64xi32, #tpu.memory_space<vmem>> -> memref<128x64xi32, #tpu.memory_space<vmem>>
    %get3A_1146 = arith.index_cast %get3A_1141 : i32 to index
    %get3A_1147 = arith.constant 32 : index
    %get3A_1148 = tpu.vector_load %get3A_1145[%get3A_1146, %get3A_1147] {strides = array<i32>} : memref<128x64xi32, #tpu.memory_space<vmem>>, vector<16xi32>,
    %get3A_1149 = arith.constant 0 : i32
    %get3A_1150 = arith.constant 4 : i32
    %get3A_1151 = arith.constant 0 : i32
    %get3A_1152 = arith.constant 0 : i32
    %get3A_1153 = tpu.memref_slice %arg9[%get3A_1149, %get3A_1151, %get3A_1152] : memref<2x128x64xi32, #tpu.memory_space<vmem>> -> memref<1x128x64xi32, #tpu.memory_space<vmem>>
    %get3A_1154 = tpu.memref_squeeze %get3A_1153 : memref<1x128x64xi32, #tpu.memory_space<vmem>> -> memref<128x64xi32, #tpu.memory_space<vmem>>
    %get3A_1155 = arith.index_cast %get3A_1150 : i32 to index
    %get3A_1156 = arith.constant 32 : index
    %get3A_1157 = tpu.vector_load %get3A_1154[%get3A_1155, %get3A_1156] {strides = array<i32>} : memref<128x64xi32, #tpu.memory_space<vmem>>, vector<16xi32>,
    %bitcast3A_1158 = vector.bitcast %get3A_1148 : vector<16xi32> to vector<32xbf16>
    %bitcast3A_1159 = vector.bitcast %get3A_1157 : vector<16xi32> to vector<32xbf16>
    %mul3A_1160 = arith.mulf %bitcast3A_1158, %bitcast3A_1159 : vector<32xbf16>
    %bitcast3A_1161 = vector.bitcast %mul3A_1160 : vector<32xbf16> to vector<16xi32>
    %shift_left3A_1162 = arith.shli %bitcast3A_1161, %broadcast_in_dim3A_5 : vector<16xi32>
    %bitcast3A_1163 = vector.bitcast %shift_left3A_1162 : vector<16xi32> to vector<16xf32>
    %and3A_1164 = arith.andi %bitcast3A_1161, %broadcast_in_dim3A_3 : vector<16xi32>
    %bitcast3A_1165 = vector.bitcast %and3A_1164 : vector<16xi32> to vector<16xf32>
    %add3A_1166 = arith.addf %bitcast3A_1163, %bitcast3A_1165 : vector<16xf32>
    %add3A_1167 = arith.addf %add3A_719, %add3A_1166 : vector<16xf32>
    %get3A_1168 = arith.constant 0 : i32
    %get3A_1169 = arith.constant 5 : i32
    %get3A_1170 = arith.constant 0 : i32
    %get3A_1171 = arith.constant 0 : i32
    %get3A_1172 = tpu.memref_slice %arg8[%get3A_1168, %get3A_1170, %get3A_1171] : memref<2x128x64xi32, #tpu.memory_space<vmem>> -> memref<1x128x64xi32, #tpu.memory_space<vmem>>
    %get3A_1173 = tpu.memref_squeeze %get3A_1172 : memref<1x128x64xi32, #tpu.memory_space<vmem>> -> memref<128x64xi32, #tpu.memory_space<vmem>>
    %get3A_1174 = arith.index_cast %get3A_1169 : i32 to index
    %get3A_1175 = arith.constant 32 : index
    %get3A_1176 = tpu.vector_load %get3A_1173[%get3A_1174, %get3A_1175] {strides = array<i32>} : memref<128x64xi32, #tpu.memory_space<vmem>>, vector<16xi32>,
    %get3A_1177 = arith.constant 0 : i32
    %get3A_1178 = arith.constant 5 : i32
    %get3A_1179 = arith.constant 0 : i32
    %get3A_1180 = arith.constant 0 : i32
    %get3A_1181 = tpu.memref_slice %arg9[%get3A_1177, %get3A_1179, %get3A_1180] : memref<2x128x64xi32, #tpu.memory_space<vmem>> -> memref<1x128x64xi32, #tpu.memory_space<vmem>>
    %get3A_1182 = tpu.memref_squeeze %get3A_1181 : memref<1x128x64xi32, #tpu.memory_space<vmem>> -> memref<128x64xi32, #tpu.memory_space<vmem>>
    %get3A_1183 = arith.index_cast %get3A_1178 : i32 to index
    %get3A_1184 = arith.constant 32 : index
    %get3A_1185 = tpu.vector_load %get3A_1182[%get3A_1183, %get3A_1184] {strides = array<i32>} : memref<128x64xi32, #tpu.memory_space<vmem>>, vector<16xi32>,
    %bitcast3A_1186 = vector.bitcast %get3A_1176 : vector<16xi32> to vector<32xbf16>
    %bitcast3A_1187 = vector.bitcast %get3A_1185 : vector<16xi32> to vector<32xbf16>
    %mul3A_1188 = arith.mulf %bitcast3A_1186, %bitcast3A_1187 : vector<32xbf16>
    %bitcast3A_1189 = vector.bitcast %mul3A_1188 : vector<32xbf16> to vector<16xi32>
    %shift_left3A_1190 = arith.shli %bitcast3A_1189, %broadcast_in_dim3A_5 : vector<16xi32>
    %bitcast3A_1191 = vector.bitcast %shift_left3A_1190 : vector<16xi32> to vector<16xf32>
    %and3A_1192 = arith.andi %bitcast3A_1189, %broadcast_in_dim3A_3 : vector<16xi32>
    %bitcast3A_1193 = vector.bitcast %and3A_1192 : vector<16xi32> to vector<16xf32>
    %add3A_1194 = arith.addf %bitcast3A_1191, %bitcast3A_1193 : vector<16xf32>
    %add3A_1195 = arith.addf %add3A_747, %add3A_1194 : vector<16xf32>
    %get3A_1196 = arith.constant 0 : i32
    %get3A_1197 = arith.constant 6 : i32
    %get3A_1198 = arith.constant 0 : i32
    %get3A_1199 = arith.constant 0 : i32
    %get3A_1200 = tpu.memref_slice %arg8[%get3A_1196, %get3A_1198, %get3A_1199] : memref<2x128x64xi32, #tpu.memory_space<vmem>> -> memref<1x128x64xi32, #tpu.memory_space<vmem>>
    %get3A_1201 = tpu.memref_squeeze %get3A_1200 : memref<1x128x64xi32, #tpu.memory_space<vmem>> -> memref<128x64xi32, #tpu.memory_space<vmem>>
    %get3A_1202 = arith.index_cast %get3A_1197 : i32 to index
    %get3A_1203 = arith.constant 32 : index
    %get3A_1204 = tpu.vector_load %get3A_1201[%get3A_1202, %get3A_1203] {strides = array<i32>} : memref<128x64xi32, #tpu.memory_space<vmem>>, vector<16xi32>,
    %get3A_1205 = arith.constant 0 : i32
    %get3A_1206 = arith.constant 6 : i32
    %get3A_1207 = arith.constant 0 : i32
    %get3A_1208 = arith.constant 0 : i32
    %get3A_1209 = tpu.memref_slice %arg9[%get3A_1205, %get3A_1207, %get3A_1208] : memref<2x128x64xi32, #tpu.memory_space<vmem>> -> memref<1x128x64xi32, #tpu.memory_space<vmem>>
    %get3A_1210 = tpu.memref_squeeze %get3A_1209 : memref<1x128x64xi32, #tpu.memory_space<vmem>> -> memref<128x64xi32, #tpu.memory_space<vmem>>
    %get3A_1211 = arith.index_cast %get3A_1206 : i32 to index
    %get3A_1212 = arith.constant 32 : index
    %get3A_1213 = tpu.vector_load %get3A_1210[%get3A_1211, %get3A_1212] {strides = array<i32>} : memref<128x64xi32, #tpu.memory_space<vmem>>, vector<16xi32>,
    %bitcast3A_1214 = vector.bitcast %get3A_1204 : vector<16xi32> to vector<32xbf16>
    %bitcast3A_1215 = vector.bitcast %get3A_1213 : vector<16xi32> to vector<32xbf16>
    %mul3A_1216 = arith.mulf %bitcast3A_1214, %bitcast3A_1215 : vector<32xbf16>
    %bitcast3A_1217 = vector.bitcast %mul3A_1216 : vector<32xbf16> to vector<16xi32>
    %shift_left3A_1218 = arith.shli %bitcast3A_1217, %broadcast_in_dim3A_5 : vector<16xi32>
    %bitcast3A_1219 = vector.bitcast %shift_left3A_1218 : vector<16xi32> to vector<16xf32>
    %and3A_1220 = arith.andi %bitcast3A_1217, %broadcast_in_dim3A_3 : vector<16xi32>
    %bitcast3A_1221 = vector.bitcast %and3A_1220 : vector<16xi32> to vector<16xf32>
    %add3A_1222 = arith.addf %bitcast3A_1219, %bitcast3A_1221 : vector<16xf32>
    %add3A_1223 = arith.addf %add3A_775, %add3A_1222 : vector<16xf32>
    %get3A_1224 = arith.constant 0 : i32
    %get3A_1225 = arith.constant 7 : i32
    %get3A_1226 = arith.constant 0 : i32
    %get3A_1227 = arith.constant 0 : i32
    %get3A_1228 = tpu.memref_slice %arg8[%get3A_1224, %get3A_1226, %get3A_1227] : memref<2x128x64xi32, #tpu.memory_space<vmem>> -> memref<1x128x64xi32, #tpu.memory_space<vmem>>
    %get3A_1229 = tpu.memref_squeeze %get3A_1228 : memref<1x128x64xi32, #tpu.memory_space<vmem>> -> memref<128x64xi32, #tpu.memory_space<vmem>>
    %get3A_1230 = arith.index_cast %get3A_1225 : i32 to index
    %get3A_1231 = arith.constant 32 : index
    %get3A_1232 = tpu.vector_load %get3A_1229[%get3A_1230, %get3A_1231] {strides = array<i32>} : memref<128x64xi32, #tpu.memory_space<vmem>>, vector<16xi32>,
    %get3A_1233 = arith.constant 0 : i32
    %get3A_1234 = arith.constant 7 : i32
    %get3A_1235 = arith.constant 0 : i32
    %get3A_1236 = arith.constant 0 : i32
    %get3A_1237 = tpu.memref_slice %arg9[%get3A_1233, %get3A_1235, %get3A_1236] : memref<2x128x64xi32, #tpu.memory_space<vmem>> -> memref<1x128x64xi32, #tpu.memory_space<vmem>>
    %get3A_1238 = tpu.memref_squeeze %get3A_1237 : memref<1x128x64xi32, #tpu.memory_space<vmem>> -> memref<128x64xi32, #tpu.memory_space<vmem>>
    %get3A_1239 = arith.index_cast %get3A_1234 : i32 to index
    %get3A_1240 = arith.constant 32 : index
    %get3A_1241 = tpu.vector_load %get3A_1238[%get3A_1239, %get3A_1240] {strides = array<i32>} : memref<128x64xi32, #tpu.memory_space<vmem>>, vector<16xi32>,
    %bitcast3A_1242 = vector.bitcast %get3A_1232 : vector<16xi32> to vector<32xbf16>
    %bitcast3A_1243 = vector.bitcast %get3A_1241 : vector<16xi32> to vector<32xbf16>
    %mul3A_1244 = arith.mulf %bitcast3A_1242, %bitcast3A_1243 : vector<32xbf16>
    %bitcast3A_1245 = vector.bitcast %mul3A_1244 : vector<32xbf16> to vector<16xi32>
    %shift_left3A_1246 = arith.shli %bitcast3A_1245, %broadcast_in_dim3A_5 : vector<16xi32>
    %bitcast3A_1247 = vector.bitcast %shift_left3A_1246 : vector<16xi32> to vector<16xf32>
    %and3A_1248 = arith.andi %bitcast3A_1245, %broadcast_in_dim3A_3 : vector<16xi32>
    %bitcast3A_1249 = vector.bitcast %and3A_1248 : vector<16xi32> to vector<16xf32>
    %add3A_1250 = arith.addf %bitcast3A_1247, %bitcast3A_1249 : vector<16xf32>
    %add3A_1251 = arith.addf %add3A_803, %add3A_1250 : vector<16xf32>
    %get3A_1252 = arith.constant 0 : i32
    %get3A_1253 = arith.constant 8 : i32
    %get3A_1254 = arith.constant 0 : i32
    %get3A_1255 = arith.constant 0 : i32
    %get3A_1256 = tpu.memref_slice %arg8[%get3A_1252, %get3A_1254, %get3A_1255] : memref<2x128x64xi32, #tpu.memory_space<vmem>> -> memref<1x128x64xi32, #tpu.memory_space<vmem>>
    %get3A_1257 = tpu.memref_squeeze %get3A_1256 : memref<1x128x64xi32, #tpu.memory_space<vmem>> -> memref<128x64xi32, #tpu.memory_space<vmem>>
    %get3A_1258 = arith.index_cast %get3A_1253 : i32 to index
    %get3A_1259 = arith.constant 32 : index
    %get3A_1260 = tpu.vector_load %get3A_1257[%get3A_1258, %get3A_1259] {strides = array<i32>} : memref<128x64xi32, #tpu.memory_space<vmem>>, vector<16xi32>,
    %get3A_1261 = arith.constant 0 : i32
    %get3A_1262 = arith.constant 8 : i32
    %get3A_1263 = arith.constant 0 : i32
    %get3A_1264 = arith.constant 0 : i32
    %get3A_1265 = tpu.memref_slice %arg9[%get3A_1261, %get3A_1263, %get3A_1264] : memref<2x128x64xi32, #tpu.memory_space<vmem>> -> memref<1x128x64xi32, #tpu.memory_space<vmem>>
    %get3A_1266 = tpu.memref_squeeze %get3A_1265 : memref<1x128x64xi32, #tpu.memory_space<vmem>> -> memref<128x64xi32, #tpu.memory_space<vmem>>
    %get3A_1267 = arith.index_cast %get3A_1262 : i32 to index
    %get3A_1268 = arith.constant 32 : index
    %get3A_1269 = tpu.vector_load %get3A_1266[%get3A_1267, %get3A_1268] {strides = array<i32>} : memref<128x64xi32, #tpu.memory_space<vmem>>, vector<16xi32>,
    %bitcast3A_1270 = vector.bitcast %get3A_1260 : vector<16xi32> to vector<32xbf16>
    %bitcast3A_1271 = vector.bitcast %get3A_1269 : vector<16xi32> to vector<32xbf16>
    %mul3A_1272 = arith.mulf %bitcast3A_1270, %bitcast3A_1271 : vector<32xbf16>
    %bitcast3A_1273 = vector.bitcast %mul3A_1272 : vector<32xbf16> to vector<16xi32>
    %shift_left3A_1274 = arith.shli %bitcast3A_1273, %broadcast_in_dim3A_5 : vector<16xi32>
    %bitcast3A_1275 = vector.bitcast %shift_left3A_1274 : vector<16xi32> to vector<16xf32>
    %and3A_1276 = arith.andi %bitcast3A_1273, %broadcast_in_dim3A_3 : vector<16xi32>
    %bitcast3A_1277 = vector.bitcast %and3A_1276 : vector<16xi32> to vector<16xf32>
    %add3A_1278 = arith.addf %bitcast3A_1275, %bitcast3A_1277 : vector<16xf32>
    %add3A_1279 = arith.addf %add3A_831, %add3A_1278 : vector<16xf32>
    %get3A_1280 = arith.constant 0 : i32
    %get3A_1281 = arith.constant 9 : i32
    %get3A_1282 = arith.constant 0 : i32
    %get3A_1283 = arith.constant 0 : i32
    %get3A_1284 = tpu.memref_slice %arg8[%get3A_1280, %get3A_1282, %get3A_1283] : memref<2x128x64xi32, #tpu.memory_space<vmem>> -> memref<1x128x64xi32, #tpu.memory_space<vmem>>
    %get3A_1285 = tpu.memref_squeeze %get3A_1284 : memref<1x128x64xi32, #tpu.memory_space<vmem>> -> memref<128x64xi32, #tpu.memory_space<vmem>>
    %get3A_1286 = arith.index_cast %get3A_1281 : i32 to index
    %get3A_1287 = arith.constant 32 : index
    %get3A_1288 = tpu.vector_load %get3A_1285[%get3A_1286, %get3A_1287] {strides = array<i32>} : memref<128x64xi32, #tpu.memory_space<vmem>>, vector<16xi32>,
    %get3A_1289 = arith.constant 0 : i32
    %get3A_1290 = arith.constant 9 : i32
    %get3A_1291 = arith.constant 0 : i32
    %get3A_1292 = arith.constant 0 : i32
    %get3A_1293 = tpu.memref_slice %arg9[%get3A_1289, %get3A_1291, %get3A_1292] : memref<2x128x64xi32, #tpu.memory_space<vmem>> -> memref<1x128x64xi32, #tpu.memory_space<vmem>>
    %get3A_1294 = tpu.memref_squeeze %get3A_1293 : memref<1x128x64xi32, #tpu.memory_space<vmem>> -> memref<128x64xi32, #tpu.memory_space<vmem>>
    %get3A_1295 = arith.index_cast %get3A_1290 : i32 to index
    %get3A_1296 = arith.constant 32 : index
    %get3A_1297 = tpu.vector_load %get3A_1294[%get3A_1295, %get3A_1296] {strides = array<i32>} : memref<128x64xi32, #tpu.memory_space<vmem>>, vector<16xi32>,
    %bitcast3A_1298 = vector.bitcast %get3A_1288 : vector<16xi32> to vector<32xbf16>
    %bitcast3A_1299 = vector.bitcast %get3A_1297 : vector<16xi32> to vector<32xbf16>
    %mul3A_1300 = arith.mulf %bitcast3A_1298, %bitcast3A_1299 : vector<32xbf16>
    %bitcast3A_1301 = vector.bitcast %mul3A_1300 : vector<32xbf16> to vector<16xi32>
    %shift_left3A_1302 = arith.shli %bitcast3A_1301, %broadcast_in_dim3A_5 : vector<16xi32>
    %bitcast3A_1303 = vector.bitcast %shift_left3A_1302 : vector<16xi32> to vector<16xf32>
    %and3A_1304 = arith.andi %bitcast3A_1301, %broadcast_in_dim3A_3 : vector<16xi32>
    %bitcast3A_1305 = vector.bitcast %and3A_1304 : vector<16xi32> to vector<16xf32>
    %add3A_1306 = arith.addf %bitcast3A_1303, %bitcast3A_1305 : vector<16xf32>
    %add3A_1307 = arith.addf %add3A_859, %add3A_1306 : vector<16xf32>
    %get3A_1308 = arith.constant 0 : i32
    %get3A_1309 = arith.constant 10 : i32
    %get3A_1310 = arith.constant 0 : i32
    %get3A_1311 = arith.constant 0 : i32
    %get3A_1312 = tpu.memref_slice %arg8[%get3A_1308, %get3A_1310, %get3A_1311] : memref<2x128x64xi32, #tpu.memory_space<vmem>> -> memref<1x128x64xi32, #tpu.memory_space<vmem>>
    %get3A_1313 = tpu.memref_squeeze %get3A_1312 : memref<1x128x64xi32, #tpu.memory_space<vmem>> -> memref<128x64xi32, #tpu.memory_space<vmem>>
    %get3A_1314 = arith.index_cast %get3A_1309 : i32 to index
    %get3A_1315 = arith.constant 32 : index
    %get3A_1316 = tpu.vector_load %get3A_1313[%get3A_1314, %get3A_1315] {strides = array<i32>} : memref<128x64xi32, #tpu.memory_space<vmem>>, vector<16xi32>,
    %get3A_1317 = arith.constant 0 : i32
    %get3A_1318 = arith.constant 10 : i32
    %get3A_1319 = arith.constant 0 : i32
    %get3A_1320 = arith.constant 0 : i32
    %get3A_1321 = tpu.memref_slice %arg9[%get3A_1317, %get3A_1319, %get3A_1320] : memref<2x128x64xi32, #tpu.memory_space<vmem>> -> memref<1x128x64xi32, #tpu.memory_space<vmem>>
    %get3A_1322 = tpu.memref_squeeze %get3A_1321 : memref<1x128x64xi32, #tpu.memory_space<vmem>> -> memref<128x64xi32, #tpu.memory_space<vmem>>
    %get3A_1323 = arith.index_cast %get3A_1318 : i32 to index
    %get3A_1324 = arith.constant 32 : index
    %get3A_1325 = tpu.vector_load %get3A_1322[%get3A_1323, %get3A_1324] {strides = array<i32>} : memref<128x64xi32, #tpu.memory_space<vmem>>, vector<16xi32>,
    %bitcast3A_1326 = vector.bitcast %get3A_1316 : vector<16xi32> to vector<32xbf16>
    %bitcast3A_1327 = vector.bitcast %get3A_1325 : vector<16xi32> to vector<32xbf16>
    %mul3A_1328 = arith.mulf %bitcast3A_1326, %bitcast3A_1327 : vector<32xbf16>
    %bitcast3A_1329 = vector.bitcast %mul3A_1328 : vector<32xbf16> to vector<16xi32>
    %shift_left3A_1330 = arith.shli %bitcast3A_1329, %broadcast_in_dim3A_5 : vector<16xi32>
    %bitcast3A_1331 = vector.bitcast %shift_left3A_1330 : vector<16xi32> to vector<16xf32>
    %and3A_1332 = arith.andi %bitcast3A_1329, %broadcast_in_dim3A_3 : vector<16xi32>
    %bitcast3A_1333 = vector.bitcast %and3A_1332 : vector<16xi32> to vector<16xf32>
    %add3A_1334 = arith.addf %bitcast3A_1331, %bitcast3A_1333 : vector<16xf32>
    %add3A_1335 = arith.addf %add3A_887, %add3A_1334 : vector<16xf32>
    %get3A_1336 = arith.constant 0 : i32
    %get3A_1337 = arith.constant 11 : i32
    %get3A_1338 = arith.constant 0 : i32
    %get3A_1339 = arith.constant 0 : i32
    %get3A_1340 = tpu.memref_slice %arg8[%get3A_1336, %get3A_1338, %get3A_1339] : memref<2x128x64xi32, #tpu.memory_space<vmem>> -> memref<1x128x64xi32, #tpu.memory_space<vmem>>
    %get3A_1341 = tpu.memref_squeeze %get3A_1340 : memref<1x128x64xi32, #tpu.memory_space<vmem>> -> memref<128x64xi32, #tpu.memory_space<vmem>>
    %get3A_1342 = arith.index_cast %get3A_1337 : i32 to index
    %get3A_1343 = arith.constant 32 : index
    %get3A_1344 = tpu.vector_load %get3A_1341[%get3A_1342, %get3A_1343] {strides = array<i32>} : memref<128x64xi32, #tpu.memory_space<vmem>>, vector<16xi32>,
    %get3A_1345 = arith.constant 0 : i32
    %get3A_1346 = arith.constant 11 : i32
    %get3A_1347 = arith.constant 0 : i32
    %get3A_1348 = arith.constant 0 : i32
    %get3A_1349 = tpu.memref_slice %arg9[%get3A_1345, %get3A_1347, %get3A_1348] : memref<2x128x64xi32, #tpu.memory_space<vmem>> -> memref<1x128x64xi32, #tpu.memory_space<vmem>>
    %get3A_1350 = tpu.memref_squeeze %get3A_1349 : memref<1x128x64xi32, #tpu.memory_space<vmem>> -> memref<128x64xi32, #tpu.memory_space<vmem>>
    %get3A_1351 = arith.index_cast %get3A_1346 : i32 to index
    %get3A_1352 = arith.constant 32 : index
    %get3A_1353 = tpu.vector_load %get3A_1350[%get3A_1351, %get3A_1352] {strides = array<i32>} : memref<128x64xi32, #tpu.memory_space<vmem>>, vector<16xi32>,
    %bitcast3A_1354 = vector.bitcast %get3A_1344 : vector<16xi32> to vector<32xbf16>
    %bitcast3A_1355 = vector.bitcast %get3A_1353 : vector<16xi32> to vector<32xbf16>
    %mul3A_1356 = arith.mulf %bitcast3A_1354, %bitcast3A_1355 : vector<32xbf16>
    %bitcast3A_1357 = vector.bitcast %mul3A_1356 : vector<32xbf16> to vector<16xi32>
    %shift_left3A_1358 = arith.shli %bitcast3A_1357, %broadcast_in_dim3A_5 : vector<16xi32>
    %bitcast3A_1359 = vector.bitcast %shift_left3A_1358 : vector<16xi32> to vector<16xf32>
    %and3A_1360 = arith.andi %bitcast3A_1357, %broadcast_in_dim3A_3 : vector<16xi32>
    %bitcast3A_1361 = vector.bitcast %and3A_1360 : vector<16xi32> to vector<16xf32>
    %add3A_1362 = arith.addf %bitcast3A_1359, %bitcast3A_1361 : vector<16xf32>
    %add3A_1363 = arith.addf %add3A_915, %add3A_1362 : vector<16xf32>
    %get3A_1364 = arith.constant 0 : i32
    %get3A_1365 = arith.constant 12 : i32
    %get3A_1366 = arith.constant 0 : i32
    %get3A_1367 = arith.constant 0 : i32
    %get3A_1368 = tpu.memref_slice %arg8[%get3A_1364, %get3A_1366, %get3A_1367] : memref<2x128x64xi32, #tpu.memory_space<vmem>> -> memref<1x128x64xi32, #tpu.memory_space<vmem>>
    %get3A_1369 = tpu.memref_squeeze %get3A_1368 : memref<1x128x64xi32, #tpu.memory_space<vmem>> -> memref<128x64xi32, #tpu.memory_space<vmem>>
    %get3A_1370 = arith.index_cast %get3A_1365 : i32 to index
    %get3A_1371 = arith.constant 32 : index
    %get3A_1372 = tpu.vector_load %get3A_1369[%get3A_1370, %get3A_1371] {strides = array<i32>} : memref<128x64xi32, #tpu.memory_space<vmem>>, vector<16xi32>,
    %get3A_1373 = arith.constant 0 : i32
    %get3A_1374 = arith.constant 12 : i32
    %get3A_1375 = arith.constant 0 : i32
    %get3A_1376 = arith.constant 0 : i32
    %get3A_1377 = tpu.memref_slice %arg9[%get3A_1373, %get3A_1375, %get3A_1376] : memref<2x128x64xi32, #tpu.memory_space<vmem>> -> memref<1x128x64xi32, #tpu.memory_space<vmem>>
    %get3A_1378 = tpu.memref_squeeze %get3A_1377 : memref<1x128x64xi32, #tpu.memory_space<vmem>> -> memref<128x64xi32, #tpu.memory_space<vmem>>
    %get3A_1379 = arith.index_cast %get3A_1374 : i32 to index
    %get3A_1380 = arith.constant 32 : index
    %get3A_1381 = tpu.vector_load %get3A_1378[%get3A_1379, %get3A_1380] {strides = array<i32>} : memref<128x64xi32, #tpu.memory_space<vmem>>, vector<16xi32>,
    %bitcast3A_1382 = vector.bitcast %get3A_1372 : vector<16xi32> to vector<32xbf16>
    %bitcast3A_1383 = vector.bitcast %get3A_1381 : vector<16xi32> to vector<32xbf16>
    %mul3A_1384 = arith.mulf %bitcast3A_1382, %bitcast3A_1383 : vector<32xbf16>
    %bitcast3A_1385 = vector.bitcast %mul3A_1384 : vector<32xbf16> to vector<16xi32>
    %shift_left3A_1386 = arith.shli %bitcast3A_1385, %broadcast_in_dim3A_5 : vector<16xi32>
    %bitcast3A_1387 = vector.bitcast %shift_left3A_1386 : vector<16xi32> to vector<16xf32>
    %and3A_1388 = arith.andi %bitcast3A_1385, %broadcast_in_dim3A_3 : vector<16xi32>
    %bitcast3A_1389 = vector.bitcast %and3A_1388 : vector<16xi32> to vector<16xf32>
    %add3A_1390 = arith.addf %bitcast3A_1387, %bitcast3A_1389 : vector<16xf32>
    %add3A_1391 = arith.addf %add3A_943, %add3A_1390 : vector<16xf32>
    %get3A_1392 = arith.constant 0 : i32
    %get3A_1393 = arith.constant 13 : i32
    %get3A_1394 = arith.constant 0 : i32
    %get3A_1395 = arith.constant 0 : i32
    %get3A_1396 = tpu.memref_slice %arg8[%get3A_1392, %get3A_1394, %get3A_1395] : memref<2x128x64xi32, #tpu.memory_space<vmem>> -> memref<1x128x64xi32, #tpu.memory_space<vmem>>
    %get3A_1397 = tpu.memref_squeeze %get3A_1396 : memref<1x128x64xi32, #tpu.memory_space<vmem>> -> memref<128x64xi32, #tpu.memory_space<vmem>>
    %get3A_1398 = arith.index_cast %get3A_1393 : i32 to index
    %get3A_1399 = arith.constant 32 : index
    %get3A_1400 = tpu.vector_load %get3A_1397[%get3A_1398, %get3A_1399] {strides = array<i32>} : memref<128x64xi32, #tpu.memory_space<vmem>>, vector<16xi32>,
    %get3A_1401 = arith.constant 0 : i32
    %get3A_1402 = arith.constant 13 : i32
    %get3A_1403 = arith.constant 0 : i32
    %get3A_1404 = arith.constant 0 : i32
    %get3A_1405 = tpu.memref_slice %arg9[%get3A_1401, %get3A_1403, %get3A_1404] : memref<2x128x64xi32, #tpu.memory_space<vmem>> -> memref<1x128x64xi32, #tpu.memory_space<vmem>>
    %get3A_1406 = tpu.memref_squeeze %get3A_1405 : memref<1x128x64xi32, #tpu.memory_space<vmem>> -> memref<128x64xi32, #tpu.memory_space<vmem>>
    %get3A_1407 = arith.index_cast %get3A_1402 : i32 to index
    %get3A_1408 = arith.constant 32 : index
    %get3A_1409 = tpu.vector_load %get3A_1406[%get3A_1407, %get3A_1408] {strides = array<i32>} : memref<128x64xi32, #tpu.memory_space<vmem>>, vector<16xi32>,
    %bitcast3A_1410 = vector.bitcast %get3A_1400 : vector<16xi32> to vector<32xbf16>
    %bitcast3A_1411 = vector.bitcast %get3A_1409 : vector<16xi32> to vector<32xbf16>
    %mul3A_1412 = arith.mulf %bitcast3A_1410, %bitcast3A_1411 : vector<32xbf16>
    %bitcast3A_1413 = vector.bitcast %mul3A_1412 : vector<32xbf16> to vector<16xi32>
    %shift_left3A_1414 = arith.shli %bitcast3A_1413, %broadcast_in_dim3A_5 : vector<16xi32>
    %bitcast3A_1415 = vector.bitcast %shift_left3A_1414 : vector<16xi32> to vector<16xf32>
    %and3A_1416 = arith.andi %bitcast3A_1413, %broadcast_in_dim3A_3 : vector<16xi32>
    %bitcast3A_1417 = vector.bitcast %and3A_1416 : vector<16xi32> to vector<16xf32>
    %add3A_1418 = arith.addf %bitcast3A_1415, %bitcast3A_1417 : vector<16xf32>
    %add3A_1419 = arith.addf %add3A_971, %add3A_1418 : vector<16xf32>
    %get3A_1420 = arith.constant 0 : i32
    %get3A_1421 = arith.constant 14 : i32
    %get3A_1422 = arith.constant 0 : i32
    %get3A_1423 = arith.constant 0 : i32
    %get3A_1424 = tpu.memref_slice %arg8[%get3A_1420, %get3A_1422, %get3A_1423] : memref<2x128x64xi32, #tpu.memory_space<vmem>> -> memref<1x128x64xi32, #tpu.memory_space<vmem>>
    %get3A_1425 = tpu.memref_squeeze %get3A_1424 : memref<1x128x64xi32, #tpu.memory_space<vmem>> -> memref<128x64xi32, #tpu.memory_space<vmem>>
    %get3A_1426 = arith.index_cast %get3A_1421 : i32 to index
    %get3A_1427 = arith.constant 32 : index
    %get3A_1428 = tpu.vector_load %get3A_1425[%get3A_1426, %get3A_1427] {strides = array<i32>} : memref<128x64xi32, #tpu.memory_space<vmem>>, vector<16xi32>,
    %get3A_1429 = arith.constant 0 : i32
    %get3A_1430 = arith.constant 14 : i32
    %get3A_1431 = arith.constant 0 : i32
    %get3A_1432 = arith.constant 0 : i32
    %get3A_1433 = tpu.memref_slice %arg9[%get3A_1429, %get3A_1431, %get3A_1432] : memref<2x128x64xi32, #tpu.memory_space<vmem>> -> memref<1x128x64xi32, #tpu.memory_space<vmem>>
    %get3A_1434 = tpu.memref_squeeze %get3A_1433 : memref<1x128x64xi32, #tpu.memory_space<vmem>> -> memref<128x64xi32, #tpu.memory_space<vmem>>
    %get3A_1435 = arith.index_cast %get3A_1430 : i32 to index
    %get3A_1436 = arith.constant 32 : index
    %get3A_1437 = tpu.vector_load %get3A_1434[%get3A_1435, %get3A_1436] {strides = array<i32>} : memref<128x64xi32, #tpu.memory_space<vmem>>, vector<16xi32>,
    %bitcast3A_1438 = vector.bitcast %get3A_1428 : vector<16xi32> to vector<32xbf16>
    %bitcast3A_1439 = vector.bitcast %get3A_1437 : vector<16xi32> to vector<32xbf16>
    %mul3A_1440 = arith.mulf %bitcast3A_1438, %bitcast3A_1439 : vector<32xbf16>
    %bitcast3A_1441 = vector.bitcast %mul3A_1440 : vector<32xbf16> to vector<16xi32>
    %shift_left3A_1442 = arith.shli %bitcast3A_1441, %broadcast_in_dim3A_5 : vector<16xi32>
    %bitcast3A_1443 = vector.bitcast %shift_left3A_1442 : vector<16xi32> to vector<16xf32>
    %and3A_1444 = arith.andi %bitcast3A_1441, %broadcast_in_dim3A_3 : vector<16xi32>
    %bitcast3A_1445 = vector.bitcast %and3A_1444 : vector<16xi32> to vector<16xf32>
    %add3A_1446 = arith.addf %bitcast3A_1443, %bitcast3A_1445 : vector<16xf32>
    %add3A_1447 = arith.addf %add3A_999, %add3A_1446 : vector<16xf32>
    %get3A_1448 = arith.constant 0 : i32
    %get3A_1449 = arith.constant 15 : i32
    %get3A_1450 = arith.constant 0 : i32
    %get3A_1451 = arith.constant 0 : i32
    %get3A_1452 = tpu.memref_slice %arg8[%get3A_1448, %get3A_1450, %get3A_1451] : memref<2x128x64xi32, #tpu.memory_space<vmem>> -> memref<1x128x64xi32, #tpu.memory_space<vmem>>
    %get3A_1453 = tpu.memref_squeeze %get3A_1452 : memref<1x128x64xi32, #tpu.memory_space<vmem>> -> memref<128x64xi32, #tpu.memory_space<vmem>>
    %get3A_1454 = arith.index_cast %get3A_1449 : i32 to index
    %get3A_1455 = arith.constant 32 : index
    %get3A_1456 = tpu.vector_load %get3A_1453[%get3A_1454, %get3A_1455] {strides = array<i32>} : memref<128x64xi32, #tpu.memory_space<vmem>>, vector<16xi32>,
    %get3A_1457 = arith.constant 0 : i32
    %get3A_1458 = arith.constant 15 : i32
    %get3A_1459 = arith.constant 0 : i32
    %get3A_1460 = arith.constant 0 : i32
    %get3A_1461 = tpu.memref_slice %arg9[%get3A_1457, %get3A_1459, %get3A_1460] : memref<2x128x64xi32, #tpu.memory_space<vmem>> -> memref<1x128x64xi32, #tpu.memory_space<vmem>>
    %get3A_1462 = tpu.memref_squeeze %get3A_1461 : memref<1x128x64xi32, #tpu.memory_space<vmem>> -> memref<128x64xi32, #tpu.memory_space<vmem>>
    %get3A_1463 = arith.index_cast %get3A_1458 : i32 to index
    %get3A_1464 = arith.constant 32 : index
    %get3A_1465 = tpu.vector_load %get3A_1462[%get3A_1463, %get3A_1464] {strides = array<i32>} : memref<128x64xi32, #tpu.memory_space<vmem>>, vector<16xi32>,
    %bitcast3A_1466 = vector.bitcast %get3A_1456 : vector<16xi32> to vector<32xbf16>
    %bitcast3A_1467 = vector.bitcast %get3A_1465 : vector<16xi32> to vector<32xbf16>
    %mul3A_1468 = arith.mulf %bitcast3A_1466, %bitcast3A_1467 : vector<32xbf16>
    %bitcast3A_1469 = vector.bitcast %mul3A_1468 : vector<32xbf16> to vector<16xi32>
    %shift_left3A_1470 = arith.shli %bitcast3A_1469, %broadcast_in_dim3A_5 : vector<16xi32>
    %bitcast3A_1471 = vector.bitcast %shift_left3A_1470 : vector<16xi32> to vector<16xf32>
    %and3A_1472 = arith.andi %bitcast3A_1469, %broadcast_in_dim3A_3 : vector<16xi32>
    %bitcast3A_1473 = vector.bitcast %and3A_1472 : vector<16xi32> to vector<16xf32>
    %add3A_1474 = arith.addf %bitcast3A_1471, %bitcast3A_1473 : vector<16xf32>
    %add3A_1475 = arith.addf %add3A_1027, %add3A_1474 : vector<16xf32>
    %get3A_1476 = arith.constant 0 : i32
    %get3A_1477 = arith.constant 0 : i32
    %get3A_1478 = arith.constant 0 : i32
    %get3A_1479 = arith.constant 0 : i32
    %get3A_1480 = tpu.memref_slice %arg8[%get3A_1476, %get3A_1478, %get3A_1479] : memref<2x128x64xi32, #tpu.memory_space<vmem>> -> memref<1x128x64xi32, #tpu.memory_space<vmem>>
    %get3A_1481 = tpu.memref_squeeze %get3A_1480 : memref<1x128x64xi32, #tpu.memory_space<vmem>> -> memref<128x64xi32, #tpu.memory_space<vmem>>
    %get3A_1482 = arith.index_cast %get3A_1477 : i32 to index
    %get3A_1483 = arith.constant 48 : index
    %get3A_1484 = tpu.vector_load %get3A_1481[%get3A_1482, %get3A_1483] {strides = array<i32>} : memref<128x64xi32, #tpu.memory_space<vmem>>, vector<16xi32>,
    %get3A_1485 = arith.constant 0 : i32
    %get3A_1486 = arith.constant 0 : i32
    %get3A_1487 = arith.constant 0 : i32
    %get3A_1488 = arith.constant 0 : i32
    %get3A_1489 = tpu.memref_slice %arg9[%get3A_1485, %get3A_1487, %get3A_1488] : memref<2x128x64xi32, #tpu.memory_space<vmem>> -> memref<1x128x64xi32, #tpu.memory_space<vmem>>
    %get3A_1490 = tpu.memref_squeeze %get3A_1489 : memref<1x128x64xi32, #tpu.memory_space<vmem>> -> memref<128x64xi32, #tpu.memory_space<vmem>>
    %get3A_1491 = arith.index_cast %get3A_1486 : i32 to index
    %get3A_1492 = arith.constant 48 : index
    %get3A_1493 = tpu.vector_load %get3A_1490[%get3A_1491, %get3A_1492] {strides = array<i32>} : memref<128x64xi32, #tpu.memory_space<vmem>>, vector<16xi32>,
    %bitcast3A_1494 = vector.bitcast %get3A_1484 : vector<16xi32> to vector<32xbf16>
    %bitcast3A_1495 = vector.bitcast %get3A_1493 : vector<16xi32> to vector<32xbf16>
    %mul3A_1496 = arith.mulf %bitcast3A_1494, %bitcast3A_1495 : vector<32xbf16>
    %bitcast3A_1497 = vector.bitcast %mul3A_1496 : vector<32xbf16> to vector<16xi32>
    %shift_left3A_1498 = arith.shli %bitcast3A_1497, %broadcast_in_dim3A_5 : vector<16xi32>
    %bitcast3A_1499 = vector.bitcast %shift_left3A_1498 : vector<16xi32> to vector<16xf32>
    %and3A_1500 = arith.andi %bitcast3A_1497, %broadcast_in_dim3A_3 : vector<16xi32>
    %bitcast3A_1501 = vector.bitcast %and3A_1500 : vector<16xi32> to vector<16xf32>
    %add3A_1502 = arith.addf %bitcast3A_1499, %bitcast3A_1501 : vector<16xf32>
    %add3A_1503 = arith.addf %add3A_1055, %add3A_1502 : vector<16xf32>
    %get3A_1504 = arith.constant 0 : i32
    %get3A_1505 = arith.constant 1 : i32
    %get3A_1506 = arith.constant 0 : i32
    %get3A_1507 = arith.constant 0 : i32
    %get3A_1508 = tpu.memref_slice %arg8[%get3A_1504, %get3A_1506, %get3A_1507] : memref<2x128x64xi32, #tpu.memory_space<vmem>> -> memref<1x128x64xi32, #tpu.memory_space<vmem>>
    %get3A_1509 = tpu.memref_squeeze %get3A_1508 : memref<1x128x64xi32, #tpu.memory_space<vmem>> -> memref<128x64xi32, #tpu.memory_space<vmem>>
    %get3A_1510 = arith.index_cast %get3A_1505 : i32 to index
    %get3A_1511 = arith.constant 48 : index
    %get3A_1512 = tpu.vector_load %get3A_1509[%get3A_1510, %get3A_1511] {strides = array<i32>} : memref<128x64xi32, #tpu.memory_space<vmem>>, vector<16xi32>,
    %get3A_1513 = arith.constant 0 : i32
    %get3A_1514 = arith.constant 1 : i32
    %get3A_1515 = arith.constant 0 : i32
    %get3A_1516 = arith.constant 0 : i32
    %get3A_1517 = tpu.memref_slice %arg9[%get3A_1513, %get3A_1515, %get3A_1516] : memref<2x128x64xi32, #tpu.memory_space<vmem>> -> memref<1x128x64xi32, #tpu.memory_space<vmem>>
    %get3A_1518 = tpu.memref_squeeze %get3A_1517 : memref<1x128x64xi32, #tpu.memory_space<vmem>> -> memref<128x64xi32, #tpu.memory_space<vmem>>
    %get3A_1519 = arith.index_cast %get3A_1514 : i32 to index
    %get3A_1520 = arith.constant 48 : index
    %get3A_1521 = tpu.vector_load %get3A_1518[%get3A_1519, %get3A_1520] {strides = array<i32>} : memref<128x64xi32, #tpu.memory_space<vmem>>, vector<16xi32>,
    %bitcast3A_1522 = vector.bitcast %get3A_1512 : vector<16xi32> to vector<32xbf16>
    %bitcast3A_1523 = vector.bitcast %get3A_1521 : vector<16xi32> to vector<32xbf16>
    %mul3A_1524 = arith.mulf %bitcast3A_1522, %bitcast3A_1523 : vector<32xbf16>
    %bitcast3A_1525 = vector.bitcast %mul3A_1524 : vector<32xbf16> to vector<16xi32>
    %shift_left3A_1526 = arith.shli %bitcast3A_1525, %broadcast_in_dim3A_5 : vector<16xi32>
    %bitcast3A_1527 = vector.bitcast %shift_left3A_1526 : vector<16xi32> to vector<16xf32>
    %and3A_1528 = arith.andi %bitcast3A_1525, %broadcast_in_dim3A_3 : vector<16xi32>
    %bitcast3A_1529 = vector.bitcast %and3A_1528 : vector<16xi32> to vector<16xf32>
    %add3A_1530 = arith.addf %bitcast3A_1527, %bitcast3A_1529 : vector<16xf32>
    %add3A_1531 = arith.addf %add3A_1083, %add3A_1530 : vector<16xf32>
    %get3A_1532 = arith.constant 0 : i32
    %get3A_1533 = arith.constant 2 : i32
    %get3A_1534 = arith.constant 0 : i32
    %get3A_1535 = arith.constant 0 : i32
    %get3A_1536 = tpu.memref_slice %arg8[%get3A_1532, %get3A_1534, %get3A_1535] : memref<2x128x64xi32, #tpu.memory_space<vmem>> -> memref<1x128x64xi32, #tpu.memory_space<vmem>>
    %get3A_1537 = tpu.memref_squeeze %get3A_1536 : memref<1x128x64xi32, #tpu.memory_space<vmem>> -> memref<128x64xi32, #tpu.memory_space<vmem>>
    %get3A_1538 = arith.index_cast %get3A_1533 : i32 to index
    %get3A_1539 = arith.constant 48 : index
    %get3A_1540 = tpu.vector_load %get3A_1537[%get3A_1538, %get3A_1539] {strides = array<i32>} : memref<128x64xi32, #tpu.memory_space<vmem>>, vector<16xi32>,
    %get3A_1541 = arith.constant 0 : i32
    %get3A_1542 = arith.constant 2 : i32
    %get3A_1543 = arith.constant 0 : i32
    %get3A_1544 = arith.constant 0 : i32
    %get3A_1545 = tpu.memref_slice %arg9[%get3A_1541, %get3A_1543, %get3A_1544] : memref<2x128x64xi32, #tpu.memory_space<vmem>> -> memref<1x128x64xi32, #tpu.memory_space<vmem>>
    %get3A_1546 = tpu.memref_squeeze %get3A_1545 : memref<1x128x64xi32, #tpu.memory_space<vmem>> -> memref<128x64xi32, #tpu.memory_space<vmem>>
    %get3A_1547 = arith.index_cast %get3A_1542 : i32 to index
    %get3A_1548 = arith.constant 48 : index
    %get3A_1549 = tpu.vector_load %get3A_1546[%get3A_1547, %get3A_1548] {strides = array<i32>} : memref<128x64xi32, #tpu.memory_space<vmem>>, vector<16xi32>,
    %bitcast3A_1550 = vector.bitcast %get3A_1540 : vector<16xi32> to vector<32xbf16>
    %bitcast3A_1551 = vector.bitcast %get3A_1549 : vector<16xi32> to vector<32xbf16>
    %mul3A_1552 = arith.mulf %bitcast3A_1550, %bitcast3A_1551 : vector<32xbf16>
    %bitcast3A_1553 = vector.bitcast %mul3A_1552 : vector<32xbf16> to vector<16xi32>
    %shift_left3A_1554 = arith.shli %bitcast3A_1553, %broadcast_in_dim3A_5 : vector<16xi32>
    %bitcast3A_1555 = vector.bitcast %shift_left3A_1554 : vector<16xi32> to vector<16xf32>
    %and3A_1556 = arith.andi %bitcast3A_1553, %broadcast_in_dim3A_3 : vector<16xi32>
    %bitcast3A_1557 = vector.bitcast %and3A_1556 : vector<16xi32> to vector<16xf32>
    %add3A_1558 = arith.addf %bitcast3A_1555, %bitcast3A_1557 : vector<16xf32>
    %add3A_1559 = arith.addf %add3A_1111, %add3A_1558 : vector<16xf32>
    %get3A_1560 = arith.constant 0 : i32
    %get3A_1561 = arith.constant 3 : i32
    %get3A_1562 = arith.constant 0 : i32
    %get3A_1563 = arith.constant 0 : i32
    %get3A_1564 = tpu.memref_slice %arg8[%get3A_1560, %get3A_1562, %get3A_1563] : memref<2x128x64xi32, #tpu.memory_space<vmem>> -> memref<1x128x64xi32, #tpu.memory_space<vmem>>
    %get3A_1565 = tpu.memref_squeeze %get3A_1564 : memref<1x128x64xi32, #tpu.memory_space<vmem>> -> memref<128x64xi32, #tpu.memory_space<vmem>>
    %get3A_1566 = arith.index_cast %get3A_1561 : i32 to index
    %get3A_1567 = arith.constant 48 : index
    %get3A_1568 = tpu.vector_load %get3A_1565[%get3A_1566, %get3A_1567] {strides = array<i32>} : memref<128x64xi32, #tpu.memory_space<vmem>>, vector<16xi32>,
    %get3A_1569 = arith.constant 0 : i32
    %get3A_1570 = arith.constant 3 : i32
    %get3A_1571 = arith.constant 0 : i32
    %get3A_1572 = arith.constant 0 : i32
    %get3A_1573 = tpu.memref_slice %arg9[%get3A_1569, %get3A_1571, %get3A_1572] : memref<2x128x64xi32, #tpu.memory_space<vmem>> -> memref<1x128x64xi32, #tpu.memory_space<vmem>>
    %get3A_1574 = tpu.memref_squeeze %get3A_1573 : memref<1x128x64xi32, #tpu.memory_space<vmem>> -> memref<128x64xi32, #tpu.memory_space<vmem>>
    %get3A_1575 = arith.index_cast %get3A_1570 : i32 to index
    %get3A_1576 = arith.constant 48 : index
    %get3A_1577 = tpu.vector_load %get3A_1574[%get3A_1575, %get3A_1576] {strides = array<i32>} : memref<128x64xi32, #tpu.memory_space<vmem>>, vector<16xi32>,
    %bitcast3A_1578 = vector.bitcast %get3A_1568 : vector<16xi32> to vector<32xbf16>
    %bitcast3A_1579 = vector.bitcast %get3A_1577 : vector<16xi32> to vector<32xbf16>
    %mul3A_1580 = arith.mulf %bitcast3A_1578, %bitcast3A_1579 : vector<32xbf16>
    %bitcast3A_1581 = vector.bitcast %mul3A_1580 : vector<32xbf16> to vector<16xi32>
    %shift_left3A_1582 = arith.shli %bitcast3A_1581, %broadcast_in_dim3A_5 : vector<16xi32>
    %bitcast3A_1583 = vector.bitcast %shift_left3A_1582 : vector<16xi32> to vector<16xf32>
    %and3A_1584 = arith.andi %bitcast3A_1581, %broadcast_in_dim3A_3 : vector<16xi32>
    %bitcast3A_1585 = vector.bitcast %and3A_1584 : vector<16xi32> to vector<16xf32>
    %add3A_1586 = arith.addf %bitcast3A_1583, %bitcast3A_1585 : vector<16xf32>
    %add3A_1587 = arith.addf %add3A_1139, %add3A_1586 : vector<16xf32>
    %get3A_1588 = arith.constant 0 : i32
    %get3A_1589 = arith.constant 4 : i32
    %get3A_1590 = arith.constant 0 : i32
    %get3A_1591 = arith.constant 0 : i32
    %get3A_1592 = tpu.memref_slice %arg8[%get3A_1588, %get3A_1590, %get3A_1591] : memref<2x128x64xi32, #tpu.memory_space<vmem>> -> memref<1x128x64xi32, #tpu.memory_space<vmem>>
    %get3A_1593 = tpu.memref_squeeze %get3A_1592 : memref<1x128x64xi32, #tpu.memory_space<vmem>> -> memref<128x64xi32, #tpu.memory_space<vmem>>
    %get3A_1594 = arith.index_cast %get3A_1589 : i32 to index
    %get3A_1595 = arith.constant 48 : index
    %get3A_1596 = tpu.vector_load %get3A_1593[%get3A_1594, %get3A_1595] {strides = array<i32>} : memref<128x64xi32, #tpu.memory_space<vmem>>, vector<16xi32>,
    %get3A_1597 = arith.constant 0 : i32
    %get3A_1598 = arith.constant 4 : i32
    %get3A_1599 = arith.constant 0 : i32
    %get3A_1600 = arith.constant 0 : i32
    %get3A_1601 = tpu.memref_slice %arg9[%get3A_1597, %get3A_1599, %get3A_1600] : memref<2x128x64xi32, #tpu.memory_space<vmem>> -> memref<1x128x64xi32, #tpu.memory_space<vmem>>
    %get3A_1602 = tpu.memref_squeeze %get3A_1601 : memref<1x128x64xi32, #tpu.memory_space<vmem>> -> memref<128x64xi32, #tpu.memory_space<vmem>>
    %get3A_1603 = arith.index_cast %get3A_1598 : i32 to index
    %get3A_1604 = arith.constant 48 : index
    %get3A_1605 = tpu.vector_load %get3A_1602[%get3A_1603, %get3A_1604] {strides = array<i32>} : memref<128x64xi32, #tpu.memory_space<vmem>>, vector<16xi32>,
    %bitcast3A_1606 = vector.bitcast %get3A_1596 : vector<16xi32> to vector<32xbf16>
    %bitcast3A_1607 = vector.bitcast %get3A_1605 : vector<16xi32> to vector<32xbf16>
    %mul3A_1608 = arith.mulf %bitcast3A_1606, %bitcast3A_1607 : vector<32xbf16>
    %bitcast3A_1609 = vector.bitcast %mul3A_1608 : vector<32xbf16> to vector<16xi32>
    %shift_left3A_1610 = arith.shli %bitcast3A_1609, %broadcast_in_dim3A_5 : vector<16xi32>
    %bitcast3A_1611 = vector.bitcast %shift_left3A_1610 : vector<16xi32> to vector<16xf32>
    %and3A_1612 = arith.andi %bitcast3A_1609, %broadcast_in_dim3A_3 : vector<16xi32>
    %bitcast3A_1613 = vector.bitcast %and3A_1612 : vector<16xi32> to vector<16xf32>
    %add3A_1614 = arith.addf %bitcast3A_1611, %bitcast3A_1613 : vector<16xf32>
    %add3A_1615 = arith.addf %add3A_1167, %add3A_1614 : vector<16xf32>
    %get3A_1616 = arith.constant 0 : i32
    %get3A_1617 = arith.constant 5 : i32
    %get3A_1618 = arith.constant 0 : i32
    %get3A_1619 = arith.constant 0 : i32
    %get3A_1620 = tpu.memref_slice %arg8[%get3A_1616, %get3A_1618, %get3A_1619] : memref<2x128x64xi32, #tpu.memory_space<vmem>> -> memref<1x128x64xi32, #tpu.memory_space<vmem>>
    %get3A_1621 = tpu.memref_squeeze %get3A_1620 : memref<1x128x64xi32, #tpu.memory_space<vmem>> -> memref<128x64xi32, #tpu.memory_space<vmem>>
    %get3A_1622 = arith.index_cast %get3A_1617 : i32 to index
    %get3A_1623 = arith.constant 48 : index
    %get3A_1624 = tpu.vector_load %get3A_1621[%get3A_1622, %get3A_1623] {strides = array<i32>} : memref<128x64xi32, #tpu.memory_space<vmem>>, vector<16xi32>,
    %get3A_1625 = arith.constant 0 : i32
    %get3A_1626 = arith.constant 5 : i32
    %get3A_1627 = arith.constant 0 : i32
    %get3A_1628 = arith.constant 0 : i32
    %get3A_1629 = tpu.memref_slice %arg9[%get3A_1625, %get3A_1627, %get3A_1628] : memref<2x128x64xi32, #tpu.memory_space<vmem>> -> memref<1x128x64xi32, #tpu.memory_space<vmem>>
    %get3A_1630 = tpu.memref_squeeze %get3A_1629 : memref<1x128x64xi32, #tpu.memory_space<vmem>> -> memref<128x64xi32, #tpu.memory_space<vmem>>
    %get3A_1631 = arith.index_cast %get3A_1626 : i32 to index
    %get3A_1632 = arith.constant 48 : index
    %get3A_1633 = tpu.vector_load %get3A_1630[%get3A_1631, %get3A_1632] {strides = array<i32>} : memref<128x64xi32, #tpu.memory_space<vmem>>, vector<16xi32>,
    %bitcast3A_1634 = vector.bitcast %get3A_1624 : vector<16xi32> to vector<32xbf16>
    %bitcast3A_1635 = vector.bitcast %get3A_1633 : vector<16xi32> to vector<32xbf16>
    %mul3A_1636 = arith.mulf %bitcast3A_1634, %bitcast3A_1635 : vector<32xbf16>
    %bitcast3A_1637 = vector.bitcast %mul3A_1636 : vector<32xbf16> to vector<16xi32>
    %shift_left3A_1638 = arith.shli %bitcast3A_1637, %broadcast_in_dim3A_5 : vector<16xi32>
    %bitcast3A_1639 = vector.bitcast %shift_left3A_1638 : vector<16xi32> to vector<16xf32>
    %and3A_1640 = arith.andi %bitcast3A_1637, %broadcast_in_dim3A_3 : vector<16xi32>
    %bitcast3A_1641 = vector.bitcast %and3A_1640 : vector<16xi32> to vector<16xf32>
    %add3A_1642 = arith.addf %bitcast3A_1639, %bitcast3A_1641 : vector<16xf32>
    %add3A_1643 = arith.addf %add3A_1195, %add3A_1642 : vector<16xf32>
    %get3A_1644 = arith.constant 0 : i32
    %get3A_1645 = arith.constant 6 : i32
    %get3A_1646 = arith.constant 0 : i32
    %get3A_1647 = arith.constant 0 : i32
    %get3A_1648 = tpu.memref_slice %arg8[%get3A_1644, %get3A_1646, %get3A_1647] : memref<2x128x64xi32, #tpu.memory_space<vmem>> -> memref<1x128x64xi32, #tpu.memory_space<vmem>>
    %get3A_1649 = tpu.memref_squeeze %get3A_1648 : memref<1x128x64xi32, #tpu.memory_space<vmem>> -> memref<128x64xi32, #tpu.memory_space<vmem>>
    %get3A_1650 = arith.index_cast %get3A_1645 : i32 to index
    %get3A_1651 = arith.constant 48 : index
    %get3A_1652 = tpu.vector_load %get3A_1649[%get3A_1650, %get3A_1651] {strides = array<i32>} : memref<128x64xi32, #tpu.memory_space<vmem>>, vector<16xi32>,
    %get3A_1653 = arith.constant 0 : i32
    %get3A_1654 = arith.constant 6 : i32
    %get3A_1655 = arith.constant 0 : i32
    %get3A_1656 = arith.constant 0 : i32
    %get3A_1657 = tpu.memref_slice %arg9[%get3A_1653, %get3A_1655, %get3A_1656] : memref<2x128x64xi32, #tpu.memory_space<vmem>> -> memref<1x128x64xi32, #tpu.memory_space<vmem>>
    %get3A_1658 = tpu.memref_squeeze %get3A_1657 : memref<1x128x64xi32, #tpu.memory_space<vmem>> -> memref<128x64xi32, #tpu.memory_space<vmem>>
    %get3A_1659 = arith.index_cast %get3A_1654 : i32 to index
    %get3A_1660 = arith.constant 48 : index
    %get3A_1661 = tpu.vector_load %get3A_1658[%get3A_1659, %get3A_1660] {strides = array<i32>} : memref<128x64xi32, #tpu.memory_space<vmem>>, vector<16xi32>,
    %bitcast3A_1662 = vector.bitcast %get3A_1652 : vector<16xi32> to vector<32xbf16>
    %bitcast3A_1663 = vector.bitcast %get3A_1661 : vector<16xi32> to vector<32xbf16>
    %mul3A_1664 = arith.mulf %bitcast3A_1662, %bitcast3A_1663 : vector<32xbf16>
    %bitcast3A_1665 = vector.bitcast %mul3A_1664 : vector<32xbf16> to vector<16xi32>
    %shift_left3A_1666 = arith.shli %bitcast3A_1665, %broadcast_in_dim3A_5 : vector<16xi32>
    %bitcast3A_1667 = vector.bitcast %shift_left3A_1666 : vector<16xi32> to vector<16xf32>
    %and3A_1668 = arith.andi %bitcast3A_1665, %broadcast_in_dim3A_3 : vector<16xi32>
    %bitcast3A_1669 = vector.bitcast %and3A_1668 : vector<16xi32> to vector<16xf32>
    %add3A_1670 = arith.addf %bitcast3A_1667, %bitcast3A_1669 : vector<16xf32>
    %add3A_1671 = arith.addf %add3A_1223, %add3A_1670 : vector<16xf32>
    %get3A_1672 = arith.constant 0 : i32
    %get3A_1673 = arith.constant 7 : i32
    %get3A_1674 = arith.constant 0 : i32
    %get3A_1675 = arith.constant 0 : i32
    %get3A_1676 = tpu.memref_slice %arg8[%get3A_1672, %get3A_1674, %get3A_1675] : memref<2x128x64xi32, #tpu.memory_space<vmem>> -> memref<1x128x64xi32, #tpu.memory_space<vmem>>
    %get3A_1677 = tpu.memref_squeeze %get3A_1676 : memref<1x128x64xi32, #tpu.memory_space<vmem>> -> memref<128x64xi32, #tpu.memory_space<vmem>>
    %get3A_1678 = arith.index_cast %get3A_1673 : i32 to index
    %get3A_1679 = arith.constant 48 : index
    %get3A_1680 = tpu.vector_load %get3A_1677[%get3A_1678, %get3A_1679] {strides = array<i32>} : memref<128x64xi32, #tpu.memory_space<vmem>>, vector<16xi32>,
    %get3A_1681 = arith.constant 0 : i32
    %get3A_1682 = arith.constant 7 : i32
    %get3A_1683 = arith.constant 0 : i32
    %get3A_1684 = arith.constant 0 : i32
    %get3A_1685 = tpu.memref_slice %arg9[%get3A_1681, %get3A_1683, %get3A_1684] : memref<2x128x64xi32, #tpu.memory_space<vmem>> -> memref<1x128x64xi32, #tpu.memory_space<vmem>>
    %get3A_1686 = tpu.memref_squeeze %get3A_1685 : memref<1x128x64xi32, #tpu.memory_space<vmem>> -> memref<128x64xi32, #tpu.memory_space<vmem>>
    %get3A_1687 = arith.index_cast %get3A_1682 : i32 to index
    %get3A_1688 = arith.constant 48 : index
    %get3A_1689 = tpu.vector_load %get3A_1686[%get3A_1687, %get3A_1688] {strides = array<i32>} : memref<128x64xi32, #tpu.memory_space<vmem>>, vector<16xi32>,
    %bitcast3A_1690 = vector.bitcast %get3A_1680 : vector<16xi32> to vector<32xbf16>
    %bitcast3A_1691 = vector.bitcast %get3A_1689 : vector<16xi32> to vector<32xbf16>
    %mul3A_1692 = arith.mulf %bitcast3A_1690, %bitcast3A_1691 : vector<32xbf16>
    %bitcast3A_1693 = vector.bitcast %mul3A_1692 : vector<32xbf16> to vector<16xi32>
    %shift_left3A_1694 = arith.shli %bitcast3A_1693, %broadcast_in_dim3A_5 : vector<16xi32>
    %bitcast3A_1695 = vector.bitcast %shift_left3A_1694 : vector<16xi32> to vector<16xf32>
    %and3A_1696 = arith.andi %bitcast3A_1693, %broadcast_in_dim3A_3 : vector<16xi32>
    %bitcast3A_1697 = vector.bitcast %and3A_1696 : vector<16xi32> to vector<16xf32>
    %add3A_1698 = arith.addf %bitcast3A_1695, %bitcast3A_1697 : vector<16xf32>
    %add3A_1699 = arith.addf %add3A_1251, %add3A_1698 : vector<16xf32>
    %get3A_1700 = arith.constant 0 : i32
    %get3A_1701 = arith.constant 8 : i32
    %get3A_1702 = arith.constant 0 : i32
    %get3A_1703 = arith.constant 0 : i32
    %get3A_1704 = tpu.memref_slice %arg8[%get3A_1700, %get3A_1702, %get3A_1703] : memref<2x128x64xi32, #tpu.memory_space<vmem>> -> memref<1x128x64xi32, #tpu.memory_space<vmem>>
    %get3A_1705 = tpu.memref_squeeze %get3A_1704 : memref<1x128x64xi32, #tpu.memory_space<vmem>> -> memref<128x64xi32, #tpu.memory_space<vmem>>
    %get3A_1706 = arith.index_cast %get3A_1701 : i32 to index
    %get3A_1707 = arith.constant 48 : index
    %get3A_1708 = tpu.vector_load %get3A_1705[%get3A_1706, %get3A_1707] {strides = array<i32>} : memref<128x64xi32, #tpu.memory_space<vmem>>, vector<16xi32>,
    %get3A_1709 = arith.constant 0 : i32
    %get3A_1710 = arith.constant 8 : i32
    %get3A_1711 = arith.constant 0 : i32
    %get3A_1712 = arith.constant 0 : i32
    %get3A_1713 = tpu.memref_slice %arg9[%get3A_1709, %get3A_1711, %get3A_1712] : memref<2x128x64xi32, #tpu.memory_space<vmem>> -> memref<1x128x64xi32, #tpu.memory_space<vmem>>
    %get3A_1714 = tpu.memref_squeeze %get3A_1713 : memref<1x128x64xi32, #tpu.memory_space<vmem>> -> memref<128x64xi32, #tpu.memory_space<vmem>>
    %get3A_1715 = arith.index_cast %get3A_1710 : i32 to index
    %get3A_1716 = arith.constant 48 : index
    %get3A_1717 = tpu.vector_load %get3A_1714[%get3A_1715, %get3A_1716] {strides = array<i32>} : memref<128x64xi32, #tpu.memory_space<vmem>>, vector<16xi32>,
    %bitcast3A_1718 = vector.bitcast %get3A_1708 : vector<16xi32> to vector<32xbf16>
    %bitcast3A_1719 = vector.bitcast %get3A_1717 : vector<16xi32> to vector<32xbf16>
    %mul3A_1720 = arith.mulf %bitcast3A_1718, %bitcast3A_1719 : vector<32xbf16>
    %bitcast3A_1721 = vector.bitcast %mul3A_1720 : vector<32xbf16> to vector<16xi32>
    %shift_left3A_1722 = arith.shli %bitcast3A_1721, %broadcast_in_dim3A_5 : vector<16xi32>
    %bitcast3A_1723 = vector.bitcast %shift_left3A_1722 : vector<16xi32> to vector<16xf32>
    %and3A_1724 = arith.andi %bitcast3A_1721, %broadcast_in_dim3A_3 : vector<16xi32>
    %bitcast3A_1725 = vector.bitcast %and3A_1724 : vector<16xi32> to vector<16xf32>
    %add3A_1726 = arith.addf %bitcast3A_1723, %bitcast3A_1725 : vector<16xf32>
    %add3A_1727 = arith.addf %add3A_1279, %add3A_1726 : vector<16xf32>
    %get3A_1728 = arith.constant 0 : i32
    %get3A_1729 = arith.constant 9 : i32
    %get3A_1730 = arith.constant 0 : i32
    %get3A_1731 = arith.constant 0 : i32
    %get3A_1732 = tpu.memref_slice %arg8[%get3A_1728, %get3A_1730, %get3A_1731] : memref<2x128x64xi32, #tpu.memory_space<vmem>> -> memref<1x128x64xi32, #tpu.memory_space<vmem>>
    %get3A_1733 = tpu.memref_squeeze %get3A_1732 : memref<1x128x64xi32, #tpu.memory_space<vmem>> -> memref<128x64xi32, #tpu.memory_space<vmem>>
    %get3A_1734 = arith.index_cast %get3A_1729 : i32 to index
    %get3A_1735 = arith.constant 48 : index
    %get3A_1736 = tpu.vector_load %get3A_1733[%get3A_1734, %get3A_1735] {strides = array<i32>} : memref<128x64xi32, #tpu.memory_space<vmem>>, vector<16xi32>,
    %get3A_1737 = arith.constant 0 : i32
    %get3A_1738 = arith.constant 9 : i32
    %get3A_1739 = arith.constant 0 : i32
    %get3A_1740 = arith.constant 0 : i32
    %get3A_1741 = tpu.memref_slice %arg9[%get3A_1737, %get3A_1739, %get3A_1740] : memref<2x128x64xi32, #tpu.memory_space<vmem>> -> memref<1x128x64xi32, #tpu.memory_space<vmem>>
    %get3A_1742 = tpu.memref_squeeze %get3A_1741 : memref<1x128x64xi32, #tpu.memory_space<vmem>> -> memref<128x64xi32, #tpu.memory_space<vmem>>
    %get3A_1743 = arith.index_cast %get3A_1738 : i32 to index
    %get3A_1744 = arith.constant 48 : index
    %get3A_1745 = tpu.vector_load %get3A_1742[%get3A_1743, %get3A_1744] {strides = array<i32>} : memref<128x64xi32, #tpu.memory_space<vmem>>, vector<16xi32>,
    %bitcast3A_1746 = vector.bitcast %get3A_1736 : vector<16xi32> to vector<32xbf16>
    %bitcast3A_1747 = vector.bitcast %get3A_1745 : vector<16xi32> to vector<32xbf16>
    %mul3A_1748 = arith.mulf %bitcast3A_1746, %bitcast3A_1747 : vector<32xbf16>
    %bitcast3A_1749 = vector.bitcast %mul3A_1748 : vector<32xbf16> to vector<16xi32>
    %shift_left3A_1750 = arith.shli %bitcast3A_1749, %broadcast_in_dim3A_5 : vector<16xi32>
    %bitcast3A_1751 = vector.bitcast %shift_left3A_1750 : vector<16xi32> to vector<16xf32>
    %and3A_1752 = arith.andi %bitcast3A_1749, %broadcast_in_dim3A_3 : vector<16xi32>
    %bitcast3A_1753 = vector.bitcast %and3A_1752 : vector<16xi32> to vector<16xf32>
    %add3A_1754 = arith.addf %bitcast3A_1751, %bitcast3A_1753 : vector<16xf32>
    %add3A_1755 = arith.addf %add3A_1307, %add3A_1754 : vector<16xf32>
    %get3A_1756 = arith.constant 0 : i32
    %get3A_1757 = arith.constant 10 : i32
    %get3A_1758 = arith.constant 0 : i32
    %get3A_1759 = arith.constant 0 : i32
    %get3A_1760 = tpu.memref_slice %arg8[%get3A_1756, %get3A_1758, %get3A_1759] : memref<2x128x64xi32, #tpu.memory_space<vmem>> -> memref<1x128x64xi32, #tpu.memory_space<vmem>>
    %get3A_1761 = tpu.memref_squeeze %get3A_1760 : memref<1x128x64xi32, #tpu.memory_space<vmem>> -> memref<128x64xi32, #tpu.memory_space<vmem>>
    %get3A_1762 = arith.index_cast %get3A_1757 : i32 to index
    %get3A_1763 = arith.constant 48 : index
    %get3A_1764 = tpu.vector_load %get3A_1761[%get3A_1762, %get3A_1763] {strides = array<i32>} : memref<128x64xi32, #tpu.memory_space<vmem>>, vector<16xi32>,
    %get3A_1765 = arith.constant 0 : i32
    %get3A_1766 = arith.constant 10 : i32
    %get3A_1767 = arith.constant 0 : i32
    %get3A_1768 = arith.constant 0 : i32
    %get3A_1769 = tpu.memref_slice %arg9[%get3A_1765, %get3A_1767, %get3A_1768] : memref<2x128x64xi32, #tpu.memory_space<vmem>> -> memref<1x128x64xi32, #tpu.memory_space<vmem>>
    %get3A_1770 = tpu.memref_squeeze %get3A_1769 : memref<1x128x64xi32, #tpu.memory_space<vmem>> -> memref<128x64xi32, #tpu.memory_space<vmem>>
    %get3A_1771 = arith.index_cast %get3A_1766 : i32 to index
    %get3A_1772 = arith.constant 48 : index
    %get3A_1773 = tpu.vector_load %get3A_1770[%get3A_1771, %get3A_1772] {strides = array<i32>} : memref<128x64xi32, #tpu.memory_space<vmem>>, vector<16xi32>,
    %bitcast3A_1774 = vector.bitcast %get3A_1764 : vector<16xi32> to vector<32xbf16>
    %bitcast3A_1775 = vector.bitcast %get3A_1773 : vector<16xi32> to vector<32xbf16>
    %mul3A_1776 = arith.mulf %bitcast3A_1774, %bitcast3A_1775 : vector<32xbf16>
    %bitcast3A_1777 = vector.bitcast %mul3A_1776 : vector<32xbf16> to vector<16xi32>
    %shift_left3A_1778 = arith.shli %bitcast3A_1777, %broadcast_in_dim3A_5 : vector<16xi32>
    %bitcast3A_1779 = vector.bitcast %shift_left3A_1778 : vector<16xi32> to vector<16xf32>
    %and3A_1780 = arith.andi %bitcast3A_1777, %broadcast_in_dim3A_3 : vector<16xi32>
    %bitcast3A_1781 = vector.bitcast %and3A_1780 : vector<16xi32> to vector<16xf32>
    %add3A_1782 = arith.addf %bitcast3A_1779, %bitcast3A_1781 : vector<16xf32>
    %add3A_1783 = arith.addf %add3A_1335, %add3A_1782 : vector<16xf32>
    %get3A_1784 = arith.constant 0 : i32
    %get3A_1785 = arith.constant 11 : i32
    %get3A_1786 = arith.constant 0 : i32
    %get3A_1787 = arith.constant 0 : i32
    %get3A_1788 = tpu.memref_slice %arg8[%get3A_1784, %get3A_1786, %get3A_1787] : memref<2x128x64xi32, #tpu.memory_space<vmem>> -> memref<1x128x64xi32, #tpu.memory_space<vmem>>
    %get3A_1789 = tpu.memref_squeeze %get3A_1788 : memref<1x128x64xi32, #tpu.memory_space<vmem>> -> memref<128x64xi32, #tpu.memory_space<vmem>>
    %get3A_1790 = arith.index_cast %get3A_1785 : i32 to index
    %get3A_1791 = arith.constant 48 : index
    %get3A_1792 = tpu.vector_load %get3A_1789[%get3A_1790, %get3A_1791] {strides = array<i32>} : memref<128x64xi32, #tpu.memory_space<vmem>>, vector<16xi32>,
    %get3A_1793 = arith.constant 0 : i32
    %get3A_1794 = arith.constant 11 : i32
    %get3A_1795 = arith.constant 0 : i32
    %get3A_1796 = arith.constant 0 : i32
    %get3A_1797 = tpu.memref_slice %arg9[%get3A_1793, %get3A_1795, %get3A_1796] : memref<2x128x64xi32, #tpu.memory_space<vmem>> -> memref<1x128x64xi32, #tpu.memory_space<vmem>>
    %get3A_1798 = tpu.memref_squeeze %get3A_1797 : memref<1x128x64xi32, #tpu.memory_space<vmem>> -> memref<128x64xi32, #tpu.memory_space<vmem>>
    %get3A_1799 = arith.index_cast %get3A_1794 : i32 to index
    %get3A_1800 = arith.constant 48 : index
    %get3A_1801 = tpu.vector_load %get3A_1798[%get3A_1799, %get3A_1800] {strides = array<i32>} : memref<128x64xi32, #tpu.memory_space<vmem>>, vector<16xi32>,
    %bitcast3A_1802 = vector.bitcast %get3A_1792 : vector<16xi32> to vector<32xbf16>
    %bitcast3A_1803 = vector.bitcast %get3A_1801 : vector<16xi32> to vector<32xbf16>
    %mul3A_1804 = arith.mulf %bitcast3A_1802, %bitcast3A_1803 : vector<32xbf16>
    %bitcast3A_1805 = vector.bitcast %mul3A_1804 : vector<32xbf16> to vector<16xi32>
    %shift_left3A_1806 = arith.shli %bitcast3A_1805, %broadcast_in_dim3A_5 : vector<16xi32>
    %bitcast3A_1807 = vector.bitcast %shift_left3A_1806 : vector<16xi32> to vector<16xf32>
    %and3A_1808 = arith.andi %bitcast3A_1805, %broadcast_in_dim3A_3 : vector<16xi32>
    %bitcast3A_1809 = vector.bitcast %and3A_1808 : vector<16xi32> to vector<16xf32>
    %add3A_1810 = arith.addf %bitcast3A_1807, %bitcast3A_1809 : vector<16xf32>
    %add3A_1811 = arith.addf %add3A_1363, %add3A_1810 : vector<16xf32>
    %get3A_1812 = arith.constant 0 : i32
    %get3A_1813 = arith.constant 12 : i32
    %get3A_1814 = arith.constant 0 : i32
    %get3A_1815 = arith.constant 0 : i32
    %get3A_1816 = tpu.memref_slice %arg8[%get3A_1812, %get3A_1814, %get3A_1815] : memref<2x128x64xi32, #tpu.memory_space<vmem>> -> memref<1x128x64xi32, #tpu.memory_space<vmem>>
    %get3A_1817 = tpu.memref_squeeze %get3A_1816 : memref<1x128x64xi32, #tpu.memory_space<vmem>> -> memref<128x64xi32, #tpu.memory_space<vmem>>
    %get3A_1818 = arith.index_cast %get3A_1813 : i32 to index
    %get3A_1819 = arith.constant 48 : index
    %get3A_1820 = tpu.vector_load %get3A_1817[%get3A_1818, %get3A_1819] {strides = array<i32>} : memref<128x64xi32, #tpu.memory_space<vmem>>, vector<16xi32>,
    %get3A_1821 = arith.constant 0 : i32
    %get3A_1822 = arith.constant 12 : i32
    %get3A_1823 = arith.constant 0 : i32
    %get3A_1824 = arith.constant 0 : i32
    %get3A_1825 = tpu.memref_slice %arg9[%get3A_1821, %get3A_1823, %get3A_1824] : memref<2x128x64xi32, #tpu.memory_space<vmem>> -> memref<1x128x64xi32, #tpu.memory_space<vmem>>
    %get3A_1826 = tpu.memref_squeeze %get3A_1825 : memref<1x128x64xi32, #tpu.memory_space<vmem>> -> memref<128x64xi32, #tpu.memory_space<vmem>>
    %get3A_1827 = arith.index_cast %get3A_1822 : i32 to index
    %get3A_1828 = arith.constant 48 : index
    %get3A_1829 = tpu.vector_load %get3A_1826[%get3A_1827, %get3A_1828] {strides = array<i32>} : memref<128x64xi32, #tpu.memory_space<vmem>>, vector<16xi32>,
    %bitcast3A_1830 = vector.bitcast %get3A_1820 : vector<16xi32> to vector<32xbf16>
    %bitcast3A_1831 = vector.bitcast %get3A_1829 : vector<16xi32> to vector<32xbf16>
    %mul3A_1832 = arith.mulf %bitcast3A_1830, %bitcast3A_1831 : vector<32xbf16>
    %bitcast3A_1833 = vector.bitcast %mul3A_1832 : vector<32xbf16> to vector<16xi32>
    %shift_left3A_1834 = arith.shli %bitcast3A_1833, %broadcast_in_dim3A_5 : vector<16xi32>
    %bitcast3A_1835 = vector.bitcast %shift_left3A_1834 : vector<16xi32> to vector<16xf32>
    %and3A_1836 = arith.andi %bitcast3A_1833, %broadcast_in_dim3A_3 : vector<16xi32>
    %bitcast3A_1837 = vector.bitcast %and3A_1836 : vector<16xi32> to vector<16xf32>
    %add3A_1838 = arith.addf %bitcast3A_1835, %bitcast3A_1837 : vector<16xf32>
    %add3A_1839 = arith.addf %add3A_1391, %add3A_1838 : vector<16xf32>
    %get3A_1840 = arith.constant 0 : i32
    %get3A_1841 = arith.constant 13 : i32
    %get3A_1842 = arith.constant 0 : i32
    %get3A_1843 = arith.constant 0 : i32
    %get3A_1844 = tpu.memref_slice %arg8[%get3A_1840, %get3A_1842, %get3A_1843] : memref<2x128x64xi32, #tpu.memory_space<vmem>> -> memref<1x128x64xi32, #tpu.memory_space<vmem>>
    %get3A_1845 = tpu.memref_squeeze %get3A_1844 : memref<1x128x64xi32, #tpu.memory_space<vmem>> -> memref<128x64xi32, #tpu.memory_space<vmem>>
    %get3A_1846 = arith.index_cast %get3A_1841 : i32 to index
    %get3A_1847 = arith.constant 48 : index
    %get3A_1848 = tpu.vector_load %get3A_1845[%get3A_1846, %get3A_1847] {strides = array<i32>} : memref<128x64xi32, #tpu.memory_space<vmem>>, vector<16xi32>,
    %get3A_1849 = arith.constant 0 : i32
    %get3A_1850 = arith.constant 13 : i32
    %get3A_1851 = arith.constant 0 : i32
    %get3A_1852 = arith.constant 0 : i32
    %get3A_1853 = tpu.memref_slice %arg9[%get3A_1849, %get3A_1851, %get3A_1852] : memref<2x128x64xi32, #tpu.memory_space<vmem>> -> memref<1x128x64xi32, #tpu.memory_space<vmem>>
    %get3A_1854 = tpu.memref_squeeze %get3A_1853 : memref<1x128x64xi32, #tpu.memory_space<vmem>> -> memref<128x64xi32, #tpu.memory_space<vmem>>
    %get3A_1855 = arith.index_cast %get3A_1850 : i32 to index
    %get3A_1856 = arith.constant 48 : index
    %get3A_1857 = tpu.vector_load %get3A_1854[%get3A_1855, %get3A_1856] {strides = array<i32>} : memref<128x64xi32, #tpu.memory_space<vmem>>, vector<16xi32>,
    %bitcast3A_1858 = vector.bitcast %get3A_1848 : vector<16xi32> to vector<32xbf16>
    %bitcast3A_1859 = vector.bitcast %get3A_1857 : vector<16xi32> to vector<32xbf16>
    %mul3A_1860 = arith.mulf %bitcast3A_1858, %bitcast3A_1859 : vector<32xbf16>
    %bitcast3A_1861 = vector.bitcast %mul3A_1860 : vector<32xbf16> to vector<16xi32>
    %shift_left3A_1862 = arith.shli %bitcast3A_1861, %broadcast_in_dim3A_5 : vector<16xi32>
    %bitcast3A_1863 = vector.bitcast %shift_left3A_1862 : vector<16xi32> to vector<16xf32>
    %and3A_1864 = arith.andi %bitcast3A_1861, %broadcast_in_dim3A_3 : vector<16xi32>
    %bitcast3A_1865 = vector.bitcast %and3A_1864 : vector<16xi32> to vector<16xf32>
    %add3A_1866 = arith.addf %bitcast3A_1863, %bitcast3A_1865 : vector<16xf32>
    %add3A_1867 = arith.addf %add3A_1419, %add3A_1866 : vector<16xf32>
    %get3A_1868 = arith.constant 0 : i32
    %get3A_1869 = arith.constant 14 : i32
    %get3A_1870 = arith.constant 0 : i32
    %get3A_1871 = arith.constant 0 : i32
    %get3A_1872 = tpu.memref_slice %arg8[%get3A_1868, %get3A_1870, %get3A_1871] : memref<2x128x64xi32, #tpu.memory_space<vmem>> -> memref<1x128x64xi32, #tpu.memory_space<vmem>>
    %get3A_1873 = tpu.memref_squeeze %get3A_1872 : memref<1x128x64xi32, #tpu.memory_space<vmem>> -> memref<128x64xi32, #tpu.memory_space<vmem>>
    %get3A_1874 = arith.index_cast %get3A_1869 : i32 to index
    %get3A_1875 = arith.constant 48 : index
    %get3A_1876 = tpu.vector_load %get3A_1873[%get3A_1874, %get3A_1875] {strides = array<i32>} : memref<128x64xi32, #tpu.memory_space<vmem>>, vector<16xi32>,
    %get3A_1877 = arith.constant 0 : i32
    %get3A_1878 = arith.constant 14 : i32
    %get3A_1879 = arith.constant 0 : i32
    %get3A_1880 = arith.constant 0 : i32
    %get3A_1881 = tpu.memref_slice %arg9[%get3A_1877, %get3A_1879, %get3A_1880] : memref<2x128x64xi32, #tpu.memory_space<vmem>> -> memref<1x128x64xi32, #tpu.memory_space<vmem>>
    %get3A_1882 = tpu.memref_squeeze %get3A_1881 : memref<1x128x64xi32, #tpu.memory_space<vmem>> -> memref<128x64xi32, #tpu.memory_space<vmem>>
    %get3A_1883 = arith.index_cast %get3A_1878 : i32 to index
    %get3A_1884 = arith.constant 48 : index
    %get3A_1885 = tpu.vector_load %get3A_1882[%get3A_1883, %get3A_1884] {strides = array<i32>} : memref<128x64xi32, #tpu.memory_space<vmem>>, vector<16xi32>,
    %bitcast3A_1886 = vector.bitcast %get3A_1876 : vector<16xi32> to vector<32xbf16>
    %bitcast3A_1887 = vector.bitcast %get3A_1885 : vector<16xi32> to vector<32xbf16>
    %mul3A_1888 = arith.mulf %bitcast3A_1886, %bitcast3A_1887 : vector<32xbf16>
    %bitcast3A_1889 = vector.bitcast %mul3A_1888 : vector<32xbf16> to vector<16xi32>
    %shift_left3A_1890 = arith.shli %bitcast3A_1889, %broadcast_in_dim3A_5 : vector<16xi32>
    %bitcast3A_1891 = vector.bitcast %shift_left3A_1890 : vector<16xi32> to vector<16xf32>
    %and3A_1892 = arith.andi %bitcast3A_1889, %broadcast_in_dim3A_3 : vector<16xi32>
    %bitcast3A_1893 = vector.bitcast %and3A_1892 : vector<16xi32> to vector<16xf32>
    %add3A_1894 = arith.addf %bitcast3A_1891, %bitcast3A_1893 : vector<16xf32>
    %add3A_1895 = arith.addf %add3A_1447, %add3A_1894 : vector<16xf32>
    %get3A_1896 = arith.constant 0 : i32
    %get3A_1897 = arith.constant 15 : i32
    %get3A_1898 = arith.constant 0 : i32
    %get3A_1899 = arith.constant 0 : i32
    %get3A_1900 = tpu.memref_slice %arg8[%get3A_1896, %get3A_1898, %get3A_1899] : memref<2x128x64xi32, #tpu.memory_space<vmem>> -> memref<1x128x64xi32, #tpu.memory_space<vmem>>
    %get3A_1901 = tpu.memref_squeeze %get3A_1900 : memref<1x128x64xi32, #tpu.memory_space<vmem>> -> memref<128x64xi32, #tpu.memory_space<vmem>>
    %get3A_1902 = arith.index_cast %get3A_1897 : i32 to index
    %get3A_1903 = arith.constant 48 : index
    %get3A_1904 = tpu.vector_load %get3A_1901[%get3A_1902, %get3A_1903] {strides = array<i32>} : memref<128x64xi32, #tpu.memory_space<vmem>>, vector<16xi32>,
    %get3A_1905 = arith.constant 0 : i32
    %get3A_1906 = arith.constant 15 : i32
    %get3A_1907 = arith.constant 0 : i32
    %get3A_1908 = arith.constant 0 : i32
    %get3A_1909 = tpu.memref_slice %arg9[%get3A_1905, %get3A_1907, %get3A_1908] : memref<2x128x64xi32, #tpu.memory_space<vmem>> -> memref<1x128x64xi32, #tpu.memory_space<vmem>>
    %get3A_1910 = tpu.memref_squeeze %get3A_1909 : memref<1x128x64xi32, #tpu.memory_space<vmem>> -> memref<128x64xi32, #tpu.memory_space<vmem>>
    %get3A_1911 = arith.index_cast %get3A_1906 : i32 to index
    %get3A_1912 = arith.constant 48 : index
    %get3A_1913 = tpu.vector_load %get3A_1910[%get3A_1911, %get3A_1912] {strides = array<i32>} : memref<128x64xi32, #tpu.memory_space<vmem>>, vector<16xi32>,
    %bitcast3A_1914 = vector.bitcast %get3A_1904 : vector<16xi32> to vector<32xbf16>
    %bitcast3A_1915 = vector.bitcast %get3A_1913 : vector<16xi32> to vector<32xbf16>
    %mul3A_1916 = arith.mulf %bitcast3A_1914, %bitcast3A_1915 : vector<32xbf16>
    %bitcast3A_1917 = vector.bitcast %mul3A_1916 : vector<32xbf16> to vector<16xi32>
    %shift_left3A_1918 = arith.shli %bitcast3A_1917, %broadcast_in_dim3A_5 : vector<16xi32>
    %bitcast3A_1919 = vector.bitcast %shift_left3A_1918 : vector<16xi32> to vector<16xf32>
    %and3A_1920 = arith.andi %bitcast3A_1917, %broadcast_in_dim3A_3 : vector<16xi32>
    %bitcast3A_1921 = vector.bitcast %and3A_1920 : vector<16xi32> to vector<16xf32>
    %add3A_1922 = arith.addf %bitcast3A_1919, %bitcast3A_1921 : vector<16xf32>
    %add3A_1923 = arith.addf %add3A_1475, %add3A_1922 : vector<16xf32>
    %and3A_1924 = arith.constant 1 : i32
    %and3A_1925 = vector.broadcast %and3A_1924 : i32 to vector<16xi32>
    %and3A_1926 = arith.andi %iota3A, %and3A_1925 : vector<16xi32>
    %eq3A = arith.constant 0 : i32
    %eq3A_1927 = vector.broadcast %eq3A : i32 to vector<16xi32>
    %eq3A_1928 = arith.cmpi eq, %and3A_1926, %eq3A_1927 : vector<16xi32>
    %xor3A = arith.constant 1 : i32
    %xor3A_1929 = vector.broadcast %xor3A : i32 to vector<16xi32>
    %xor3A_1930 = arith.xori %iota3A, %xor3A_1929 : vector<16xi32>
    %broadcast_in_dim3A_1931 = vector.shape_cast %xor3A_1930 : vector<16xi32> to vector<16x1xi32>
    %gather3A = vector.shape_cast %broadcast_in_dim3A_1931 : vector<16x1xi32> to vector<16xi32>
    %gather3A_1932 = tpu.dynamic_gather %add3A_1503[%gather3A] in [0] : vector<16xf32>, vector<16xi32> -> vector<16xf32>
    %add3A_1933 = arith.addf %add3A_1503, %gather3A_1932 : vector<16xf32>
    %xor3A_1934 = arith.constant 1 : i32
    %xor3A_1935 = vector.broadcast %xor3A_1934 : i32 to vector<16xi32>
    %xor3A_1936 = arith.xori %iota3A, %xor3A_1935 : vector<16xi32>
    %broadcast_in_dim3A_1937 = vector.shape_cast %xor3A_1936 : vector<16xi32> to vector<16x1xi32>
    %gather3A_1938 = vector.shape_cast %broadcast_in_dim3A_1937 : vector<16x1xi32> to vector<16xi32>
    %gather3A_1939 = tpu.dynamic_gather %add3A_1531[%gather3A_1938] in [0] : vector<16xf32>, vector<16xi32> -> vector<16xf32>
    %add3A_1940 = arith.addf %add3A_1531, %gather3A_1939 : vector<16xf32>
    %select_n3A = arith.select %eq3A_1928, %add3A_1933, %add3A_1940 : vector<16xi1>, vector<16xf32>
    %and3A_1941 = arith.constant 1 : i32
    %and3A_1942 = vector.broadcast %and3A_1941 : i32 to vector<16xi32>
    %and3A_1943 = arith.andi %iota3A, %and3A_1942 : vector<16xi32>
    %eq3A_1944 = arith.constant 0 : i32
    %eq3A_1945 = vector.broadcast %eq3A_1944 : i32 to vector<16xi32>
    %eq3A_1946 = arith.cmpi eq, %and3A_1943, %eq3A_1945 : vector<16xi32>
    %xor3A_1947 = arith.constant 1 : i32
    %xor3A_1948 = vector.broadcast %xor3A_1947 : i32 to vector<16xi32>
    %xor3A_1949 = arith.xori %iota3A, %xor3A_1948 : vector<16xi32>
    %broadcast_in_dim3A_1950 = vector.shape_cast %xor3A_1949 : vector<16xi32> to vector<16x1xi32>
    %gather3A_1951 = vector.shape_cast %broadcast_in_dim3A_1950 : vector<16x1xi32> to vector<16xi32>
    %gather3A_1952 = tpu.dynamic_gather %add3A_1559[%gather3A_1951] in [0] : vector<16xf32>, vector<16xi32> -> vector<16xf32>
    %add3A_1953 = arith.addf %add3A_1559, %gather3A_1952 : vector<16xf32>
    %xor3A_1954 = arith.constant 1 : i32
    %xor3A_1955 = vector.broadcast %xor3A_1954 : i32 to vector<16xi32>
    %xor3A_1956 = arith.xori %iota3A, %xor3A_1955 : vector<16xi32>
    %broadcast_in_dim3A_1957 = vector.shape_cast %xor3A_1956 : vector<16xi32> to vector<16x1xi32>
    %gather3A_1958 = vector.shape_cast %broadcast_in_dim3A_1957 : vector<16x1xi32> to vector<16xi32>
    %gather3A_1959 = tpu.dynamic_gather %add3A_1587[%gather3A_1958] in [0] : vector<16xf32>, vector<16xi32> -> vector<16xf32>
    %add3A_1960 = arith.addf %add3A_1587, %gather3A_1959 : vector<16xf32>
    %select_n3A_1961 = arith.select %eq3A_1946, %add3A_1953, %add3A_1960 : vector<16xi1>, vector<16xf32>
    %and3A_1962 = arith.constant 1 : i32
    %and3A_1963 = vector.broadcast %and3A_1962 : i32 to vector<16xi32>
    %and3A_1964 = arith.andi %iota3A, %and3A_1963 : vector<16xi32>
    %eq3A_1965 = arith.constant 0 : i32
    %eq3A_1966 = vector.broadcast %eq3A_1965 : i32 to vector<16xi32>
    %eq3A_1967 = arith.cmpi eq, %and3A_1964, %eq3A_1966 : vector<16xi32>
    %xor3A_1968 = arith.constant 1 : i32
    %xor3A_1969 = vector.broadcast %xor3A_1968 : i32 to vector<16xi32>
    %xor3A_1970 = arith.xori %iota3A, %xor3A_1969 : vector<16xi32>
    %broadcast_in_dim3A_1971 = vector.shape_cast %xor3A_1970 : vector<16xi32> to vector<16x1xi32>
    %gather3A_1972 = vector.shape_cast %broadcast_in_dim3A_1971 : vector<16x1xi32> to vector<16xi32>
    %gather3A_1973 = tpu.dynamic_gather %add3A_1615[%gather3A_1972] in [0] : vector<16xf32>, vector<16xi32> -> vector<16xf32>
    %add3A_1974 = arith.addf %add3A_1615, %gather3A_1973 : vector<16xf32>
    %xor3A_1975 = arith.constant 1 : i32
    %xor3A_1976 = vector.broadcast %xor3A_1975 : i32 to vector<16xi32>
    %xor3A_1977 = arith.xori %iota3A, %xor3A_1976 : vector<16xi32>
    %broadcast_in_dim3A_1978 = vector.shape_cast %xor3A_1977 : vector<16xi32> to vector<16x1xi32>
    %gather3A_1979 = vector.shape_cast %broadcast_in_dim3A_1978 : vector<16x1xi32> to vector<16xi32>
    %gather3A_1980 = tpu.dynamic_gather %add3A_1643[%gather3A_1979] in [0] : vector<16xf32>, vector<16xi32> -> vector<16xf32>
    %add3A_1981 = arith.addf %add3A_1643, %gather3A_1980 : vector<16xf32>
    %select_n3A_1982 = arith.select %eq3A_1967, %add3A_1974, %add3A_1981 : vector<16xi1>, vector<16xf32>
    %and3A_1983 = arith.constant 1 : i32
    %and3A_1984 = vector.broadcast %and3A_1983 : i32 to vector<16xi32>
    %and3A_1985 = arith.andi %iota3A, %and3A_1984 : vector<16xi32>
    %eq3A_1986 = arith.constant 0 : i32
    %eq3A_1987 = vector.broadcast %eq3A_1986 : i32 to vector<16xi32>
    %eq3A_1988 = arith.cmpi eq, %and3A_1985, %eq3A_1987 : vector<16xi32>
    %xor3A_1989 = arith.constant 1 : i32
    %xor3A_1990 = vector.broadcast %xor3A_1989 : i32 to vector<16xi32>
    %xor3A_1991 = arith.xori %iota3A, %xor3A_1990 : vector<16xi32>
    %broadcast_in_dim3A_1992 = vector.shape_cast %xor3A_1991 : vector<16xi32> to vector<16x1xi32>
    %gather3A_1993 = vector.shape_cast %broadcast_in_dim3A_1992 : vector<16x1xi32> to vector<16xi32>
    %gather3A_1994 = tpu.dynamic_gather %add3A_1671[%gather3A_1993] in [0] : vector<16xf32>, vector<16xi32> -> vector<16xf32>
    %add3A_1995 = arith.addf %add3A_1671, %gather3A_1994 : vector<16xf32>
    %xor3A_1996 = arith.constant 1 : i32
    %xor3A_1997 = vector.broadcast %xor3A_1996 : i32 to vector<16xi32>
    %xor3A_1998 = arith.xori %iota3A, %xor3A_1997 : vector<16xi32>
    %broadcast_in_dim3A_1999 = vector.shape_cast %xor3A_1998 : vector<16xi32> to vector<16x1xi32>
    %gather3A_2000 = vector.shape_cast %broadcast_in_dim3A_1999 : vector<16x1xi32> to vector<16xi32>
    %gather3A_2001 = tpu.dynamic_gather %add3A_1699[%gather3A_2000] in [0] : vector<16xf32>, vector<16xi32> -> vector<16xf32>
    %add3A_2002 = arith.addf %add3A_1699, %gather3A_2001 : vector<16xf32>
    %select_n3A_2003 = arith.select %eq3A_1988, %add3A_1995, %add3A_2002 : vector<16xi1>, vector<16xf32>
    %and3A_2004 = arith.constant 1 : i32
    %and3A_2005 = vector.broadcast %and3A_2004 : i32 to vector<16xi32>
    %and3A_2006 = arith.andi %iota3A, %and3A_2005 : vector<16xi32>
    %eq3A_2007 = arith.constant 0 : i32
    %eq3A_2008 = vector.broadcast %eq3A_2007 : i32 to vector<16xi32>
    %eq3A_2009 = arith.cmpi eq, %and3A_2006, %eq3A_2008 : vector<16xi32>
    %xor3A_2010 = arith.constant 1 : i32
    %xor3A_2011 = vector.broadcast %xor3A_2010 : i32 to vector<16xi32>
    %xor3A_2012 = arith.xori %iota3A, %xor3A_2011 : vector<16xi32>
    %broadcast_in_dim3A_2013 = vector.shape_cast %xor3A_2012 : vector<16xi32> to vector<16x1xi32>
    %gather3A_2014 = vector.shape_cast %broadcast_in_dim3A_2013 : vector<16x1xi32> to vector<16xi32>
    %gather3A_2015 = tpu.dynamic_gather %add3A_1727[%gather3A_2014] in [0] : vector<16xf32>, vector<16xi32> -> vector<16xf32>
    %add3A_2016 = arith.addf %add3A_1727, %gather3A_2015 : vector<16xf32>
    %xor3A_2017 = arith.constant 1 : i32
    %xor3A_2018 = vector.broadcast %xor3A_2017 : i32 to vector<16xi32>
    %xor3A_2019 = arith.xori %iota3A, %xor3A_2018 : vector<16xi32>
    %broadcast_in_dim3A_2020 = vector.shape_cast %xor3A_2019 : vector<16xi32> to vector<16x1xi32>
    %gather3A_2021 = vector.shape_cast %broadcast_in_dim3A_2020 : vector<16x1xi32> to vector<16xi32>
    %gather3A_2022 = tpu.dynamic_gather %add3A_1755[%gather3A_2021] in [0] : vector<16xf32>, vector<16xi32> -> vector<16xf32>
    %add3A_2023 = arith.addf %add3A_1755, %gather3A_2022 : vector<16xf32>
    %select_n3A_2024 = arith.select %eq3A_2009, %add3A_2016, %add3A_2023 : vector<16xi1>, vector<16xf32>
    %and3A_2025 = arith.constant 1 : i32
    %and3A_2026 = vector.broadcast %and3A_2025 : i32 to vector<16xi32>
    %and3A_2027 = arith.andi %iota3A, %and3A_2026 : vector<16xi32>
    %eq3A_2028 = arith.constant 0 : i32
    %eq3A_2029 = vector.broadcast %eq3A_2028 : i32 to vector<16xi32>
    %eq3A_2030 = arith.cmpi eq, %and3A_2027, %eq3A_2029 : vector<16xi32>
    %xor3A_2031 = arith.constant 1 : i32
    %xor3A_2032 = vector.broadcast %xor3A_2031 : i32 to vector<16xi32>
    %xor3A_2033 = arith.xori %iota3A, %xor3A_2032 : vector<16xi32>
    %broadcast_in_dim3A_2034 = vector.shape_cast %xor3A_2033 : vector<16xi32> to vector<16x1xi32>
    %gather3A_2035 = vector.shape_cast %broadcast_in_dim3A_2034 : vector<16x1xi32> to vector<16xi32>
    %gather3A_2036 = tpu.dynamic_gather %add3A_1783[%gather3A_2035] in [0] : vector<16xf32>, vector<16xi32> -> vector<16xf32>
    %add3A_2037 = arith.addf %add3A_1783, %gather3A_2036 : vector<16xf32>
    %xor3A_2038 = arith.constant 1 : i32
    %xor3A_2039 = vector.broadcast %xor3A_2038 : i32 to vector<16xi32>
    %xor3A_2040 = arith.xori %iota3A, %xor3A_2039 : vector<16xi32>
    %broadcast_in_dim3A_2041 = vector.shape_cast %xor3A_2040 : vector<16xi32> to vector<16x1xi32>
    %gather3A_2042 = vector.shape_cast %broadcast_in_dim3A_2041 : vector<16x1xi32> to vector<16xi32>
    %gather3A_2043 = tpu.dynamic_gather %add3A_1811[%gather3A_2042] in [0] : vector<16xf32>, vector<16xi32> -> vector<16xf32>
    %add3A_2044 = arith.addf %add3A_1811, %gather3A_2043 : vector<16xf32>
    %select_n3A_2045 = arith.select %eq3A_2030, %add3A_2037, %add3A_2044 : vector<16xi1>, vector<16xf32>
    %and3A_2046 = arith.constant 1 : i32
    %and3A_2047 = vector.broadcast %and3A_2046 : i32 to vector<16xi32>
    %and3A_2048 = arith.andi %iota3A, %and3A_2047 : vector<16xi32>
    %eq3A_2049 = arith.constant 0 : i32
    %eq3A_2050 = vector.broadcast %eq3A_2049 : i32 to vector<16xi32>
    %eq3A_2051 = arith.cmpi eq, %and3A_2048, %eq3A_2050 : vector<16xi32>
    %xor3A_2052 = arith.constant 1 : i32
    %xor3A_2053 = vector.broadcast %xor3A_2052 : i32 to vector<16xi32>
    %xor3A_2054 = arith.xori %iota3A, %xor3A_2053 : vector<16xi32>
    %broadcast_in_dim3A_2055 = vector.shape_cast %xor3A_2054 : vector<16xi32> to vector<16x1xi32>
    %gather3A_2056 = vector.shape_cast %broadcast_in_dim3A_2055 : vector<16x1xi32> to vector<16xi32>
    %gather3A_2057 = tpu.dynamic_gather %add3A_1839[%gather3A_2056] in [0] : vector<16xf32>, vector<16xi32> -> vector<16xf32>
    %add3A_2058 = arith.addf %add3A_1839, %gather3A_2057 : vector<16xf32>
    %xor3A_2059 = arith.constant 1 : i32
    %xor3A_2060 = vector.broadcast %xor3A_2059 : i32 to vector<16xi32>
    %xor3A_2061 = arith.xori %iota3A, %xor3A_2060 : vector<16xi32>
    %broadcast_in_dim3A_2062 = vector.shape_cast %xor3A_2061 : vector<16xi32> to vector<16x1xi32>
    %gather3A_2063 = vector.shape_cast %broadcast_in_dim3A_2062 : vector<16x1xi32> to vector<16xi32>
    %gather3A_2064 = tpu.dynamic_gather %add3A_1867[%gather3A_2063] in [0] : vector<16xf32>, vector<16xi32> -> vector<16xf32>
    %add3A_2065 = arith.addf %add3A_1867, %gather3A_2064 : vector<16xf32>
    %select_n3A_2066 = arith.select %eq3A_2051, %add3A_2058, %add3A_2065 : vector<16xi1>, vector<16xf32>
    %and3A_2067 = arith.constant 1 : i32
    %and3A_2068 = vector.broadcast %and3A_2067 : i32 to vector<16xi32>
    %and3A_2069 = arith.andi %iota3A, %and3A_2068 : vector<16xi32>
    %eq3A_2070 = arith.constant 0 : i32
    %eq3A_2071 = vector.broadcast %eq3A_2070 : i32 to vector<16xi32>
    %eq3A_2072 = arith.cmpi eq, %and3A_2069, %eq3A_2071 : vector<16xi32>
    %xor3A_2073 = arith.constant 1 : i32
    %xor3A_2074 = vector.broadcast %xor3A_2073 : i32 to vector<16xi32>
    %xor3A_2075 = arith.xori %iota3A, %xor3A_2074 : vector<16xi32>
    %broadcast_in_dim3A_2076 = vector.shape_cast %xor3A_2075 : vector<16xi32> to vector<16x1xi32>
    %gather3A_2077 = vector.shape_cast %broadcast_in_dim3A_2076 : vector<16x1xi32> to vector<16xi32>
    %gather3A_2078 = tpu.dynamic_gather %add3A_1895[%gather3A_2077] in [0] : vector<16xf32>, vector<16xi32> -> vector<16xf32>
    %add3A_2079 = arith.addf %add3A_1895, %gather3A_2078 : vector<16xf32>
    %xor3A_2080 = arith.constant 1 : i32
    %xor3A_2081 = vector.broadcast %xor3A_2080 : i32 to vector<16xi32>
    %xor3A_2082 = arith.xori %iota3A, %xor3A_2081 : vector<16xi32>
    %broadcast_in_dim3A_2083 = vector.shape_cast %xor3A_2082 : vector<16xi32> to vector<16x1xi32>
    %gather3A_2084 = vector.shape_cast %broadcast_in_dim3A_2083 : vector<16x1xi32> to vector<16xi32>
    %gather3A_2085 = tpu.dynamic_gather %add3A_1923[%gather3A_2084] in [0] : vector<16xf32>, vector<16xi32> -> vector<16xf32>
    %add3A_2086 = arith.addf %add3A_1923, %gather3A_2085 : vector<16xf32>
    %select_n3A_2087 = arith.select %eq3A_2072, %add3A_2079, %add3A_2086 : vector<16xi1>, vector<16xf32>
    %and3A_2088 = arith.constant 2 : i32
    %and3A_2089 = vector.broadcast %and3A_2088 : i32 to vector<16xi32>
    %and3A_2090 = arith.andi %iota3A, %and3A_2089 : vector<16xi32>
    %eq3A_2091 = arith.constant 0 : i32
    %eq3A_2092 = vector.broadcast %eq3A_2091 : i32 to vector<16xi32>
    %eq3A_2093 = arith.cmpi eq, %and3A_2090, %eq3A_2092 : vector<16xi32>
    %xor3A_2094 = arith.constant 2 : i32
    %xor3A_2095 = vector.broadcast %xor3A_2094 : i32 to vector<16xi32>
    %xor3A_2096 = arith.xori %iota3A, %xor3A_2095 : vector<16xi32>
    %broadcast_in_dim3A_2097 = vector.shape_cast %xor3A_2096 : vector<16xi32> to vector<16x1xi32>
    %gather3A_2098 = vector.shape_cast %broadcast_in_dim3A_2097 : vector<16x1xi32> to vector<16xi32>
    %gather3A_2099 = tpu.dynamic_gather %select_n3A[%gather3A_2098] in [0] : vector<16xf32>, vector<16xi32> -> vector<16xf32>
    %add3A_2100 = arith.addf %select_n3A, %gather3A_2099 : vector<16xf32>
    %xor3A_2101 = arith.constant 2 : i32
    %xor3A_2102 = vector.broadcast %xor3A_2101 : i32 to vector<16xi32>
    %xor3A_2103 = arith.xori %iota3A, %xor3A_2102 : vector<16xi32>
    %broadcast_in_dim3A_2104 = vector.shape_cast %xor3A_2103 : vector<16xi32> to vector<16x1xi32>
    %gather3A_2105 = vector.shape_cast %broadcast_in_dim3A_2104 : vector<16x1xi32> to vector<16xi32>
    %gather3A_2106 = tpu.dynamic_gather %select_n3A_1961[%gather3A_2105] in [0] : vector<16xf32>, vector<16xi32> -> vector<16xf32>
    %add3A_2107 = arith.addf %select_n3A_1961, %gather3A_2106 : vector<16xf32>
    %select_n3A_2108 = arith.select %eq3A_2093, %add3A_2100, %add3A_2107 : vector<16xi1>, vector<16xf32>
    %and3A_2109 = arith.constant 2 : i32
    %and3A_2110 = vector.broadcast %and3A_2109 : i32 to vector<16xi32>
    %and3A_2111 = arith.andi %iota3A, %and3A_2110 : vector<16xi32>
    %eq3A_2112 = arith.constant 0 : i32
    %eq3A_2113 = vector.broadcast %eq3A_2112 : i32 to vector<16xi32>
    %eq3A_2114 = arith.cmpi eq, %and3A_2111, %eq3A_2113 : vector<16xi32>
    %xor3A_2115 = arith.constant 2 : i32
    %xor3A_2116 = vector.broadcast %xor3A_2115 : i32 to vector<16xi32>
    %xor3A_2117 = arith.xori %iota3A, %xor3A_2116 : vector<16xi32>
    %broadcast_in_dim3A_2118 = vector.shape_cast %xor3A_2117 : vector<16xi32> to vector<16x1xi32>
    %gather3A_2119 = vector.shape_cast %broadcast_in_dim3A_2118 : vector<16x1xi32> to vector<16xi32>
    %gather3A_2120 = tpu.dynamic_gather %select_n3A_1982[%gather3A_2119] in [0] : vector<16xf32>, vector<16xi32> -> vector<16xf32>
    %add3A_2121 = arith.addf %select_n3A_1982, %gather3A_2120 : vector<16xf32>
    %xor3A_2122 = arith.constant 2 : i32
    %xor3A_2123 = vector.broadcast %xor3A_2122 : i32 to vector<16xi32>
    %xor3A_2124 = arith.xori %iota3A, %xor3A_2123 : vector<16xi32>
    %broadcast_in_dim3A_2125 = vector.shape_cast %xor3A_2124 : vector<16xi32> to vector<16x1xi32>
    %gather3A_2126 = vector.shape_cast %broadcast_in_dim3A_2125 : vector<16x1xi32> to vector<16xi32>
    %gather3A_2127 = tpu.dynamic_gather %select_n3A_2003[%gather3A_2126] in [0] : vector<16xf32>, vector<16xi32> -> vector<16xf32>
    %add3A_2128 = arith.addf %select_n3A_2003, %gather3A_2127 : vector<16xf32>
    %select_n3A_2129 = arith.select %eq3A_2114, %add3A_2121, %add3A_2128 : vector<16xi1>, vector<16xf32>
    %and3A_2130 = arith.constant 2 : i32
    %and3A_2131 = vector.broadcast %and3A_2130 : i32 to vector<16xi32>
    %and3A_2132 = arith.andi %iota3A, %and3A_2131 : vector<16xi32>
    %eq3A_2133 = arith.constant 0 : i32
    %eq3A_2134 = vector.broadcast %eq3A_2133 : i32 to vector<16xi32>
    %eq3A_2135 = arith.cmpi eq, %and3A_2132, %eq3A_2134 : vector<16xi32>
    %xor3A_2136 = arith.constant 2 : i32
    %xor3A_2137 = vector.broadcast %xor3A_2136 : i32 to vector<16xi32>
    %xor3A_2138 = arith.xori %iota3A, %xor3A_2137 : vector<16xi32>
    %broadcast_in_dim3A_2139 = vector.shape_cast %xor3A_2138 : vector<16xi32> to vector<16x1xi32>
    %gather3A_2140 = vector.shape_cast %broadcast_in_dim3A_2139 : vector<16x1xi32> to vector<16xi32>
    %gather3A_2141 = tpu.dynamic_gather %select_n3A_2024[%gather3A_2140] in [0] : vector<16xf32>, vector<16xi32> -> vector<16xf32>
    %add3A_2142 = arith.addf %select_n3A_2024, %gather3A_2141 : vector<16xf32>
    %xor3A_2143 = arith.constant 2 : i32
    %xor3A_2144 = vector.broadcast %xor3A_2143 : i32 to vector<16xi32>
    %xor3A_2145 = arith.xori %iota3A, %xor3A_2144 : vector<16xi32>
    %broadcast_in_dim3A_2146 = vector.shape_cast %xor3A_2145 : vector<16xi32> to vector<16x1xi32>
    %gather3A_2147 = vector.shape_cast %broadcast_in_dim3A_2146 : vector<16x1xi32> to vector<16xi32>
    %gather3A_2148 = tpu.dynamic_gather %select_n3A_2045[%gather3A_2147] in [0] : vector<16xf32>, vector<16xi32> -> vector<16xf32>
    %add3A_2149 = arith.addf %select_n3A_2045, %gather3A_2148 : vector<16xf32>
    %select_n3A_2150 = arith.select %eq3A_2135, %add3A_2142, %add3A_2149 : vector<16xi1>, vector<16xf32>
    %and3A_2151 = arith.constant 2 : i32
    %and3A_2152 = vector.broadcast %and3A_2151 : i32 to vector<16xi32>
    %and3A_2153 = arith.andi %iota3A, %and3A_2152 : vector<16xi32>
    %eq3A_2154 = arith.constant 0 : i32
    %eq3A_2155 = vector.broadcast %eq3A_2154 : i32 to vector<16xi32>
    %eq3A_2156 = arith.cmpi eq, %and3A_2153, %eq3A_2155 : vector<16xi32>
    %xor3A_2157 = arith.constant 2 : i32
    %xor3A_2158 = vector.broadcast %xor3A_2157 : i32 to vector<16xi32>
    %xor3A_2159 = arith.xori %iota3A, %xor3A_2158 : vector<16xi32>
    %broadcast_in_dim3A_2160 = vector.shape_cast %xor3A_2159 : vector<16xi32> to vector<16x1xi32>
    %gather3A_2161 = vector.shape_cast %broadcast_in_dim3A_2160 : vector<16x1xi32> to vector<16xi32>
    %gather3A_2162 = tpu.dynamic_gather %select_n3A_2066[%gather3A_2161] in [0] : vector<16xf32>, vector<16xi32> -> vector<16xf32>
    %add3A_2163 = arith.addf %select_n3A_2066, %gather3A_2162 : vector<16xf32>
    %xor3A_2164 = arith.constant 2 : i32
    %xor3A_2165 = vector.broadcast %xor3A_2164 : i32 to vector<16xi32>
    %xor3A_2166 = arith.xori %iota3A, %xor3A_2165 : vector<16xi32>
    %broadcast_in_dim3A_2167 = vector.shape_cast %xor3A_2166 : vector<16xi32> to vector<16x1xi32>
    %gather3A_2168 = vector.shape_cast %broadcast_in_dim3A_2167 : vector<16x1xi32> to vector<16xi32>
    %gather3A_2169 = tpu.dynamic_gather %select_n3A_2087[%gather3A_2168] in [0] : vector<16xf32>, vector<16xi32> -> vector<16xf32>
    %add3A_2170 = arith.addf %select_n3A_2087, %gather3A_2169 : vector<16xf32>
    %select_n3A_2171 = arith.select %eq3A_2156, %add3A_2163, %add3A_2170 : vector<16xi1>, vector<16xf32>
    %and3A_2172 = arith.constant 4 : i32
    %and3A_2173 = vector.broadcast %and3A_2172 : i32 to vector<16xi32>
    %and3A_2174 = arith.andi %iota3A, %and3A_2173 : vector<16xi32>
    %eq3A_2175 = arith.constant 0 : i32
    %eq3A_2176 = vector.broadcast %eq3A_2175 : i32 to vector<16xi32>
    %eq3A_2177 = arith.cmpi eq, %and3A_2174, %eq3A_2176 : vector<16xi32>
    %xor3A_2178 = arith.constant 4 : i32
    %xor3A_2179 = vector.broadcast %xor3A_2178 : i32 to vector<16xi32>
    %xor3A_2180 = arith.xori %iota3A, %xor3A_2179 : vector<16xi32>
    %broadcast_in_dim3A_2181 = vector.shape_cast %xor3A_2180 : vector<16xi32> to vector<16x1xi32>
    %gather3A_2182 = vector.shape_cast %broadcast_in_dim3A_2181 : vector<16x1xi32> to vector<16xi32>
    %gather3A_2183 = tpu.dynamic_gather %select_n3A_2108[%gather3A_2182] in [0] : vector<16xf32>, vector<16xi32> -> vector<16xf32>
    %add3A_2184 = arith.addf %select_n3A_2108, %gather3A_2183 : vector<16xf32>
    %xor3A_2185 = arith.constant 4 : i32
    %xor3A_2186 = vector.broadcast %xor3A_2185 : i32 to vector<16xi32>
    %xor3A_2187 = arith.xori %iota3A, %xor3A_2186 : vector<16xi32>
    %broadcast_in_dim3A_2188 = vector.shape_cast %xor3A_2187 : vector<16xi32> to vector<16x1xi32>
    %gather3A_2189 = vector.shape_cast %broadcast_in_dim3A_2188 : vector<16x1xi32> to vector<16xi32>
    %gather3A_2190 = tpu.dynamic_gather %select_n3A_2129[%gather3A_2189] in [0] : vector<16xf32>, vector<16xi32> -> vector<16xf32>
    %add3A_2191 = arith.addf %select_n3A_2129, %gather3A_2190 : vector<16xf32>
    %select_n3A_2192 = arith.select %eq3A_2177, %add3A_2184, %add3A_2191 : vector<16xi1>, vector<16xf32>
    %and3A_2193 = arith.constant 4 : i32
    %and3A_2194 = vector.broadcast %and3A_2193 : i32 to vector<16xi32>
    %and3A_2195 = arith.andi %iota3A, %and3A_2194 : vector<16xi32>
    %eq3A_2196 = arith.constant 0 : i32
    %eq3A_2197 = vector.broadcast %eq3A_2196 : i32 to vector<16xi32>
    %eq3A_2198 = arith.cmpi eq, %and3A_2195, %eq3A_2197 : vector<16xi32>
    %xor3A_2199 = arith.constant 4 : i32
    %xor3A_2200 = vector.broadcast %xor3A_2199 : i32 to vector<16xi32>
    %xor3A_2201 = arith.xori %iota3A, %xor3A_2200 : vector<16xi32>
    %broadcast_in_dim3A_2202 = vector.shape_cast %xor3A_2201 : vector<16xi32> to vector<16x1xi32>
    %gather3A_2203 = vector.shape_cast %broadcast_in_dim3A_2202 : vector<16x1xi32> to vector<16xi32>
    %gather3A_2204 = tpu.dynamic_gather %select_n3A_2150[%gather3A_2203] in [0] : vector<16xf32>, vector<16xi32> -> vector<16xf32>
    %add3A_2205 = arith.addf %select_n3A_2150, %gather3A_2204 : vector<16xf32>
    %xor3A_2206 = arith.constant 4 : i32
    %xor3A_2207 = vector.broadcast %xor3A_2206 : i32 to vector<16xi32>
    %xor3A_2208 = arith.xori %iota3A, %xor3A_2207 : vector<16xi32>
    %broadcast_in_dim3A_2209 = vector.shape_cast %xor3A_2208 : vector<16xi32> to vector<16x1xi32>
    %gather3A_2210 = vector.shape_cast %broadcast_in_dim3A_2209 : vector<16x1xi32> to vector<16xi32>
    %gather3A_2211 = tpu.dynamic_gather %select_n3A_2171[%gather3A_2210] in [0] : vector<16xf32>, vector<16xi32> -> vector<16xf32>
    %add3A_2212 = arith.addf %select_n3A_2171, %gather3A_2211 : vector<16xf32>
    %select_n3A_2213 = arith.select %eq3A_2198, %add3A_2205, %add3A_2212 : vector<16xi1>, vector<16xf32>
    %and3A_2214 = arith.constant 8 : i32
    %and3A_2215 = vector.broadcast %and3A_2214 : i32 to vector<16xi32>
    %and3A_2216 = arith.andi %iota3A, %and3A_2215 : vector<16xi32>
    %eq3A_2217 = arith.constant 0 : i32
    %eq3A_2218 = vector.broadcast %eq3A_2217 : i32 to vector<16xi32>
    %eq3A_2219 = arith.cmpi eq, %and3A_2216, %eq3A_2218 : vector<16xi32>
    %xor3A_2220 = arith.constant 8 : i32
    %xor3A_2221 = vector.broadcast %xor3A_2220 : i32 to vector<16xi32>
    %xor3A_2222 = arith.xori %iota3A, %xor3A_2221 : vector<16xi32>
    %broadcast_in_dim3A_2223 = vector.shape_cast %xor3A_2222 : vector<16xi32> to vector<16x1xi32>
    %gather3A_2224 = vector.shape_cast %broadcast_in_dim3A_2223 : vector<16x1xi32> to vector<16xi32>
    %gather3A_2225 = tpu.dynamic_gather %select_n3A_2192[%gather3A_2224] in [0] : vector<16xf32>, vector<16xi32> -> vector<16xf32>
    %add3A_2226 = arith.addf %select_n3A_2192, %gather3A_2225 : vector<16xf32>
    %xor3A_2227 = arith.constant 8 : i32
    %xor3A_2228 = vector.broadcast %xor3A_2227 : i32 to vector<16xi32>
    %xor3A_2229 = arith.xori %iota3A, %xor3A_2228 : vector<16xi32>
    %broadcast_in_dim3A_2230 = vector.shape_cast %xor3A_2229 : vector<16xi32> to vector<16x1xi32>
    %gather3A_2231 = vector.shape_cast %broadcast_in_dim3A_2230 : vector<16x1xi32> to vector<16xi32>
    %gather3A_2232 = tpu.dynamic_gather %select_n3A_2213[%gather3A_2231] in [0] : vector<16xf32>, vector<16xi32> -> vector<16xf32>
    %add3A_2233 = arith.addf %select_n3A_2213, %gather3A_2232 : vector<16xf32>
    %select_n3A_2234 = arith.select %eq3A_2219, %add3A_2226, %add3A_2233 : vector<16xi1>, vector<16xf32>
    %neg3A = arith.constant 0.000000e+00 : f32
    %neg3A_2235 = vector.broadcast %neg3A : f32 to vector<16xf32>
    %neg3A_2236 = arith.subf %neg3A_2235, %select_n3A_2234 : vector<16xf32>
    %exp3A = math.exp %neg3A_2236 : vector<16xf32>
    %add3A_2237 = arith.constant 1.000000e+00 : f32
    %add3A_2238 = vector.broadcast %add3A_2237 : f32 to vector<16xf32>
    %add3A_2239 = arith.addf %add3A_2238, %exp3A : vector<16xf32>
    %div3A = arith.constant 1.000000e+00 : f32
    %div3A_2240 = vector.broadcast %div3A : f32 to vector<16xf32>
    %div3A_2241 = arith.divf %div3A_2240, %add3A_2239 : vector<16xf32>
    %swap3A = arith.constant 9984 : index
    %swap3A_2242 = tpu.vector_load %arg10[%swap3A] {strides = array<i32>} : memref<10000xf32, #tpu.memory_space<vmem>>, vector<16xf32>,
    tpu.vector_store %arg10[%swap3A], %div3A_2241 {strides = array<i32>} : memref<10000xf32, #tpu.memory_space<vmem>>, vector<16xf32>,
    "tpu.region"() ({
      %run_scoped3A = tpu.sem_alloc : memref<!tpu.dma_semaphore, #tpu.memory_space<semaphore_mem>>
      %dma_start3A_2243 = tpu.memref_slice %arg5[%mul3A_2] : memref<320000xf32, #tpu.memory_space<hbm>> -> memref<10000xf32, #tpu.memory_space<hbm>>
      %dma_start3A_2244 = tpu.memref_slice %arg5[%mul3A_2] : memref<320000xf32, #tpu.memory_space<hbm>> -> memref<10000xf32, #tpu.memory_space<hbm>>
      tpu.enqueue_dma source(%arg10 : memref<10000xf32, #tpu.memory_space<vmem>>) target(%dma_start3A_2244 : memref<10000xf32, #tpu.memory_space<hbm>>) target_semaphore(%run_scoped3A : memref<!tpu.dma_semaphore, #tpu.memory_space<semaphore_mem>>)
      %dma_wait3A_2245 = tpu.memref_slice %arg5[%mul3A_2] : memref<320000xf32, #tpu.memory_space<hbm>> -> memref<10000xf32, #tpu.memory_space<hbm>>
      %dma_wait3A_2246 = tpu.memref_slice %arg5[%mul3A_2] : memref<320000xf32, #tpu.memory_space<hbm>> -> memref<10000xf32, #tpu.memory_space<hbm>>
      tpu.wait_dma2 semaphore(%run_scoped3A : memref<!tpu.dma_semaphore, #tpu.memory_space<semaphore_mem>>) src(%arg10 : memref<10000xf32, #tpu.memory_space<vmem>>) dst(%dma_wait3A_2246 : memref<10000xf32, #tpu.memory_space<hbm>>)
      tpu.yield
    }) : () -> ()
    return
  }
}

</mosaic_0001>

<sc_bundles>
// kernel: kernel.3.cloned.1.call-start
scs
__scs_entry_jumppad:
0x0: {  	(pc) =	sbr.rel $0x88, $3  }
0x1: {  	(tag) =	ssettag $0x0;
	lr =	simm.s32 $0x1  }
0x2: {  	[smem:$0x3F9F] =	sst lr;
	_ =	strace $0xD0000000  }
0x3: {  	_ = 	snop  }
0x4: {  	_ = 	snop  }
0x5: {  	_ = 	snop  }
0x6: {  	_ = 	snop  }
0x7: {  	_ = 	snop  }
__scs_overlays_trampoline_lowered:
0x8: {  	[smem:$0x3FAE] =	sst s0  }
0x9: {  	[smem:$0x3FAF] =	sst s1  }
0xa: {  	[smem:$0x3FB0] =	sst s2  }
0xb: {  	[smem:$0x3FB1] =	sst s3  }
0xc: {  	[smem:$0x3FB2] =	sst s4  }
0xd: {  	[smem:$0x3FB3] =	sst s5  }
0xe: {  	[smem:$0x3FB4] =	sst s6  }
0xf: {  	[smem:$0x3FB5] =	sst s7  }
0x10: {  	[smem:$0x3FB6] =	sst s8  }
0x11: {  	[smem:$0x3FB7] =	sst s9;
	s0 =	simm.s32 @!p0 $0x0  }
0x12: {  	s1 =	sld [smem:$0x3F9D];
	s0 =	simm.s32 @p0 $0x1  }
0x13: {  	[smem:$0x3FB8] =	sst s0;
	s0 =	simm.s32 @!p1 $0x0  }
0x14: {  	s2 =	sld [smem:$0x3F9C];
	s0 =	simm.s32 @p1 $0x1  }
0x15: {  	[smem:$0x3FB9] =	sst s0;
	s0 =	simm.s32 @!p2 $0x0  }
0x16: {  	s3 =	sld [smem:$0x3FDB];
	s0 =	simm.s32 @p2 $0x1  }
0x17: {  	s4 =	simm.s32 $0x1BF5;
	[smem:$0x3FBB] =	sst s0  }
0x18: {  	s0 =	sld [smem:$0x3F9E];
	_ =	swait.ge [sflag:s4], $0x0  }
0x19: {  	s7 =	sld [smem:$0x3F9F]  }
0x1a: {  	s8 =	sadd.s32 $0xFFFFE003, lr  }
0x1b: {  	s9 =	sadd.s32 $0xFFFFFEF7, lr;
	s5 =	simm.s32 $0xFFFFFFFF;
	p2 =	slt.u32 s8, $0xFFFFF086  }
0x1c: {  	p1 =	slt.u32 s9, $0xF7A;
	s5 =	simm.s32 @!p2 $0x0  }
0x1d: {  	s5 =	simm.s32 @p1 $0x1;
	p0 =	seq.s32 s7, s2  }
0x1e: {  	s7 =	smul.u32 @!p0 $0xF7A, s2;
	p2 =	seq.s32 @!p0 s5, $0x0  }
0x1f: {  	s9 =	smul.u32 $0xF7A, s1;
	s8 =	simm.s32 @!p0 $0x1BF5;
	p2 =	por !p2, p0  }
0x20: {  	[sflag:s8] =	ssyncset.s32 @!p0 $0xFFFFF086;
	s6 =	sadd.s32 @!p0 s3, s7;
	s7 =	simm.s32 @!p0 $0x108  }
0x21: {  	s3 =	sadd.s32 s3, s9;
	s6 =	sadd.s32 @!p0 $0x88, s6;
	s7 =	simm.s32 @p2 $0x1082  }
0x22: {  	[simem:s7], [sflag:s8] =	dma.local @!p0 [hbm:s6], $0xF7A  }
0x23: {  	s9 =	sor.u32 $0xD0000000, s2;
	s6 =	simm.s32 $0x108;
	_ =	swait.ge @!p0 [sflag:s8], $0x0  }
0x24: {  	s3 =	sadd.s32 $0x88, s3;
	s6 =	simm.s32 @!p1 $0x1082;
	[sflag:s4] =	ssyncset.s32 $0xFFFFF086  }
0x25: {  	[simem:s6], [sflag:s4] =	dma.local [hbm:s3], $0xF7A  }
0x26: {  	[smem:$0x3F9F] =	sst s1;
	(tag) =	ssettag s2;
	_ =	strace s9  }
0x27: {  	s1 =	sld [smem:$0x3FAF]  }
0x28: {  	s2 =	sld [smem:$0x3FB0]  }
0x29: {  	s4 =	sld [smem:$0x3FB2]  }
0x2a: {  	p0 =	seq.s32 s5, $0x0;
	s5 =	sld [smem:$0x3FB3]  }
0x2b: {  	s6 =	sld [smem:$0x3FB4]  }
0x2c: {  	s7 =	sld [smem:$0x3FB5]  }
0x2d: {  	s3 =	simm.s32 $0x108;
	s8 =	sld [smem:$0x3FB6]  }
0x2e: {  	s3 =	simm.s32 @!p0 $0x1082;
	s9 =	sld [smem:$0x3FB7]  }
0x2f: {  	lr =	sadd.s32 s0, s3;
	s0 =	sld [smem:$0x3FAE]  }
0x30: {  	s3 =	sld [smem:$0x3FB1]  }
0x31: {  	[smem:$0x3FBA] =	sst s10  }
0x32: {  	s10 =	sld [smem:$0x3FB8];
	_ =	sdelay $0x3  }
0x33: {  	p0 =	seq.s32 s10, $0x1;
	s10 =	sld [smem:$0x3FBA];
	_ =	sdelay $0x3  }
0x34: {  	[smem:$0x3FBA] =	sst s10  }
0x35: {  	s10 =	sld [smem:$0x3FB9];
	_ =	sdelay $0x3  }
0x36: {  	p1 =	seq.s32 s10, $0x1;
	s10 =	sld [smem:$0x3FBA];
	_ =	sdelay $0x3  }
0x37: {  	[smem:$0x3FBA] =	sst s10  }
0x38: {  	s10 =	sld [smem:$0x3FBB]  }
0x39: {  	_ = 	snop;
	(pc) =	sbr.ind lr, $3  }
0x3a: {  	_ = 	snop  }
0x3b: {  	_ = 	snop  }
0x3c: {  	p2 =	seq.s32 s10, $0x1;
	s10 =	sld [smem:$0x3FBA]  }
0x3d: {  	_ =	shalt  }
0x3e: {  	_ =	shalt  }
0x3f: {  	_ =	shalt  }
0x40: {  	_ =	shalt  }
0x41: {  	_ =	shalt  }
0x42: {  	_ =	shalt  }
0x43: {  	_ =	shalt  }
0x44: {  	_ =	shalt  }
0x45: {  	_ =	shalt  }
0x46: {  	_ =	shalt  }
0x47: {  	_ =	shalt  }
0x48: {  	_ =	shalt  }
0x49: {  	_ =	shalt  }
0x4a: {  	_ =	shalt  }
0x4b: {  	_ =	shalt  }
0x4c: {  	_ =	shalt  }
0x4d: {  	_ =	shalt  }
0x4e: {  	_ =	shalt  }
0x4f: {  	_ =	shalt  }
0x50: {  	_ =	shalt  }
0x51: {  	_ =	shalt  }
0x52: {  	_ =	shalt  }
0x53: {  	_ =	shalt  }
0x54: {  	_ =	shalt  }
0x55: {  	_ =	shalt  }
0x56: {  	_ =	shalt  }
0x57: {  	_ =	shalt  }
0x58: {  	_ =	shalt  }
0x59: {  	_ =	shalt  }
0x5a: {  	_ =	shalt  }
0x5b: {  	_ =	shalt  }
0x5c: {  	_ =	shalt  }
0x5d: {  	_ =	shalt  }
0x5e: {  	_ =	shalt  }
0x5f: {  	_ =	shalt  }
0x60: {  	_ =	shalt  }
0x61: {  	_ =	shalt  }
0x62: {  	_ =	shalt  }
0x63: {  	_ =	shalt  }
0x64: {  	_ =	shalt  }
0x65: {  	_ =	shalt  }
0x66: {  	_ =	shalt  }
0x67: {  	_ =	shalt  }
0x68: {  	_ =	shalt  }
0x69: {  	_ =	shalt  }
0x6a: {  	_ =	shalt  }
0x6b: {  	_ =	shalt  }
0x6c: {  	_ =	shalt  }
0x6d: {  	_ =	shalt  }
0x6e: {  	_ =	shalt  }
0x6f: {  	_ =	shalt  }
0x70: {  	_ =	shalt  }
0x71: {  	_ =	shalt  }
0x72: {  	_ =	shalt  }
0x73: {  	_ =	shalt  }
0x74: {  	_ =	shalt  }
0x75: {  	_ =	shalt  }
0x76: {  	_ =	shalt  }
0x77: {  	_ =	shalt  }
0x78: {  	_ =	shalt  }
0x79: {  	_ =	shalt  }
0x7a: {  	_ =	shalt  }
0x7b: {  	_ =	shalt  }
0x7c: {  	_ =	shalt  }
0x7d: {  	_ =	shalt  }
0x7e: {  	_ =	shalt  }
0x7f: {  	_ =	shalt  }
0x80: {  	_ =	shalt  }
0x81: {  	_ =	shalt  }
0x82: {  	_ =	shalt  }
0x83: {  	_ =	shalt  }
0x84: {  	_ =	shalt  }
0x85: {  	_ =	shalt  }
0x86: {  	_ =	shalt  }
0x87: {  	_ =	shalt  }
.Lfunc_end0:
.L_simem_size_0:
called_computation_lowered:
.L_overlay_start_0:
0x88: {  	s2 =	sld [smem:$0x3FD9]  }
0x89: {  	s3 =	sld [smem:$0x3FFE];
	_ =	sdelay $0x1  }
0x8a: {  	s1 =	srdreg.scid  }
0x8b: {  	s0 =	sand.u32 $0x1, s1  }
0x8c: {  	s17 =	sshll.u32 s0, $0xA;
	s2 =	sadd.s32 s3, s2  }
0x8d: {  	s2 =	sadd.s32 s2, s17  }
0x8e: {  	[smem:$0x3FC6] =	sst s2  }
0x8f: {  	_ = 	snop  }
0x90: {  	s2 =	sld [smem:$0x3FD0];
	(tm) =	ssettm $0x1  }
0x91: {  	s18 =	sld [smem:$0x3FFB];
	_ =	sdelay $0x3  }
0x92: {  	_ =	strace s18  }
0x93: {  	s3 =	sld [smem:$0x3FFC];
	_ =	sdelay $0x3  }
0x94: {  	_ =	strace s3  }
0x95: {  	s3 =	sld [smem:$0x3FFD];
	_ =	sdelay $0x3  }
0x96: {  	_ =	strace s3  }
0x97: {  	_ =	strace $0x8FFFFFFF  }
0x98: {  	s19 =	sld [smem:$0x3FDB];
	_ =	sdelay $0x1  }
0x99: {  	s4 =	simm.s32 $_scs_section_size  }
0x9a: {  	s5 =	simm.s32 $_size__tile_overlayer_lowered;
	s6 =	simm.s32 $_tile_overlayer_lowered  }
0x9b: {  	s22 =	simm.s32 $0x1BFF;
	s21 =	sshll.u32 s6, $0x1;
	s3 =	sadd.s32 s4, s19  }
0x9c: {  	s7 =	simm.s32 $0x0;
	s20 =	sshll.u32 s5, $0x1;
	s5 =	sadd.s32 s21, s3  }
0x9d: {  	[timem:s7], [sflag:s22] =	dma.local [hbm:s5], s20  }
0x9e: {  	_ =	swait.ge [sflag:s22], s20  }
0x9f: {  	s4 =	ssub.s32 $0x0, s20;
	[sflag:s22] =	ssyncset.done $0x0  }
0xa0: {  	[sflag:s22] =	ssyncadd.s32 s4;
	_ =	sdelay $0x1  }
0xa1: {  	s23 =	simm.s32 $0x1B8B  }
0xa2: {  	_ =	swait.ge [sflag:s23], $0x1  }
0xa3: {  	[sflag:s23] =	ssyncset.done $0x0  }
0xa4: {  	s25 =	simm.s32 $0x1B8E;
	s24 =	sld [smem:$0x3FFE];
	[sflag:s23] =	ssyncadd.s32 $0xFFFFFFFF  }
0xa5: {  	s26 =	simm.s32 $execute0_lowered;
	[smem:$0x3FD2] =	sst s25  }
0xa6: {  	s5 =	sshll.u32 s26, $0x1;
	_ =	strace $0x80000046;
	[dreg:$0x1] =	wrdreg $0xFFFFFFFF  }
0xa7: {  	s28 =	simm.s32 $_size_execute0_lowered;
	s3 =	sadd.s32 s3, s5;
	[dreg:$0x0] =	wrdreg $0x0  }
0xa8: {  	s5 =	sshll.u32 s28, $0x1;
	[dreg:$0x2] =	wrdreg s3  }
0xa9: {  	[dreg:$0x3] =	wrdreg s5  }
0xaa: {  	[dreg:$0x4] =	wrdreg $0xC0  }
0xab: {  	_ =	task [dreg:s7], $0x5FFFF  }
0xac: {  	[dreg:$0x1] =	wrdreg $0xFFFFFFFF  }
0xad: {  	[dreg:$0x0] =	wrdreg $0x60  }
0xae: {  	[dreg:$0x2] =	wrdreg s24  }
0xaf: {  	[dreg:$0x3] =	wrdreg s2  }
0xb0: {  	[dreg:$0x4] =	wrdreg $0x9  }
0xb1: {  	_ =	task.clear_ibuf [dreg:s7], $0x5FFFF;
	_ =	strace $0x90000046  }
0xb2: {  	s29 =	simm.s32 $0x9;
	_ =	strace $0x80000048  }
0xb3: {  	_ =	swait.ge [sflag:s29], $0x1  }
0xb4: {  	[sflag:s29] =	ssyncadd.s32 $0xFFFFFFFF  }
0xb5: {  	_ =	strace $0x90000048  }
0xb6: {  	_ =	sfence  }
0xb7: {  	s30 =	sld [smem:$0x0];
	_ =	sdelay $0x2  }
0xb8: {  	s31 =	sshll.u32 s1, $0xD;
	s1 =	sshrl.u32 s1, $0x2  }
0xb9: {  	s3 =	sand.u32 $0x4000, s31;
	s1 =	sadd.s32 s1, s30  }
0xba: {  	s0 =	sor.u32 s3, s0;
	s1 =	sshll.u32 s1, $0x11  }
0xbb: {  	s0 =	sor.u32 s1, s0  }
0xbc: {  	s0 =	sadd.s32 $0x8F2B, s0  }
0xbd: {  	[sflag:s0] =	ssyncadd.remote.s32 $0x1  }
0xbe: {  	_ =	sfence.sel $0xFFFF  }
0xbf: {  	[dreg:$0x0] =	wrdreg $0xFFFFFFFF;
	(pc) =	sbr.abs _section_cstart, $3  }
0xc0: {  	[dreg:$0x1] =	wrdreg $0xFFFFFFFF  }
0xc1: {  	_ =	task.clear_ibuf [dreg:s7], $0x2FFFF;
	_ =	strace $0x9FFFFFFF  }
0xc2: {  	(tm) =	ssettm $0x7FFFFFFF  }
0xc3: {  	_ =	shalt  }
tec
execute0_lowered:
.L_overlay_start_1:
0x0: {  	(tag) =	ssettag $0x1  }
0x1: {  	v0 =	vimm.s32 $0xEFCDAB89  }
0x2: {  	vm0 =	vcmask $0xB08;
	vm1 =	vcmask $0x300;
	v1 =	vimm.s32 $0x67452301  }
0x3: {  	v2 =	vimm.s32 $0xDCFE98BA;
	v3 =	vimm.s32 $0x54761032;
	vm2 =	vcmask $0x700  }
0x4: {  	vm3 =	vcmask $0x3B38;
	v4 =	vimm.s32 $0xFEDCBA98;
	v5 =	vimm.s32 $0x76543210  }
0x5: {  	v0 =	vunpack.c.l.s4.s8 v0;
	vm0 =	vmor vm1, vm0;
	vm1 =	vcmask $0x1310  }
0x6: {  	v1 =	vunpack.c.l.s4.s8 v1;
	v2 =	vunpack.c.l.s4.s8 v2;
	v3 =	vunpack.c.l.s4.s8 v3  }
0x7: {  	v4 =	vunpack.c.l.s4.s8 v4;
	vm0 =	vmor vm0, vm1;
	vm1 =	vcmask $0x1B18  }
0x8: {  	v0 =	vunpack.c.0.s8.s32 v0;
	vm0 =	vmor vm0, vm1;
	vm1 =	vcmask $0x2320  }
0x9: {  	s1 =	srdreg.scid;
	v1 =	vunpack.c.0.s8.s32 v1;
	vm0 =	vmor vm0, vm1;
	vm1 =	vcmask $0x2B28  }
0xa: {  	s0 =	stileid.u32;
	s6 =	rddreg [dreg:$0x1];
	s8 =	simm.s32 $0x5;
	v4 =	vunpack.c.0.s8.s32 v4;
	vm0 =	vmor vm0, vm1;
	vm1 =	vcmask $0x3330  }
0xb: {  	s9 =	simm.s32 $0x2710;
	s11 =	simm.s32 $0x4E20;
	s12 =	simm.s32 $0x8E20;
	v0 =	vcombine.low v1, v0;
	v1 =	vunpack.c.0.s8.s32 v2;
	v2 =	vunpack.c.0.s8.s32 v3  }
0xc: {  	s10 =	simm.s32 $0x80;
	s13 =	simm.s32 $0x6E20;
	s14 =	simm.s32 $0x2790;
	v3 =	vimm.s32 $0x32107654;
	vm0 =	vmor vm0, vm1;
	vm1 =	vcmask $0x1710  }
0xd: {  	s15 =	simm.s32 $0xAE20;
	s16 =	simm.s32 $0x1;
	s17 =	simm.s32 $0x10;
	v3 =	vunpack.c.l.s4.s8 v3;
	v1 =	vcombine.low v2, v1;
	v2 =	vimm.s32 $0xBA98FEDC  }
0xe: {  	s18 =	simm.s32 $0x2700;
	s19 =	simm.s32 $0x4E10;
	s20 =	simm.s32 $0x3;
	vm1 =	vmor vm2, vm1;
	vm2 =	vcmask $0x2720;
	v2 =	vunpack.c.l.s4.s8 v2  }
0xf: {  	s21 =	simm.s32 $0xCE20;
	s2 =	sand.u32 $0x1, s1;
	s3 =	sshll.u32 s0, $0x1;
	v5 =	vunpack.c.l.s4.s8 v5;
	v4 =	vand.u32 $0xF, v4;
	vm1 =	vmor vm1, vm2  }
0x10: {  	s1 =	rddreg [dreg:$0x0];
	s3 =	sor.u32 s2, s3;
	s2 =	ssub.s32 $0x2, s2;
	vm2 =	vcmask $0x3730;
	v3 =	vunpack.c.0.s8.s32 v3;
	v2 =	vunpack.c.0.s8.s32 v2  }
0x11: {  	s7 =	smul.u32 $0x4E2, s3;
	s3 =	simm.s32 $0x0;
	s4 =	sshrl.u32 s2, $0x1;
	vm0 =	vmor vm0, vm3;
	vm3 =	vcmask $0xF00;
	vm1 =	vmor vm1, vm2  }
0x12: {  	s22 =	simm.s32 $0x0;
	[smem:$0x7FF] =	sst s3;
	s2 =	ssub.s32 s2, s4;
	vm2 =	vcmask $0x2F20;
	v2 =	vcombine.low v3, v2;
	v3 =	vunpack.c.0.s8.s32 v5  }
0x13: {  	s5 =	sadd.s32 s7, s1;
	_ =	strace $0x80000047;
	s6 =	sadd.s32 s6, s7;
	v0 =	vand.u32 $0xF, v0;
	v1 =	vand.u32 $0xF, v1;
	vm2 =	vmor vm3, vm2  }
0x14: {  	s7 =	smax.u32 s2, $0x1;
	s4 =	sadd.s32 $0x1D800, s5;
	s5 =	sadd.s32 $0x13A00, s5;
	vm3 =	vmmov $0xff;
	v2 =	vand.u32 $0xF, v2;
	v3 =	vcombine.low v4, v3  }
.LBB2_1:
0x15: {  	[tilespmem:s3], [sflag:$0x5] =	stream.linear.gather [hbm4b:s4+s3], $0x2710, $0x38;
	[tilespmem:$0xF530] =	vst v63  }
0x16: {  	_ =	swait.ge [sflag:s8], $0x2710  }
0x17: {  	[sflag:s8] =	ssyncset.done $0x0  }
0x18: {  	[sflag:s8] =	ssyncadd.s32 $0xFFFFD8F0  }
0x19: {  	[tilespmem:s9], [sflag:$0x5] =	stream.linear.gather [hbm4b:s5+s3], $0x2710, $0x38;
	[tilespmem:$0xF530] =	vst v63  }
0x1a: {  	_ =	swait.ge [sflag:s8], $0x2710  }
0x1b: {  	[sflag:s8] =	ssyncset.done $0x0  }
0x1c: {  	[sflag:s8] =	ssyncadd.s32 $0xFFFFD8F0  }
0x1d: {  	[tilespmem:s11], [sflag:$0x1] =	stream.indirect.gather [hbm4b:s1+s10], $0x40, s3, s10, $0xb8;
	[tilespmem:$0xF530] =	vst v63  }
0x1e: {  	_ = 	snop  }
0x1f: {  	[tilespmem:s12], [sflag:$0x3] =	stream.indirect.gather [hbm4b:s1+s10], $0x40, s9, s10, $0xb8;
	[tilespmem:$0xF530] =	vst v63  }
0x20: {  	_ = 	snop  }
0x21: {  	[tilespmem:s13], [sflag:$0x2] =	stream.indirect.gather [hbm4b:s1+s10], $0x40, s10, s10, $0xb8;
	[tilespmem:$0xF530] =	vst v63  }
0x22: {  	p0 =	por $0x0, $0x0;
	s23 =	simm.s32 $0xCE20;
	s24 =	simm.s32 $0x0  }
0x23: {  	[tilespmem:s15], [sflag:$0x4] =	stream.indirect.gather [hbm4b:s1+s10], $0x40, s14, s10, $0xb8;
	[tilespmem:$0xF530] =	vst v63  }
.LBB2_2:
0x24: {  	s2 =	simm.s32 $0x1  }
0x25: {  	s29 =	sand.u32 $0x1, s24;
	s2 =	simm.s32 @!p0 $0x0  }
0x26: {  	s25 =	sadd.s32 $0x1, s29;
	s2 =	sshll.u32 s2, $0xD  }
0x27: {  	_ =	swait.ge [sflag:s25], $0x2000;
	s26 =	sor.u32 $0x9210, s2  }
0x28: {  	s2 =	sor.u32 $0x5210, s2;
	[sflag:s25] =	ssyncset.done $0x0;
	v5 =	vmov s26  }
0x29: {  	[sflag:s25] =	ssyncadd.s32 $0xFFFFE000;
	s26 =	sadd.s32 $0x3, s29;
	v4 =	vmov s2  }
0x2a: {  	_ =	swait.ge [sflag:s26], $0x2000  }
0x2b: {  	[sflag:s26] =	ssyncset.done $0x0  }
0x2c: {  	s2 =	simm.s32 $0x0;
	[sflag:s26] =	ssyncadd.s32 $0xFFFFE000  }
0x2d: {  	v6 =	vld.idx.msk [tilespmem:v5+s2+$0xFFFFFC40 ss:$0x1], $0xffff  }
0x2e: {  	v7 =	vld.idx.msk [tilespmem:v4+s2+$0xFFFFFC40 ss:$0x1], $0xffff  }
0x2f: {  	v8 =	vld.idx.msk [tilespmem:v5+s2+$0xFFFFFC80 ss:$0x1], $0xffff  }
0x30: {  	v9 =	vld.idx.msk [tilespmem:v4+s2+$0xFFFFFC80 ss:$0x1], $0xffff  }
0x31: {  	v10 =	vld.idx.msk [tilespmem:v5+s2+$0xFFFFFCC0 ss:$0x1], $0xffff  }
0x32: {  	v11 =	vld.idx.msk [tilespmem:v4+s2+$0xFFFFFCC0 ss:$0x1], $0xffff  }
0x33: {  	v12 =	vld.idx.msk [tilespmem:v5+s2+$0xFFFFFD00 ss:$0x1], $0xffff  }
0x34: {  	v13 =	vld.idx.msk [tilespmem:v4+s2+$0xFFFFFD00 ss:$0x1], $0xffff  }
0x35: {  	v14 =	vld.idx.msk [tilespmem:v5+s2+$0xFFFFFD40 ss:$0x1], $0xffff  }
0x36: {  	v15 =	vld.idx.msk [tilespmem:v4+s2+$0xFFFFFD40 ss:$0x1], $0xffff  }
0x37: {  	v16 =	vld.idx.msk [tilespmem:v5+s2+$0xFFFFFD80 ss:$0x1], $0xffff  }
0x38: {  	v17 =	vld.idx.msk [tilespmem:v4+s2+$0xFFFFFD80 ss:$0x1], $0xffff  }
0x39: {  	v18 =	vld.idx.msk [tilespmem:v5+s2+$0xFFFFFDC0 ss:$0x1], $0xffff  }
0x3a: {  	v19 =	vld.idx.msk [tilespmem:v4+s2+$0xFFFFFDC0 ss:$0x1], $0xffff  }
0x3b: {  	v21 =	vld.idx.msk [tilespmem:v5+s2+$0xFFFFFE00 ss:$0x1], $0xffff  }
0x3c: {  	v22 =	vld.idx.msk [tilespmem:v4+s2+$0xFFFFFE00 ss:$0x1], $0xffff  }
0x3d: {  	v24 =	vld.idx.msk [tilespmem:v5+s2+$0xFFFFFE40 ss:$0x1], $0xffff  }
0x3e: {  	v26 =	vld.idx.msk [tilespmem:v4+s2+$0xFFFFFE40 ss:$0x1], $0xffff  }
0x3f: {  	v27 =	vld.idx.msk [tilespmem:v5+s2+$0xFFFFFE80 ss:$0x1], $0xffff  }
0x40: {  	v29 =	vld.idx.msk [tilespmem:v4+s2+$0xFFFFFE80 ss:$0x1], $0xffff  }
0x41: {  	v30 =	vld.idx.msk [tilespmem:v5+s2+$0xFFFFFEC0 ss:$0x1], $0xffff  }
0x42: {  	v31 =	vld.idx.msk [tilespmem:v4+s2+$0xFFFFFEC0 ss:$0x1], $0xffff  }
0x43: {  	v32 =	vld.idx.msk [tilespmem:v5+s2+$0xFFFFFF00 ss:$0x1], $0xffff  }
0x44: {  	v33 =	vld.idx.msk [tilespmem:v4+s2+$0xFFFFFF00 ss:$0x1], $0xffff  }
0x45: {  	v34 =	vld.idx.msk [tilespmem:v5+s2+$0xFFFFFF40 ss:$0x1], $0xffff  }
0x46: {  	v40 =	vld.idx.msk [tilespmem:v5+s2+$0x0 ss:$0x1], $0xffff  }
0x47: {  	v41 =	vld.idx.msk [tilespmem:v4+s2+$0x0 ss:$0x1], $0xffff  }
0x48: {  	v44 =	vld.idx.msk [tilespmem:v5+s2+$0xFFFFFCB0 ss:$0x1], $0xffff  }
0x49: {  	v45 =	vld.idx.msk [tilespmem:v4+s2+$0xFFFFFCB0 ss:$0x1], $0xffff  }
0x4a: {  	v56 =	vld.idx.msk [tilespmem:v5+s2+$0xFFFFFEF0 ss:$0x1], $0xffff  }
0x4b: {  	v59 =	vld.idx.msk [tilespmem:v4+s2+$0xFFFFFEF0 ss:$0x1], $0xffff  }
0x4c: {  	v61 =	vld.idx.msk [tilespmem:v5+s2+$0xFFFFFF30 ss:$0x1], $0xffff  }
0x4d: {  	v62 =	vld.idx.msk [tilespmem:v4+s2+$0xFFFFFF30 ss:$0x1], $0xffff  }
0x4e: {  	v48 =	vld.idx.msk [tilespmem:v5+s2+$0xFFFFFC20 ss:$0x1], $0xffff  }
0x4f: {  	v49 =	vld.idx.msk [tilespmem:v4+s2+$0xFFFFFC20 ss:$0x1], $0xffff  }
0x50: {  	v35 =	vld.idx.msk [tilespmem:v4+s2+$0xFFFFFF40 ss:$0x1], $0xffff;
	v6 =	vmul.bf16 v6, v7;
	v8 =	vmul.bf16 v8, v9  }
0x51: {  	v36 =	vld.idx.msk [tilespmem:v5+s2+$0xFFFFFF80 ss:$0x1], $0xffff;
	v10 =	vmul.bf16 v10, v11;
	v12 =	vmul.bf16 v12, v13  }
0x52: {  	v37 =	vld.idx.msk [tilespmem:v4+s2+$0xFFFFFF80 ss:$0x1], $0xffff;
	v13 =	vmul.bf16 v27, v29;
	v54 =	vmul.bf16 v40, v41  }
0x53: {  	v38 =	vld.idx.msk [tilespmem:v5+s2+$0xFFFFFFC0 ss:$0x1], $0xffff;
	v60 =	vmul.bf16 v44, v45;
	v56 =	vmul.bf16 v56, v59  }
0x54: {  	v7 =	vld.idx.msk [tilespmem:v5+s2+$0xFFFFFC30 ss:$0x1], $0xffff;
	v61 =	vmul.bf16 v61, v62;
	v62 =	vmul.bf16 v48, v49;
	v20 =	vshll.u32 v6, $0x10  }
0x55: {  	v9 =	vld.idx.msk [tilespmem:v4+s2+$0xFFFFFC30 ss:$0x1], $0xffff;
	v6 =	vand.u32 $0xFFFF0000, v6;
	v11 =	vshll.u32 v10, $0x10;
	v10 =	vand.u32 $0xFFFF0000, v10  }
0x56: {  	v39 =	vld.idx.msk [tilespmem:v4+s2+$0xFFFFFFC0 ss:$0x1], $0xffff;
	v44 =	vand.u32 $0xFFFF0000, v62;
	v25 =	vadd.f32 v6, v20;
	v6 =	vshll.u32 v8, $0x10  }
0x57: {  	v42 =	vld.idx.msk [tilespmem:v5+s2+$0xFFFFFC70 ss:$0x1], $0xffff;
	v8 =	vand.u32 $0xFFFF0000, v8;
	v20 =	vadd.f32 v10, v11;
	v10 =	vand.u32 $0xFFFF0000, v12  }
0x58: {  	v43 =	vld.idx.msk [tilespmem:v4+s2+$0xFFFFFC70 ss:$0x1], $0xffff;
	v11 =	vmul.bf16 v16, v17;
	v28 =	vadd.f32 v8, v6;
	v8 =	vshll.u32 v12, $0x10  }
0x59: {  	v46 =	vld.idx.msk [tilespmem:v5+s2+$0xFFFFFCF0 ss:$0x1], $0xffff;
	v6 =	vmul.bf16 v14, v15;
	v12 =	vmul.bf16 v18, v19;
	v23 =	vadd.f32 v10, v8  }
0x5a: {  	v47 =	vld.idx.msk [tilespmem:v4+s2+$0xFFFFFCF0 ss:$0x1], $0xffff;
	v10 =	vshll.u32 v11, $0x10;
	v11 =	vand.u32 $0xFFFF0000, v11;
	v9 =	vmul.bf16 v7, v9  }
0x5b: {  	v18 =	vld.idx.msk [tilespmem:v5+s2+$0xFFFFFD30 ss:$0x1], $0xffff;
	v8 =	vshll.u32 v6, $0x10;
	v6 =	vand.u32 $0xFFFF0000, v6;
	v17 =	vadd.f32 v11, v10  }
0x5c: {  	v19 =	vld.idx.msk [tilespmem:v4+s2+$0xFFFFFD30 ss:$0x1], $0xffff;
	v10 =	vand.u32 $0xFFFF0000, v12;
	v11 =	vmul.bf16 v24, v26;
	v16 =	vadd.f32 v6, v8  }
0x5d: {  	v55 =	vld.idx.msk [tilespmem:v4+s2+$0xFFFFFEB0 ss:$0x1], $0xffff;
	v6 =	vmul.bf16 v21, v22;
	v8 =	vshll.u32 v12, $0x10;
	v57 =	vshll.u32 v9, $0x10  }
0x5e: {  	v63 =	vld.idx.msk [tilespmem:v4+s2+$0xFFFFFF70 ss:$0x1], $0xffff;
	v58 =	vand.u32 $0xFFFF0000, v9;
	v15 =	vadd.f32 v10, v8;
	v10 =	vshll.u32 v11, $0x10  }
0x5f: {  	v52 =	vld.idx.msk [tilespmem:v4+s2+$0xFFFFFC10 ss:$0x1], $0xffff;
	v11 =	vand.u32 $0xFFFF0000, v11;
	v40 =	vadd.f32 v58, v57;
	v8 =	vshll.u32 v6, $0x10  }
0x60: {  	v27 =	vld.idx.msk [tilespmem:v5+s2+$0xFFFFFDF0 ss:$0x1], $0xffff;
	v6 =	vand.u32 $0xFFFF0000, v6;
	v12 =	vadd.f32 v11, v10;
	v10 =	vand.u32 $0xFFFF0000, v13  }
0x61: {  	v21 =	vld.idx.msk [tilespmem:v5+s2+$0xFFFFFD70 ss:$0x1], $0xffff;
	v11 =	vmul.bf16 v32, v33;
	v18 =	vmul.bf16 v18, v19;
	v14 =	vadd.f32 v6, v8  }
0x62: {  	v22 =	vld.idx.msk [tilespmem:v4+s2+$0xFFFFFD70 ss:$0x1], $0xffff;
	v6 =	vmul.bf16 v30, v31;
	v8 =	vshll.u32 v13, $0x10;
	v31 =	vmul.bf16 v34, v35  }
0x63: {  	v29 =	vld.idx.msk [tilespmem:v4+s2+$0xFFFFFDF0 ss:$0x1], $0xffff;
	v13 =	vadd.f32 v10, v8;
	v10 =	vshll.u32 v11, $0x10;
	v30 =	vand.u32 $0xFFFF0000, v11  }
0x64: {  	v59 =	vld.idx.msk [tilespmem:v4+s2+$0xFFFFFFB0 ss:$0x1], $0xffff;
	v51 =	vshll.u32 v18, $0x10;
	v8 =	vshll.u32 v6, $0x10;
	v6 =	vand.u32 $0xFFFF0000, v6  }
0x65: {  	v45 =	vld.idx.msk [tilespmem:v5+s2+$0xFFFFFC90 ss:$0x1], $0xffff;
	v10 =	vadd.f32 v30, v10;
	v30 =	vand.u32 $0xFFFF0000, v31;
	v11 =	vadd.f32 v6, v8  }
0x66: {  	v24 =	vld.idx.msk [tilespmem:v5+s2+$0xFFFFFDB0 ss:$0x1], $0xffff;
	v8 =	vmul.bf16 v36, v37;
	v6 =	vshll.u32 v31, $0x10;
	v31 =	vmul.bf16 v38, v39  }
0x67: {  	v18 =	vand.u32 $0xFFFF0000, v18;
	v21 =	vmul.bf16 v21, v22;
	v39 =	vld.idx.msk [tilespmem:v5+s2+$0xFFFFFFB0 ss:$0x1], $0xffff;
	v6 =	vadd.f32 v30, v6  }
0x68: {  	v22 =	vld.idx.msk [tilespmem:v5+s2+$0xFFFFFC10 ss:$0x1], $0xffff;
	v30 =	vshll.u32 v8, $0x10;
	v8 =	vand.u32 $0xFFFF0000, v8;
	v53 =	vshll.u32 v31, $0x10  }
0x69: {  	v26 =	vld.idx.msk [tilespmem:v4+s2+$0xFFFFFDB0 ss:$0x1], $0xffff;
	v31 =	vand.u32 $0xFFFF0000, v31;
	v8 =	vadd.f32 v8, v30;
	v30 =	vmul.bf16 v42, v43  }
0x6a: {  	v32 =	vld.idx.msk [tilespmem:v5+s2+$0xFFFFFE30 ss:$0x1], $0xffff;
	v37 =	vand.u32 $0xFFFF0000, v54;
	v7 =	vadd.f32 v31, v53;
	v31 =	vshll.u32 v54, $0x10  }
0x6b: {  	v33 =	vld.idx.msk [tilespmem:v4+s2+$0xFFFFFE30 ss:$0x1], $0xffff;
	v9 =	vadd.f32 v37, v31;
	v31 =	vshll.u32 v30, $0x10;
	v30 =	vand.u32 $0xFFFF0000, v30  }
0x6c: {  	v42 =	vand.u32 $0xFFFF0000, v60;
	v53 =	vld.idx.msk [tilespmem:v5+s2+$0xFFFFFC50 ss:$0x1], $0xffff;
	v59 =	vmul.bf16 v39, v59;
	v41 =	vadd.f32 v30, v31  }
0x6d: {  	v54 =	vld.idx.msk [tilespmem:v4+s2+$0xFFFFFC50 ss:$0x1], $0xffff;
	v30 =	vmul.bf16 v46, v47;
	v31 =	vshll.u32 v60, $0x10;
	v60 =	vmul.bf16 v22, v52  }
0x6e: {  	v34 =	vld.idx.msk [tilespmem:v5+s2+$0xFFFFFE70 ss:$0x1], $0xffff;
	v22 =	vand.u32 $0xFFFF0000, v56;
	v52 =	vshll.u32 v62, $0x10;
	v42 =	vadd.f32 v42, v31  }
0x6f: {  	v36 =	vld.idx.msk [tilespmem:v5+s2+$0xFFFFFCA0 ss:$0x1], $0xffff;
	v44 =	vadd.f32 v44, v52;
	v31 =	vshll.u32 v30, $0x10;
	v30 =	vand.u32 $0xFFFF0000, v30  }
0x70: {  	v46 =	vld.idx.msk [tilespmem:v4+s2+$0xFFFFFCA0 ss:$0x1], $0xffff;
	v47 =	vadd.f32 v30, v31;
	v30 =	vadd.f32 v18, v51;
	v18 =	vmul.bf16 v24, v26  }
0x71: {  	v35 =	vld.idx.msk [tilespmem:v4+s2+$0xFFFFFE70 ss:$0x1], $0xffff;
	v24 =	vshll.u32 v21, $0x10;
	v21 =	vand.u32 $0xFFFF0000, v21;
	v26 =	vmul.bf16 v27, v29  }
0x72: {  	v38 =	vld.idx.msk [tilespmem:v5+s2+$0xFFFFFEB0 ss:$0x1], $0xffff;
	v27 =	vmul.bf16 v32, v33;
	v32 =	vmul.bf16 v53, v54;
	v31 =	vadd.f32 v21, v24  }
0x73: {  	v57 =	vld.idx.msk [tilespmem:v4+s2+$0xFFFFFC60 ss:$0x1], $0xffff;
	v21 =	vshll.u32 v18, $0x10;
	v18 =	vand.u32 $0xFFFF0000, v18;
	v24 =	vshll.u32 v26, $0x10  }
0x74: {  	v19 =	vld.idx.msk [tilespmem:v5+s2+$0xFFFFFF70 ss:$0x1], $0xffff;
	v26 =	vand.u32 $0xFFFF0000, v26;
	v53 =	vshll.u32 v32, $0x10;
	v32 =	vand.u32 $0xFFFF0000, v32  }
0x75: {  	v43 =	vld.idx.msk [tilespmem:v5+s2+$0xFFFFFFF0 ss:$0x1], $0xffff;
	v36 =	vmul.bf16 v36, v46;
	v29 =	vadd.f32 v18, v21;
	v26 =	vadd.f32 v26, v24  }
0x76: {  	v62 =	vld.idx.msk [tilespmem:v5+s2+$0xFFFFFD10 ss:$0x1], $0xffff;
	v18 =	vmul.bf16 v34, v35;
	v21 =	vshll.u32 v27, $0x10;
	v24 =	vand.u32 $0xFFFF0000, v27  }
0x77: {  	v27 =	vmul.bf16 v38, v55;
	v55 =	vld.idx.msk [tilespmem:v5+s2+$0xFFFFFC60 ss:$0x1], $0xffff;
	v32 =	vadd.f32 v32, v53;
	v35 =	vand.u32 $0xFFFF0000, v61  }
0x78: {  	v52 =	vld.idx.msk [tilespmem:v4+s2+$0xFFFFFD10 ss:$0x1], $0xffff;
	v24 =	vadd.f32 v24, v21;
	v46 =	vshll.u32 v36, $0x10;
	v36 =	vand.u32 $0xFFFF0000, v36  }
0x79: {  	v51 =	vld.idx.msk [tilespmem:v5+s2+$0xFFFFFCE0 ss:$0x1], $0xffff;
	v21 =	vshll.u32 v18, $0x10;
	v18 =	vand.u32 $0xFFFF0000, v18;
	v58 =	vshll.u32 v27, $0x10  }
0x7a: {  	v38 =	vand.u32 $0xFFFF0000, v27;
	v27 =	vadd.f32 v18, v21;
	v18 =	vshll.u32 v56, $0x10;
	v56 =	vld.idx.msk [tilespmem:v4+s2+$0xFFFFFCD0 ss:$0x1], $0xffff  }
0x7b: {  	v21 =	vadd.f32 v38, v58;
	v38 =	vand.u32 $0xFFFF0000, v60;
	v58 =	vld.idx.msk [tilespmem:v4+s2+$0xFFFFFCE0 ss:$0x1], $0xffff;
	v22 =	vadd.f32 v22, v18  }
0x7c: {  	v18 =	vmul.bf16 v19, v63;
	v19 =	vshll.u32 v60, $0x10;
	v63 =	vld.idx.msk [tilespmem:v4+s2+$0xFFFFFC90 ss:$0x1], $0xffff;
	v34 =	vmul.bf16 v55, v57  }
0x7d: {  	v62 =	vmul.bf16 v62, v52;
	v36 =	vadd.f32 v36, v46;
	v60 =	vld.idx.msk [tilespmem:v4+s2+$0xFFFFFFF0 ss:$0x1], $0xffff;
	v19 =	vadd.f32 v38, v19  }
0x7e: {  	v55 =	vld.idx.msk [tilespmem:v5+s2+$0xFFFFFCD0 ss:$0x1], $0xffff;
	v57 =	vshll.u32 v61, $0x10;
	v50 =	vshll.u32 v18, $0x10;
	v54 =	vshll.u32 v34, $0x10  }
0x7f: {  	v49 =	vld.idx.msk [tilespmem:v5+s2+$0xFFFFFD90 ss:$0x1], $0xffff;
	v34 =	vand.u32 $0xFFFF0000, v34;
	v44 =	vadd.f32 v44, v19;
	v19 =	vand.u32 $0xFFFF0000, v18  }
0x80: {  	v53 =	vld.idx.msk [tilespmem:v5+s2+$0xFFFFFD20 ss:$0x1], $0xffff;
	v18 =	vadd.f32 v35, v57;
	v35 =	vand.u32 $0xFFFF0000, v59;
	v34 =	vadd.f32 v34, v54  }
0x81: {  	v52 =	vld.idx.msk [tilespmem:v4+s2+$0xFFFFFD90 ss:$0x1], $0xffff;
	v19 =	vadd.f32 v19, v50;
	v61 =	vadd.f32 v40, v44;
	v33 =	vmul.bf16 v45, v63  }
0x82: {  	v54 =	vld.idx.msk [tilespmem:v4+s2+$0xFFFFFD20 ss:$0x1], $0xffff;
	v63 =	vshll.u32 v59, $0x10;
	v37 =	vmul.bf16 v43, v60;
	v32 =	vadd.f32 v34, v32  }
0x83: {  	v59 =	vld.idx.msk [tilespmem:v4+s2+$0xFFFFFD60 ss:$0x1], $0xffff;
	v38 =	vmul.bf16 v55, v56;
	v34 =	vmul.bf16 v51, v58;
	v39 =	vadd.f32 v25, v61  }
0x84: {  	v55 =	vld.idx.msk [tilespmem:v5+s2+$0xFFFFFD50 ss:$0x1], $0xffff;
	v25 =	vshll.u32 v33, $0x10;
	v33 =	vand.u32 $0xFFFF0000, v33;
	v32 =	vadd.f32 v41, v32  }
0x85: {  	v56 =	vld.idx.msk [tilespmem:v4+s2+$0xFFFFFD50 ss:$0x1], $0xffff;
	v33 =	vadd.f32 v33, v25;
	v25 =	vshll.u32 v38, $0x10;
	v38 =	vand.u32 $0xFFFF0000, v38  }
0x86: {  	v58 =	vld.idx.msk [tilespmem:v5+s2+$0xFFFFFD60 ss:$0x1], $0xffff;
	v57 =	vshll.u32 v34, $0x10;
	v34 =	vand.u32 $0xFFFF0000, v34;
	v38 =	vadd.f32 v38, v25  }
0x87: {  	v41 =	vmul.bf16 v49, v52;
	v34 =	vadd.f32 v34, v57;
	v25 =	vadd.f32 v35, v63  }
0x88: {  	v60 =	vperm.xlane v39, v0;
	v63 =	vshll.u32 v62, $0x10;
	v28 =	vadd.f32 v28, v32  }
0x89: {  	v33 =	vadd.f32 v36, v33;
	v36 =	vshll.u32 v37, $0x10;
	v32 =	vmul.bf16 v53, v54  }
0x8a: {  	v34 =	vadd.f32 v34, v38;
	v35 =	vadd.f32 v60, v39;
	v48 =	vmul.bf16 v55, v56  }
0x8b: {  	v38 =	vand.u32 $0xFFFF0000, v62;
	v43 =	vmul.bf16 v58, v59;
	v61 =	vperm.xlane v28, v0  }
0x8c: {  	v45 =	vld.idx.msk [tilespmem:v5+s2+$0xFFFFFDE0 ss:$0x1], $0xffff;
	v33 =	vadd.f32 v42, v33;
	v51 =	vshll.u32 v32, $0x10;
	v32 =	vand.u32 $0xFFFF0000, v32  }
0x8d: {  	v54 =	vld.idx.msk [tilespmem:v5+s2+$0xFFFFFDA0 ss:$0x1], $0xffff;
	v38 =	vadd.f32 v38, v63;
	v34 =	vadd.f32 v47, v34;
	v53 =	vshll.u32 v48, $0x10  }
0x8e: {  	v56 =	vld.idx.msk [tilespmem:v4+s2+$0xFFFFFDA0 ss:$0x1], $0xffff;
	v32 =	vadd.f32 v32, v51;
	v40 =	vand.u32 $0xFFFF0000, v48;
	v55 =	vshll.u32 v43, $0x10  }
0x8f: {  	v52 =	vld.idx.msk [tilespmem:v5+s2+$0xFFFFFE20 ss:$0x1], $0xffff;
	v43 =	vand.u32 $0xFFFF0000, v43;
	v28 =	vadd.f32 v61, v28;
	v39 =	vadd.f32 v40, v53  }
0x90: {  	v37 =	vand.u32 $0xFFFF0000, v37;
	v58 =	vld.idx.msk [tilespmem:v5+s2+$0xFFFFFDD0 ss:$0x1], $0xffff;
	v57 =	vadd.f32 v43, v55;
	v33 =	vadd.f32 v20, v33  }
0x91: {  	v50 =	vshll.u32 v41, $0x10;
	v47 =	vld.idx.msk [tilespmem:v4+s2+$0xFFFFFDE0 ss:$0x1], $0xffff;
	v23 =	vadd.f32 v23, v34;
	v32 =	vadd.f32 v32, v38  }
0x92: {  	v61 =	vld.idx.msk [tilespmem:v4+s2+$0xFFFFFDD0 ss:$0x1], $0xffff;
	v28 =	vsel vm0, v35, v28;
	v59 =	vadd.f32 v57, v39;
	v62 =	vperm.xlane v33, v0  }
0x93: {  	v20 =	vadd.f32 v37, v36;
	v53 =	vld.idx.msk [tilespmem:v4+s2+$0xFFFFFE20 ss:$0x1], $0xffff;
	v48 =	vmul.bf16 v54, v56;
	v60 =	vperm.xlane v28, v1  }
0x94: {  	v49 =	vld.idx.msk [tilespmem:v5+s2+$0xFFFFFE10 ss:$0x1], $0xffff;
	v63 =	vperm.xlane v23, v0;
	v30 =	vadd.f32 v30, v32;
	v31 =	vadd.f32 v31, v59  }
0x95: {  	v56 =	vld.idx.msk [tilespmem:v4+s2+$0xFFFFFE50 ss:$0x1], $0xffff;
	v33 =	vadd.f32 v62, v33;
	v51 =	vshll.u32 v48, $0x10;
	v35 =	vand.u32 $0xFFFF0000, v48  }
0x96: {  	v32 =	vmul.bf16 v45, v47;
	v62 =	vld.idx.msk [tilespmem:v5+s2+$0xFFFFFE90 ss:$0x1], $0xffff;
	v23 =	vadd.f32 v63, v23;
	v30 =	vadd.f32 v16, v30  }
0x97: {  	v45 =	vld.idx.msk [tilespmem:v4+s2+$0xFFFFFEA0 ss:$0x1], $0xffff;
	v16 =	vand.u32 $0xFFFF0000, v41;
	v35 =	vadd.f32 v35, v51;
	v34 =	vmul.bf16 v58, v61  }
0x98: {  	v63 =	vld.idx.msk [tilespmem:v4+s2+$0xFFFFFE90 ss:$0x1], $0xffff;
	v44 =	vmul.bf16 v52, v53;
	v17 =	vadd.f32 v17, v31;
	v37 =	vadd.f32 v16, v50  }
0x99: {  	v31 =	vld.idx.msk [tilespmem:v4+s2+$0xFFFFFE10 ss:$0x1], $0xffff;
	v16 =	vadd.f32 v60, v28;
	v61 =	vshll.u32 v32, $0x10;
	v32 =	vand.u32 $0xFFFF0000, v32  }
0x9a: {  	v28 =	vld.idx.msk [tilespmem:v5+s2+$0xFFFFFE50 ss:$0x1], $0xffff;
	v23 =	vsel vm0, v33, v23;
	v54 =	vperm.xlane v30, v0;
	v59 =	vshll.u32 v34, $0x10  }
0x9b: {  	v58 =	vld.idx.msk [tilespmem:v5+s2+$0xFFFFFE60 ss:$0x1], $0xffff;
	v34 =	vand.u32 $0xFFFF0000, v34;
	v32 =	vadd.f32 v32, v61;
	v35 =	vadd.f32 v35, v37  }
0x9c: {  	v60 =	vld.idx.msk [tilespmem:v4+s2+$0xFFFFFE60 ss:$0x1], $0xffff;
	v46 =	vshll.u32 v44, $0x10;
	v55 =	vperm.xlane v17, v0;
	v34 =	vadd.f32 v34, v59  }
0x9d: {  	v47 =	vld.idx.msk [tilespmem:v5+s2+$0xFFFFFED0 ss:$0x1], $0xffff;
	v57 =	vperm.xlane v23, v1;
	v30 =	vadd.f32 v54, v30;
	v29 =	vadd.f32 v29, v35  }
0x9e: {  	v51 =	vld.idx.msk [tilespmem:v5+s2+$0xFFFFFEE0 ss:$0x1], $0xffff;
	v17 =	vadd.f32 v55, v17;
	v32 =	vadd.f32 v32, v34;
	v33 =	vmul.bf16 v62, v63  }
0x9f: {  	v52 =	vld.idx.msk [tilespmem:v4+s2+$0xFFFFFEE0 ss:$0x1], $0xffff;
	v34 =	vand.u32 $0xFFFF0000, v44;
	v31 =	vmul.bf16 v49, v31;
	v28 =	vmul.bf16 v28, v56  }
0xa0: {  	v63 =	vld.idx.msk [tilespmem:v5+s2+$0xFFFFFF90 ss:$0x1], $0xffff;
	v34 =	vadd.f32 v34, v46;
	v30 =	vsel vm0, v30, v17;
	v17 =	vadd.f32 v57, v23  }
0xa1: {  	v44 =	vld.idx.msk [tilespmem:v4+s2+$0xFFFFFF90 ss:$0x1], $0xffff;
	v35 =	vmul.bf16 v58, v60;
	v15 =	vadd.f32 v15, v29;
	v26 =	vadd.f32 v26, v32  }
0xa2: {  	v49 =	vld.idx.msk [tilespmem:v4+s2+$0xFFFFFED0 ss:$0x1], $0xffff;
	v55 =	vshll.u32 v33, $0x10;
	v23 =	vperm.xlane v30, v1;
	v36 =	vshll.u32 v31, $0x10  }
0xa3: {  	v29 =	vld.idx.msk [tilespmem:v5+s2+$0xFFFFFEA0 ss:$0x1], $0xffff;
	v31 =	vand.u32 $0xFFFF0000, v31;
	v48 =	vshll.u32 v28, $0x10;
	v28 =	vand.u32 $0xFFFF0000, v28  }
0xa4: {  	v50 =	vshll.u32 v35, $0x10;
	v35 =	vand.u32 $0xFFFF0000, v35;
	v31 =	vadd.f32 v31, v36  }
0xa5: {  	v28 =	vadd.f32 v28, v48;
	v35 =	vadd.f32 v35, v50;
	v53 =	vperm.xlane v15, v0  }
0xa6: {  	v14 =	vadd.f32 v14, v26;
	v36 =	vmul.bf16 v51, v52;
	v23 =	vadd.f32 v23, v30  }
0xa7: {  	v59 =	vld.idx.msk [tilespmem:v4+s2+$0xFFFFFF50 ss:$0x1], $0xffff;
	v48 =	vmul.bf16 v63, v44;
	v31 =	vadd.f32 v34, v31;
	v28 =	vadd.f32 v35, v28  }
0xa8: {  	v54 =	vld.idx.msk [tilespmem:v4+s2+$0xFFFFFF10 ss:$0x1], $0xffff;
	v15 =	vadd.f32 v53, v15;
	v58 =	vmul.bf16 v47, v49;
	v29 =	vmul.bf16 v29, v45  }
0xa9: {  	v60 =	vld.idx.msk [tilespmem:v5+s2+$0xFFFFFF60 ss:$0x1], $0xffff;
	v62 =	vshll.u32 v36, $0x10;
	v24 =	vadd.f32 v24, v31;
	v27 =	vadd.f32 v27, v28  }
0xaa: {  	v26 =	vld.idx.msk [tilespmem:v5+s2+$0xFFFFFF20 ss:$0x1], $0xffff;
	v31 =	vand.u32 $0xFFFF0000, v33;
	v56 =	vshll.u32 v29, $0x10;
	v29 =	vand.u32 $0xFFFF0000, v29  }
0xab: {  	v36 =	vand.u32 $0xFFFF0000, v36;
	v28 =	vld.idx.msk [tilespmem:v4+s2+$0xFFFFFF20 ss:$0x1], $0xffff;
	v31 =	vadd.f32 v31, v55;
	v29 =	vadd.f32 v29, v56  }
0xac: {  	v30 =	vld.idx.msk [tilespmem:v5+s2+$0xFFFFFF10 ss:$0x1], $0xffff;
	v32 =	vadd.f32 v36, v62;
	v61 =	vshll.u32 v58, $0x10;
	v12 =	vadd.f32 v12, v24  }
0xad: {  	v46 =	vld.idx.msk [tilespmem:v5+s2+$0xFFFFFFA0 ss:$0x1], $0xffff;
	v24 =	vperm.xlane v14, v0;
	v29 =	vadd.f32 v29, v31;
	v31 =	vand.u32 $0xFFFF0000, v58  }
0xae: {  	v13 =	vadd.f32 v13, v27;
	v27 =	vld.idx.msk [tilespmem:v4+s2+$0xFFFFFF60 ss:$0x1], $0xffff;
	v31 =	vadd.f32 v31, v61  }
0xaf: {  	v57 =	vld.idx.msk [tilespmem:v5+s2+$0xFFFFFF50 ss:$0x1], $0xffff;
	v50 =	vshll.u32 v48, $0x10;
	v14 =	vadd.f32 v24, v14;
	v24 =	vperm.xlane v12, v0  }
0xb0: {  	v45 =	vperm.xlane v13, v0;
	v26 =	vmul.bf16 v26, v28;
	v28 =	vld.idx.msk [tilespmem:v5+s2+$0xFFFFFFE0 ss:$0x1], $0xffff;
	v31 =	vadd.f32 v32, v31  }
0xb1: {  	v30 =	vmul.bf16 v30, v54;
	v21 =	vadd.f32 v21, v29;
	v29 =	vld.idx.msk [tilespmem:v4+s2+$0xFFFFFFA0 ss:$0x1], $0xffff;
	v12 =	vadd.f32 v24, v12  }
0xb2: {  	v13 =	vadd.f32 v45, v13;
	v24 =	vld.idx.msk [tilespmem:v5+s2+$0xFFFFFFD0 ss:$0x1], $0xffff;
	v47 =	vshll.u32 v26, $0x10;
	v22 =	vadd.f32 v22, v31  }
0xb3: {  	v26 =	vand.u32 $0xFFFF0000, v26;
	v27 =	vmul.bf16 v60, v27;
	v11 =	vadd.f32 v11, v21;
	v21 =	vld.idx.msk [tilespmem:v4+s2+$0xFFFFFFD0 ss:$0x1], $0xffff  }
0xb4: {  	v31 =	vshll.u32 v30, $0x10;
	v30 =	vand.u32 $0xFFFF0000, v30;
	v10 =	vadd.f32 v10, v22;
	v22 =	vld.idx.msk [tilespmem:v4+s2+$0xFFFFFFE0 ss:$0x1], $0xffff  }
0xb5: {  	v32 =	vand.u32 $0xFFFF0000, v48;
	v30 =	vadd.f32 v30, v31;
	v31 =	vmul.bf16 v57, v59  }
0xb6: {  	v26 =	vadd.f32 v26, v47;
	v49 =	vshll.u32 v27, $0x10;
	v27 =	vand.u32 $0xFFFF0000, v27  }
0xb7: {  	v29 =	vmul.bf16 v46, v29;
	v33 =	vshll.u32 v31, $0x10;
	v31 =	vand.u32 $0xFFFF0000, v31  }
0xb8: {  	v27 =	vadd.f32 v27, v49;
	v31 =	vadd.f32 v31, v33;
	v21 =	vmul.bf16 v24, v21  }
0xb9: {  	v24 =	vshll.u32 v29, $0x10;
	v29 =	vand.u32 $0xFFFF0000, v29;
	v22 =	vmul.bf16 v28, v22  }
0xba: {  	v24 =	vadd.f32 v29, v24;
	v51 =	vshll.u32 v21, $0x10;
	v21 =	vand.u32 $0xFFFF0000, v21  }
0xbb: {  	v28 =	vadd.f32 v32, v50;
	v29 =	vshll.u32 v22, $0x10;
	v22 =	vand.u32 $0xFFFF0000, v22  }
0xbc: {  	v21 =	vadd.f32 v21, v51;
	v22 =	vadd.f32 v22, v29  }
0xbd: {  	v26 =	vadd.f32 v26, v30;
	v27 =	vadd.f32 v27, v31  }
0xbe: {  	v24 =	vadd.f32 v24, v28;
	v21 =	vadd.f32 v22, v21  }
0xbf: {  	v18 =	vadd.f32 v18, v26;
	v19 =	vadd.f32 v19, v27  }
0xc0: {  	v22 =	vadd.f32 v25, v24;
	v20 =	vadd.f32 v20, v21  }
0xc1: {  	v6 =	vadd.f32 v6, v18;
	v18 =	vperm.xlane v11, v0;
	v8 =	vadd.f32 v8, v19  }
0xc2: {  	v19 =	vperm.xlane v10, v0;
	v7 =	vadd.f32 v7, v22;
	v9 =	vadd.f32 v9, v20  }
0xc3: {  	v11 =	vadd.f32 v18, v11;
	v18 =	vperm.xlane v6, v0;
	v20 =	vperm.xlane v8, v0  }
0xc4: {  	v10 =	vadd.f32 v19, v10;
	v19 =	vperm.xlane v7, v0;
	v21 =	vperm.xlane v9, v0  }
0xc5: {  	v14 =	vsel vm0, v15, v14;
	v6 =	vadd.f32 v18, v6;
	v8 =	vadd.f32 v20, v8  }
0xc6: {  	v12 =	vsel vm0, v12, v13;
	v7 =	vadd.f32 v19, v7;
	v9 =	vadd.f32 v21, v9  }
0xc7: {  	v13 =	vperm.xlane v12, v1;
	v10 =	vsel vm0, v11, v10;
	v11 =	vperm.xlane v14, v1  }
0xc8: {  	v6 =	vsel vm0, v6, v8;
	v8 =	vperm.xlane v10, v1;
	v7 =	vsel vm0, v7, v9  }
0xc9: {  	v9 =	vadd.f32 v11, v14;
	v11 =	vperm.xlane v6, v1;
	v14 =	vperm.xlane v7, v1  }
0xca: {  	v12 =	vadd.f32 v13, v12;
	v8 =	vadd.f32 v8, v10  }
0xcb: {  	v6 =	vadd.f32 v11, v6;
	v7 =	vadd.f32 v14, v7  }
0xcc: {  	v10 =	vsel vm1, v16, v17;
	v9 =	vsel vm1, v23, v9;
	v8 =	vsel vm1, v12, v8  }
0xcd: {  	v11 =	vperm.xlane v10, v2;
	v12 =	vperm.xlane v8, v2;
	v6 =	vsel vm1, v6, v7  }
0xce: {  	v7 =	vperm.xlane v9, v2;
	v13 =	vperm.xlane v6, v2  }
0xcf: {  	v10 =	vadd.f32 v11, v10;
	v8 =	vadd.f32 v12, v8  }
0xd0: {  	v7 =	vadd.f32 v7, v9;
	v6 =	vadd.f32 v13, v6;
	_ =	sdelay $0x1  }
0xd1: {  	v7 =	vsel vm2, v10, v7;
	v6 =	vsel vm2, v8, v6  }
0xd2: {  	v8 =	vperm.xlane v7, v3;
	v9 =	vperm.xlane v6, v3;
	_ =	sdelay $0x1  }
0xd3: {  	v7 =	vadd.f32 v8, v7;
	v6 =	vadd.f32 v9, v6;
	_ =	sdelay $0x1  }
0xd4: {  	v6 =	vsel vm3, v7, v6  }
0xd5: {  	v6 =	vsub.f32 $0.0e+00, v6;
	_ =	sdelay $0x1  }
0xd6: {  	v6 =	vmul.f32 $1.442695020e+00, v6;
	_ =	sdelay $0x1  }
0xd7: {  	(erf) = vpow2.f32 v6;
	_ =	sdelay $0x8  }
0xd8: {  	v6 =	vpop (erf)  }
0xd9: {  	v6 =	vadd.f32 $1.000000000e+00, v6;
	_ =	sdelay $0x1  }
0xda: {  	(erf) = vrcp.f32 v6;
	_ =	sdelay $0x8  }
0xdb: {  	v6 =	vpop (erf)  }
0xdc: {  	s28 =	simm.s32 $0x400;
	[tilespmem:s23+$0x0] =	vst v6  }
0xdd: {  	v6 =	vld.idx.msk [tilespmem:v5+s28+$0xFFFFFC40 ss:$0x1], $0xffff  }
0xde: {  	v7 =	vld.idx.msk [tilespmem:v4+s28+$0xFFFFFC40 ss:$0x1], $0xffff  }
0xdf: {  	v8 =	vld.idx.msk [tilespmem:v5+s28+$0xFFFFFC80 ss:$0x1], $0xffff  }
0xe0: {  	v9 =	vld.idx.msk [tilespmem:v4+s28+$0xFFFFFC80 ss:$0x1], $0xffff  }
0xe1: {  	v10 =	vld.idx.msk [tilespmem:v5+s28+$0xFFFFFCC0 ss:$0x1], $0xffff  }
0xe2: {  	v11 =	vld.idx.msk [tilespmem:v4+s28+$0xFFFFFCC0 ss:$0x1], $0xffff  }
0xe3: {  	v12 =	vld.idx.msk [tilespmem:v5+s28+$0xFFFFFD00 ss:$0x1], $0xffff  }
0xe4: {  	v14 =	vld.idx.msk [tilespmem:v4+s28+$0xFFFFFD00 ss:$0x1], $0xffff  }
0xe5: {  	v15 =	vld.idx.msk [tilespmem:v5+s28+$0xFFFFFD40 ss:$0x1], $0xffff  }
0xe6: {  	v17 =	vld.idx.msk [tilespmem:v4+s28+$0xFFFFFD40 ss:$0x1], $0xffff  }
0xe7: {  	v18 =	vld.idx.msk [tilespmem:v5+s28+$0xFFFFFD80 ss:$0x1], $0xffff  }
0xe8: {  	v19 =	vld.idx.msk [tilespmem:v4+s28+$0xFFFFFD80 ss:$0x1], $0xffff  }
0xe9: {  	v20 =	vld.idx.msk [tilespmem:v5+s28+$0xFFFFFDC0 ss:$0x1], $0xffff  }
0xea: {  	v21 =	vld.idx.msk [tilespmem:v4+s28+$0xFFFFFDC0 ss:$0x1], $0xffff  }
0xeb: {  	v22 =	vld.idx.msk [tilespmem:v5+s28+$0xFFFFFE00 ss:$0x1], $0xffff  }
0xec: {  	v23 =	vld.idx.msk [tilespmem:v4+s28+$0xFFFFFE00 ss:$0x1], $0xffff  }
0xed: {  	v25 =	vld.idx.msk [tilespmem:v5+s28+$0xFFFFFE40 ss:$0x1], $0xffff  }
0xee: {  	v26 =	vld.idx.msk [tilespmem:v4+s28+$0xFFFFFE40 ss:$0x1], $0xffff  }
0xef: {  	v27 =	vld.idx.msk [tilespmem:v5+s28+$0xFFFFFE80 ss:$0x1], $0xffff  }
0xf0: {  	v29 =	vld.idx.msk [tilespmem:v4+s28+$0xFFFFFE80 ss:$0x1], $0xffff  }
0xf1: {  	v30 =	vld.idx.msk [tilespmem:v5+s28+$0xFFFFFEC0 ss:$0x1], $0xffff  }
0xf2: {  	v31 =	vld.idx.msk [tilespmem:v4+s28+$0xFFFFFEC0 ss:$0x1], $0xffff  }
0xf3: {  	v52 =	vld.idx.msk [tilespmem:v5+s28+$0xFFFFFF00 ss:$0x1], $0xffff  }
0xf4: {  	v53 =	vld.idx.msk [tilespmem:v4+s28+$0xFFFFFF00 ss:$0x1], $0xffff  }
0xf5: {  	v54 =	vld.idx.msk [tilespmem:v5+s28+$0xFFFFFF40 ss:$0x1], $0xffff  }
0xf6: {  	v55 =	vld.idx.msk [tilespmem:v4+s28+$0xFFFFFF40 ss:$0x1], $0xffff  }
0xf7: {  	v56 =	vld.idx.msk [tilespmem:v5+s28+$0xFFFFFF80 ss:$0x1], $0xffff  }
0xf8: {  	v57 =	vld.idx.msk [tilespmem:v4+s28+$0xFFFFFF80 ss:$0x1], $0xffff  }
0xf9: {  	v58 =	vld.idx.msk [tilespmem:v5+s28+$0xFFFFFFC0 ss:$0x1], $0xffff  }
0xfa: {  	v59 =	vld.idx.msk [tilespmem:v4+s28+$0xFFFFFFC0 ss:$0x1], $0xffff  }
0xfb: {  	v60 =	vld.idx.msk [tilespmem:v5+s28+$0x0 ss:$0x1], $0xffff  }
0xfc: {  	v61 =	vld.idx.msk [tilespmem:v4+s28+$0x0 ss:$0x1], $0xffff  }
0xfd: {  	v62 =	vld.idx.msk [tilespmem:v4+s28+$0xFFFFFC70 ss:$0x1], $0xffff  }
0xfe: {  	v63 =	vld.idx.msk [tilespmem:v5+s28+$0xFFFFFCB0 ss:$0x1], $0xffff;
	v6 =	vmul.bf16 v6, v7  }
0xff: {  	v7 =	vld.idx.msk [tilespmem:v5+s28+$0xFFFFFC30 ss:$0x1], $0xffff;
	v10 =	vmul.bf16 v10, v11  }
0x100: {  	v8 =	vmul.bf16 v8, v9;
	v9 =	vld.idx.msk [tilespmem:v4+s28+$0xFFFFFC30 ss:$0x1], $0xffff;
	v12 =	vmul.bf16 v12, v14;
	v13 =	vshll.u32 v6, $0x10  }
0x101: {  	v11 =	vld.idx.msk [tilespmem:v5+s28+$0xFFFFFC70 ss:$0x1], $0xffff;
	v6 =	vand.u32 $0xFFFF0000, v6;
	v16 =	vshll.u32 v10, $0x10;
	v10 =	vand.u32 $0xFFFF0000, v10  }
0x102: {  	v48 =	vld.idx.msk [tilespmem:v4+s28+$0xFFFFFCB0 ss:$0x1], $0xffff;
	v13 =	vadd.f32 v6, v13;
	v6 =	vshll.u32 v8, $0x10;
	v8 =	vand.u32 $0xFFFF0000, v8  }
0x103: {  	v49 =	vld.idx.msk [tilespmem:v5+s28+$0xFFFFFCF0 ss:$0x1], $0xffff;
	v16 =	vadd.f32 v10, v16;
	v10 =	vand.u32 $0xFFFF0000, v12;
	v28 =	vadd.f32 v8, v6  }
0x104: {  	v50 =	vld.idx.msk [tilespmem:v4+s28+$0xFFFFFCF0 ss:$0x1], $0xffff;
	v6 =	vmul.bf16 v15, v17;
	v8 =	vshll.u32 v12, $0x10;
	v12 =	vmul.bf16 v18, v19  }
0x105: {  	v51 =	vld.idx.msk [tilespmem:v5+s28+$0xFFFFFD30 ss:$0x1], $0xffff;
	v15 =	vmul.bf16 v20, v21;
	v18 =	vmul.bf16 v27, v29;
	v24 =	vadd.f32 v10, v8  }
0x106: {  	v32 =	vld.idx.msk [tilespmem:v5+s28+$0xFFFFFE30 ss:$0x1], $0xffff;
	v9 =	vmul.bf16 v7, v9;
	v11 =	vmul.bf16 v11, v62;
	v8 =	vshll.u32 v6, $0x10  }
0x107: {  	v33 =	vld.idx.msk [tilespmem:v4+s28+$0xFFFFFE30 ss:$0x1], $0xffff;
	v6 =	vand.u32 $0xFFFF0000, v6;
	v10 =	vshll.u32 v12, $0x10;
	v12 =	vand.u32 $0xFFFF0000, v12  }
0x108: {  	v34 =	vld.idx.msk [tilespmem:v5+s28+$0xFFFFFE70 ss:$0x1], $0xffff;
	v14 =	vadd.f32 v6, v8;
	v20 =	vadd.f32 v12, v10;
	v6 =	vmul.bf16 v22, v23  }
0x109: {  	v35 =	vld.idx.msk [tilespmem:v4+s28+$0xFFFFFE70 ss:$0x1], $0xffff;
	v8 =	vshll.u32 v15, $0x10;
	v10 =	vand.u32 $0xFFFF0000, v15;
	v15 =	vmul.bf16 v25, v26  }
0x10a: {  	v38 =	vld.idx.msk [tilespmem:v5+s28+$0xFFFFFEB0 ss:$0x1], $0xffff;
	v21 =	vadd.f32 v10, v8;
	v8 =	vshll.u32 v6, $0x10;
	v6 =	vand.u32 $0xFFFF0000, v6  }
0x10b: {  	v12 =	vld.idx.msk [tilespmem:v4+s28+$0xFFFFFD30 ss:$0x1], $0xffff;
	v10 =	vshll.u32 v15, $0x10;
	v15 =	vand.u32 $0xFFFF0000, v15;
	v19 =	vadd.f32 v6, v8  }
0x10c: {  	v37 =	vld.idx.msk [tilespmem:v5+s28+$0xFFFFFEF0 ss:$0x1], $0xffff;
	v17 =	vadd.f32 v15, v10;
	v6 =	vmul.bf16 v30, v31;
	v8 =	vshll.u32 v18, $0x10  }
0x10d: {  	v27 =	vld.idx.msk [tilespmem:v5+s28+$0xFFFFFDF0 ss:$0x1], $0xffff;
	v10 =	vand.u32 $0xFFFF0000, v18;
	v15 =	vmul.bf16 v52, v53;
	v31 =	vmul.bf16 v54, v55  }
0x10e: {  	v29 =	vld.idx.msk [tilespmem:v4+s28+$0xFFFFFDF0 ss:$0x1], $0xffff;
	v53 =	vmul.bf16 v60, v61;
	v55 =	vshll.u32 v9, $0x10;
	v18 =	vadd.f32 v10, v8  }
0x10f: {  	v62 =	vld.idx.msk [tilespmem:v5+s28+$0xFFFFFC20 ss:$0x1], $0xffff;
	v8 =	vshll.u32 v6, $0x10;
	v6 =	vand.u32 $0xFFFF0000, v6;
	v10 =	vshll.u32 v15, $0x10  }
0x110: {  	v22 =	vld.idx.msk [tilespmem:v5+s28+$0xFFFFFD70 ss:$0x1], $0xffff;
	v30 =	vand.u32 $0xFFFF0000, v15;
	v12 =	vmul.bf16 v51, v12;
	v15 =	vadd.f32 v6, v8  }
0x111: {  	v23 =	vld.idx.msk [tilespmem:v4+s28+$0xFFFFFD70 ss:$0x1], $0xffff;
	v10 =	vadd.f32 v30, v10;
	v8 =	vmul.bf16 v56, v57;
	v6 =	vshll.u32 v31, $0x10  }
0x112: {  	v30 =	vand.u32 $0xFFFF0000, v31;
	v31 =	vmul.bf16 v58, v59;
	v56 =	vand.u32 $0xFFFF0000, v9;
	v57 =	vld.idx.msk [tilespmem:v4+s28+$0xFFFFFEF0 ss:$0x1], $0xffff  }
0x113: {  	v58 =	vld.idx.msk [tilespmem:v5+s28+$0xFFFFFF30 ss:$0x1], $0xffff;
	v6 =	vadd.f32 v30, v6;
	v30 =	vshll.u32 v8, $0x10;
	v8 =	vand.u32 $0xFFFF0000, v8  }
0x114: {  	v59 =	vld.idx.msk [tilespmem:v4+s28+$0xFFFFFF30 ss:$0x1], $0xffff;
	v52 =	vshll.u32 v31, $0x10;
	v31 =	vand.u32 $0xFFFF0000, v31;
	v8 =	vadd.f32 v8, v30  }
0x115: {  	v25 =	vld.idx.msk [tilespmem:v5+s28+$0xFFFFFDB0 ss:$0x1], $0xffff;
	v7 =	vadd.f32 v31, v52;
	v30 =	vshll.u32 v53, $0x10;
	v31 =	vand.u32 $0xFFFF0000, v53  }
0x116: {  	v26 =	vld.idx.msk [tilespmem:v4+s28+$0xFFFFFDB0 ss:$0x1], $0xffff;
	v22 =	vmul.bf16 v22, v23;
	v39 =	vadd.f32 v56, v55;
	v9 =	vadd.f32 v31, v30  }
0x117: {  	v52 =	vld.idx.msk [tilespmem:v5+s28+$0xFFFFFC50 ss:$0x1], $0xffff;
	v30 =	vshll.u32 v11, $0x10;
	v11 =	vand.u32 $0xFFFF0000, v11;
	v31 =	vmul.bf16 v63, v48  }
0x118: {  	v53 =	vld.idx.msk [tilespmem:v4+s28+$0xFFFFFC50 ss:$0x1], $0xffff;
	v40 =	vadd.f32 v11, v30;
	v11 =	vmul.bf16 v49, v50;
	v55 =	vmul.bf16 v37, v57  }
0x119: {  	v63 =	vld.idx.msk [tilespmem:v4+s28+$0xFFFFFC20 ss:$0x1], $0xffff;
	v58 =	vmul.bf16 v58, v59;
	v30 =	vshll.u32 v31, $0x10;
	v31 =	vand.u32 $0xFFFF0000, v31  }
0x11a: {  	v43 =	vld.idx.msk [tilespmem:v5+s28+$0xFFFFFC90 ss:$0x1], $0xffff;
	v45 =	vadd.f32 v31, v30;
	v30 =	vshll.u32 v11, $0x10;
	v11 =	vand.u32 $0xFFFF0000, v11  }
0x11b: {  	v36 =	vld.idx.msk [tilespmem:v5+s28+$0xFFFFFCA0 ss:$0x1], $0xffff;
	v31 =	vshll.u32 v12, $0x10;
	v12 =	vand.u32 $0xFFFF0000, v12;
	v47 =	vadd.f32 v11, v30  }
0x11c: {  	v54 =	vld.idx.msk [tilespmem:v4+s28+$0xFFFFFEB0 ss:$0x1], $0xffff;
	v30 =	vadd.f32 v12, v31;
	v11 =	vmul.bf16 v25, v26;
	v25 =	vshll.u32 v22, $0x10  }
0x11d: {  	v60 =	vld.idx.msk [tilespmem:v5+s28+$0xFFFFFF70 ss:$0x1], $0xffff;
	v22 =	vand.u32 $0xFFFF0000, v22;
	v26 =	vmul.bf16 v27, v29;
	v27 =	vmul.bf16 v32, v33  }
0x11e: {  	v61 =	vld.idx.msk [tilespmem:v4+s28+$0xFFFFFF70 ss:$0x1], $0xffff;
	v32 =	vmul.bf16 v52, v53;
	v31 =	vadd.f32 v22, v25;
	v59 =	vmul.bf16 v62, v63  }
0x11f: {  	v23 =	vld.idx.msk [tilespmem:v5+s28+$0xFFFFFC10 ss:$0x1], $0xffff;
	v22 =	vshll.u32 v11, $0x10;
	v11 =	vand.u32 $0xFFFF0000, v11;
	v25 =	vshll.u32 v26, $0x10  }
0x120: {  	v12 =	vld.idx.msk [tilespmem:v4+s28+$0xFFFFFC10 ss:$0x1], $0xffff;
	v26 =	vand.u32 $0xFFFF0000, v26;
	v62 =	vshll.u32 v32, $0x10;
	v32 =	vand.u32 $0xFFFF0000, v32  }
0x121: {  	v33 =	vld.idx.msk [tilespmem:v4+s28+$0xFFFFFC90 ss:$0x1], $0xffff;
	v29 =	vadd.f32 v11, v22;
	v26 =	vadd.f32 v26, v25;
	v11 =	vmul.bf16 v34, v35  }
0x122: {  	v63 =	vld.idx.msk [tilespmem:v4+s28+$0xFFFFFCA0 ss:$0x1], $0xffff;
	v22 =	vshll.u32 v27, $0x10;
	v25 =	vand.u32 $0xFFFF0000, v27;
	v27 =	vmul.bf16 v38, v54  }
0x123: {  	v56 =	vld.idx.msk [tilespmem:v4+s28+$0xFFFFFC60 ss:$0x1], $0xffff;
	v42 =	vand.u32 $0xFFFF0000, v59;
	v32 =	vadd.f32 v32, v62;
	v35 =	vand.u32 $0xFFFF0000, v58  }
0x124: {  	v54 =	vld.idx.msk [tilespmem:v5+s28+$0xFFFFFC60 ss:$0x1], $0xffff;
	v25 =	vadd.f32 v25, v22;
	v22 =	vshll.u32 v11, $0x10;
	v11 =	vand.u32 $0xFFFF0000, v11  }
0x125: {  	v41 =	vld.idx.msk [tilespmem:v5+s28+$0xFFFFFFB0 ss:$0x1], $0xffff;
	v57 =	vshll.u32 v27, $0x10;
	v38 =	vand.u32 $0xFFFF0000, v27;
	v12 =	vmul.bf16 v23, v12  }
0x126: {  	v37 =	vld.idx.msk [tilespmem:v4+s28+$0xFFFFFFB0 ss:$0x1], $0xffff;
	v23 =	vand.u32 $0xFFFF0000, v55;
	v33 =	vmul.bf16 v43, v33;
	v27 =	vadd.f32 v11, v22  }
0x127: {  	v22 =	vadd.f32 v38, v57;
	v11 =	vshll.u32 v55, $0x10;
	v36 =	vmul.bf16 v36, v63  }
0x128: {  	v55 =	vld.idx.msk [tilespmem:v4+s28+$0xFFFFFCD0 ss:$0x1], $0xffff;
	v23 =	vadd.f32 v23, v11;
	v11 =	vmul.bf16 v60, v61;
	v60 =	vshll.u32 v12, $0x10  }
0x129: {  	v12 =	vand.u32 $0xFFFF0000, v12;
	v61 =	vshll.u32 v59, $0x10;
	v59 =	vld.idx.msk [tilespmem:v4+s28+$0xFFFFFCE0 ss:$0x1], $0xffff;
	v34 =	vmul.bf16 v54, v56  }
0x12a: {  	v12 =	vadd.f32 v12, v60;
	v42 =	vadd.f32 v42, v61;
	v54 =	vld.idx.msk [tilespmem:v5+s28+$0xFFFFFCD0 ss:$0x1], $0xffff;
	v56 =	vshll.u32 v58, $0x10  }
0x12b: {  	v58 =	vld.idx.msk [tilespmem:v5+s28+$0xFFFFFCE0 ss:$0x1], $0xffff;
	v60 =	vmul.bf16 v41, v37;
	v46 =	vshll.u32 v36, $0x10;
	v36 =	vand.u32 $0xFFFF0000, v36  }
0x12c: {  	v38 =	vld.idx.msk [tilespmem:v5+s28+$0xFFFFFFF0 ss:$0x1], $0xffff;
	v57 =	vshll.u32 v11, $0x10;
	v36 =	vadd.f32 v36, v46;
	v53 =	vshll.u32 v34, $0x10  }
0x12d: {  	v61 =	vld.idx.msk [tilespmem:v4+s28+$0xFFFFFFF0 ss:$0x1], $0xffff;
	v34 =	vand.u32 $0xFFFF0000, v34;
	v42 =	vadd.f32 v42, v12;
	v12 =	vand.u32 $0xFFFF0000, v11  }
0x12e: {  	v63 =	vld.idx.msk [tilespmem:v5+s28+$0xFFFFFD20 ss:$0x1], $0xffff;
	v11 =	vadd.f32 v35, v56;
	v41 =	vshll.u32 v60, $0x10;
	v34 =	vadd.f32 v34, v53  }
0x12f: {  	v35 =	vand.u32 $0xFFFF0000, v60;
	v12 =	vadd.f32 v12, v57;
	v53 =	vld.idx.msk [tilespmem:v4+s28+$0xFFFFFD20 ss:$0x1], $0xffff;
	v39 =	vadd.f32 v39, v42  }
0x130: {  	v57 =	vld.idx.msk [tilespmem:v5+s28+$0xFFFFFD60 ss:$0x1], $0xffff;
	v32 =	vadd.f32 v34, v32;
	v52 =	vmul.bf16 v54, v55;
	v34 =	vmul.bf16 v58, v59  }
0x131: {  	v54 =	vld.idx.msk [tilespmem:v5+s28+$0xFFFFFD50 ss:$0x1], $0xffff;
	v39 =	vadd.f32 v13, v39;
	v13 =	vshll.u32 v33, $0x10;
	v33 =	vand.u32 $0xFFFF0000, v33  }
0x132: {  	v55 =	vld.idx.msk [tilespmem:v4+s28+$0xFFFFFD50 ss:$0x1], $0xffff;
	v37 =	vmul.bf16 v38, v61;
	v32 =	vadd.f32 v40, v32;
	v33 =	vadd.f32 v33, v13  }
0x133: {  	v58 =	vld.idx.msk [tilespmem:v4+s28+$0xFFFFFD60 ss:$0x1], $0xffff;
	v13 =	vshll.u32 v52, $0x10;
	v43 =	vand.u32 $0xFFFF0000, v52;
	v56 =	vshll.u32 v34, $0x10  }
0x134: {  	v62 =	vld.idx.msk [tilespmem:v4+s28+$0xFFFFFD10 ss:$0x1], $0xffff;
	v34 =	vand.u32 $0xFFFF0000, v34;
	v61 =	vshll.u32 v37, $0x10;
	v43 =	vadd.f32 v43, v13  }
0x135: {  	v40 =	vld.idx.msk [tilespmem:v5+s28+$0xFFFFFD10 ss:$0x1], $0xffff;
	v37 =	vand.u32 $0xFFFF0000, v37;
	v34 =	vadd.f32 v34, v56;
	v13 =	vadd.f32 v35, v41  }
0x136: {  	v48 =	vld.idx.msk [tilespmem:v5+s28+$0xFFFFFD90 ss:$0x1], $0xffff;
	v59 =	vperm.xlane v39, v0;
	v28 =	vadd.f32 v28, v32;
	v33 =	vadd.f32 v36, v33  }
0x137: {  	v50 =	vld.idx.msk [tilespmem:v4+s28+$0xFFFFFD90 ss:$0x1], $0xffff;
	v32 =	vmul.bf16 v63, v53;
	v34 =	vadd.f32 v34, v43;
	v63 =	vmul.bf16 v54, v55  }
0x138: {  	v52 =	vld.idx.msk [tilespmem:v5+s28+$0xFFFFFDA0 ss:$0x1], $0xffff;
	v35 =	vadd.f32 v59, v39;
	v38 =	vmul.bf16 v57, v58;
	v60 =	vperm.xlane v28, v0  }
0x139: {  	v54 =	vld.idx.msk [tilespmem:v4+s28+$0xFFFFFDA0 ss:$0x1], $0xffff;
	v33 =	vadd.f32 v45, v33;
	v49 =	vshll.u32 v32, $0x10;
	v32 =	vand.u32 $0xFFFF0000, v32  }
0x13a: {  	v55 =	vld.idx.msk [tilespmem:v5+s28+$0xFFFFFDD0 ss:$0x1], $0xffff;
	v40 =	vmul.bf16 v40, v62;
	v34 =	vadd.f32 v47, v34;
	v32 =	vadd.f32 v32, v49  }
0x13b: {  	v58 =	vld.idx.msk [tilespmem:v4+s28+$0xFFFFFDD0 ss:$0x1], $0xffff;
	v53 =	vshll.u32 v38, $0x10;
	v38 =	vand.u32 $0xFFFF0000, v38;
	v28 =	vadd.f32 v60, v28  }
0x13c: {  	v51 =	vshll.u32 v63, $0x10;
	v38 =	vadd.f32 v38, v53;
	v33 =	vadd.f32 v16, v33  }
0x13d: {  	v16 =	vadd.f32 v37, v61;
	v62 =	vshll.u32 v40, $0x10;
	v40 =	vand.u32 $0xFFFF0000, v40  }
0x13e: {  	v41 =	vand.u32 $0xFFFF0000, v63;
	v63 =	vld.idx.msk [tilespmem:v4+s28+$0xFFFFFDE0 ss:$0x1], $0xffff;
	v24 =	vadd.f32 v24, v34;
	v39 =	vadd.f32 v40, v62  }
0x13f: {  	v49 =	vld.idx.msk [tilespmem:v4+s28+$0xFFFFFE20 ss:$0x1], $0xffff;
	v40 =	vadd.f32 v41, v51;
	v59 =	vperm.xlane v33, v0;
	v62 =	vmul.bf16 v48, v50  }
0x140: {  	v61 =	vld.idx.msk [tilespmem:v5+s28+$0xFFFFFDE0 ss:$0x1], $0xffff;
	v28 =	vsel vm0, v35, v28;
	v44 =	vmul.bf16 v52, v54;
	v34 =	vmul.bf16 v55, v58  }
0x141: {  	v48 =	vld.idx.msk [tilespmem:v5+s28+$0xFFFFFE20 ss:$0x1], $0xffff;
	v60 =	vperm.xlane v24, v0;
	v32 =	vadd.f32 v32, v39;
	v56 =	vadd.f32 v38, v40  }
0x142: {  	v33 =	vadd.f32 v59, v33;
	v47 =	vshll.u32 v44, $0x10;
	v35 =	vand.u32 $0xFFFF0000, v44  }
0x143: {  	v55 =	vshll.u32 v34, $0x10;
	v34 =	vand.u32 $0xFFFF0000, v34;
	v24 =	vadd.f32 v60, v24  }
0x144: {  	v57 =	vperm.xlane v28, v1;
	v35 =	vadd.f32 v35, v47;
	v34 =	vadd.f32 v34, v55  }
0x145: {  	v45 =	vld.idx.msk [tilespmem:v5+s28+$0xFFFFFE10 ss:$0x1], $0xffff;
	v46 =	vshll.u32 v62, $0x10;
	v30 =	vadd.f32 v30, v32;
	v31 =	vadd.f32 v31, v56  }
0x146: {  	v52 =	vld.idx.msk [tilespmem:v4+s28+$0xFFFFFE50 ss:$0x1], $0xffff;
	v32 =	vmul.bf16 v61, v63;
	v24 =	vsel vm0, v33, v24;
	v60 =	vmul.bf16 v48, v49  }
0x147: {  	v54 =	vld.idx.msk [tilespmem:v5+s28+$0xFFFFFE60 ss:$0x1], $0xffff;
	v30 =	vadd.f32 v14, v30;
	v20 =	vadd.f32 v20, v31;
	v14 =	vand.u32 $0xFFFF0000, v62  }
0x148: {  	v31 =	vld.idx.msk [tilespmem:v4+s28+$0xFFFFFE10 ss:$0x1], $0xffff;
	v37 =	vadd.f32 v14, v46;
	v14 =	vadd.f32 v57, v28;
	v57 =	vshll.u32 v32, $0x10  }
0x149: {  	v56 =	vld.idx.msk [tilespmem:v4+s28+$0xFFFFFE60 ss:$0x1], $0xffff;
	v32 =	vand.u32 $0xFFFF0000, v32;
	v41 =	vshll.u32 v60, $0x10;
	v33 =	vand.u32 $0xFFFF0000, v60  }
0x14a: {  	v28 =	vld.idx.msk [tilespmem:v5+s28+$0xFFFFFE50 ss:$0x1], $0xffff;
	v50 =	vperm.xlane v30, v0;
	v51 =	vperm.xlane v20, v0;
	v32 =	vadd.f32 v32, v57  }
0x14b: {  	v58 =	vld.idx.msk [tilespmem:v5+s28+$0xFFFFFE90 ss:$0x1], $0xffff;
	v33 =	vadd.f32 v33, v41;
	v35 =	vadd.f32 v35, v37  }
0x14c: {  	v59 =	vld.idx.msk [tilespmem:v4+s28+$0xFFFFFE90 ss:$0x1], $0xffff;
	v53 =	vperm.xlane v24, v1;
	v30 =	vadd.f32 v50, v30;
	v20 =	vadd.f32 v51, v20  }
0x14d: {  	v61 =	vld.idx.msk [tilespmem:v5+s28+$0xFFFFFEA0 ss:$0x1], $0xffff;
	v32 =	vadd.f32 v32, v34;
	v29 =	vadd.f32 v29, v35;
	v31 =	vmul.bf16 v45, v31  }
0x14e: {  	v63 =	vld.idx.msk [tilespmem:v5+s28+$0xFFFFFED0 ss:$0x1], $0xffff;
	v35 =	vmul.bf16 v54, v56;
	v30 =	vsel vm0, v30, v20;
	v20 =	vadd.f32 v53, v24  }
0x14f: {  	v62 =	vld.idx.msk [tilespmem:v4+s28+$0xFFFFFEA0 ss:$0x1], $0xffff;
	v28 =	vmul.bf16 v28, v52;
	v26 =	vadd.f32 v26, v32;
	v24 =	vperm.xlane v30, v1  }
0x150: {  	v45 =	vld.idx.msk [tilespmem:v4+s28+$0xFFFFFED0 ss:$0x1], $0xffff;
	v29 =	vadd.f32 v21, v29;
	v21 =	vshll.u32 v31, $0x10;
	v31 =	vand.u32 $0xFFFF0000, v31  }
0x151: {  	v47 =	vld.idx.msk [tilespmem:v5+s28+$0xFFFFFEE0 ss:$0x1], $0xffff;
	v46 =	vshll.u32 v35, $0x10;
	v35 =	vand.u32 $0xFFFF0000, v35;
	v31 =	vadd.f32 v31, v21  }
0x152: {  	v48 =	vld.idx.msk [tilespmem:v4+s28+$0xFFFFFEE0 ss:$0x1], $0xffff;
	v21 =	vshll.u32 v28, $0x10;
	v28 =	vand.u32 $0xFFFF0000, v28;
	v35 =	vadd.f32 v35, v46  }
0x153: {  	v49 =	vld.idx.msk [tilespmem:v5+s28+$0xFFFFFF10 ss:$0x1], $0xffff;
	v53 =	vadd.f32 v19, v26;
	v28 =	vadd.f32 v28, v21  }
0x154: {  	v51 =	vld.idx.msk [tilespmem:v4+s28+$0xFFFFFF10 ss:$0x1], $0xffff;
	v50 =	vperm.xlane v29, v0;
	v21 =	vadd.f32 v24, v30;
	v24 =	vmul.bf16 v58, v59  }
0x155: {  	v54 =	vld.idx.msk [tilespmem:v4+s28+$0xFFFFFF20 ss:$0x1], $0xffff;
	v30 =	vadd.f32 v33, v31;
	v31 =	vmul.bf16 v61, v62;
	v55 =	vmul.bf16 v63, v45  }
0x156: {  	v52 =	vld.idx.msk [tilespmem:v5+s28+$0xFFFFFF20 ss:$0x1], $0xffff;
	v28 =	vadd.f32 v35, v28;
	v19 =	vadd.f32 v50, v29;
	v26 =	vshll.u32 v24, $0x10  }
0x157: {  	v32 =	vld.idx.msk [tilespmem:v5+s28+$0xFFFFFFD0 ss:$0x1], $0xffff;
	v29 =	vadd.f32 v25, v30;
	v25 =	vand.u32 $0xFFFF0000, v24;
	v30 =	vand.u32 $0xFFFF0000, v31  }
0x158: {  	v33 =	vld.idx.msk [tilespmem:v4+s28+$0xFFFFFFD0 ss:$0x1], $0xffff;
	v27 =	vadd.f32 v27, v28;
	v28 =	vshll.u32 v31, $0x10;
	v31 =	vadd.f32 v25, v26  }
0x159: {  	v24 =	vld.idx.msk [tilespmem:v5+s28+$0xFFFFFF50 ss:$0x1], $0xffff;
	v28 =	vadd.f32 v30, v28;
	v30 =	vmul.bf16 v47, v48;
	v56 =	vadd.f32 v17, v29  }
0x15a: {  	v26 =	vld.idx.msk [tilespmem:v4+s28+$0xFFFFFF50 ss:$0x1], $0xffff;
	v29 =	vshll.u32 v55, $0x10;
	v58 =	vadd.f32 v18, v27;
	v18 =	vand.u32 $0xFFFF0000, v55  }
0x15b: {  	v25 =	vld.idx.msk [tilespmem:v5+s28+$0xFFFFFF60 ss:$0x1], $0xffff;
	v57 =	vadd.f32 v28, v31;
	v31 =	vshll.u32 v30, $0x10;
	v59 =	vand.u32 $0xFFFF0000, v30  }
0x15c: {  	v27 =	vld.idx.msk [tilespmem:v5+s28+$0xFFFFFF90 ss:$0x1], $0xffff;
	v18 =	vadd.f32 v18, v29;
	v31 =	vadd.f32 v59, v31  }
0x15d: {  	v63 =	vmul.bf16 v49, v51;
	v17 =	vperm.xlane v53, v0;
	v28 =	vld.idx.msk [tilespmem:v4+s28+$0xFFFFFF60 ss:$0x1], $0xffff  }
0x15e: {  	v35 =	vmul.bf16 v52, v54;
	v30 =	vld.idx.msk [tilespmem:v4+s28+$0xFFFFFF90 ss:$0x1], $0xffff;
	v60 =	vperm.xlane v56, v0;
	v62 =	vadd.f32 v31, v18  }
0x15f: {  	v29 =	vld.idx.msk [tilespmem:v5+s28+$0xFFFFFFA0 ss:$0x1], $0xffff;
	v17 =	vadd.f32 v17, v53;
	v61 =	vperm.xlane v58, v0;
	v37 =	vadd.f32 v22, v57  }
0x160: {  	s31 =	smov.u32 s23;
	s2 =	sshll.u32 s29, $0xD;
	v36 =	vshll.u32 v63, $0x10;
	v31 =	vld.idx.msk [tilespmem:v4+s28+$0xFFFFFFA0 ss:$0x1], $0xffff;
	v18 =	vadd.f32 v60, v56;
	v34 =	vadd.f32 v23, v62  }
0x161: {  	s30 =	sor.u32 $0x4E20, s2;
	s29 =	sor.u32 $0x8E20, s2;
	s2 =	simm.s32 $0x2000;
	v22 =	vadd.f32 v61, v58;
	v15 =	vadd.f32 v15, v37;
	v37 =	vand.u32 $0xFFFF0000, v63;
	v23 =	vld.idx.msk [tilespmem:v5+s28+$0xFFFFFFE0 ss:$0x1], $0xffff  }
.LBB2_3:
0x162: {  	p1 =	sne.s32 s2, $0x7000;
	v36 =	vadd.f32 v37, v36;
	v24 =	vmul.bf16 v24, v26;
	v26 =	vld.idx.msk [tilespmem:v4+s28+$0xFFFFFFE0 ss:$0x1], $0xffff;
	v10 =	vadd.f32 v10, v34  }
0x163: {  	v25 =	vmul.bf16 v25, v28;
	v34 =	vshll.u32 v35, $0x10;
	v35 =	vand.u32 $0xFFFF0000, v35  }
0x164: {  	v28 =	vshll.u32 v24, $0x10;
	v24 =	vand.u32 $0xFFFF0000, v24;
	v34 =	vadd.f32 v35, v34  }
0x165: {  	v27 =	vmul.bf16 v27, v30;
	v30 =	vshll.u32 v25, $0x10;
	v25 =	vand.u32 $0xFFFF0000, v25  }
0x166: {  	v24 =	vadd.f32 v24, v28;
	v25 =	vadd.f32 v25, v30;
	v28 =	vmul.bf16 v29, v31  }
0x167: {  	v29 =	vshll.u32 v27, $0x10;
	v27 =	vand.u32 $0xFFFF0000, v27;
	v30 =	vmul.bf16 v32, v33  }
0x168: {  	v31 =	vshll.u32 v28, $0x10;
	v28 =	vand.u32 $0xFFFF0000, v28;
	v23 =	vmul.bf16 v23, v26  }
0x169: {  	v26 =	vadd.f32 v27, v29;
	v27 =	vshll.u32 v30, $0x10;
	v28 =	vadd.f32 v28, v31  }
0x16a: {  	v29 =	vand.u32 $0xFFFF0000, v30;
	v30 =	vshll.u32 v23, $0x10;
	v23 =	vand.u32 $0xFFFF0000, v23  }
0x16b: {  	v27 =	vadd.f32 v29, v27;
	v23 =	vadd.f32 v23, v30  }
0x16c: {  	v24 =	vadd.f32 v25, v24;
	v29 =	vadd.f32 v34, v36  }
0x16d: {  	v25 =	vadd.f32 v28, v26;
	v23 =	vadd.f32 v23, v27  }
0x16e: {  	v12 =	vadd.f32 v12, v24;
	v11 =	vadd.f32 v11, v29  }
0x16f: {  	v13 =	vadd.f32 v13, v25;
	v16 =	vadd.f32 v16, v23  }
0x170: {  	v8 =	vadd.f32 v8, v12;
	v6 =	vadd.f32 v6, v11;
	v11 =	vperm.xlane v15, v0  }
0x171: {  	v12 =	vperm.xlane v10, v0;
	v7 =	vadd.f32 v7, v13;
	v9 =	vadd.f32 v9, v16  }
0x172: {  	v11 =	vadd.f32 v11, v15;
	v13 =	vperm.xlane v6, v0;
	v15 =	vperm.xlane v8, v0  }
0x173: {  	v10 =	vadd.f32 v12, v10;
	v12 =	vperm.xlane v7, v0;
	v16 =	vperm.xlane v9, v0  }
0x174: {  	v17 =	vsel vm0, v19, v17;
	v6 =	vadd.f32 v13, v6;
	v8 =	vadd.f32 v15, v8  }
0x175: {  	v13 =	vsel vm0, v18, v22;
	v7 =	vadd.f32 v12, v7;
	v9 =	vadd.f32 v16, v9  }
0x176: {  	v10 =	vsel vm0, v11, v10;
	v11 =	vperm.xlane v17, v1;
	v12 =	vperm.xlane v13, v1  }
0x177: {  	v6 =	vsel vm0, v6, v8;
	v8 =	vperm.xlane v10, v1;
	v7 =	vsel vm0, v7, v9  }
0x178: {  	v9 =	vadd.f32 v11, v17;
	v11 =	vperm.xlane v6, v1;
	v15 =	vperm.xlane v7, v1  }
0x179: {  	v12 =	vadd.f32 v12, v13;
	v8 =	vadd.f32 v8, v10  }
0x17a: {  	v10 =	vsel vm1, v14, v20;
	v6 =	vadd.f32 v11, v6;
	v7 =	vadd.f32 v15, v7  }
0x17b: {  	v9 =	vsel vm1, v21, v9;
	v11 =	vperm.xlane v10, v2  }
0x17c: {  	v8 =	vsel vm1, v12, v8;
	v6 =	vsel vm1, v6, v7;
	v7 =	vperm.xlane v9, v2  }
0x17d: {  	v12 =	vperm.xlane v8, v2;
	v13 =	vperm.xlane v6, v2  }
0x17e: {  	v10 =	vadd.f32 v11, v10;
	v7 =	vadd.f32 v7, v9  }
0x17f: {  	v8 =	vadd.f32 v12, v8;
	v6 =	vadd.f32 v13, v6;
	_ =	sdelay $0x1  }
0x180: {  	v7 =	vsel vm2, v10, v7;
	v6 =	vsel vm2, v8, v6  }
0x181: {  	v8 =	vperm.xlane v7, v3;
	v9 =	vperm.xlane v6, v3;
	_ =	sdelay $0x1  }
0x182: {  	v7 =	vadd.f32 v8, v7;
	v6 =	vadd.f32 v9, v6;
	_ =	sdelay $0x1  }
0x183: {  	v6 =	vsel vm3, v7, v6  }
0x184: {  	v6 =	vsub.f32 $0.0e+00, v6;
	_ =	sdelay $0x1  }
0x185: {  	v6 =	vmul.f32 $1.442695020e+00, v6;
	_ =	sdelay $0x1  }
0x186: {  	(erf) = vpow2.f32 v6;
	_ =	sdelay $0x8  }
0x187: {  	v6 =	vpop (erf)  }
0x188: {  	v6 =	vadd.f32 $1.000000000e+00, v6;
	_ =	sdelay $0x1  }
0x189: {  	(erf) = vrcp.f32 v6;
	_ =	sdelay $0x8  }
0x18a: {  	s31 =	sadd.s32 $0x10, s31;
	v6 =	vpop (erf)  }
0x18b: {  	s28 =	sshra.s32 s2, $0x2;
	[tilespmem:s31+$0x0] =	vst v6  }
0x18c: {  	v6 =	vld.idx.msk [tilespmem:v5+s28+$0xFFFFFC40 ss:$0x1], $0xffff  }
0x18d: {  	v7 =	vld.idx.msk [tilespmem:v4+s28+$0xFFFFFC40 ss:$0x1], $0xffff  }
0x18e: {  	v8 =	vld.idx.msk [tilespmem:v5+s28+$0xFFFFFC80 ss:$0x1], $0xffff  }
0x18f: {  	v9 =	vld.idx.msk [tilespmem:v4+s28+$0xFFFFFC80 ss:$0x1], $0xffff  }
0x190: {  	v10 =	vld.idx.msk [tilespmem:v5+s28+$0xFFFFFCC0 ss:$0x1], $0xffff  }
0x191: {  	v11 =	vld.idx.msk [tilespmem:v4+s28+$0xFFFFFCC0 ss:$0x1], $0xffff  }
0x192: {  	v12 =	vld.idx.msk [tilespmem:v5+s28+$0xFFFFFD00 ss:$0x1], $0xffff  }
0x193: {  	v14 =	vld.idx.msk [tilespmem:v4+s28+$0xFFFFFD00 ss:$0x1], $0xffff  }
0x194: {  	v15 =	vld.idx.msk [tilespmem:v5+s28+$0xFFFFFD40 ss:$0x1], $0xffff  }
0x195: {  	v17 =	vld.idx.msk [tilespmem:v4+s28+$0xFFFFFD40 ss:$0x1], $0xffff  }
0x196: {  	v18 =	vld.idx.msk [tilespmem:v5+s28+$0xFFFFFD80 ss:$0x1], $0xffff  }
0x197: {  	v19 =	vld.idx.msk [tilespmem:v4+s28+$0xFFFFFD80 ss:$0x1], $0xffff  }
0x198: {  	v20 =	vld.idx.msk [tilespmem:v5+s28+$0xFFFFFDC0 ss:$0x1], $0xffff  }
0x199: {  	v21 =	vld.idx.msk [tilespmem:v4+s28+$0xFFFFFDC0 ss:$0x1], $0xffff  }
0x19a: {  	v22 =	vld.idx.msk [tilespmem:v5+s28+$0xFFFFFE00 ss:$0x1], $0xffff  }
0x19b: {  	v23 =	vld.idx.msk [tilespmem:v4+s28+$0xFFFFFE00 ss:$0x1], $0xffff  }
0x19c: {  	v25 =	vld.idx.msk [tilespmem:v5+s28+$0xFFFFFE40 ss:$0x1], $0xffff  }
0x19d: {  	v26 =	vld.idx.msk [tilespmem:v4+s28+$0xFFFFFE40 ss:$0x1], $0xffff  }
0x19e: {  	v27 =	vld.idx.msk [tilespmem:v5+s28+$0xFFFFFE80 ss:$0x1], $0xffff  }
0x19f: {  	v29 =	vld.idx.msk [tilespmem:v4+s28+$0xFFFFFE80 ss:$0x1], $0xffff  }
0x1a0: {  	v30 =	vld.idx.msk [tilespmem:v5+s28+$0xFFFFFEC0 ss:$0x1], $0xffff  }
0x1a1: {  	v31 =	vld.idx.msk [tilespmem:v4+s28+$0xFFFFFEC0 ss:$0x1], $0xffff  }
0x1a2: {  	v32 =	vld.idx.msk [tilespmem:v5+s28+$0xFFFFFF00 ss:$0x1], $0xffff  }
0x1a3: {  	v33 =	vld.idx.msk [tilespmem:v4+s28+$0xFFFFFF00 ss:$0x1], $0xffff  }
0x1a4: {  	v34 =	vld.idx.msk [tilespmem:v5+s28+$0xFFFFFF40 ss:$0x1], $0xffff  }
0x1a5: {  	v35 =	vld.idx.msk [tilespmem:v4+s28+$0xFFFFFF40 ss:$0x1], $0xffff  }
0x1a6: {  	v36 =	vld.idx.msk [tilespmem:v5+s28+$0xFFFFFF80 ss:$0x1], $0xffff  }
0x1a7: {  	v37 =	vld.idx.msk [tilespmem:v4+s28+$0xFFFFFF80 ss:$0x1], $0xffff  }
0x1a8: {  	v38 =	vld.idx.msk [tilespmem:v5+s28+$0xFFFFFFC0 ss:$0x1], $0xffff  }
0x1a9: {  	v39 =	vld.idx.msk [tilespmem:v4+s28+$0xFFFFFFC0 ss:$0x1], $0xffff  }
0x1aa: {  	v40 =	vld.idx.msk [tilespmem:v5+s28+$0x0 ss:$0x1], $0xffff  }
0x1ab: {  	v41 =	vld.idx.msk [tilespmem:v4+s28+$0x0 ss:$0x1], $0xffff  }
0x1ac: {  	v6 =	vmul.bf16 v6, v7;
	v42 =	vld.idx.msk [tilespmem:v5+s28+$0xFFFFFC30 ss:$0x1], $0xffff  }
0x1ad: {  	v8 =	vmul.bf16 v8, v9;
	v7 =	vld.idx.msk [tilespmem:v4+s28+$0xFFFFFC30 ss:$0x1], $0xffff  }
0x1ae: {  	v13 =	vshll.u32 v6, $0x10;
	v6 =	vand.u32 $0xFFFF0000, v6;
	v10 =	vmul.bf16 v10, v11;
	v9 =	vld.idx.msk [tilespmem:v5+s28+$0xFFFFFC70 ss:$0x1], $0xffff  }
0x1af: {  	v13 =	vadd.f32 v6, v13;
	v6 =	vshll.u32 v8, $0x10;
	v8 =	vand.u32 $0xFFFF0000, v8;
	v11 =	vld.idx.msk [tilespmem:v4+s28+$0xFFFFFC70 ss:$0x1], $0xffff  }
0x1b0: {  	v16 =	vshll.u32 v10, $0x10;
	v10 =	vand.u32 $0xFFFF0000, v10;
	v12 =	vmul.bf16 v12, v14;
	v43 =	vld.idx.msk [tilespmem:v5+s28+$0xFFFFFCB0 ss:$0x1], $0xffff  }
0x1b1: {  	v28 =	vadd.f32 v8, v6;
	v16 =	vadd.f32 v10, v16;
	v6 =	vmul.bf16 v15, v17;
	v44 =	vld.idx.msk [tilespmem:v4+s28+$0xFFFFFCB0 ss:$0x1], $0xffff  }
0x1b2: {  	v8 =	vshll.u32 v12, $0x10;
	v10 =	vand.u32 $0xFFFF0000, v12;
	v12 =	vmul.bf16 v18, v19;
	v45 =	vld.idx.msk [tilespmem:v5+s28+$0xFFFFFCF0 ss:$0x1], $0xffff  }
0x1b3: {  	v24 =	vadd.f32 v10, v8;
	v8 =	vshll.u32 v6, $0x10;
	v6 =	vand.u32 $0xFFFF0000, v6;
	v46 =	vld.idx.msk [tilespmem:v4+s28+$0xFFFFFCF0 ss:$0x1], $0xffff  }
0x1b4: {  	v10 =	vshll.u32 v12, $0x10;
	v12 =	vand.u32 $0xFFFF0000, v12;
	v15 =	vmul.bf16 v20, v21;
	v47 =	vld.idx.msk [tilespmem:v5+s28+$0xFFFFFD30 ss:$0x1], $0xffff  }
0x1b5: {  	v14 =	vadd.f32 v6, v8;
	v20 =	vadd.f32 v12, v10;
	v6 =	vmul.bf16 v22, v23;
	v48 =	vld.idx.msk [tilespmem:v4+s28+$0xFFFFFD30 ss:$0x1], $0xffff  }
0x1b6: {  	v8 =	vshll.u32 v15, $0x10;
	v10 =	vand.u32 $0xFFFF0000, v15;
	v15 =	vmul.bf16 v25, v26;
	v12 =	vld.idx.msk [tilespmem:v5+s28+$0xFFFFFD70 ss:$0x1], $0xffff  }
0x1b7: {  	v21 =	vadd.f32 v10, v8;
	v8 =	vshll.u32 v6, $0x10;
	v6 =	vand.u32 $0xFFFF0000, v6;
	v22 =	vld.idx.msk [tilespmem:v4+s28+$0xFFFFFD70 ss:$0x1], $0xffff  }
0x1b8: {  	v10 =	vshll.u32 v15, $0x10;
	v15 =	vand.u32 $0xFFFF0000, v15;
	v18 =	vmul.bf16 v27, v29;
	v23 =	vld.idx.msk [tilespmem:v5+s28+$0xFFFFFDB0 ss:$0x1], $0xffff  }
0x1b9: {  	v19 =	vadd.f32 v6, v8;
	v17 =	vadd.f32 v15, v10;
	v6 =	vmul.bf16 v30, v31;
	v25 =	vld.idx.msk [tilespmem:v4+s28+$0xFFFFFDB0 ss:$0x1], $0xffff  }
0x1ba: {  	v8 =	vshll.u32 v18, $0x10;
	v10 =	vand.u32 $0xFFFF0000, v18;
	v15 =	vmul.bf16 v32, v33;
	v26 =	vld.idx.msk [tilespmem:v5+s28+$0xFFFFFDF0 ss:$0x1], $0xffff  }
0x1bb: {  	v18 =	vadd.f32 v10, v8;
	v8 =	vshll.u32 v6, $0x10;
	v6 =	vand.u32 $0xFFFF0000, v6;
	v27 =	vld.idx.msk [tilespmem:v4+s28+$0xFFFFFDF0 ss:$0x1], $0xffff  }
0x1bc: {  	v10 =	vshll.u32 v15, $0x10;
	v30 =	vand.u32 $0xFFFF0000, v15;
	v31 =	vmul.bf16 v34, v35;
	v29 =	vld.idx.msk [tilespmem:v5+s28+$0xFFFFFE30 ss:$0x1], $0xffff  }
0x1bd: {  	v15 =	vadd.f32 v6, v8;
	v10 =	vadd.f32 v30, v10;
	v8 =	vmul.bf16 v36, v37;
	v34 =	vld.idx.msk [tilespmem:v4+s28+$0xFFFFFE30 ss:$0x1], $0xffff  }
0x1be: {  	v6 =	vshll.u32 v31, $0x10;
	v30 =	vand.u32 $0xFFFF0000, v31;
	v31 =	vmul.bf16 v38, v39;
	v35 =	vld.idx.msk [tilespmem:v5+s28+$0xFFFFFE70 ss:$0x1], $0xffff  }
0x1bf: {  	v6 =	vadd.f32 v30, v6;
	v30 =	vshll.u32 v8, $0x10;
	v8 =	vand.u32 $0xFFFF0000, v8;
	v36 =	vld.idx.msk [tilespmem:v4+s28+$0xFFFFFE70 ss:$0x1], $0xffff  }
0x1c0: {  	v32 =	vshll.u32 v31, $0x10;
	v31 =	vand.u32 $0xFFFF0000, v31;
	v33 =	vmul.bf16 v40, v41;
	v37 =	vld.idx.msk [tilespmem:v5+s28+$0xFFFFFEB0 ss:$0x1], $0xffff  }
0x1c1: {  	v8 =	vadd.f32 v8, v30;
	v38 =	vmul.bf16 v42, v7;
	v7 =	vadd.f32 v31, v32;
	v39 =	vld.idx.msk [tilespmem:v4+s28+$0xFFFFFEB0 ss:$0x1], $0xffff  }
0x1c2: {  	v30 =	vand.u32 $0xFFFF0000, v33;
	v11 =	vmul.bf16 v9, v11;
	v9 =	vshll.u32 v33, $0x10;
	v40 =	vld.idx.msk [tilespmem:v5+s28+$0xFFFFFEF0 ss:$0x1], $0xffff  }
0x1c3: {  	v31 =	vshll.u32 v38, $0x10;
	v32 =	vand.u32 $0xFFFF0000, v38;
	v9 =	vadd.f32 v30, v9;
	v38 =	vld.idx.msk [tilespmem:v4+s28+$0xFFFFFEF0 ss:$0x1], $0xffff  }
0x1c4: {  	v30 =	vshll.u32 v11, $0x10;
	v11 =	vand.u32 $0xFFFF0000, v11;
	v33 =	vmul.bf16 v43, v44;
	v41 =	vld.idx.msk [tilespmem:v5+s28+$0xFFFFFF30 ss:$0x1], $0xffff  }
0x1c5: {  	v42 =	vadd.f32 v32, v31;
	v43 =	vadd.f32 v11, v30;
	v11 =	vmul.bf16 v45, v46;
	v44 =	vld.idx.msk [tilespmem:v4+s28+$0xFFFFFF30 ss:$0x1], $0xffff  }
0x1c6: {  	v30 =	vshll.u32 v33, $0x10;
	v31 =	vand.u32 $0xFFFF0000, v33;
	v33 =	vmul.bf16 v47, v48;
	v45 =	vld.idx.msk [tilespmem:v5+s28+$0xFFFFFF70 ss:$0x1], $0xffff  }
0x1c7: {  	v32 =	vadd.f32 v31, v30;
	v30 =	vshll.u32 v11, $0x10;
	v11 =	vand.u32 $0xFFFF0000, v11;
	v46 =	vld.idx.msk [tilespmem:v4+s28+$0xFFFFFF70 ss:$0x1], $0xffff  }
0x1c8: {  	v31 =	vshll.u32 v33, $0x10;
	v48 =	vand.u32 $0xFFFF0000, v33;
	v12 =	vmul.bf16 v12, v22;
	v47 =	vld.idx.msk [tilespmem:v5+s28+$0xFFFFFC10 ss:$0x1], $0xffff  }
0x1c9: {  	v33 =	vadd.f32 v11, v30;
	v30 =	vadd.f32 v48, v31;
	v11 =	vmul.bf16 v23, v25;
	v49 =	vld.idx.msk [tilespmem:v4+s28+$0xFFFFFC10 ss:$0x1], $0xffff  }
0x1ca: {  	v22 =	vshll.u32 v12, $0x10;
	v12 =	vand.u32 $0xFFFF0000, v12;
	v25 =	vmul.bf16 v26, v27;
	v23 =	vld.idx.msk [tilespmem:v5+s28+$0xFFFFFC20 ss:$0x1], $0xffff  }
0x1cb: {  	v31 =	vadd.f32 v12, v22;
	v12 =	vshll.u32 v11, $0x10;
	v11 =	vand.u32 $0xFFFF0000, v11;
	v48 =	vld.idx.msk [tilespmem:v4+s28+$0xFFFFFC20 ss:$0x1], $0xffff  }
0x1cc: {  	v22 =	vshll.u32 v25, $0x10;
	v25 =	vand.u32 $0xFFFF0000, v25;
	v27 =	vmul.bf16 v29, v34;
	v50 =	vld.idx.msk [tilespmem:v5+s28+$0xFFFFFC50 ss:$0x1], $0xffff  }
0x1cd: {  	v29 =	vadd.f32 v11, v12;
	v26 =	vadd.f32 v25, v22;
	v11 =	vmul.bf16 v35, v36;
	v34 =	vld.idx.msk [tilespmem:v4+s28+$0xFFFFFC50 ss:$0x1], $0xffff  }
0x1ce: {  	v22 =	vshll.u32 v27, $0x10;
	v25 =	vand.u32 $0xFFFF0000, v27;
	v27 =	vmul.bf16 v37, v39;
	v12 =	vld.idx.msk [tilespmem:v5+s28+$0xFFFFFC60 ss:$0x1], $0xffff  }
0x1cf: {  	v25 =	vadd.f32 v25, v22;
	v22 =	vshll.u32 v11, $0x10;
	v36 =	vmul.bf16 v40, v38;
	v35 =	vld.idx.msk [tilespmem:v4+s28+$0xFFFFFC60 ss:$0x1], $0xffff  }
0x1d0: {  	v11 =	vand.u32 $0xFFFF0000, v11;
	v37 =	vshll.u32 v27, $0x10;
	v38 =	vand.u32 $0xFFFF0000, v27;
	v39 =	vld.idx.msk [tilespmem:v5+s28+$0xFFFFFFB0 ss:$0x1], $0xffff  }
0x1d1: {  	v27 =	vadd.f32 v11, v22;
	v22 =	vadd.f32 v38, v37;
	v11 =	vshll.u32 v36, $0x10;
	v37 =	vld.idx.msk [tilespmem:v4+s28+$0xFFFFFFB0 ss:$0x1], $0xffff  }
0x1d2: {  	v36 =	vand.u32 $0xFFFF0000, v36;
	v40 =	vmul.bf16 v41, v44;
	v38 =	vmul.bf16 v47, v49;
	v41 =	vld.idx.msk [tilespmem:v5+s28+$0xFFFFFFF0 ss:$0x1], $0xffff  }
0x1d3: {  	v47 =	vmul.bf16 v23, v48;
	v23 =	vadd.f32 v36, v11;
	v11 =	vmul.bf16 v45, v46;
	v44 =	vld.idx.msk [tilespmem:v5+s28+$0xFFFFFC90 ss:$0x1], $0xffff  }
0x1d4: {  	v36 =	vshll.u32 v38, $0x10;
	v38 =	vand.u32 $0xFFFF0000, v38;
	v34 =	vmul.bf16 v50, v34;
	v45 =	vld.idx.msk [tilespmem:v4+s28+$0xFFFFFC90 ss:$0x1], $0xffff  }
0x1d5: {  	v46 =	vshll.u32 v47, $0x10;
	v47 =	vand.u32 $0xFFFF0000, v47;
	v12 =	vmul.bf16 v12, v35;
	v35 =	vld.idx.msk [tilespmem:v5+s28+$0xFFFFFCA0 ss:$0x1], $0xffff  }
0x1d6: {  	v36 =	vadd.f32 v38, v36;
	v46 =	vadd.f32 v47, v46;
	v38 =	vshll.u32 v34, $0x10;
	v47 =	vld.idx.msk [tilespmem:v4+s28+$0xFFFFFCA0 ss:$0x1], $0xffff  }
0x1d7: {  	v34 =	vand.u32 $0xFFFF0000, v34;
	v49 =	vshll.u32 v12, $0x10;
	v12 =	vand.u32 $0xFFFF0000, v12;
	v48 =	vld.idx.msk [tilespmem:v5+s28+$0xFFFFFCD0 ss:$0x1], $0xffff  }
0x1d8: {  	v34 =	vadd.f32 v34, v38;
	v12 =	vadd.f32 v12, v49;
	v38 =	vld.idx.msk [tilespmem:v4+s28+$0xFFFFFCD0 ss:$0x1], $0xffff  }
0x1d9: {  	v50 =	vshll.u32 v40, $0x10;
	v40 =	vand.u32 $0xFFFF0000, v40;
	v51 =	vshll.u32 v11, $0x10;
	v49 =	vld.idx.msk [tilespmem:v5+s28+$0xFFFFFCE0 ss:$0x1], $0xffff  }
0x1da: {  	v36 =	vadd.f32 v46, v36;
	v34 =	vadd.f32 v12, v34;
	v12 =	vand.u32 $0xFFFF0000, v11;
	v46 =	vld.idx.msk [tilespmem:v4+s28+$0xFFFFFCE0 ss:$0x1], $0xffff  }
0x1db: {  	v37 =	vmul.bf16 v39, v37;
	v11 =	vadd.f32 v40, v50;
	v12 =	vadd.f32 v12, v51;
	v39 =	vld.idx.msk [tilespmem:v4+s28+$0xFFFFFFF0 ss:$0x1], $0xffff  }
0x1dc: {  	v36 =	vadd.f32 v42, v36;
	v34 =	vadd.f32 v43, v34;
	v40 =	vld.idx.msk [tilespmem:v5+s28+$0xFFFFFD10 ss:$0x1], $0xffff  }
0x1dd: {  	v42 =	vmul.bf16 v44, v45;
	v44 =	vshll.u32 v37, $0x10;
	v37 =	vand.u32 $0xFFFF0000, v37;
	v43 =	vld.idx.msk [tilespmem:v4+s28+$0xFFFFFD10 ss:$0x1], $0xffff  }
0x1de: {  	v36 =	vadd.f32 v13, v36;
	v35 =	vmul.bf16 v35, v47;
	v28 =	vadd.f32 v28, v34;
	v45 =	vld.idx.msk [tilespmem:v5+s28+$0xFFFFFD20 ss:$0x1], $0xffff  }
0x1df: {  	v13 =	vshll.u32 v42, $0x10;
	v34 =	vand.u32 $0xFFFF0000, v42;
	v38 =	vmul.bf16 v48, v38;
	v42 =	vld.idx.msk [tilespmem:v4+s28+$0xFFFFFD20 ss:$0x1], $0xffff  }
0x1e0: {  	v48 =	vshll.u32 v35, $0x10;
	v35 =	vand.u32 $0xFFFF0000, v35;
	v46 =	vmul.bf16 v49, v46;
	v47 =	vld.idx.msk [tilespmem:v5+s28+$0xFFFFFD50 ss:$0x1], $0xffff  }
0x1e1: {  	v34 =	vadd.f32 v34, v13;
	v35 =	vadd.f32 v35, v48;
	v13 =	vshll.u32 v38, $0x10;
	v49 =	vld.idx.msk [tilespmem:v4+s28+$0xFFFFFD50 ss:$0x1], $0xffff  }
0x1e2: {  	v38 =	vand.u32 $0xFFFF0000, v38;
	v48 =	vshll.u32 v46, $0x10;
	v46 =	vand.u32 $0xFFFF0000, v46;
	v50 =	vld.idx.msk [tilespmem:v5+s28+$0xFFFFFD60 ss:$0x1], $0xffff  }
0x1e3: {  	v38 =	vadd.f32 v38, v13;
	v39 =	vmul.bf16 v41, v39;
	v46 =	vadd.f32 v46, v48;
	v48 =	vld.idx.msk [tilespmem:v4+s28+$0xFFFFFD60 ss:$0x1], $0xffff  }
0x1e4: {  	v13 =	vadd.f32 v37, v44;
	v37 =	vperm.xlane v36, v0;
	v41 =	vperm.xlane v28, v0  }
0x1e5: {  	v34 =	vadd.f32 v35, v34;
	v35 =	vadd.f32 v46, v38;
	v38 =	vshll.u32 v39, $0x10  }
0x1e6: {  	v40 =	vmul.bf16 v40, v43;
	v36 =	vadd.f32 v37, v36;
	v28 =	vadd.f32 v41, v28  }
0x1e7: {  	v32 =	vadd.f32 v32, v34;
	v37 =	vmul.bf16 v45, v42;
	v33 =	vadd.f32 v33, v35  }
0x1e8: {  	v34 =	vshll.u32 v40, $0x10;
	v35 =	vand.u32 $0xFFFF0000, v40;
	v40 =	vmul.bf16 v47, v49;
	v41 =	vld.idx.msk [tilespmem:v5+s28+$0xFFFFFD90 ss:$0x1], $0xffff  }
0x1e9: {  	v43 =	vshll.u32 v37, $0x10;
	v37 =	vand.u32 $0xFFFF0000, v37;
	v44 =	vmul.bf16 v50, v48;
	v42 =	vld.idx.msk [tilespmem:v4+s28+$0xFFFFFD90 ss:$0x1], $0xffff  }
0x1ea: {  	v34 =	vadd.f32 v35, v34;
	v37 =	vadd.f32 v37, v43;
	v35 =	vshll.u32 v40, $0x10;
	v43 =	vld.idx.msk [tilespmem:v5+s28+$0xFFFFFDA0 ss:$0x1], $0xffff  }
0x1eb: {  	v40 =	vand.u32 $0xFFFF0000, v40;
	v45 =	vshll.u32 v44, $0x10;
	v44 =	vand.u32 $0xFFFF0000, v44;
	v46 =	vld.idx.msk [tilespmem:v4+s28+$0xFFFFFDA0 ss:$0x1], $0xffff  }
0x1ec: {  	v39 =	vand.u32 $0xFFFF0000, v39;
	v35 =	vadd.f32 v40, v35;
	v40 =	vadd.f32 v44, v45  }
0x1ed: {  	v32 =	vadd.f32 v16, v32;
	v28 =	vsel vm0, v36, v28;
	v24 =	vadd.f32 v24, v33;
	v44 =	vld.idx.msk [tilespmem:v5+s28+$0xFFFFFDD0 ss:$0x1], $0xffff  }
0x1ee: {  	v36 =	vperm.xlane v28, v1;
	v34 =	vadd.f32 v37, v34;
	v35 =	vadd.f32 v40, v35;
	v33 =	vld.idx.msk [tilespmem:v4+s28+$0xFFFFFDD0 ss:$0x1], $0xffff  }
0x1ef: {  	v16 =	vadd.f32 v39, v38;
	v38 =	vperm.xlane v32, v0;
	v39 =	vperm.xlane v24, v0;
	v37 =	vld.idx.msk [tilespmem:v5+s28+$0xFFFFFDE0 ss:$0x1], $0xffff  }
0x1f0: {  	v30 =	vadd.f32 v30, v34;
	v40 =	vmul.bf16 v41, v42;
	v31 =	vadd.f32 v31, v35;
	v41 =	vld.idx.msk [tilespmem:v4+s28+$0xFFFFFDE0 ss:$0x1], $0xffff  }
0x1f1: {  	v32 =	vadd.f32 v38, v32;
	v24 =	vadd.f32 v39, v24;
	v35 =	vmul.bf16 v43, v46;
	v34 =	vld.idx.msk [tilespmem:v5+s28+$0xFFFFFE10 ss:$0x1], $0xffff  }
0x1f2: {  	v30 =	vadd.f32 v14, v30;
	v38 =	vshll.u32 v40, $0x10;
	v20 =	vadd.f32 v20, v31;
	v39 =	vld.idx.msk [tilespmem:v4+s28+$0xFFFFFE10 ss:$0x1], $0xffff  }
0x1f3: {  	v14 =	vand.u32 $0xFFFF0000, v40;
	v31 =	vshll.u32 v35, $0x10;
	v35 =	vand.u32 $0xFFFF0000, v35;
	v40 =	vld.idx.msk [tilespmem:v5+s28+$0xFFFFFE20 ss:$0x1], $0xffff  }
0x1f4: {  	v38 =	vadd.f32 v14, v38;
	v31 =	vadd.f32 v35, v31;
	v35 =	vld.idx.msk [tilespmem:v4+s28+$0xFFFFFE20 ss:$0x1], $0xffff  }
0x1f5: {  	v24 =	vsel vm0, v32, v24;
	v32 =	vperm.xlane v30, v0;
	v14 =	vadd.f32 v36, v28;
	v42 =	vld.idx.msk [tilespmem:v5+s28+$0xFFFFFE50 ss:$0x1], $0xffff  }
0x1f6: {  	v28 =	vmul.bf16 v44, v33;
	v36 =	vperm.xlane v20, v0;
	v31 =	vadd.f32 v31, v38;
	v33 =	vld.idx.msk [tilespmem:v4+s28+$0xFFFFFE50 ss:$0x1], $0xffff  }
0x1f7: {  	v30 =	vadd.f32 v32, v30;
	v32 =	vperm.xlane v24, v1;
	v37 =	vmul.bf16 v37, v41;
	v38 =	vld.idx.msk [tilespmem:v5+s28+$0xFFFFFE60 ss:$0x1], $0xffff  }
0x1f8: {  	v41 =	vshll.u32 v28, $0x10;
	v20 =	vadd.f32 v36, v20;
	v29 =	vadd.f32 v29, v31;
	v43 =	vld.idx.msk [tilespmem:v4+s28+$0xFFFFFE60 ss:$0x1], $0xffff  }
0x1f9: {  	v28 =	vand.u32 $0xFFFF0000, v28;
	v31 =	vshll.u32 v37, $0x10;
	v36 =	vand.u32 $0xFFFF0000, v37  }
0x1fa: {  	v28 =	vadd.f32 v28, v41;
	v30 =	vsel vm0, v30, v20;
	v31 =	vadd.f32 v36, v31;
	v37 =	vld.idx.msk [tilespmem:v5+s28+$0xFFFFFE90 ss:$0x1], $0xffff  }
0x1fb: {  	v34 =	vmul.bf16 v34, v39;
	v20 =	vadd.f32 v32, v24;
	v24 =	vperm.xlane v30, v1;
	v36 =	vld.idx.msk [tilespmem:v4+s28+$0xFFFFFE90 ss:$0x1], $0xffff  }
0x1fc: {  	v29 =	vadd.f32 v21, v29;
	v28 =	vadd.f32 v31, v28;
	v31 =	vmul.bf16 v40, v35;
	v32 =	vld.idx.msk [tilespmem:v5+s28+$0xFFFFFEA0 ss:$0x1], $0xffff  }
0x1fd: {  	v21 =	vshll.u32 v34, $0x10;
	v34 =	vand.u32 $0xFFFF0000, v34;
	v33 =	vmul.bf16 v42, v33;
	v35 =	vld.idx.msk [tilespmem:v4+s28+$0xFFFFFEA0 ss:$0x1], $0xffff  }
0x1fe: {  	v40 =	vshll.u32 v31, $0x10;
	v31 =	vand.u32 $0xFFFF0000, v31;
	v38 =	vmul.bf16 v38, v43;
	v39 =	vld.idx.msk [tilespmem:v5+s28+$0xFFFFFED0 ss:$0x1], $0xffff  }
0x1ff: {  	v34 =	vadd.f32 v34, v21;
	v21 =	vshll.u32 v33, $0x10;
	v31 =	vadd.f32 v31, v40;
	v41 =	vld.idx.msk [tilespmem:v4+s28+$0xFFFFFED0 ss:$0x1], $0xffff  }
0x200: {  	v33 =	vand.u32 $0xFFFF0000, v33;
	v40 =	vshll.u32 v38, $0x10;
	v38 =	vand.u32 $0xFFFF0000, v38;
	v42 =	vld.idx.msk [tilespmem:v5+s28+$0xFFFFFEE0 ss:$0x1], $0xffff  }
0x201: {  	v33 =	vadd.f32 v33, v21;
	v38 =	vadd.f32 v38, v40;
	v40 =	vld.idx.msk [tilespmem:v4+s28+$0xFFFFFEE0 ss:$0x1], $0xffff  }
0x202: {  	v26 =	vadd.f32 v26, v28;
	v28 =	vperm.xlane v29, v0;
	v21 =	vadd.f32 v24, v30;
	v43 =	vld.idx.msk [tilespmem:v5+s28+$0xFFFFFF10 ss:$0x1], $0xffff  }
0x203: {  	v30 =	vadd.f32 v31, v34;
	v24 =	vmul.bf16 v37, v36;
	v31 =	vadd.f32 v38, v33;
	v36 =	vld.idx.msk [tilespmem:v4+s28+$0xFFFFFF10 ss:$0x1], $0xffff  }
0x204: {  	v32 =	vmul.bf16 v32, v35;
	v33 =	vadd.f32 v19, v26;
	v19 =	vadd.f32 v28, v29;
	v35 =	vld.idx.msk [tilespmem:v5+s28+$0xFFFFFF20 ss:$0x1], $0xffff  }
0x205: {  	v26 =	vshll.u32 v24, $0x10;
	v28 =	vadd.f32 v25, v30;
	v27 =	vadd.f32 v27, v31;
	v38 =	vld.idx.msk [tilespmem:v4+s28+$0xFFFFFF20 ss:$0x1], $0xffff  }
0x206: {  	v25 =	vand.u32 $0xFFFF0000, v24;
	v29 =	vshll.u32 v32, $0x10;
	v30 =	vand.u32 $0xFFFF0000, v32;
	v24 =	vld.idx.msk [tilespmem:v5+s28+$0xFFFFFF50 ss:$0x1], $0xffff  }
0x207: {  	v31 =	vadd.f32 v25, v26;
	v32 =	vmul.bf16 v39, v41;
	v29 =	vadd.f32 v30, v29;
	v26 =	vld.idx.msk [tilespmem:v4+s28+$0xFFFFFF50 ss:$0x1], $0xffff  }
0x208: {  	v34 =	vadd.f32 v17, v28;
	v17 =	vperm.xlane v33, v0;
	v30 =	vmul.bf16 v42, v40;
	v25 =	vld.idx.msk [tilespmem:v5+s28+$0xFFFFFF60 ss:$0x1], $0xffff  }
0x209: {  	v37 =	vshll.u32 v32, $0x10;
	v40 =	vadd.f32 v18, v27;
	v39 =	vadd.f32 v29, v31;
	v28 =	vld.idx.msk [tilespmem:v4+s28+$0xFFFFFF60 ss:$0x1], $0xffff  }
0x20a: {  	v18 =	vand.u32 $0xFFFF0000, v32;
	v29 =	vshll.u32 v30, $0x10;
	v31 =	vand.u32 $0xFFFF0000, v30;
	v27 =	vld.idx.msk [tilespmem:v5+s28+$0xFFFFFF90 ss:$0x1], $0xffff  }
0x20b: {  	v18 =	vadd.f32 v18, v37;
	v31 =	vadd.f32 v31, v29;
	v30 =	vld.idx.msk [tilespmem:v4+s28+$0xFFFFFF90 ss:$0x1], $0xffff  }
.Ltmp0:
0x20c: {  	v17 =	vadd.f32 v17, v33;
	v33 =	vperm.xlane v34, v0;
	v37 =	vperm.xlane v40, v0;
	v29 =	vld.idx.msk [tilespmem:v5+s28+$0xFFFFFFA0 ss:$0x1], $0xffff;
	(pc) =	sbr.rel @p1 .LBB2_3-.Ltmp0, $4  }
0x20d: {  	v39 =	vadd.f32 v22, v39;
	v41 =	vadd.f32 v31, v18;
	v31 =	vld.idx.msk [tilespmem:v4+s28+$0xFFFFFFA0 ss:$0x1], $0xffff  }
0x20e: {  	v42 =	vmul.bf16 v43, v36;
	v22 =	vadd.f32 v37, v40;
	v18 =	vadd.f32 v33, v34;
	v32 =	vld.idx.msk [tilespmem:v5+s28+$0xFFFFFFD0 ss:$0x1], $0xffff  }
0x20f: {  	v15 =	vadd.f32 v15, v39;
	v34 =	vadd.f32 v23, v41;
	v33 =	vld.idx.msk [tilespmem:v4+s28+$0xFFFFFFD0 ss:$0x1], $0xffff  }
0x210: {  	s2 =	sadd.s32 $0x1000, s2;
	v36 =	vshll.u32 v42, $0x10;
	v37 =	vand.u32 $0xFFFF0000, v42;
	v35 =	vmul.bf16 v35, v38;
	v23 =	vld.idx.msk [tilespmem:v5+s28+$0xFFFFFFE0 ss:$0x1], $0xffff  }
0x211: {  	_ =	sdelay $0x1  }
0x212: {  	v5 =	vadd.f32 v37, v36  }
0x213: {  	v24 =	vmul.bf16 v24, v26;
	v10 =	vadd.f32 v10, v34;
	v25 =	vmul.bf16 v25, v28  }
0x214: {  	v4 =	vld.idx.msk [tilespmem:v4+s28+$0xFFFFFFE0 ss:$0x1], $0xffff;
	v27 =	vmul.bf16 v27, v30;
	v61 =	vshll.u32 v35, $0x10;
	v62 =	vand.u32 $0xFFFF0000, v35  }
0x215: {  	v35 =	vmul.bf16 v29, v31;
	v63 =	vshll.u32 v24, $0x10;
	v24 =	vand.u32 $0xFFFF0000, v24  }
0x216: {  	v26 =	vadd.f32 v62, v61;
	v34 =	vshll.u32 v25, $0x10;
	v25 =	vand.u32 $0xFFFF0000, v25  }
0x217: {  	v36 =	vshll.u32 v27, $0x10;
	v27 =	vand.u32 $0xFFFF0000, v27;
	v24 =	vadd.f32 v24, v63  }
0x218: {  	v25 =	vadd.f32 v25, v34;
	v37 =	vmul.bf16 v32, v33;
	v31 =	vshll.u32 v35, $0x10  }
0x219: {  	v28 =	vand.u32 $0xFFFF0000, v35;
	v38 =	vadd.f32 v27, v36;
	v4 =	vmul.bf16 v23, v4  }
0x21a: {  	v28 =	vadd.f32 v28, v31;
	v5 =	vadd.f32 v26, v5;
	v39 =	vshll.u32 v37, $0x10  }
0x21b: {  	v40 =	vand.u32 $0xFFFF0000, v37;
	v41 =	vshll.u32 v4, $0x10;
	v4 =	vand.u32 $0xFFFF0000, v4  }
0x21c: {  	v27 =	vadd.f32 v40, v39;
	v4 =	vadd.f32 v4, v41  }
0x21d: {  	v24 =	vadd.f32 v25, v24;
	v23 =	vadd.f32 v28, v38  }
0x21e: {  	v5 =	vadd.f32 v11, v5;
	v4 =	vadd.f32 v4, v27  }
0x21f: {  	v42 =	vadd.f32 v12, v24;
	v43 =	vadd.f32 v13, v23  }
0x220: {  	v5 =	vadd.f32 v6, v5;
	v4 =	vadd.f32 v16, v4  }
0x221: {  	v45 =	vperm.xlane v15, v0;
	v44 =	vadd.f32 v8, v42  }
0x222: {  	v7 =	vadd.f32 v7, v43;
	v47 =	vperm.xlane v5, v0;
	v4 =	vadd.f32 v9, v4  }
0x223: {  	v46 =	vperm.xlane v10, v0;
	v8 =	vadd.f32 v45, v15;
	v48 =	vperm.xlane v44, v0  }
0x224: {  	v49 =	vperm.xlane v7, v0;
	v5 =	vadd.f32 v47, v5;
	v50 =	vperm.xlane v4, v0  }
0x225: {  	v51 =	vsel vm0, v19, v17;
	v6 =	vadd.f32 v48, v44;
	v9 =	vadd.f32 v46, v10  }
0x226: {  	v52 =	vsel vm0, v18, v22;
	v7 =	vadd.f32 v49, v7;
	v4 =	vadd.f32 v50, v4  }
0x227: {  	v53 =	vperm.xlane v51, v1;
	v54 =	vperm.xlane v52, v1;
	v8 =	vsel vm0, v8, v9  }
0x228: {  	v5 =	vsel vm0, v5, v6;
	v55 =	vperm.xlane v8, v1;
	v4 =	vsel vm0, v7, v4  }
0x229: {  	v56 =	vadd.f32 v53, v51;
	v57 =	vperm.xlane v5, v1;
	v58 =	vperm.xlane v4, v1  }
0x22a: {  	v10 =	vadd.f32 v54, v52;
	v6 =	vadd.f32 v55, v8  }
0x22b: {  	v59 =	vsel vm1, v14, v20;
	v5 =	vadd.f32 v57, v5;
	v4 =	vadd.f32 v58, v4  }
0x22c: {  	v60 =	vperm.xlane v59, v2;
	v6 =	vsel vm1, v10, v6  }
0x22d: {  	v7 =	vsel vm1, v21, v56;
	v10 =	vperm.xlane v6, v2;
	v4 =	vsel vm1, v5, v4  }
0x22e: {  	v5 =	vperm.xlane v7, v2;
	v61 =	vperm.xlane v4, v2  }
0x22f: {  	v8 =	vadd.f32 v60, v59;
	v6 =	vadd.f32 v10, v6  }
0x230: {  	v5 =	vadd.f32 v5, v7;
	v4 =	vadd.f32 v61, v4;
	_ =	sdelay $0x1  }
0x231: {  	v5 =	vsel vm2, v8, v5;
	v4 =	vsel vm2, v6, v4  }
0x232: {  	v62 =	vperm.xlane v5, v3;
	v63 =	vperm.xlane v4, v3;
	_ =	sdelay $0x1  }
0x233: {  	v5 =	vadd.f32 v62, v5;
	v4 =	vadd.f32 v63, v4;
	_ =	sdelay $0x1  }
0x234: {  	v4 =	vsel vm3, v5, v4  }
0x235: {  	v4 =	vsub.f32 $0.0e+00, v4;
	_ =	sdelay $0x1  }
0x236: {  	v4 =	vmul.f32 $1.442695020e+00, v4;
	_ =	sdelay $0x1  }
0x237: {  	(erf) = vpow2.f32 v4;
	_ =	sdelay $0x8  }
0x238: {  	v4 =	vpop (erf)  }
0x239: {  	v4 =	vadd.f32 $1.000000000e+00, v4;
	_ =	sdelay $0x1  }
0x23a: {  	(erf) = vrcp.f32 v4;
	_ =	sdelay $0x7  }
0x23b: {  	p1 =	sgt.u32 s24, $0x4B  }
0x23c: {  	s2 =	sadd.s32 $0x10, s31;
	s28 =	sshll.u32 @!p1 s24, $0x7;
	v4 =	vpop (erf)  }
0x23d: {  	s31 =	simm.s32 @!p1 $0x80;
	[tilespmem:s2+$0x0] =	vst v4;
	s2 =	sadd.s32 @!p1 $0x100, s28  }
0x23e: {  	[tilespmem:s30], [sflag:s25] =	stream.indirect.gather @!p1 [hbm4b:s1+s31], $0x40, s2, s31, $0xb8;
	[tilespmem:$0xF530] =	vst v63  }
0x23f: {  	s24 =	sadd.s32 $0x1, s24;
	s2 =	sadd.s32 @!p1 $0x2810, s28  }
0x240: {  	[tilespmem:s29], [sflag:s26] =	stream.indirect.gather @!p1 [hbm4b:s1+s31], $0x40, s2, s31, $0xb8;
	[tilespmem:$0xF530] =	vst v63  }
0x241: {  	p1 =	sne.s32 s24, $0x4E  }
.Ltmp1:
0x242: {  	_ = 	snop;
	(pc) =	sbr.rel @p1 .LBB2_2-.Ltmp1, $2  }
0x243: {  	_ =	sdelay $0x2  }
0x244: {  	s23 =	sadd.s32 $0x80, s23;
	p0 =	por !p0, !p0  }
0x245: {  	[tilespmem:s11], [sflag:$0x1] =	stream.indirect.gather [hbm4b:s1+s17], $0x40, s18, s17, $0xb8;
	[tilespmem:$0xF530] =	vst v63  }
0x246: {  	_ = 	snop  }
0x247: {  	[tilespmem:s12], [sflag:$0x3] =	stream.indirect.gather [hbm4b:s1+s17], $0x40, s19, s17, $0xb8;
	[tilespmem:$0xF530] =	vst v63  }
0x248: {  	_ =	swait.ge [sflag:s16], $0x400  }
0x249: {  	[sflag:s16] =	ssyncset.done $0x0  }
0x24a: {  	[sflag:s16] =	ssyncadd.s32 $0xFFFFFC00  }
0x24b: {  	_ =	swait.ge [sflag:s20], $0x400  }
0x24c: {  	[sflag:s20] =	ssyncset.done $0x0  }
0x24d: {  	[sflag:s20] =	ssyncadd.s32 $0xFFFFFC00  }
0x24e: {  	v4 =	vld [tilespmem:$0x4E20]  }
0x24f: {  	v5 =	vld [tilespmem:$0x8E20]  }
0x250: {  	v6 =	vld [tilespmem:$0x4E60]  }
0x251: {  	v7 =	vld [tilespmem:$0x8E60]  }
0x252: {  	v8 =	vld [tilespmem:$0x4EA0]  }
0x253: {  	v9 =	vld [tilespmem:$0x8EA0]  }
0x254: {  	v10 =	vld [tilespmem:$0x4EE0]  }
0x255: {  	v11 =	vld [tilespmem:$0x8EE0]  }
0x256: {  	v12 =	vld [tilespmem:$0x4F20]  }
0x257: {  	v13 =	vld [tilespmem:$0x8F20]  }
0x258: {  	v14 =	vld [tilespmem:$0x4F60]  }
0x259: {  	v15 =	vld [tilespmem:$0x8F60]  }
0x25a: {  	v16 =	vld [tilespmem:$0x4FA0]  }
0x25b: {  	v17 =	vld [tilespmem:$0x8FA0]  }
0x25c: {  	v18 =	vld [tilespmem:$0x4FE0]  }
0x25d: {  	v19 =	vld [tilespmem:$0x8FE0]  }
0x25e: {  	v20 =	vld [tilespmem:$0x5020]  }
0x25f: {  	v21 =	vld [tilespmem:$0x9020]  }
0x260: {  	v22 =	vld [tilespmem:$0x5060]  }
0x261: {  	v23 =	vld [tilespmem:$0x9060]  }
0x262: {  	v24 =	vld [tilespmem:$0x50A0]  }
0x263: {  	v25 =	vld [tilespmem:$0x90A0]  }
0x264: {  	v26 =	vld [tilespmem:$0x50E0]  }
0x265: {  	v27 =	vld [tilespmem:$0x90E0]  }
0x266: {  	v28 =	vld [tilespmem:$0x5120]  }
0x267: {  	v29 =	vld [tilespmem:$0x9120]  }
0x268: {  	v30 =	vld [tilespmem:$0x5160]  }
0x269: {  	v31 =	vld [tilespmem:$0x9160]  }
0x26a: {  	v32 =	vld [tilespmem:$0x51A0]  }
0x26b: {  	v33 =	vld [tilespmem:$0x91A0]  }
0x26c: {  	v34 =	vld [tilespmem:$0x91E0]  }
0x26d: {  	v57 =	vld [tilespmem:$0x4E70]  }
0x26e: {  	v36 =	vld [tilespmem:$0x8E70]  }
0x26f: {  	v59 =	vld [tilespmem:$0x8EB0]  }
0x270: {  	v61 =	vld [tilespmem:$0x4EF0]  }
0x271: {  	v63 =	vld [tilespmem:$0x8EF0]  }
0x272: {  	v46 =	vld [tilespmem:$0x8F70];
	v4 =	vmul.bf16 v5, v4  }
0x273: {  	v47 =	vld [tilespmem:$0x4FB0];
	v6 =	vmul.bf16 v7, v6;
	v8 =	vmul.bf16 v9, v8  }
0x274: {  	v48 =	vld [tilespmem:$0x8FB0];
	v10 =	vmul.bf16 v11, v10;
	v12 =	vmul.bf16 v13, v12  }
0x275: {  	v50 =	vld [tilespmem:$0x4FF0];
	v14 =	vmul.bf16 v15, v14;
	v16 =	vmul.bf16 v17, v16  }
0x276: {  	v52 =	vld [tilespmem:$0x8FF0];
	v18 =	vmul.bf16 v19, v18;
	v20 =	vmul.bf16 v21, v20  }
0x277: {  	v53 =	vld [tilespmem:$0x9030];
	v22 =	vmul.bf16 v23, v22;
	v24 =	vmul.bf16 v25, v24  }
0x278: {  	v43 =	vld [tilespmem:$0x9130];
	v26 =	vmul.bf16 v27, v26;
	v28 =	vmul.bf16 v29, v28  }
0x279: {  	v5 =	vld [tilespmem:$0x51E0];
	v30 =	vmul.bf16 v31, v30;
	v32 =	vmul.bf16 v33, v32  }
0x27a: {  	v7 =	vld [tilespmem:$0x4E30];
	v11 =	vmul.bf16 v36, v57;
	v17 =	vmul.bf16 v63, v61  }
0x27b: {  	v9 =	vld [tilespmem:$0x8E30];
	v35 =	vshll.u32 v4, $0x10;
	v4 =	vand.u32 $0xFFFF0000, v4;
	v56 =	vshll.u32 v6, $0x10  }
0x27c: {  	v13 =	vld [tilespmem:$0x4EB0];
	v6 =	vand.u32 $0xFFFF0000, v6;
	v58 =	vshll.u32 v8, $0x10;
	v8 =	vand.u32 $0xFFFF0000, v8  }
0x27d: {  	v19 =	vld [tilespmem:$0x4F30];
	v37 =	vshll.u32 v10, $0x10;
	v10 =	vand.u32 $0xFFFF0000, v10;
	v60 =	vshll.u32 v12, $0x10  }
0x27e: {  	v21 =	vld [tilespmem:$0x8F30];
	v12 =	vand.u32 $0xFFFF0000, v12;
	v62 =	vshll.u32 v14, $0x10;
	v14 =	vand.u32 $0xFFFF0000, v14  }
0x27f: {  	v23 =	vld [tilespmem:$0x4F70];
	v38 =	vshll.u32 v16, $0x10;
	v16 =	vand.u32 $0xFFFF0000, v16;
	v44 =	vshll.u32 v18, $0x10  }
0x280: {  	v31 =	vld [tilespmem:$0x5030];
	v18 =	vand.u32 $0xFFFF0000, v18;
	v45 =	vshll.u32 v20, $0x10;
	v20 =	vand.u32 $0xFFFF0000, v20  }
0x281: {  	v57 =	vld [tilespmem:$0x90B0];
	v39 =	vshll.u32 v22, $0x10;
	v22 =	vand.u32 $0xFFFF0000, v22;
	v49 =	vshll.u32 v24, $0x10  }
0x282: {  	v61 =	vld [tilespmem:$0x90F0];
	v24 =	vand.u32 $0xFFFF0000, v24;
	v51 =	vshll.u32 v26, $0x10;
	v26 =	vand.u32 $0xFFFF0000, v26  }
0x283: {  	v63 =	vld [tilespmem:$0x5130];
	v40 =	vshll.u32 v28, $0x10;
	v28 =	vand.u32 $0xFFFF0000, v28;
	v4 =	vadd.f32 v4, v35  }
0x284: {  	v36 =	vld [tilespmem:$0x5170];
	v54 =	vshll.u32 v30, $0x10;
	v6 =	vadd.f32 v6, v56;
	v8 =	vadd.f32 v8, v58  }
0x285: {  	v42 =	vshll.u32 v17, $0x10;
	v10 =	vadd.f32 v10, v37;
	v12 =	vadd.f32 v12, v60;
	v56 =	vld [tilespmem:$0x9070]  }
0x286: {  	v17 =	vand.u32 $0xFFFF0000, v17;
	v14 =	vadd.f32 v14, v62;
	v18 =	vadd.f32 v18, v44;
	v44 =	vld [tilespmem:$0x91B0]  }
0x287: {  	v16 =	vadd.f32 v16, v38;
	v17 =	vadd.f32 v17, v42;
	v42 =	vmul.bf16 v48, v47;
	v47 =	vld [tilespmem:$0x51F0]  }
0x288: {  	v30 =	vand.u32 $0xFFFF0000, v30;
	v20 =	vadd.f32 v20, v45;
	v24 =	vadd.f32 v24, v49;
	v49 =	vld [tilespmem:$0x91F0]  }
0x289: {  	v55 =	vshll.u32 v32, $0x10;
	v22 =	vadd.f32 v22, v39;
	v26 =	vadd.f32 v26, v51;
	v39 =	vld [tilespmem:$0x4E40]  }
0x28a: {  	v32 =	vand.u32 $0xFFFF0000, v32;
	v28 =	vadd.f32 v28, v40;
	v30 =	vadd.f32 v30, v54;
	v54 =	vld [tilespmem:$0x4E80]  }
0x28b: {  	v32 =	vadd.f32 v32, v55;
	v60 =	vshll.u32 v11, $0x10;
	v11 =	vand.u32 $0xFFFF0000, v11;
	v40 =	vld [tilespmem:$0x8ED0]  }
0x28c: {  	v11 =	vadd.f32 v11, v60;
	v60 =	vld [tilespmem:$0x4F00];
	v5 =	vmul.bf16 v34, v5;
	v7 =	vmul.bf16 v9, v7  }
0x28d: {  	v34 =	vld [tilespmem:$0x5070];
	v13 =	vmul.bf16 v59, v13;
	v21 =	vmul.bf16 v21, v19;
	v10 =	vadd.f32 v17, v10  }
0x28e: {  	v9 =	vld [tilespmem:$0x50B0];
	v38 =	vmul.bf16 v46, v23;
	v46 =	vmul.bf16 v52, v50;
	v48 =	vshll.u32 v42, $0x10  }
0x28f: {  	v59 =	vld [tilespmem:$0x50F0];
	v53 =	vmul.bf16 v53, v31;
	v6 =	vadd.f32 v11, v6;
	v41 =	vshll.u32 v5, $0x10  }
0x290: {  	v17 =	vld [tilespmem:$0x51B0];
	v5 =	vand.u32 $0xFFFF0000, v5;
	v58 =	vshll.u32 v7, $0x10;
	v7 =	vand.u32 $0xFFFF0000, v7  }
0x291: {  	v52 =	vld [tilespmem:$0x8E40];
	v62 =	vshll.u32 v13, $0x10;
	v13 =	vand.u32 $0xFFFF0000, v13;
	v19 =	vshll.u32 v21, $0x10  }
0x292: {  	v11 =	vld [tilespmem:$0x9170];
	v45 =	vshll.u32 v38, $0x10;
	v50 =	vshll.u32 v46, $0x10;
	v27 =	vand.u32 $0xFFFF0000, v46  }
0x293: {  	v31 =	vshll.u32 v53, $0x10;
	v7 =	vadd.f32 v7, v58;
	v13 =	vadd.f32 v13, v62;
	v58 =	vld [tilespmem:$0x8EC0]  }
0x294: {  	v5 =	vadd.f32 v5, v41;
	v51 =	vadd.f32 v27, v50;
	v62 =	vmul.bf16 v43, v63;
	v63 =	vld [tilespmem:$0x8F40]  }
0x295: {  	v25 =	vmul.bf16 v49, v47;
	v47 =	vld [tilespmem:$0x8FC0];
	v4 =	vadd.f32 v7, v4;
	v8 =	vadd.f32 v13, v8  }
0x296: {  	v49 =	vld [tilespmem:$0x5000];
	v7 =	vand.u32 $0xFFFF0000, v21;
	v13 =	vand.u32 $0xFFFF0000, v38;
	v21 =	vand.u32 $0xFFFF0000, v42  }
0x297: {  	v50 =	vld [tilespmem:$0x9000];
	v18 =	vadd.f32 v51, v18;
	v55 =	vmul.bf16 v56, v34;
	v9 =	vmul.bf16 v57, v9  }
0x298: {  	v56 =	vld [tilespmem:$0x8E80];
	v15 =	vmul.bf16 v61, v59;
	v17 =	vmul.bf16 v44, v17;
	v7 =	vadd.f32 v7, v19  }
0x299: {  	v57 =	vld [tilespmem:$0x4EC0];
	v27 =	vmul.bf16 v52, v39;
	v13 =	vadd.f32 v13, v45;
	v19 =	vadd.f32 v21, v48  }
0x29a: {  	v61 =	vld [tilespmem:$0x8F00];
	v11 =	vmul.bf16 v11, v36;
	v48 =	vshll.u32 v25, $0x10;
	v25 =	vand.u32 $0xFFFF0000, v25  }
0x29b: {  	v44 =	vld [tilespmem:$0x8F80];
	v34 =	vshll.u32 v55, $0x10;
	v59 =	vshll.u32 v9, $0x10;
	v9 =	vand.u32 $0xFFFF0000, v9  }
0x29c: {  	v38 =	vld [tilespmem:$0x4ED0];
	v37 =	vshll.u32 v15, $0x10;
	v15 =	vand.u32 $0xFFFF0000, v15;
	v46 =	vshll.u32 v17, $0x10  }
0x29d: {  	v45 =	vld [tilespmem:$0x4FC0];
	v17 =	vand.u32 $0xFFFF0000, v17;
	v25 =	vadd.f32 v25, v48;
	v7 =	vadd.f32 v7, v12  }
0x29e: {  	v21 =	vld [tilespmem:$0x9040];
	v51 =	vshll.u32 v27, $0x10;
	v12 =	vadd.f32 v13, v14;
	v16 =	vadd.f32 v19, v16  }
0x29f: {  	v13 =	vand.u32 $0xFFFF0000, v53;
	v19 =	vand.u32 $0xFFFF0000, v55;
	v9 =	vadd.f32 v9, v59;
	v53 =	vld [tilespmem:$0x5080]  }
0x2a0: {  	v15 =	vadd.f32 v15, v37;
	v36 =	vshll.u32 v11, $0x10;
	v17 =	vadd.f32 v17, v46;
	v55 =	vld [tilespmem:$0x9080]  }
0x2a1: {  	v11 =	vand.u32 $0xFFFF0000, v11;
	v59 =	vld [tilespmem:$0x90C0];
	v13 =	vadd.f32 v13, v31;
	v19 =	vadd.f32 v19, v34  }
0x2a2: {  	v27 =	vand.u32 $0xFFFF0000, v27;
	v37 =	vld [tilespmem:$0x9090];
	v11 =	vadd.f32 v11, v36;
	v5 =	vadd.f32 v25, v5  }
0x2a3: {  	v43 =	vshll.u32 v62, $0x10;
	v31 =	vld [tilespmem:$0x4F40];
	v25 =	vadd.f32 v27, v51;
	v9 =	vadd.f32 v9, v24  }
0x2a4: {  	v15 =	vadd.f32 v15, v26;
	v24 =	vld [tilespmem:$0x4F80];
	v14 =	vmul.bf16 v56, v54;
	v52 =	vmul.bf16 v58, v57  }
0x2a5: {  	v17 =	vadd.f32 v17, v32;
	v34 =	vmul.bf16 v61, v60;
	v57 =	vld [tilespmem:$0x50C0];
	v26 =	vmul.bf16 v50, v49  }
0x2a6: {  	v61 =	vld [tilespmem:$0x5100];
	v13 =	vadd.f32 v13, v20;
	v19 =	vadd.f32 v19, v22;
	v20 =	vand.u32 $0xFFFF0000, v62  }
0x2a7: {  	v49 =	vld [tilespmem:$0x51C0];
	v11 =	vadd.f32 v11, v30;
	v4 =	vadd.f32 v25, v4;
	v42 =	vmul.bf16 v47, v45  }
0x2a8: {  	v50 =	vld [tilespmem:$0x91C0];
	v20 =	vadd.f32 v20, v43;
	v54 =	vshll.u32 v14, $0x10;
	v14 =	vand.u32 $0xFFFF0000, v14  }
0x2a9: {  	v45 =	vld [tilespmem:$0x5180];
	v56 =	vshll.u32 v52, $0x10;
	v30 =	vand.u32 $0xFFFF0000, v52;
	v58 =	vshll.u32 v34, $0x10  }
0x2aa: {  	v47 =	vld [tilespmem:$0x9180];
	v34 =	vand.u32 $0xFFFF0000, v34;
	v48 =	vshll.u32 v26, $0x10;
	v14 =	vadd.f32 v14, v54  }
0x2ab: {  	v43 =	vld [tilespmem:$0x9140];
	v26 =	vand.u32 $0xFFFF0000, v26;
	v27 =	vadd.f32 v30, v56;
	v60 =	vadd.f32 v34, v58  }
0x2ac: {  	v52 =	vld [tilespmem:$0x5200];
	v46 =	vshll.u32 v42, $0x10;
	v26 =	vadd.f32 v26, v48;
	v53 =	vmul.bf16 v55, v53  }
0x2ad: {  	v54 =	vld [tilespmem:$0x9200];
	v20 =	vadd.f32 v20, v28;
	v62 =	vmul.bf16 v63, v31;
	v6 =	vadd.f32 v14, v6  }
0x2ae: {  	v28 =	vld [tilespmem:$0x5040];
	v8 =	vadd.f32 v27, v8;
	v10 =	vadd.f32 v60, v10;
	v23 =	vmul.bf16 v44, v24  }
0x2af: {  	v63 =	vld [tilespmem:$0x9100];
	v27 =	vand.u32 $0xFFFF0000, v42;
	v18 =	vadd.f32 v26, v18;
	v56 =	vmul.bf16 v59, v57  }
0x2b0: {  	v24 =	vld [tilespmem:$0x5140];
	v58 =	vshll.u32 v53, $0x10;
	v41 =	vshll.u32 v62, $0x10;
	v14 =	vand.u32 $0xFFFF0000, v62  }
0x2b1: {  	v57 =	vld [tilespmem:$0x4E50];
	v25 =	vadd.f32 v27, v46;
	v27 =	vmul.bf16 v50, v49;
	v44 =	vshll.u32 v23, $0x10  }
0x2b2: {  	v59 =	vld [tilespmem:$0x8E50];
	v23 =	vand.u32 $0xFFFF0000, v23;
	v14 =	vadd.f32 v14, v41;
	v60 =	vshll.u32 v56, $0x10  }
0x2b3: {  	v42 =	vld [tilespmem:$0x4F10];
	v41 =	vmul.bf16 v47, v45;
	v23 =	vadd.f32 v23, v44;
	v16 =	vadd.f32 v25, v16  }
0x2b4: {  	v49 =	vld [tilespmem:$0x4F90];
	v46 =	vshll.u32 v27, $0x10;
	v27 =	vand.u32 $0xFFFF0000, v27;
	v7 =	vadd.f32 v14, v7  }
0x2b5: {  	v50 =	vld [tilespmem:$0x8F90];
	v51 =	vmul.bf16 v21, v28;
	v22 =	vmul.bf16 v63, v61;
	v28 =	vand.u32 $0xFFFF0000, v56  }
0x2b6: {  	v45 =	vld [tilespmem:$0x4F50];
	v30 =	vshll.u32 v41, $0x10;
	v21 =	vmul.bf16 v54, v52;
	v12 =	vadd.f32 v23, v12  }
0x2b7: {  	v47 =	vld [tilespmem:$0x8F50];
	v23 =	vand.u32 $0xFFFF0000, v53;
	v26 =	vadd.f32 v28, v60;
	v39 =	vmul.bf16 v43, v24  }
0x2b8: {  	v44 =	vld [tilespmem:$0x8F10];
	v55 =	vshll.u32 v51, $0x10;
	v14 =	vand.u32 $0xFFFF0000, v51;
	v23 =	vadd.f32 v23, v58  }
0x2b9: {  	v61 =	vld [tilespmem:$0x4E90];
	v62 =	vshll.u32 v22, $0x10;
	v22 =	vand.u32 $0xFFFF0000, v22;
	v48 =	vshll.u32 v21, $0x10  }
0x2ba: {  	v63 =	vld [tilespmem:$0x8E90];
	v21 =	vand.u32 $0xFFFF0000, v21;
	v51 =	vmul.bf16 v59, v57;
	v14 =	vadd.f32 v14, v55  }
0x2bb: {  	v52 =	vld [tilespmem:$0x4FD0];
	v22 =	vadd.f32 v22, v62;
	v9 =	vadd.f32 v26, v9;
	v43 =	vshll.u32 v39, $0x10  }
0x2bc: {  	v54 =	vld [tilespmem:$0x8FD0];
	v26 =	vadd.f32 v27, v46;
	v21 =	vadd.f32 v21, v48;
	v36 =	vmul.bf16 v47, v45  }
0x2bd: {  	v56 =	vld [tilespmem:$0x5010];
	v55 =	vshll.u32 v51, $0x10;
	v24 =	vmul.bf16 v44, v42;
	v13 =	vadd.f32 v14, v13  }
0x2be: {  	v60 =	vld [tilespmem:$0x5050];
	v14 =	vadd.f32 v23, v19;
	v15 =	vadd.f32 v22, v15;
	v19 =	vand.u32 $0xFFFF0000, v39  }
0x2bf: {  	v58 =	vld [tilespmem:$0x9010];
	v22 =	vand.u32 $0xFFFF0000, v41;
	v17 =	vadd.f32 v26, v17;
	v53 =	vmul.bf16 v63, v61  }
0x2c0: {  	v62 =	vld [tilespmem:$0x9050];
	v5 =	vadd.f32 v21, v5;
	v23 =	vmul.bf16 v40, v38;
	v38 =	vmul.bf16 v50, v49  }
0x2c1: {  	v45 =	vld [tilespmem:$0x5150];
	v25 =	vshll.u32 v36, $0x10;
	v19 =	vadd.f32 v19, v43;
	v22 =	vadd.f32 v22, v30  }
0x2c2: {  	v47 =	vld [tilespmem:$0x9150];
	v61 =	vshll.u32 v24, $0x10;
	v24 =	vand.u32 $0xFFFF0000, v24;
	v57 =	vshll.u32 v53, $0x10  }
0x2c3: {  	v63 =	vld [tilespmem:$0x5090];
	v21 =	vand.u32 $0xFFFF0000, v53;
	v59 =	vshll.u32 v23, $0x10;
	v23 =	vand.u32 $0xFFFF0000, v23  }
0x2c4: {  	v39 =	vld [tilespmem:$0x50D0];
	v24 =	vadd.f32 v24, v61;
	v27 =	vshll.u32 v38, $0x10;
	v28 =	vmul.bf16 v58, v56  }
0x2c5: {  	v40 =	vld [tilespmem:$0x90D0];
	v19 =	vadd.f32 v19, v20;
	v11 =	vadd.f32 v22, v11;
	v20 =	vand.u32 $0xFFFF0000, v51  }
0x2c6: {  	v49 =	vld [tilespmem:$0x5190];
	v21 =	vadd.f32 v21, v57;
	v23 =	vadd.f32 v23, v59;
	v22 =	vmul.bf16 v54, v52  }
0x2c7: {  	v50 =	vld [tilespmem:$0x9190];
	v48 =	vmul.bf16 v62, v60;
	v60 =	vmul.bf16 v47, v45;
	v20 =	vadd.f32 v20, v55  }
0x2c8: {  	v41 =	vld [tilespmem:$0x5110];
	v10 =	vadd.f32 v24, v10;
	v44 =	vshll.u32 v28, $0x10;
	v28 =	vand.u32 $0xFFFF0000, v28  }
0x2c9: {  	v43 =	vld [tilespmem:$0x9110];
	v6 =	vadd.f32 v21, v6;
	v8 =	vadd.f32 v23, v8;
	v23 =	vand.u32 $0xFFFF0000, v38  }
0x2ca: {  	v56 =	vld [tilespmem:$0x5210];
	v42 =	vshll.u32 v22, $0x10;
	v22 =	vand.u32 $0xFFFF0000, v22;
	v46 =	vadd.f32 v28, v44  }
0x2cb: {  	v58 =	vld [tilespmem:$0x9210];
	v21 =	vmul.bf16 v37, v63;
	v51 =	vshll.u32 v48, $0x10;
	v24 =	vmul.bf16 v40, v39  }
0x2cc: {  	v61 =	vmul.bf16 v50, v49;
	v63 =	vshll.u32 v60, $0x10;
	v4 =	vadd.f32 v20, v4  }
0x2cd: {  	v20 =	vand.u32 $0xFFFF0000, v36;
	v23 =	vadd.f32 v23, v27;
	v22 =	vadd.f32 v22, v42  }
0x2ce: {  	v52 =	vld [tilespmem:$0x51D0];
	v27 =	vmul.bf16 v43, v41;
	v36 =	vperm.xlane v10, v0;
	v20 =	vadd.f32 v20, v25  }
0x2cf: {  	v54 =	vld [tilespmem:$0x91D0];
	v18 =	vadd.f32 v46, v18;
	v53 =	vshll.u32 v21, $0x10;
	v21 =	vand.u32 $0xFFFF0000, v21  }
0x2d0: {  	v55 =	vshll.u32 v24, $0x10;
	v24 =	vand.u32 $0xFFFF0000, v24;
	v28 =	vmul.bf16 v58, v56  }
0x2d1: {  	v29 =	vshll.u32 v61, $0x10;
	v34 =	vperm.xlane v6, v0;
	v12 =	vadd.f32 v23, v12  }
0x2d2: {  	v35 =	vperm.xlane v8, v0;
	v16 =	vadd.f32 v22, v16;
	v21 =	vadd.f32 v21, v53  }
0x2d3: {  	v57 =	vshll.u32 v27, $0x10;
	v27 =	vand.u32 $0xFFFF0000, v27;
	v24 =	vadd.f32 v24, v55  }
0x2d4: {  	v62 =	vmul.bf16 v54, v52;
	v33 =	vperm.xlane v4, v0;
	v10 =	vadd.f32 v36, v10  }
0x2d5: {  	v7 =	vadd.f32 v20, v7;
	v20 =	vand.u32 $0xFFFF0000, v48;
	v59 =	vadd.f32 v27, v57  }
0x2d6: {  	v31 =	vshll.u32 v28, $0x10;
	v6 =	vadd.f32 v34, v6;
	v8 =	vadd.f32 v35, v8  }
0x2d7: {  	v42 =	vperm.xlane v18, v0;
	v20 =	vadd.f32 v20, v51;
	v14 =	vadd.f32 v21, v14  }
0x2d8: {  	v9 =	vadd.f32 v24, v9;
	v21 =	vand.u32 $0xFFFF0000, v61;
	v30 =	vshll.u32 v62, $0x10  }
0x2d9: {  	v22 =	vand.u32 $0xFFFF0000, v62;
	v24 =	vand.u32 $0xFFFF0000, v28;
	v4 =	vadd.f32 v33, v4  }
0x2da: {  	v38 =	vperm.xlane v12, v0;
	v15 =	vadd.f32 v59, v15;
	v21 =	vadd.f32 v21, v29  }
0x2db: {  	v41 =	vperm.xlane v16, v0;
	v22 =	vadd.f32 v22, v30;
	v32 =	vadd.f32 v24, v31  }
0x2dc: {  	v37 =	vperm.xlane v7, v0;
	v8 =	vsel vm0, v8, v10;
	v13 =	vadd.f32 v20, v13  }
0x2dd: {  	v20 =	vand.u32 $0xFFFF0000, v60;
	v4 =	vsel vm0, v4, v6;
	v40 =	vadd.f32 v38, v12  }
0x2de: {  	v44 =	vperm.xlane v14, v0;
	v10 =	vadd.f32 v41, v16;
	v12 =	vadd.f32 v42, v18  }
0x2df: {  	v45 =	vperm.xlane v9, v0;
	v20 =	vadd.f32 v20, v63;
	v11 =	vadd.f32 v21, v11  }
0x2e0: {  	v55 =	vperm.xlane v8, v1;
	v17 =	vadd.f32 v22, v17;
	v5 =	vadd.f32 v32, v5  }
0x2e1: {  	v39 =	vadd.f32 v37, v7;
	v47 =	vperm.xlane v15, v0;
	v54 =	vperm.xlane v4, v1  }
0x2e2: {  	v43 =	vperm.xlane v13, v0;
	v46 =	vadd.f32 v44, v14;
	v9 =	vadd.f32 v45, v9  }
0x2e3: {  	v10 =	vsel vm0, v10, v12;
	v8 =	vadd.f32 v55, v8;
	v19 =	vadd.f32 v20, v19  }
0x2e4: {  	v6 =	vsel vm0, v39, v40;
	v49 =	vperm.xlane v11, v0;
	v14 =	vadd.f32 v47, v15  }
0x2e5: {  	v50 =	vperm.xlane v17, v0;
	v51 =	vperm.xlane v5, v0;
	v4 =	vadd.f32 v54, v4  }
0x2e6: {  	v57 =	vperm.xlane v10, v1;
	v7 =	vadd.f32 v43, v13;
	v48 =	vperm.xlane v19, v0  }
0x2e7: {  	v56 =	vperm.xlane v6, v1;
	v11 =	vadd.f32 v49, v11;
	v53 =	vadd.f32 v50, v17  }
0x2e8: {  	v5 =	vadd.f32 v51, v5;
	v9 =	vsel vm0, v9, v14;
	v52 =	vadd.f32 v48, v19  }
0x2e9: {  	v10 =	vadd.f32 v57, v10;
	v7 =	vsel vm0, v7, v46;
	v59 =	vperm.xlane v9, v1  }
0x2ea: {  	v5 =	vsel vm0, v53, v5;
	v58 =	vperm.xlane v7, v1;
	v11 =	vsel vm0, v52, v11  }
0x2eb: {  	v6 =	vadd.f32 v56, v6;
	v61 =	vperm.xlane v5, v1;
	v60 =	vperm.xlane v11, v1  }
0x2ec: {  	v9 =	vadd.f32 v59, v9;
	v7 =	vadd.f32 v58, v7  }
0x2ed: {  	v4 =	vsel vm1, v4, v8;
	v5 =	vadd.f32 v61, v5;
	v11 =	vadd.f32 v60, v11  }
0x2ee: {  	v8 =	vperm.xlane v4, v2;
	v6 =	vsel vm1, v6, v10  }
0x2ef: {  	v62 =	vperm.xlane v6, v2;
	v7 =	vsel vm1, v7, v9;
	v5 =	vsel vm1, v11, v5  }
0x2f0: {  	v63 =	vperm.xlane v7, v2;
	v11 =	vperm.xlane v5, v2  }
0x2f1: {  	v4 =	vadd.f32 v8, v4;
	v6 =	vadd.f32 v62, v6  }
0x2f2: {  	v7 =	vadd.f32 v63, v7;
	v5 =	vadd.f32 v11, v5;
	_ =	sdelay $0x1  }
0x2f3: {  	v4 =	vsel vm2, v4, v6;
	v5 =	vsel vm2, v7, v5  }
0x2f4: {  	v6 =	vperm.xlane v4, v3;
	v7 =	vperm.xlane v5, v3;
	_ =	sdelay $0x1  }
0x2f5: {  	v4 =	vadd.f32 v6, v4;
	v5 =	vadd.f32 v7, v5;
	_ =	sdelay $0x1  }
0x2f6: {  	v4 =	vsel vm3, v4, v5  }
0x2f7: {  	v4 =	vsub.f32 $0.0e+00, v4;
	_ =	sdelay $0x1  }
0x2f8: {  	v4 =	vmul.f32 $1.442695020e+00, v4;
	_ =	sdelay $0x1  }
0x2f9: {  	(erf) = vpow2.f32 v4;
	_ =	sdelay $0x8  }
0x2fa: {  	v4 =	vpop (erf)  }
0x2fb: {  	v4 =	vadd.f32 $1.000000000e+00, v4;
	_ =	sdelay $0x1  }
0x2fc: {  	(erf) = vrcp.f32 v4;
	_ =	sdelay $0x7  }
0x2fd: {  	s22 =	sadd.s32 $0x1, s22  }
0x2fe: {  	p0 =	sne.s32 s22, s7;
	v4 =	vpop (erf)  }
.Ltmp2:
0x2ff: {  	[tilespmem:$0xF520] =	vst v4;
	(pc) =	sbr.rel @p0 .LBB2_1-.Ltmp2, $4  }
0x300: {  	[hbm4b:s6+s3] =	stream.linear.scatter [tilespmem:s21], [sflag:$0x5], $0x2710, $0x38;
	[tilespmem:$0xF530] =	vst v63  }
0x301: {  	_ =	swait.ge [sflag:s8], $0x2710  }
0x302: {  	[sflag:s8] =	ssyncset.done $0x0  }
0x303: {  	[sflag:s8] =	ssyncadd.s32 $0xFFFFD8F0  }
0x304: {  	_ =	sfence.sel $0x180000  }
0x305: {  	[bflag:$0x0] =	sbarrier.arrive $0xFFFF  }
0x306: {  	_ =	strace $0x90000047  }
0x307: {  	[bflag:$0x2] =	sbarrier.arrive $0xFFFF  }
0x308: {  	p0 =	sne.s32 s0, $0x0;
	s0 =	rddreg [dreg:$0x2]  }
0x309: {  	s0 =	sadd.s32 @!p0 $0x100000, s0  }
0x30a: {  	[sflag:s0] =	ssyncadd.tile.s32 @!p0 $0x1;
	_ =	shalt  }
.Lfunc_end2:
_tile_overlayer_lowered:
.L_overlay_start_2:
0x30b: {  	(tag) =	ssettag $0x2  }
0x30c: {  	s0 =	rddreg [dreg:$0x0];
	s2 =	stileid.u32  }
0x30d: {  	s1 =	rddreg [dreg:$0x1];
	p0 =	sne.s32 s2, $0x0  }
0x30e: {  	s3 =	rddreg [dreg:$0x2];
	[bflag:$0x3] =	sbarrier.arrive $0xFFFF;
	s2 =	simm.s32 @!p0 $0x1C05  }
0x30f: {  	[timem:s3], [sflag:s2] =	dma.local @!p0 [hbm:s0], s1  }
0x310: {  	s0 =	simm.s32 @!p0 $0x5  }
0x311: {  	_ =	swait.ge @!p0 [sflag:s0], s1  }
0x312: {  	s1 =	ssub.s32 @!p0 $0x0, s1;
	[sflag:s0] =	ssyncset.done @!p0 $0x0  }
0x313: {  	[sflag:s0] =	ssyncadd.s32 @!p0 s1  }
0x314: {  	[bflag:$0x3] =	sbarrier.arrive $0xFFFF  }
0x315: {  	_ =	shalt  }

</sc_bundles>
